<compile_context>
chip_gen: v7x
topology: tpu7x:2x2x1
jax: 0.10.2.dev20260603
libtpu: 0.0.44.dev20260713+nightly
codegen_flags: <defaults>
</compile_context>

<pallas_src>
import functools

import jax
import jax.numpy as jnp
from jax import lax
from jax.experimental import pallas as pl
from jax.experimental.pallas import tpu as pltpu
from jax.experimental.pallas import tpu_sc as plsc

N = 10000
NINP = 128
E = 320000

NC, NS = 2, 16
CHUNK = 80
IBLK = 8
ACC_ROWS = 10240
TRASH = N
DEG_W = 16

ROW_BLK = 400

_mesh = lambda: plsc.VectorSubcoreMesh(core_axis_name="c", subcore_axis_name="s")


def _edge_pass(nchunks, width, chunk):
    assert nchunks % 8 == 2 and nchunks >= 10
    ngroups = (nchunks - 2) // 8
    cparams = (pltpu.CompilerParams(use_tc_tiling_on_sc=False)
               if width < 128 else None)

    @functools.partial(
        pl.kernel,
        mesh=_mesh(),
        compiler_params=cparams,
        out_type=jax.ShapeDtypeStruct((NC, ACC_ROWS, width), jnp.float32),
        scratch_types=[
            pltpu.VMEM((2, IBLK, chunk), jnp.int32),
            pltpu.VMEM((2, IBLK, chunk), jnp.int32),
            pltpu.VMEM((4, chunk, width), jnp.float32),
            pltpu.VMEM_SHARED((ACC_ROWS, width), jnp.float32),
            [pltpu.SemaphoreType.DMA] * 4,
            [pltpu.SemaphoreType.DMA] * 4,
            [pltpu.SemaphoreType.DMA] * 2,
        ],
    )
    def k(src_hbm, dst_hbm, table_hbm, out_hbm, src_blk, dst_blk, rows_v,
          acc, gsem, ssem, isem):
        c = lax.axis_index("c")
        s = lax.axis_index("s")
        rows_per_tile = ACC_ROWS // NS

        def zrow(i, carry):
            for jj in range(width // 16):
                rows_v[0, i, pl.ds(jj * 16, 16)] = jnp.zeros((16,),
                                                             jnp.float32)
            return carry
        lax.fori_loop(0, chunk, zrow, 0)
        for b in range(rows_per_tile // chunk):
            pltpu.sync_copy(rows_v.at[0],
                            acc.at[pl.ds(s * rows_per_tile + b * chunk,
                                         chunk)])
        plsc.subcore_barrier()

        def ib_start(blk, par):
            pltpu.async_copy(src_hbm.at[c, s, pl.ds(blk * IBLK, IBLK)],
                             src_blk.at[par], isem[0])
            pltpu.async_copy(dst_hbm.at[c, s, pl.ds(blk * IBLK, IBLK)],
                             dst_blk.at[par], isem[1])

        def ib_wait(par):
            pltpu.make_async_copy(src_hbm.at[c, s, pl.ds(0, IBLK)],
                                  src_blk.at[par], isem[0]).wait()
            pltpu.make_async_copy(dst_hbm.at[c, s, pl.ds(0, IBLK)],
                                  dst_blk.at[par], isem[1]).wait()

        def g_start(par, slot, b):
            pltpu.async_copy(table_hbm.at[src_blk.at[par, slot]],
                             rows_v.at[b], gsem[b])

        def g_wait(b):
            pltpu.make_async_copy(table_hbm.at[src_blk.at[0, 0]],
                                  rows_v.at[b], gsem[b]).wait()

        def s_start(par, slot, b):
            pltpu.async_copy(rows_v.at[b], acc.at[dst_blk.at[par, slot]],
                             ssem[b], add=True)

        def s_wait(b):
            pltpu.make_async_copy(rows_v.at[b], acc.at[dst_blk.at[0, 0]],
                                  ssem[b]).wait()

        zero = jnp.int32(0)
        ib_start(zero, zero)
        ib_wait(zero)
        g_start(zero, 0, 0)
        g_start(zero, 1, 1)
        g_start(zero, 2, 2); g_wait(0); s_start(zero, 0, 0)
        g_start(zero, 3, 3); g_wait(1); s_start(zero, 1, 1)

        def body(j, carry):
            parj = j & 1
            parj1 = (j + 1) & 1
            for p in range(8):
                bb = (2 + p) % 4
                if p == 0:
                    ib_start(j + 1, parj1)
                s_wait((bb + 2) % 4)
                if p == 4:
                    ib_wait(parj1)
                g_par = parj if p <= 3 else parj1
                g_start(g_par, (4 + p) % 8, (bb + 2) % 4)
                g_wait(bb)
                s_par = parj if p <= 5 else parj1
                s_start(s_par, (2 + p) % 8, bb)
            return carry
        lax.fori_loop(0, ngroups, body, 0)

        g_wait(2); g_wait(3)
        s_wait(0); s_wait(1)

        plsc.subcore_barrier()
        pltpu.sync_copy(acc.at[pl.ds(s * rows_per_tile, rows_per_tile)],
                        out_hbm.at[c, pl.ds(s * rows_per_tile, rows_per_tile)])

    return k


def _deg_pass(nchunks):
    assert nchunks % 2 == 0

    @functools.partial(
        pl.kernel,
        mesh=_mesh(),
        compiler_params=pltpu.CompilerParams(use_tc_tiling_on_sc=False),
        out_type=jax.ShapeDtypeStruct((NC, ACC_ROWS, DEG_W), jnp.float32),
        scratch_types=[
            pltpu.VMEM((nchunks, CHUNK), jnp.int32),
            pltpu.VMEM((CHUNK, DEG_W), jnp.float32),
            pltpu.VMEM_SHARED((ACC_ROWS, DEG_W), jnp.float32),
            [pltpu.SemaphoreType.DMA] * 2,
        ],
    )
    def k(dst_hbm, out_hbm, dst_all, ones_v, acc, ssem):
        c = lax.axis_index("c")
        s = lax.axis_index("s")
        rows_per_tile = ACC_ROWS // NS

        def fill(val):
            def frow(i, carry):
                for jj in range(DEG_W // 16):
                    ones_v[i, pl.ds(jj * 16, 16)] = jnp.full((16,), val,
                                                             jnp.float32)
                return carry
            lax.fori_loop(0, CHUNK, frow, 0)

        fill(0.0)
        for b in range(rows_per_tile // CHUNK):
            pltpu.sync_copy(
                ones_v, acc.at[pl.ds(s * rows_per_tile + b * CHUNK, CHUNK)])
        fill(1.0)
        pltpu.sync_copy(dst_hbm.at[c, s], dst_all)
        plsc.subcore_barrier()

        def body(j, carry):
            for p in range(2):
                pltpu.async_copy(ones_v, acc.at[dst_all.at[2 * j + p]],
                                 ssem[p], add=True)
            for p in range(2):
                pltpu.make_async_copy(ones_v, acc.at[dst_all.at[0]],
                                      ssem[p]).wait()
            return carry
        lax.fori_loop(0, nchunks // 2, body, 0)

        plsc.subcore_barrier()
        pltpu.sync_copy(acc.at[pl.ds(s * rows_per_tile, rows_per_tile)],
                        out_hbm.at[c, pl.ds(s * rows_per_tile, rows_per_tile)])

    return k


def _dis_of(degs_blk):
    deg = degs_blk[0, 0] + degs_blk[0, 1] + 1.0
    return lax.rsqrt(deg)[:, None]


_DEG_SPEC = lambda: pl.BlockSpec((1, NC, ROW_BLK), lambda i: (i, 0, 0))


def _tc_stage1(degs, emb, W1):
    def body(degs_ref, emb_ref, w_ref, g_ref):
        dis = _dis_of(degs_ref)
        h = jnp.dot(emb_ref[...], w_ref[...],
                    preferred_element_type=jnp.float32)
        g_ref[0] = h[:, :NINP] * dis
        g_ref[1] = h[:, NINP:] * dis

    return pl.pallas_call(
        body,
        grid=(N // ROW_BLK,),
        in_specs=[
            _DEG_SPEC(),
            pl.BlockSpec((ROW_BLK, NINP), lambda i: (i, 0)),
            pl.BlockSpec((NINP, 2 * NINP), lambda i: (0, 0)),
        ],
        out_specs=pl.BlockSpec((NC, ROW_BLK, NINP), lambda i: (0, i, 0)),
        out_shape=jax.ShapeDtypeStruct((NC, N, NINP), jnp.float32),
    )(degs, emb, W1)


def _tc_stage2(degs, s1, g1, W2, b1):
    def body(degs_ref, s1_ref, g1_ref, w_ref, b_ref, g2_ref):
        dis = _dis_of(degs_ref)
        t0 = (s1_ref[0] + g1_ref[0]) * dis
        t1 = (s1_ref[1] + g1_ref[1]) * dis
        x1 = jnp.concatenate([t0, t1], axis=1) + b_ref[...]
        g2 = jnp.dot(x1, w_ref[...],
                     preferred_element_type=jnp.float32) * dis
        g2_ref[0] = g2
        g2_ref[1] = g2

    return pl.pallas_call(
        body,
        grid=(N // ROW_BLK,),
        in_specs=[
            _DEG_SPEC(),
            pl.BlockSpec((NC, ROW_BLK, NINP), lambda i: (0, i, 0)),
            pl.BlockSpec((NC, ROW_BLK, NINP), lambda i: (0, i, 0)),
            pl.BlockSpec((2 * NINP, NINP), lambda i: (0, 0)),
            pl.BlockSpec((1, 2 * NINP), lambda i: (0, 0)),
        ],
        out_specs=pl.BlockSpec((NC, ROW_BLK, NINP), lambda i: (0, i, 0)),
        out_shape=jax.ShapeDtypeStruct((NC, N, NINP), jnp.float32),
    )(degs, s1, g1, W2, b1)


def _tc_stage3(degs, s2, g2, b2):
    def body(degs_ref, s2_ref, g2_ref, b_ref, out_ref):
        dis = _dis_of(degs_ref)
        out_ref[...] = (s2_ref[0] + s2_ref[1] + g2_ref[0]) * dis + b_ref[...]

    return pl.pallas_call(
        body,
        grid=(N // ROW_BLK,),
        in_specs=[
            _DEG_SPEC(),
            pl.BlockSpec((NC, ROW_BLK, NINP), lambda i: (0, i, 0)),
            pl.BlockSpec((NC, ROW_BLK, NINP), lambda i: (0, i, 0)),
            pl.BlockSpec((1, NINP), lambda i: (0, 0)),
        ],
        out_specs=pl.BlockSpec((ROW_BLK, NINP), lambda i: (i, 0)),
        out_shape=jax.ShapeDtypeStruct((N, NINP), jnp.float32),
    )(degs, s2, g2, b2)


def _ceil_div(a, b):
    return (a + b - 1) // b


def _round_chunks(n):
    while n % 8 != 2:
        n += 1
    return n


@jax.jit
def kernel(edge_index, emb, W1, b1, W2, b2):
    src = edge_index[0].astype(jnp.int32)
    dst = edge_index[1].astype(jnp.int32)

    def _trash(n):
        return TRASH + (jnp.arange(n, dtype=jnp.int32) % (ACC_ROWS - N))

    e_sub = E // NS
    CH1 = 32
    c1 = _round_chunks(_ceil_div(e_sub, CH1))
    h1 = c1 + 6
    p1 = h1 * CH1 - e_sub
    src1 = jnp.pad(src.reshape(NS, e_sub), ((0, 0), (0, p1)))
    src1 = src1.reshape(NS, h1, CH1)
    dst1 = jnp.concatenate(
        [dst.reshape(NS, e_sub),
         jnp.broadcast_to(_trash(p1), (NS, p1))], axis=1)
    dst1 = dst1.reshape(NS, h1, CH1)
    src_l1 = jnp.stack([src1, src1 + N])
    dst_l1 = jnp.stack([dst1, dst1])

    e_tile = E // (NC * NS)
    c2 = _round_chunks(_ceil_div(e_tile, CHUNK))
    h2 = c2 + 6
    p2 = h2 * CHUNK - e_tile
    dst2 = jnp.concatenate(
        [dst.reshape(NC, NS, e_tile),
         jnp.broadcast_to(_trash(p2), (NC, NS, p2))], axis=2)
    dst2 = dst2.reshape(NC, NS, h2, CHUNK)

    CH2 = 32
    c2b = _round_chunks(_ceil_div(e_tile, CH2))
    h2b = c2b + 6
    p2b = h2b * CH2 - e_tile
    src2 = jnp.pad(src.reshape(NC, NS, e_tile),
                   ((0, 0), (0, 0), (0, p2b)))
    src2 = src2.reshape(NC, NS, h2b, CH2)
    dst2b = jnp.concatenate(
        [dst.reshape(NC, NS, e_tile),
         jnp.broadcast_to(_trash(p2b), (NC, NS, p2b))], axis=2)
    dst2b = dst2b.reshape(NC, NS, h2b, CH2)

    degs = _deg_pass(h2)(dst2)[:, :N, 0]
    degs = degs.reshape(NC, N // ROW_BLK, ROW_BLK).transpose(1, 0, 2)
    g1 = _tc_stage1(degs, emb, W1)
    s1 = _edge_pass(c1, NINP, CH1)(src_l1, dst_l1,
                                   g1.reshape(NC * N, NINP))
    g2 = _tc_stage2(degs, s1, g1, W2, b1.reshape(1, -1))
    src2d = src2 + N * jnp.arange(NC, dtype=jnp.int32)[:, None, None, None]
    s2 = _edge_pass(c2b, NINP, CH2)(src2d, dst2b,
                                    g2.reshape(NC * N, NINP))
    return _tc_stage3(degs, s2, g2, b2.reshape(1, -1))

# --- scband reference (transcript-rebuilt; emitter-appended) ---
"""Pipeline reference for scband-graph-nn-70755291234308 (READ-ONLY COPY).

The authoritative reference and input builder live on the scoring server;
editing this copy changes nothing except your own understanding.
"""

import jax, jax.numpy as jnp
import numpy as np

N_NODES = 10000
NINP = 128
N_EDGES = 320000


def _gcn_layer(x, src, dst, W, b, n):
    # GCNConv (PyG semantics): add self-loops, symmetric normalization,
    # linear transform, scatter-add aggregation, plus bias.
    loop = jnp.arange(n, dtype=src.dtype)
    src_sl = jnp.concatenate([src, loop])
    dst_sl = jnp.concatenate([dst, loop])
    deg = jnp.zeros((n,), dtype=x.dtype).at[dst_sl].add(1.0)
    deg_inv_sqrt = jnp.where(deg > 0, deg ** -0.5, 0.0)
    norm = deg_inv_sqrt[src_sl] * deg_inv_sqrt[dst_sl]
    h = x @ W  # [n, out_dim]
    msg = jnp.take(h, src_sl, axis=0) * norm[:, None]
    out = jnp.zeros((n, W.shape[1]), dtype=x.dtype).at[dst_sl].add(msg)
    return out + b


def setup_inputs(seed: int = 0) -> dict:
    key = jax.random.key(seed)
    k1, k2, k3, k4, k5, k6 = jax.random.split(key, 6)
    edge_index = jax.random.randint(k1, (2, N_EDGES), 0, N_NODES)
    # Embedding table, xavier_normal init, padding_idx=0 row zeroed
    std_emb = (2.0 / (N_NODES + NINP)) ** 0.5
    emb = jax.random.normal(k2, (N_NODES, NINP), dtype=jnp.float32) * std_emb
    emb = emb.at[0].set(0.0)
    # GCNConv 1: ninp -> 2*ninp
    std1 = (2.0 / (NINP + 2 * NINP)) ** 0.5
    W1 = jax.random.normal(k3, (NINP, 2 * NINP), dtype=jnp.float32) * std1
    b1 = jnp.zeros((2 * NINP,), dtype=jnp.float32)
    # GCNConv 2: 2*ninp -> ninp
    std2 = (2.0 / (2 * NINP + NINP)) ** 0.5
    W2 = jax.random.normal(k4, (2 * NINP, NINP), dtype=jnp.float32) * std2
    b2 = jnp.zeros((NINP,), dtype=jnp.float32)
    return {"edge_index": edge_index, "emb": emb, "W1": W1, "b1": b1, "W2": W2, "b2": b2}


def reference(edge_index, emb, W1, b1, W2, b2):
    src, dst = edge_index[0], edge_index[1]
    n = emb.shape[0]
    # gnn1 over the full embedding table (module uses self.embedding.weight as x)
    h = _gcn_layer(emb, src, dst, W1, b1, n)
    # dropout is identity in eval mode
    out = _gcn_layer(h, src, dst, W2, b2, n)
    return out

if __name__ == "__main__":
    import jax
    _d = setup_inputs()
    print(jax.jit(kernel)(*tuple(_d.values())))

</pallas_src>

<mosaic_0001>
#map = affine_map<(d0, d1) -> (0, 0, 0, 0)>
#map1 = affine_map<(d0, d1) -> (0, 0, 0)>
module attributes {stable_mosaic.version = 14 : i64} {
  func.func @k(%arg0: i32, %arg1: i32, %arg2: memref<2x16x136x80xi32, #tpu.memory_space<hbm>>, %arg3: memref<2x10240x16xf32, #tpu.memory_space<hbm>>, %arg4: memref<136x80xi32, #tpu.memory_space<vmem>>, %arg5: memref<80x16xf32, #tpu.memory_space<vmem>>, %arg6: memref<10240x16xf32, #tpu.memory_space<vmem_shared>>, %arg7: memref<!tpu.dma_semaphore, #tpu.memory_space<semaphore_mem>>, %arg8: memref<!tpu.dma_semaphore, #tpu.memory_space<semaphore_mem>>) attributes {dimension_semantics = [#tpu.dimension_semantics<core_parallel>, #tpu.dimension_semantics<subcore_parallel>], iteration_bounds = array<i64: 2, 16>, scalar_prefetch = 0 : i64, scratch_operands = 5 : i64, tpu.core_type = #tpu.core_type<sc_vector_subcore>, window_params = [{transform_indices = #map}, {transform_indices = #map1}]} {
    %scan3A = arith.constant 0 : i32
    %scan3A_0 = arith.constant 0 : i32
    %scan3A_1 = arith.constant 80 : i32
    %scan3A_2 = arith.addi %scan3A_0, %scan3A_1 : i32
    %scan3A_3 = arith.constant 1 : i32
    scf.for %scan3A_52 = %scan3A_0 to %scan3A_2 step %scan3A_3  : i32 {
      %broadcast_in_dim3A = arith.constant 0.000000e+00 : f32
      %broadcast_in_dim3A_53 = vector.broadcast %broadcast_in_dim3A : f32 to vector<16xf32>
      %swap3A = arith.index_cast %scan3A_52 : i32 to index
      %swap3A_54 = arith.constant 0 : index
      %swap3A_55 = tpu.vector_load %arg5[%swap3A, %swap3A_54] {strides = array<i32>} : memref<80x16xf32, #tpu.memory_space<vmem>>, vector<1x16xf32>,
      %swap3A_56 = vector.shape_cast %swap3A_55 : vector<1x16xf32> to vector<16xf32>
      %swap3A_57 = vector.shape_cast %broadcast_in_dim3A_53 : vector<16xf32> to vector<1x16xf32>
      tpu.vector_store %arg5[%swap3A, %swap3A_54], %swap3A_57 {strides = array<i32>} : memref<80x16xf32, #tpu.memory_space<vmem>>, vector<1x16xf32>,
    }
    %scan3A_4 = arith.constant 80 : i32
    %mul3A = arith.constant 640 : i32
    %mul3A_5 = arith.muli %arg1, %mul3A : i32
    %add3A = arith.constant 0 : i32
    %add3A_6 = arith.addi %mul3A_5, %add3A : i32
    "tpu.region"() ({
      %run_scoped3A = tpu.sem_alloc : memref<!tpu.dma_semaphore, #tpu.memory_space<semaphore_mem>>
      %dma_start3A = arith.constant 0 : i32
      %dma_start3A_52 = tpu.memref_slice %arg6[%add3A_6, %dma_start3A] : memref<10240x16xf32, #tpu.memory_space<vmem_shared>> -> memref<80x16xf32, #tpu.memory_space<vmem_shared>>
      %dma_start3A_53 = arith.constant 0 : i32
      %dma_start3A_54 = tpu.memref_slice %arg6[%add3A_6, %dma_start3A_53] : memref<10240x16xf32, #tpu.memory_space<vmem_shared>> -> memref<80x16xf32, #tpu.memory_space<vmem_shared>>
      tpu.enqueue_dma source(%arg5 : memref<80x16xf32, #tpu.memory_space<vmem>>) target(%dma_start3A_54 : memref<80x16xf32, #tpu.memory_space<vmem_shared>>) target_semaphore(%run_scoped3A : memref<!tpu.dma_semaphore, #tpu.memory_space<semaphore_mem>>)
      %dma_wait3A = arith.constant 0 : i32
      %dma_wait3A_55 = tpu.memref_slice %arg6[%add3A_6, %dma_wait3A] : memref<10240x16xf32, #tpu.memory_space<vmem_shared>> -> memref<80x16xf32, #tpu.memory_space<vmem_shared>>
      %dma_wait3A_56 = arith.constant 0 : i32
      %dma_wait3A_57 = tpu.memref_slice %arg6[%add3A_6, %dma_wait3A_56] : memref<10240x16xf32, #tpu.memory_space<vmem_shared>> -> memref<80x16xf32, #tpu.memory_space<vmem_shared>>
      tpu.wait_dma2 semaphore(%run_scoped3A : memref<!tpu.dma_semaphore, #tpu.memory_space<semaphore_mem>>) src(%arg5 : memref<80x16xf32, #tpu.memory_space<vmem>>) dst(%dma_wait3A_57 : memref<80x16xf32, #tpu.memory_space<vmem_shared>>)
      tpu.yield
    }) : () -> ()
    %mul3A_7 = arith.constant 640 : i32
    %mul3A_8 = arith.muli %arg1, %mul3A_7 : i32
    %add3A_9 = arith.constant 80 : i32
    %add3A_10 = arith.addi %mul3A_8, %add3A_9 : i32
    "tpu.region"() ({
      %run_scoped3A = tpu.sem_alloc : memref<!tpu.dma_semaphore, #tpu.memory_space<semaphore_mem>>
      %dma_start3A = arith.constant 0 : i32
      %dma_start3A_52 = tpu.memref_slice %arg6[%add3A_10, %dma_start3A] : memref<10240x16xf32, #tpu.memory_space<vmem_shared>> -> memref<80x16xf32, #tpu.memory_space<vmem_shared>>
      %dma_start3A_53 = arith.constant 0 : i32
      %dma_start3A_54 = tpu.memref_slice %arg6[%add3A_10, %dma_start3A_53] : memref<10240x16xf32, #tpu.memory_space<vmem_shared>> -> memref<80x16xf32, #tpu.memory_space<vmem_shared>>
      tpu.enqueue_dma source(%arg5 : memref<80x16xf32, #tpu.memory_space<vmem>>) target(%dma_start3A_54 : memref<80x16xf32, #tpu.memory_space<vmem_shared>>) target_semaphore(%run_scoped3A : memref<!tpu.dma_semaphore, #tpu.memory_space<semaphore_mem>>)
      %dma_wait3A = arith.constant 0 : i32
      %dma_wait3A_55 = tpu.memref_slice %arg6[%add3A_10, %dma_wait3A] : memref<10240x16xf32, #tpu.memory_space<vmem_shared>> -> memref<80x16xf32, #tpu.memory_space<vmem_shared>>
      %dma_wait3A_56 = arith.constant 0 : i32
      %dma_wait3A_57 = tpu.memref_slice %arg6[%add3A_10, %dma_wait3A_56] : memref<10240x16xf32, #tpu.memory_space<vmem_shared>> -> memref<80x16xf32, #tpu.memory_space<vmem_shared>>
      tpu.wait_dma2 semaphore(%run_scoped3A : memref<!tpu.dma_semaphore, #tpu.memory_space<semaphore_mem>>) src(%arg5 : memref<80x16xf32, #tpu.memory_space<vmem>>) dst(%dma_wait3A_57 : memref<80x16xf32, #tpu.memory_space<vmem_shared>>)
      tpu.yield
    }) : () -> ()
    %mul3A_11 = arith.constant 640 : i32
    %mul3A_12 = arith.muli %arg1, %mul3A_11 : i32
    %add3A_13 = arith.constant 160 : i32
    %add3A_14 = arith.addi %mul3A_12, %add3A_13 : i32
    "tpu.region"() ({
      %run_scoped3A = tpu.sem_alloc : memref<!tpu.dma_semaphore, #tpu.memory_space<semaphore_mem>>
      %dma_start3A = arith.constant 0 : i32
      %dma_start3A_52 = tpu.memref_slice %arg6[%add3A_14, %dma_start3A] : memref<10240x16xf32, #tpu.memory_space<vmem_shared>> -> memref<80x16xf32, #tpu.memory_space<vmem_shared>>
      %dma_start3A_53 = arith.constant 0 : i32
      %dma_start3A_54 = tpu.memref_slice %arg6[%add3A_14, %dma_start3A_53] : memref<10240x16xf32, #tpu.memory_space<vmem_shared>> -> memref<80x16xf32, #tpu.memory_space<vmem_shared>>
      tpu.enqueue_dma source(%arg5 : memref<80x16xf32, #tpu.memory_space<vmem>>) target(%dma_start3A_54 : memref<80x16xf32, #tpu.memory_space<vmem_shared>>) target_semaphore(%run_scoped3A : memref<!tpu.dma_semaphore, #tpu.memory_space<semaphore_mem>>)
      %dma_wait3A = arith.constant 0 : i32
      %dma_wait3A_55 = tpu.memref_slice %arg6[%add3A_14, %dma_wait3A] : memref<10240x16xf32, #tpu.memory_space<vmem_shared>> -> memref<80x16xf32, #tpu.memory_space<vmem_shared>>
      %dma_wait3A_56 = arith.constant 0 : i32
      %dma_wait3A_57 = tpu.memref_slice %arg6[%add3A_14, %dma_wait3A_56] : memref<10240x16xf32, #tpu.memory_space<vmem_shared>> -> memref<80x16xf32, #tpu.memory_space<vmem_shared>>
      tpu.wait_dma2 semaphore(%run_scoped3A : memref<!tpu.dma_semaphore, #tpu.memory_space<semaphore_mem>>) src(%arg5 : memref<80x16xf32, #tpu.memory_space<vmem>>) dst(%dma_wait3A_57 : memref<80x16xf32, #tpu.memory_space<vmem_shared>>)
      tpu.yield
    }) : () -> ()
    %mul3A_15 = arith.constant 640 : i32
    %mul3A_16 = arith.muli %arg1, %mul3A_15 : i32
    %add3A_17 = arith.constant 240 : i32
    %add3A_18 = arith.addi %mul3A_16, %add3A_17 : i32
    "tpu.region"() ({
      %run_scoped3A = tpu.sem_alloc : memref<!tpu.dma_semaphore, #tpu.memory_space<semaphore_mem>>
      %dma_start3A = arith.constant 0 : i32
      %dma_start3A_52 = tpu.memref_slice %arg6[%add3A_18, %dma_start3A] : memref<10240x16xf32, #tpu.memory_space<vmem_shared>> -> memref<80x16xf32, #tpu.memory_space<vmem_shared>>
      %dma_start3A_53 = arith.constant 0 : i32
      %dma_start3A_54 = tpu.memref_slice %arg6[%add3A_18, %dma_start3A_53] : memref<10240x16xf32, #tpu.memory_space<vmem_shared>> -> memref<80x16xf32, #tpu.memory_space<vmem_shared>>
      tpu.enqueue_dma source(%arg5 : memref<80x16xf32, #tpu.memory_space<vmem>>) target(%dma_start3A_54 : memref<80x16xf32, #tpu.memory_space<vmem_shared>>) target_semaphore(%run_scoped3A : memref<!tpu.dma_semaphore, #tpu.memory_space<semaphore_mem>>)
      %dma_wait3A = arith.constant 0 : i32
      %dma_wait3A_55 = tpu.memref_slice %arg6[%add3A_18, %dma_wait3A] : memref<10240x16xf32, #tpu.memory_space<vmem_shared>> -> memref<80x16xf32, #tpu.memory_space<vmem_shared>>
      %dma_wait3A_56 = arith.constant 0 : i32
      %dma_wait3A_57 = tpu.memref_slice %arg6[%add3A_18, %dma_wait3A_56] : memref<10240x16xf32, #tpu.memory_space<vmem_shared>> -> memref<80x16xf32, #tpu.memory_space<vmem_shared>>
      tpu.wait_dma2 semaphore(%run_scoped3A : memref<!tpu.dma_semaphore, #tpu.memory_space<semaphore_mem>>) src(%arg5 : memref<80x16xf32, #tpu.memory_space<vmem>>) dst(%dma_wait3A_57 : memref<80x16xf32, #tpu.memory_space<vmem_shared>>)
      tpu.yield
    }) : () -> ()
    %mul3A_19 = arith.constant 640 : i32
    %mul3A_20 = arith.muli %arg1, %mul3A_19 : i32
    %add3A_21 = arith.constant 320 : i32
    %add3A_22 = arith.addi %mul3A_20, %add3A_21 : i32
    "tpu.region"() ({
      %run_scoped3A = tpu.sem_alloc : memref<!tpu.dma_semaphore, #tpu.memory_space<semaphore_mem>>
      %dma_start3A = arith.constant 0 : i32
      %dma_start3A_52 = tpu.memref_slice %arg6[%add3A_22, %dma_start3A] : memref<10240x16xf32, #tpu.memory_space<vmem_shared>> -> memref<80x16xf32, #tpu.memory_space<vmem_shared>>
      %dma_start3A_53 = arith.constant 0 : i32
      %dma_start3A_54 = tpu.memref_slice %arg6[%add3A_22, %dma_start3A_53] : memref<10240x16xf32, #tpu.memory_space<vmem_shared>> -> memref<80x16xf32, #tpu.memory_space<vmem_shared>>
      tpu.enqueue_dma source(%arg5 : memref<80x16xf32, #tpu.memory_space<vmem>>) target(%dma_start3A_54 : memref<80x16xf32, #tpu.memory_space<vmem_shared>>) target_semaphore(%run_scoped3A : memref<!tpu.dma_semaphore, #tpu.memory_space<semaphore_mem>>)
      %dma_wait3A = arith.constant 0 : i32
      %dma_wait3A_55 = tpu.memref_slice %arg6[%add3A_22, %dma_wait3A] : memref<10240x16xf32, #tpu.memory_space<vmem_shared>> -> memref<80x16xf32, #tpu.memory_space<vmem_shared>>
      %dma_wait3A_56 = arith.constant 0 : i32
      %dma_wait3A_57 = tpu.memref_slice %arg6[%add3A_22, %dma_wait3A_56] : memref<10240x16xf32, #tpu.memory_space<vmem_shared>> -> memref<80x16xf32, #tpu.memory_space<vmem_shared>>
      tpu.wait_dma2 semaphore(%run_scoped3A : memref<!tpu.dma_semaphore, #tpu.memory_space<semaphore_mem>>) src(%arg5 : memref<80x16xf32, #tpu.memory_space<vmem>>) dst(%dma_wait3A_57 : memref<80x16xf32, #tpu.memory_space<vmem_shared>>)
      tpu.yield
    }) : () -> ()
    %mul3A_23 = arith.constant 640 : i32
    %mul3A_24 = arith.muli %arg1, %mul3A_23 : i32
    %add3A_25 = arith.constant 400 : i32
    %add3A_26 = arith.addi %mul3A_24, %add3A_25 : i32
    "tpu.region"() ({
      %run_scoped3A = tpu.sem_alloc : memref<!tpu.dma_semaphore, #tpu.memory_space<semaphore_mem>>
      %dma_start3A = arith.constant 0 : i32
      %dma_start3A_52 = tpu.memref_slice %arg6[%add3A_26, %dma_start3A] : memref<10240x16xf32, #tpu.memory_space<vmem_shared>> -> memref<80x16xf32, #tpu.memory_space<vmem_shared>>
      %dma_start3A_53 = arith.constant 0 : i32
      %dma_start3A_54 = tpu.memref_slice %arg6[%add3A_26, %dma_start3A_53] : memref<10240x16xf32, #tpu.memory_space<vmem_shared>> -> memref<80x16xf32, #tpu.memory_space<vmem_shared>>
      tpu.enqueue_dma source(%arg5 : memref<80x16xf32, #tpu.memory_space<vmem>>) target(%dma_start3A_54 : memref<80x16xf32, #tpu.memory_space<vmem_shared>>) target_semaphore(%run_scoped3A : memref<!tpu.dma_semaphore, #tpu.memory_space<semaphore_mem>>)
      %dma_wait3A = arith.constant 0 : i32
      %dma_wait3A_55 = tpu.memref_slice %arg6[%add3A_26, %dma_wait3A] : memref<10240x16xf32, #tpu.memory_space<vmem_shared>> -> memref<80x16xf32, #tpu.memory_space<vmem_shared>>
      %dma_wait3A_56 = arith.constant 0 : i32
      %dma_wait3A_57 = tpu.memref_slice %arg6[%add3A_26, %dma_wait3A_56] : memref<10240x16xf32, #tpu.memory_space<vmem_shared>> -> memref<80x16xf32, #tpu.memory_space<vmem_shared>>
      tpu.wait_dma2 semaphore(%run_scoped3A : memref<!tpu.dma_semaphore, #tpu.memory_space<semaphore_mem>>) src(%arg5 : memref<80x16xf32, #tpu.memory_space<vmem>>) dst(%dma_wait3A_57 : memref<80x16xf32, #tpu.memory_space<vmem_shared>>)
      tpu.yield
    }) : () -> ()
    %mul3A_27 = arith.constant 640 : i32
    %mul3A_28 = arith.muli %arg1, %mul3A_27 : i32
    %add3A_29 = arith.constant 480 : i32
    %add3A_30 = arith.addi %mul3A_28, %add3A_29 : i32
    "tpu.region"() ({
      %run_scoped3A = tpu.sem_alloc : memref<!tpu.dma_semaphore, #tpu.memory_space<semaphore_mem>>
      %dma_start3A = arith.constant 0 : i32
      %dma_start3A_52 = tpu.memref_slice %arg6[%add3A_30, %dma_start3A] : memref<10240x16xf32, #tpu.memory_space<vmem_shared>> -> memref<80x16xf32, #tpu.memory_space<vmem_shared>>
      %dma_start3A_53 = arith.constant 0 : i32
      %dma_start3A_54 = tpu.memref_slice %arg6[%add3A_30, %dma_start3A_53] : memref<10240x16xf32, #tpu.memory_space<vmem_shared>> -> memref<80x16xf32, #tpu.memory_space<vmem_shared>>
      tpu.enqueue_dma source(%arg5 : memref<80x16xf32, #tpu.memory_space<vmem>>) target(%dma_start3A_54 : memref<80x16xf32, #tpu.memory_space<vmem_shared>>) target_semaphore(%run_scoped3A : memref<!tpu.dma_semaphore, #tpu.memory_space<semaphore_mem>>)
      %dma_wait3A = arith.constant 0 : i32
      %dma_wait3A_55 = tpu.memref_slice %arg6[%add3A_30, %dma_wait3A] : memref<10240x16xf32, #tpu.memory_space<vmem_shared>> -> memref<80x16xf32, #tpu.memory_space<vmem_shared>>
      %dma_wait3A_56 = arith.constant 0 : i32
      %dma_wait3A_57 = tpu.memref_slice %arg6[%add3A_30, %dma_wait3A_56] : memref<10240x16xf32, #tpu.memory_space<vmem_shared>> -> memref<80x16xf32, #tpu.memory_space<vmem_shared>>
      tpu.wait_dma2 semaphore(%run_scoped3A : memref<!tpu.dma_semaphore, #tpu.memory_space<semaphore_mem>>) src(%arg5 : memref<80x16xf32, #tpu.memory_space<vmem>>) dst(%dma_wait3A_57 : memref<80x16xf32, #tpu.memory_space<vmem_shared>>)
      tpu.yield
    }) : () -> ()
    %mul3A_31 = arith.constant 640 : i32
    %mul3A_32 = arith.muli %arg1, %mul3A_31 : i32
    %add3A_33 = arith.constant 560 : i32
    %add3A_34 = arith.addi %mul3A_32, %add3A_33 : i32
    "tpu.region"() ({
      %run_scoped3A = tpu.sem_alloc : memref<!tpu.dma_semaphore, #tpu.memory_space<semaphore_mem>>
      %dma_start3A = arith.constant 0 : i32
      %dma_start3A_52 = tpu.memref_slice %arg6[%add3A_34, %dma_start3A] : memref<10240x16xf32, #tpu.memory_space<vmem_shared>> -> memref<80x16xf32, #tpu.memory_space<vmem_shared>>
      %dma_start3A_53 = arith.constant 0 : i32
      %dma_start3A_54 = tpu.memref_slice %arg6[%add3A_34, %dma_start3A_53] : memref<10240x16xf32, #tpu.memory_space<vmem_shared>> -> memref<80x16xf32, #tpu.memory_space<vmem_shared>>
      tpu.enqueue_dma source(%arg5 : memref<80x16xf32, #tpu.memory_space<vmem>>) target(%dma_start3A_54 : memref<80x16xf32, #tpu.memory_space<vmem_shared>>) target_semaphore(%run_scoped3A : memref<!tpu.dma_semaphore, #tpu.memory_space<semaphore_mem>>)
      %dma_wait3A = arith.constant 0 : i32
      %dma_wait3A_55 = tpu.memref_slice %arg6[%add3A_34, %dma_wait3A] : memref<10240x16xf32, #tpu.memory_space<vmem_shared>> -> memref<80x16xf32, #tpu.memory_space<vmem_shared>>
      %dma_wait3A_56 = arith.constant 0 : i32
      %dma_wait3A_57 = tpu.memref_slice %arg6[%add3A_34, %dma_wait3A_56] : memref<10240x16xf32, #tpu.memory_space<vmem_shared>> -> memref<80x16xf32, #tpu.memory_space<vmem_shared>>
      tpu.wait_dma2 semaphore(%run_scoped3A : memref<!tpu.dma_semaphore, #tpu.memory_space<semaphore_mem>>) src(%arg5 : memref<80x16xf32, #tpu.memory_space<vmem>>) dst(%dma_wait3A_57 : memref<80x16xf32, #tpu.memory_space<vmem_shared>>)
      tpu.yield
    }) : () -> ()
    %scan3A_35 = arith.constant 0 : i32
    %scan3A_36 = arith.constant 0 : i32
    %scan3A_37 = arith.constant 80 : i32
    %scan3A_38 = arith.addi %scan3A_36, %scan3A_37 : i32
    %scan3A_39 = arith.constant 1 : i32
    scf.for %scan3A_52 = %scan3A_36 to %scan3A_38 step %scan3A_39  : i32 {
      %broadcast_in_dim3A = arith.constant 1.000000e+00 : f32
      %broadcast_in_dim3A_53 = vector.broadcast %broadcast_in_dim3A : f32 to vector<16xf32>
      %swap3A = arith.index_cast %scan3A_52 : i32 to index
      %swap3A_54 = arith.constant 0 : index
      %swap3A_55 = tpu.vector_load %arg5[%swap3A, %swap3A_54] {strides = array<i32>} : memref<80x16xf32, #tpu.memory_space<vmem>>, vector<1x16xf32>,
      %swap3A_56 = vector.shape_cast %swap3A_55 : vector<1x16xf32> to vector<16xf32>
      %swap3A_57 = vector.shape_cast %broadcast_in_dim3A_53 : vector<16xf32> to vector<1x16xf32>
      tpu.vector_store %arg5[%swap3A, %swap3A_54], %swap3A_57 {strides = array<i32>} : memref<80x16xf32, #tpu.memory_space<vmem>>, vector<1x16xf32>,
    }
    %scan3A_40 = arith.constant 80 : i32
    "tpu.region"() ({
      %run_scoped3A = tpu.sem_alloc : memref<!tpu.dma_semaphore, #tpu.memory_space<semaphore_mem>>
      %dma_start3A = arith.constant 0 : i32
      %dma_start3A_52 = arith.constant 0 : i32
      %dma_start3A_53 = tpu.memref_slice %arg2[%arg0, %arg1, %dma_start3A, %dma_start3A_52] : memref<2x16x136x80xi32, #tpu.memory_space<hbm>> -> memref<1x1x136x80xi32, #tpu.memory_space<hbm>>
      %dma_start3A_54 = tpu.memref_squeeze %dma_start3A_53 : memref<1x1x136x80xi32, #tpu.memory_space<hbm>> -> memref<136x80xi32, #tpu.memory_space<hbm>>
      %dma_start3A_55 = arith.constant 0 : i32
      %dma_start3A_56 = arith.constant 0 : i32
      %dma_start3A_57 = tpu.memref_slice %arg2[%arg0, %arg1, %dma_start3A_55, %dma_start3A_56] : memref<2x16x136x80xi32, #tpu.memory_space<hbm>> -> memref<1x1x136x80xi32, #tpu.memory_space<hbm>>
      %dma_start3A_58 = tpu.memref_squeeze %dma_start3A_57 : memref<1x1x136x80xi32, #tpu.memory_space<hbm>> -> memref<136x80xi32, #tpu.memory_space<hbm>>
      tpu.enqueue_dma source(%dma_start3A_58 : memref<136x80xi32, #tpu.memory_space<hbm>>) target(%arg4 : memref<136x80xi32, #tpu.memory_space<vmem>>) target_semaphore(%run_scoped3A : memref<!tpu.dma_semaphore, #tpu.memory_space<semaphore_mem>>)
      %dma_wait3A = arith.constant 0 : i32
      %dma_wait3A_59 = arith.constant 0 : i32
      %dma_wait3A_60 = tpu.memref_slice %arg2[%arg0, %arg1, %dma_wait3A, %dma_wait3A_59] : memref<2x16x136x80xi32, #tpu.memory_space<hbm>> -> memref<1x1x136x80xi32, #tpu.memory_space<hbm>>
      %dma_wait3A_61 = tpu.memref_squeeze %dma_wait3A_60 : memref<1x1x136x80xi32, #tpu.memory_space<hbm>> -> memref<136x80xi32, #tpu.memory_space<hbm>>
      %dma_wait3A_62 = arith.constant 0 : i32
      %dma_wait3A_63 = arith.constant 0 : i32
      %dma_wait3A_64 = tpu.memref_slice %arg2[%arg0, %arg1, %dma_wait3A_62, %dma_wait3A_63] : memref<2x16x136x80xi32, #tpu.memory_space<hbm>> -> memref<1x1x136x80xi32, #tpu.memory_space<hbm>>
      %dma_wait3A_65 = tpu.memref_squeeze %dma_wait3A_64 : memref<1x1x136x80xi32, #tpu.memory_space<hbm>> -> memref<136x80xi32, #tpu.memory_space<hbm>>
      tpu.wait_dma2 semaphore(%run_scoped3A : memref<!tpu.dma_semaphore, #tpu.memory_space<semaphore_mem>>) src(%dma_wait3A_65 : memref<136x80xi32, #tpu.memory_space<hbm>>) dst(%arg4 : memref<136x80xi32, #tpu.memory_space<vmem>>)
      tpu.yield
    }) : () -> ()
    %barrier3A = arith.constant 0 : index
    tpu.barrier barrier_id(%barrier3A)
    %scan3A_41 = arith.constant 0 : i32
    %scan3A_42 = arith.constant 0 : i32
    %scan3A_43 = arith.constant 68 : i32
    %scan3A_44 = arith.addi %scan3A_42, %scan3A_43 : i32
    %scan3A_45 = arith.constant 1 : i32
    scf.for %scan3A_52 = %scan3A_42 to %scan3A_44 step %scan3A_45  : i32 {
      %mul3A_53 = arith.constant 2 : i32
      %mul3A_54 = arith.muli %mul3A_53, %scan3A_52 : i32
      %add3A_55 = arith.constant 0 : i32
      %add3A_56 = arith.addi %mul3A_54, %add3A_55 : i32
      %dma_start3A = arith.constant 0 : i32
      %dma_start3A_57 = tpu.memref_slice %arg4[%add3A_56, %dma_start3A] : memref<136x80xi32, #tpu.memory_space<vmem>> -> memref<1x80xi32, #tpu.memory_space<vmem>>
      %dma_start3A_58 = tpu.memref_squeeze %dma_start3A_57 : memref<1x80xi32, #tpu.memory_space<vmem>> -> memref<80xi32, #tpu.memory_space<vmem>>
      %dma_start3A_59 = arith.constant 0 : i32
      %dma_start3A_60 = arith.constant 0 : i32
      %dma_start3A_61 = tpu.memref_slice %arg6[%dma_start3A_59, %dma_start3A_60] : memref<10240x16xf32, #tpu.memory_space<vmem_shared>> -> memref<10240x16xf32, #tpu.memory_space<vmem_shared>>
      tpu.enqueue_indirect_dma source(%arg5 : memref<80x16xf32, #tpu.memory_space<vmem>>) target(%dma_start3A_61 : memref<10240x16xf32, #tpu.memory_space<vmem_shared>>) offsets(%dma_start3A_58 : memref<80xi32, #tpu.memory_space<vmem>>) semaphore(%arg7 : memref<!tpu.dma_semaphore, #tpu.memory_space<semaphore_mem>>) {add = true}
      %mul3A_62 = arith.constant 2 : i32
      %mul3A_63 = arith.muli %mul3A_62, %scan3A_52 : i32
      %add3A_64 = arith.constant 1 : i32
      %add3A_65 = arith.addi %mul3A_63, %add3A_64 : i32
      %dma_start3A_66 = arith.constant 0 : i32
      %dma_start3A_67 = tpu.memref_slice %arg4[%add3A_65, %dma_start3A_66] : memref<136x80xi32, #tpu.memory_space<vmem>> -> memref<1x80xi32, #tpu.memory_space<vmem>>
      %dma_start3A_68 = tpu.memref_squeeze %dma_start3A_67 : memref<1x80xi32, #tpu.memory_space<vmem>> -> memref<80xi32, #tpu.memory_space<vmem>>
      %dma_start3A_69 = arith.constant 0 : i32
      %dma_start3A_70 = arith.constant 0 : i32
      %dma_start3A_71 = tpu.memref_slice %arg6[%dma_start3A_69, %dma_start3A_70] : memref<10240x16xf32, #tpu.memory_space<vmem_shared>> -> memref<10240x16xf32, #tpu.memory_space<vmem_shared>>
      tpu.enqueue_indirect_dma source(%arg5 : memref<80x16xf32, #tpu.memory_space<vmem>>) target(%dma_start3A_71 : memref<10240x16xf32, #tpu.memory_space<vmem_shared>>) offsets(%dma_start3A_68 : memref<80xi32, #tpu.memory_space<vmem>>) semaphore(%arg8 : memref<!tpu.dma_semaphore, #tpu.memory_space<semaphore_mem>>) {add = true}
      %dma_wait3A = arith.constant 0 : i32
      %dma_wait3A_72 = arith.constant 0 : i32
      %dma_wait3A_73 = tpu.memref_slice %arg4[%dma_wait3A, %dma_wait3A_72] : memref<136x80xi32, #tpu.memory_space<vmem>> -> memref<1x80xi32, #tpu.memory_space<vmem>>
      %dma_wait3A_74 = tpu.memref_squeeze %dma_wait3A_73 : memref<1x80xi32, #tpu.memory_space<vmem>> -> memref<80xi32, #tpu.memory_space<vmem>>
      %dma_wait3A_75 = arith.constant 0 : i32
      %dma_wait3A_76 = arith.constant 0 : i32
      %dma_wait3A_77 = tpu.memref_slice %arg6[%dma_wait3A_75, %dma_wait3A_76] : memref<10240x16xf32, #tpu.memory_space<vmem_shared>> -> memref<10240x16xf32, #tpu.memory_space<vmem_shared>>
      tpu.wait_indirect_dma semaphore(%arg7 : memref<!tpu.dma_semaphore, #tpu.memory_space<semaphore_mem>>) src(%arg5 : memref<80x16xf32, #tpu.memory_space<vmem>>) dst(%dma_wait3A_77 : memref<10240x16xf32, #tpu.memory_space<vmem_shared>>)
      %dma_wait3A_78 = arith.constant 0 : i32
      %dma_wait3A_79 = arith.constant 0 : i32
      %dma_wait3A_80 = tpu.memref_slice %arg4[%dma_wait3A_78, %dma_wait3A_79] : memref<136x80xi32, #tpu.memory_space<vmem>> -> memref<1x80xi32, #tpu.memory_space<vmem>>
      %dma_wait3A_81 = tpu.memref_squeeze %dma_wait3A_80 : memref<1x80xi32, #tpu.memory_space<vmem>> -> memref<80xi32, #tpu.memory_space<vmem>>
      %dma_wait3A_82 = arith.constant 0 : i32
      %dma_wait3A_83 = arith.constant 0 : i32
      %dma_wait3A_84 = tpu.memref_slice %arg6[%dma_wait3A_82, %dma_wait3A_83] : memref<10240x16xf32, #tpu.memory_space<vmem_shared>> -> memref<10240x16xf32, #tpu.memory_space<vmem_shared>>
      tpu.wait_indirect_dma semaphore(%arg8 : memref<!tpu.dma_semaphore, #tpu.memory_space<semaphore_mem>>) src(%arg5 : memref<80x16xf32, #tpu.memory_space<vmem>>) dst(%dma_wait3A_84 : memref<10240x16xf32, #tpu.memory_space<vmem_shared>>)
    }
    %scan3A_46 = arith.constant 68 : i32
    %barrier3A_47 = arith.constant 0 : index
    tpu.barrier barrier_id(%barrier3A_47)
    %mul3A_48 = arith.constant 640 : i32
    %mul3A_49 = arith.muli %arg1, %mul3A_48 : i32
    %mul3A_50 = arith.constant 640 : i32
    %mul3A_51 = arith.muli %arg1, %mul3A_50 : i32
    "tpu.region"() ({
      %run_scoped3A = tpu.sem_alloc : memref<!tpu.dma_semaphore, #tpu.memory_space<semaphore_mem>>
      %dma_start3A = arith.constant 0 : i32
      %dma_start3A_52 = tpu.memref_slice %arg3[%arg0, %mul3A_51, %dma_start3A] : memref<2x10240x16xf32, #tpu.memory_space<hbm>> -> memref<1x640x16xf32, #tpu.memory_space<hbm>>
      %dma_start3A_53 = tpu.memref_squeeze %dma_start3A_52 : memref<1x640x16xf32, #tpu.memory_space<hbm>> -> memref<640x16xf32, #tpu.memory_space<hbm>>
      %dma_start3A_54 = arith.constant 0 : i32
      %dma_start3A_55 = tpu.memref_slice %arg6[%mul3A_49, %dma_start3A_54] : memref<10240x16xf32, #tpu.memory_space<vmem_shared>> -> memref<640x16xf32, #tpu.memory_space<vmem_shared>>
      tpu.enqueue_dma source(%dma_start3A_55 : memref<640x16xf32, #tpu.memory_space<vmem_shared>>) target(%dma_start3A_53 : memref<640x16xf32, #tpu.memory_space<hbm>>) target_semaphore(%run_scoped3A : memref<!tpu.dma_semaphore, #tpu.memory_space<semaphore_mem>>)
      %dma_wait3A = arith.constant 0 : i32
      %dma_wait3A_56 = tpu.memref_slice %arg3[%arg0, %mul3A_51, %dma_wait3A] : memref<2x10240x16xf32, #tpu.memory_space<hbm>> -> memref<1x640x16xf32, #tpu.memory_space<hbm>>
      %dma_wait3A_57 = tpu.memref_squeeze %dma_wait3A_56 : memref<1x640x16xf32, #tpu.memory_space<hbm>> -> memref<640x16xf32, #tpu.memory_space<hbm>>
      %dma_wait3A_58 = arith.constant 0 : i32
      %dma_wait3A_59 = tpu.memref_slice %arg6[%mul3A_49, %dma_wait3A_58] : memref<10240x16xf32, #tpu.memory_space<vmem_shared>> -> memref<640x16xf32, #tpu.memory_space<vmem_shared>>
      tpu.wait_dma2 semaphore(%run_scoped3A : memref<!tpu.dma_semaphore, #tpu.memory_space<semaphore_mem>>) src(%dma_wait3A_59 : memref<640x16xf32, #tpu.memory_space<vmem_shared>>) dst(%dma_wait3A_57 : memref<640x16xf32, #tpu.memory_space<hbm>>)
      tpu.yield
    }) : () -> ()
    return
  }
}

#map = affine_map<(d0, d1) -> (0, 0, 0, 0)>
#map1 = affine_map<(d0, d1) -> (0, 0)>
#map2 = affine_map<(d0, d1) -> (0, 0, 0)>
module attributes {stable_mosaic.version = 14 : i64} {
  func.func @k(%arg0: i32, %arg1: i32, %arg2: memref<2x16x632x32xi32, #tpu.memory_space<hbm>>, %arg3: memref<2x16x632x32xi32, #tpu.memory_space<hbm>>, %arg4: memref<20000x128xf32, #tpu.memory_space<hbm>>, %arg5: memref<2x10240x128xf32, #tpu.memory_space<hbm>>, %arg6: memref<2x8x32xi32, #tpu.memory_space<vmem>>, %arg7: memref<2x8x32xi32, #tpu.memory_space<vmem>>, %arg8: memref<4x32x128xf32, #tpu.memory_space<vmem>>, %arg9: memref<10240x128xf32, #tpu.memory_space<vmem_shared>>, %arg10: memref<!tpu.dma_semaphore, #tpu.memory_space<semaphore_mem>>, %arg11: memref<!tpu.dma_semaphore, #tpu.memory_space<semaphore_mem>>, %arg12: memref<!tpu.dma_semaphore, #tpu.memory_space<semaphore_mem>>, %arg13: memref<!tpu.dma_semaphore, #tpu.memory_space<semaphore_mem>>, %arg14: memref<!tpu.dma_semaphore, #tpu.memory_space<semaphore_mem>>, %arg15: memref<!tpu.dma_semaphore, #tpu.memory_space<semaphore_mem>>, %arg16: memref<!tpu.dma_semaphore, #tpu.memory_space<semaphore_mem>>, %arg17: memref<!tpu.dma_semaphore, #tpu.memory_space<semaphore_mem>>, %arg18: memref<!tpu.dma_semaphore, #tpu.memory_space<semaphore_mem>>, %arg19: memref<!tpu.dma_semaphore, #tpu.memory_space<semaphore_mem>>) attributes {dimension_semantics = [#tpu.dimension_semantics<core_parallel>, #tpu.dimension_semantics<subcore_parallel>], iteration_bounds = array<i64: 2, 16>, scalar_prefetch = 0 : i64, scratch_operands = 14 : i64, tpu.core_type = #tpu.core_type<sc_vector_subcore>, window_params = [{transform_indices = #map}, {transform_indices = #map}, {transform_indices = #map1}, {transform_indices = #map2}]} {
    %scan3A = arith.constant 0 : i32
    %scan3A_0 = arith.constant 0 : i32
    %scan3A_1 = arith.constant 32 : i32
    %scan3A_2 = arith.addi %scan3A_0, %scan3A_1 : i32
    %scan3A_3 = arith.constant 1 : i32
    scf.for %scan3A_337 = %scan3A_0 to %scan3A_2 step %scan3A_3  : i32 {
      %broadcast_in_dim3A = arith.constant 0.000000e+00 : f32
      %broadcast_in_dim3A_338 = vector.broadcast %broadcast_in_dim3A : f32 to vector<16xf32>
      %swap3A = arith.constant 0 : i32
      %swap3A_339 = arith.index_cast %swap3A : i32 to index
      %swap3A_340 = arith.index_cast %scan3A_337 : i32 to index
      %swap3A_341 = arith.constant 0 : index
      %swap3A_342 = tpu.vector_load %arg8[%swap3A_339, %swap3A_340, %swap3A_341] {strides = array<i32>} : memref<4x32x128xf32, #tpu.memory_space<vmem>>, vector<1x1x16xf32>,
      %swap3A_343 = vector.shape_cast %swap3A_342 : vector<1x1x16xf32> to vector<16xf32>
      %swap3A_344 = vector.shape_cast %broadcast_in_dim3A_338 : vector<16xf32> to vector<1x1x16xf32>
      tpu.vector_store %arg8[%swap3A_339, %swap3A_340, %swap3A_341], %swap3A_344 {strides = array<i32>} : memref<4x32x128xf32, #tpu.memory_space<vmem>>, vector<1x1x16xf32>,
      %broadcast_in_dim3A_345 = arith.constant 0.000000e+00 : f32
      %broadcast_in_dim3A_346 = vector.broadcast %broadcast_in_dim3A_345 : f32 to vector<16xf32>
      %swap3A_347 = arith.constant 0 : i32
      %swap3A_348 = arith.index_cast %swap3A_347 : i32 to index
      %swap3A_349 = arith.index_cast %scan3A_337 : i32 to index
      %swap3A_350 = arith.constant 16 : index
      %swap3A_351 = tpu.vector_load %arg8[%swap3A_348, %swap3A_349, %swap3A_350] {strides = array<i32>} : memref<4x32x128xf32, #tpu.memory_space<vmem>>, vector<1x1x16xf32>,
      %swap3A_352 = vector.shape_cast %swap3A_351 : vector<1x1x16xf32> to vector<16xf32>
      %swap3A_353 = vector.shape_cast %broadcast_in_dim3A_346 : vector<16xf32> to vector<1x1x16xf32>
      tpu.vector_store %arg8[%swap3A_348, %swap3A_349, %swap3A_350], %swap3A_353 {strides = array<i32>} : memref<4x32x128xf32, #tpu.memory_space<vmem>>, vector<1x1x16xf32>,
      %broadcast_in_dim3A_354 = arith.constant 0.000000e+00 : f32
      %broadcast_in_dim3A_355 = vector.broadcast %broadcast_in_dim3A_354 : f32 to vector<16xf32>
      %swap3A_356 = arith.constant 0 : i32
      %swap3A_357 = arith.index_cast %swap3A_356 : i32 to index
      %swap3A_358 = arith.index_cast %scan3A_337 : i32 to index
      %swap3A_359 = arith.constant 32 : index
      %swap3A_360 = tpu.vector_load %arg8[%swap3A_357, %swap3A_358, %swap3A_359] {strides = array<i32>} : memref<4x32x128xf32, #tpu.memory_space<vmem>>, vector<1x1x16xf32>,
      %swap3A_361 = vector.shape_cast %swap3A_360 : vector<1x1x16xf32> to vector<16xf32>
      %swap3A_362 = vector.shape_cast %broadcast_in_dim3A_355 : vector<16xf32> to vector<1x1x16xf32>
      tpu.vector_store %arg8[%swap3A_357, %swap3A_358, %swap3A_359], %swap3A_362 {strides = array<i32>} : memref<4x32x128xf32, #tpu.memory_space<vmem>>, vector<1x1x16xf32>,
      %broadcast_in_dim3A_363 = arith.constant 0.000000e+00 : f32
      %broadcast_in_dim3A_364 = vector.broadcast %broadcast_in_dim3A_363 : f32 to vector<16xf32>
      %swap3A_365 = arith.constant 0 : i32
      %swap3A_366 = arith.index_cast %swap3A_365 : i32 to index
      %swap3A_367 = arith.index_cast %scan3A_337 : i32 to index
      %swap3A_368 = arith.constant 48 : index
      %swap3A_369 = tpu.vector_load %arg8[%swap3A_366, %swap3A_367, %swap3A_368] {strides = array<i32>} : memref<4x32x128xf32, #tpu.memory_space<vmem>>, vector<1x1x16xf32>,
      %swap3A_370 = vector.shape_cast %swap3A_369 : vector<1x1x16xf32> to vector<16xf32>
      %swap3A_371 = vector.shape_cast %broadcast_in_dim3A_364 : vector<16xf32> to vector<1x1x16xf32>
      tpu.vector_store %arg8[%swap3A_366, %swap3A_367, %swap3A_368], %swap3A_371 {strides = array<i32>} : memref<4x32x128xf32, #tpu.memory_space<vmem>>, vector<1x1x16xf32>,
      %broadcast_in_dim3A_372 = arith.constant 0.000000e+00 : f32
      %broadcast_in_dim3A_373 = vector.broadcast %broadcast_in_dim3A_372 : f32 to vector<16xf32>
      %swap3A_374 = arith.constant 0 : i32
      %swap3A_375 = arith.index_cast %swap3A_374 : i32 to index
      %swap3A_376 = arith.index_cast %scan3A_337 : i32 to index
      %swap3A_377 = arith.constant 64 : index
      %swap3A_378 = tpu.vector_load %arg8[%swap3A_375, %swap3A_376, %swap3A_377] {strides = array<i32>} : memref<4x32x128xf32, #tpu.memory_space<vmem>>, vector<1x1x16xf32>,
      %swap3A_379 = vector.shape_cast %swap3A_378 : vector<1x1x16xf32> to vector<16xf32>
      %swap3A_380 = vector.shape_cast %broadcast_in_dim3A_373 : vector<16xf32> to vector<1x1x16xf32>
      tpu.vector_store %arg8[%swap3A_375, %swap3A_376, %swap3A_377], %swap3A_380 {strides = array<i32>} : memref<4x32x128xf32, #tpu.memory_space<vmem>>, vector<1x1x16xf32>,
      %broadcast_in_dim3A_381 = arith.constant 0.000000e+00 : f32
      %broadcast_in_dim3A_382 = vector.broadcast %broadcast_in_dim3A_381 : f32 to vector<16xf32>
      %swap3A_383 = arith.constant 0 : i32
      %swap3A_384 = arith.index_cast %swap3A_383 : i32 to index
      %swap3A_385 = arith.index_cast %scan3A_337 : i32 to index
      %swap3A_386 = arith.constant 80 : index
      %swap3A_387 = tpu.vector_load %arg8[%swap3A_384, %swap3A_385, %swap3A_386] {strides = array<i32>} : memref<4x32x128xf32, #tpu.memory_space<vmem>>, vector<1x1x16xf32>,
      %swap3A_388 = vector.shape_cast %swap3A_387 : vector<1x1x16xf32> to vector<16xf32>
      %swap3A_389 = vector.shape_cast %broadcast_in_dim3A_382 : vector<16xf32> to vector<1x1x16xf32>
      tpu.vector_store %arg8[%swap3A_384, %swap3A_385, %swap3A_386], %swap3A_389 {strides = array<i32>} : memref<4x32x128xf32, #tpu.memory_space<vmem>>, vector<1x1x16xf32>,
      %broadcast_in_dim3A_390 = arith.constant 0.000000e+00 : f32
      %broadcast_in_dim3A_391 = vector.broadcast %broadcast_in_dim3A_390 : f32 to vector<16xf32>
      %swap3A_392 = arith.constant 0 : i32
      %swap3A_393 = arith.index_cast %swap3A_392 : i32 to index
      %swap3A_394 = arith.index_cast %scan3A_337 : i32 to index
      %swap3A_395 = arith.constant 96 : index
      %swap3A_396 = tpu.vector_load %arg8[%swap3A_393, %swap3A_394, %swap3A_395] {strides = array<i32>} : memref<4x32x128xf32, #tpu.memory_space<vmem>>, vector<1x1x16xf32>,
      %swap3A_397 = vector.shape_cast %swap3A_396 : vector<1x1x16xf32> to vector<16xf32>
      %swap3A_398 = vector.shape_cast %broadcast_in_dim3A_391 : vector<16xf32> to vector<1x1x16xf32>
      tpu.vector_store %arg8[%swap3A_393, %swap3A_394, %swap3A_395], %swap3A_398 {strides = array<i32>} : memref<4x32x128xf32, #tpu.memory_space<vmem>>, vector<1x1x16xf32>,
      %broadcast_in_dim3A_399 = arith.constant 0.000000e+00 : f32
      %broadcast_in_dim3A_400 = vector.broadcast %broadcast_in_dim3A_399 : f32 to vector<16xf32>
      %swap3A_401 = arith.constant 0 : i32
      %swap3A_402 = arith.index_cast %swap3A_401 : i32 to index
      %swap3A_403 = arith.index_cast %scan3A_337 : i32 to index
      %swap3A_404 = arith.constant 112 : index
      %swap3A_405 = tpu.vector_load %arg8[%swap3A_402, %swap3A_403, %swap3A_404] {strides = array<i32>} : memref<4x32x128xf32, #tpu.memory_space<vmem>>, vector<1x1x16xf32>,
      %swap3A_406 = vector.shape_cast %swap3A_405 : vector<1x1x16xf32> to vector<16xf32>
      %swap3A_407 = vector.shape_cast %broadcast_in_dim3A_400 : vector<16xf32> to vector<1x1x16xf32>
      tpu.vector_store %arg8[%swap3A_402, %swap3A_403, %swap3A_404], %swap3A_407 {strides = array<i32>} : memref<4x32x128xf32, #tpu.memory_space<vmem>>, vector<1x1x16xf32>,
    }
    %scan3A_4 = arith.constant 32 : i32
    %mul3A = arith.constant 640 : i32
    %mul3A_5 = arith.muli %arg1, %mul3A : i32
    %add3A = arith.constant 0 : i32
    %add3A_6 = arith.addi %mul3A_5, %add3A : i32
    %run_scoped3A = arith.constant 0 : i32
    "tpu.region"() ({
      %run_scoped3A_337 = tpu.sem_alloc : memref<!tpu.dma_semaphore, #tpu.memory_space<semaphore_mem>>
      %dma_start3A_338 = arith.constant 0 : i32
      %dma_start3A_339 = arith.constant 0 : i32
      %dma_start3A_340 = tpu.memref_slice %arg8[%run_scoped3A, %dma_start3A_338, %dma_start3A_339] : memref<4x32x128xf32, #tpu.memory_space<vmem>> -> memref<1x32x128xf32, #tpu.memory_space<vmem>>
      %dma_start3A_341 = tpu.memref_squeeze %dma_start3A_340 : memref<1x32x128xf32, #tpu.memory_space<vmem>> -> memref<32x128xf32, #tpu.memory_space<vmem>>
      %dma_start3A_342 = arith.constant 0 : i32
      %dma_start3A_343 = tpu.memref_slice %arg9[%add3A_6, %dma_start3A_342] : memref<10240x128xf32, #tpu.memory_space<vmem_shared>> -> memref<32x128xf32, #tpu.memory_space<vmem_shared>>
      %dma_start3A_344 = arith.constant 0 : i32
      %dma_start3A_345 = tpu.memref_slice %arg9[%add3A_6, %dma_start3A_344] : memref<10240x128xf32, #tpu.memory_space<vmem_shared>> -> memref<32x128xf32, #tpu.memory_space<vmem_shared>>
      %dma_start3A_346 = arith.constant 0 : i32
      %dma_start3A_347 = arith.constant 0 : i32
      %dma_start3A_348 = tpu.memref_slice %arg8[%run_scoped3A, %dma_start3A_346, %dma_start3A_347] : memref<4x32x128xf32, #tpu.memory_space<vmem>> -> memref<1x32x128xf32, #tpu.memory_space<vmem>>
      %dma_start3A_349 = tpu.memref_squeeze %dma_start3A_348 : memref<1x32x128xf32, #tpu.memory_space<vmem>> -> memref<32x128xf32, #tpu.memory_space<vmem>>
      tpu.enqueue_dma source(%dma_start3A_349 : memref<32x128xf32, #tpu.memory_space<vmem>>) target(%dma_start3A_345 : memref<32x128xf32, #tpu.memory_space<vmem_shared>>) target_semaphore(%run_scoped3A_337 : memref<!tpu.dma_semaphore, #tpu.memory_space<semaphore_mem>>)
      %dma_wait3A_350 = arith.constant 0 : i32
      %dma_wait3A_351 = arith.constant 0 : i32
      %dma_wait3A_352 = tpu.memref_slice %arg8[%run_scoped3A, %dma_wait3A_350, %dma_wait3A_351] : memref<4x32x128xf32, #tpu.memory_space<vmem>> -> memref<1x32x128xf32, #tpu.memory_space<vmem>>
      %dma_wait3A_353 = tpu.memref_squeeze %dma_wait3A_352 : memref<1x32x128xf32, #tpu.memory_space<vmem>> -> memref<32x128xf32, #tpu.memory_space<vmem>>
      %dma_wait3A_354 = arith.constant 0 : i32
      %dma_wait3A_355 = tpu.memref_slice %arg9[%add3A_6, %dma_wait3A_354] : memref<10240x128xf32, #tpu.memory_space<vmem_shared>> -> memref<32x128xf32, #tpu.memory_space<vmem_shared>>
      %dma_wait3A_356 = arith.constant 0 : i32
      %dma_wait3A_357 = tpu.memref_slice %arg9[%add3A_6, %dma_wait3A_356] : memref<10240x128xf32, #tpu.memory_space<vmem_shared>> -> memref<32x128xf32, #tpu.memory_space<vmem_shared>>
      %dma_wait3A_358 = arith.constant 0 : i32
      %dma_wait3A_359 = arith.constant 0 : i32
      %dma_wait3A_360 = tpu.memref_slice %arg8[%run_scoped3A, %dma_wait3A_358, %dma_wait3A_359] : memref<4x32x128xf32, #tpu.memory_space<vmem>> -> memref<1x32x128xf32, #tpu.memory_space<vmem>>
      %dma_wait3A_361 = tpu.memref_squeeze %dma_wait3A_360 : memref<1x32x128xf32, #tpu.memory_space<vmem>> -> memref<32x128xf32, #tpu.memory_space<vmem>>
      tpu.wait_dma2 semaphore(%run_scoped3A_337 : memref<!tpu.dma_semaphore, #tpu.memory_space<semaphore_mem>>) src(%dma_wait3A_361 : memref<32x128xf32, #tpu.memory_space<vmem>>) dst(%dma_wait3A_357 : memref<32x128xf32, #tpu.memory_space<vmem_shared>>)
      tpu.yield
    }) : () -> ()
    %mul3A_7 = arith.constant 640 : i32
    %mul3A_8 = arith.muli %arg1, %mul3A_7 : i32
    %add3A_9 = arith.constant 32 : i32
    %add3A_10 = arith.addi %mul3A_8, %add3A_9 : i32
    %run_scoped3A_11 = arith.constant 0 : i32
    "tpu.region"() ({
      %run_scoped3A_337 = tpu.sem_alloc : memref<!tpu.dma_semaphore, #tpu.memory_space<semaphore_mem>>
      %dma_start3A_338 = arith.constant 0 : i32
      %dma_start3A_339 = arith.constant 0 : i32
      %dma_start3A_340 = tpu.memref_slice %arg8[%run_scoped3A_11, %dma_start3A_338, %dma_start3A_339] : memref<4x32x128xf32, #tpu.memory_space<vmem>> -> memref<1x32x128xf32, #tpu.memory_space<vmem>>
      %dma_start3A_341 = tpu.memref_squeeze %dma_start3A_340 : memref<1x32x128xf32, #tpu.memory_space<vmem>> -> memref<32x128xf32, #tpu.memory_space<vmem>>
      %dma_start3A_342 = arith.constant 0 : i32
      %dma_start3A_343 = tpu.memref_slice %arg9[%add3A_10, %dma_start3A_342] : memref<10240x128xf32, #tpu.memory_space<vmem_shared>> -> memref<32x128xf32, #tpu.memory_space<vmem_shared>>
      %dma_start3A_344 = arith.constant 0 : i32
      %dma_start3A_345 = tpu.memref_slice %arg9[%add3A_10, %dma_start3A_344] : memref<10240x128xf32, #tpu.memory_space<vmem_shared>> -> memref<32x128xf32, #tpu.memory_space<vmem_shared>>
      %dma_start3A_346 = arith.constant 0 : i32
      %dma_start3A_347 = arith.constant 0 : i32
      %dma_start3A_348 = tpu.memref_slice %arg8[%run_scoped3A_11, %dma_start3A_346, %dma_start3A_347] : memref<4x32x128xf32, #tpu.memory_space<vmem>> -> memref<1x32x128xf32, #tpu.memory_space<vmem>>
      %dma_start3A_349 = tpu.memref_squeeze %dma_start3A_348 : memref<1x32x128xf32, #tpu.memory_space<vmem>> -> memref<32x128xf32, #tpu.memory_space<vmem>>
      tpu.enqueue_dma source(%dma_start3A_349 : memref<32x128xf32, #tpu.memory_space<vmem>>) target(%dma_start3A_345 : memref<32x128xf32, #tpu.memory_space<vmem_shared>>) target_semaphore(%run_scoped3A_337 : memref<!tpu.dma_semaphore, #tpu.memory_space<semaphore_mem>>)
      %dma_wait3A_350 = arith.constant 0 : i32
      %dma_wait3A_351 = arith.constant 0 : i32
      %dma_wait3A_352 = tpu.memref_slice %arg8[%run_scoped3A_11, %dma_wait3A_350, %dma_wait3A_351] : memref<4x32x128xf32, #tpu.memory_space<vmem>> -> memref<1x32x128xf32, #tpu.memory_space<vmem>>
      %dma_wait3A_353 = tpu.memref_squeeze %dma_wait3A_352 : memref<1x32x128xf32, #tpu.memory_space<vmem>> -> memref<32x128xf32, #tpu.memory_space<vmem>>
      %dma_wait3A_354 = arith.constant 0 : i32
      %dma_wait3A_355 = tpu.memref_slice %arg9[%add3A_10, %dma_wait3A_354] : memref<10240x128xf32, #tpu.memory_space<vmem_shared>> -> memref<32x128xf32, #tpu.memory_space<vmem_shared>>
      %dma_wait3A_356 = arith.constant 0 : i32
      %dma_wait3A_357 = tpu.memref_slice %arg9[%add3A_10, %dma_wait3A_356] : memref<10240x128xf32, #tpu.memory_space<vmem_shared>> -> memref<32x128xf32, #tpu.memory_space<vmem_shared>>
      %dma_wait3A_358 = arith.constant 0 : i32
      %dma_wait3A_359 = arith.constant 0 : i32
      %dma_wait3A_360 = tpu.memref_slice %arg8[%run_scoped3A_11, %dma_wait3A_358, %dma_wait3A_359] : memref<4x32x128xf32, #tpu.memory_space<vmem>> -> memref<1x32x128xf32, #tpu.memory_space<vmem>>
      %dma_wait3A_361 = tpu.memref_squeeze %dma_wait3A_360 : memref<1x32x128xf32, #tpu.memory_space<vmem>> -> memref<32x128xf32, #tpu.memory_space<vmem>>
      tpu.wait_dma2 semaphore(%run_scoped3A_337 : memref<!tpu.dma_semaphore, #tpu.memory_space<semaphore_mem>>) src(%dma_wait3A_361 : memref<32x128xf32, #tpu.memory_space<vmem>>) dst(%dma_wait3A_357 : memref<32x128xf32, #tpu.memory_space<vmem_shared>>)
      tpu.yield
    }) : () -> ()
    %mul3A_12 = arith.constant 640 : i32
    %mul3A_13 = arith.muli %arg1, %mul3A_12 : i32
    %add3A_14 = arith.constant 64 : i32
    %add3A_15 = arith.addi %mul3A_13, %add3A_14 : i32
    %run_scoped3A_16 = arith.constant 0 : i32
    "tpu.region"() ({
      %run_scoped3A_337 = tpu.sem_alloc : memref<!tpu.dma_semaphore, #tpu.memory_space<semaphore_mem>>
      %dma_start3A_338 = arith.constant 0 : i32
      %dma_start3A_339 = arith.constant 0 : i32
      %dma_start3A_340 = tpu.memref_slice %arg8[%run_scoped3A_16, %dma_start3A_338, %dma_start3A_339] : memref<4x32x128xf32, #tpu.memory_space<vmem>> -> memref<1x32x128xf32, #tpu.memory_space<vmem>>
      %dma_start3A_341 = tpu.memref_squeeze %dma_start3A_340 : memref<1x32x128xf32, #tpu.memory_space<vmem>> -> memref<32x128xf32, #tpu.memory_space<vmem>>
      %dma_start3A_342 = arith.constant 0 : i32
      %dma_start3A_343 = tpu.memref_slice %arg9[%add3A_15, %dma_start3A_342] : memref<10240x128xf32, #tpu.memory_space<vmem_shared>> -> memref<32x128xf32, #tpu.memory_space<vmem_shared>>
      %dma_start3A_344 = arith.constant 0 : i32
      %dma_start3A_345 = tpu.memref_slice %arg9[%add3A_15, %dma_start3A_344] : memref<10240x128xf32, #tpu.memory_space<vmem_shared>> -> memref<32x128xf32, #tpu.memory_space<vmem_shared>>
      %dma_start3A_346 = arith.constant 0 : i32
      %dma_start3A_347 = arith.constant 0 : i32
      %dma_start3A_348 = tpu.memref_slice %arg8[%run_scoped3A_16, %dma_start3A_346, %dma_start3A_347] : memref<4x32x128xf32, #tpu.memory_space<vmem>> -> memref<1x32x128xf32, #tpu.memory_space<vmem>>
      %dma_start3A_349 = tpu.memref_squeeze %dma_start3A_348 : memref<1x32x128xf32, #tpu.memory_space<vmem>> -> memref<32x128xf32, #tpu.memory_space<vmem>>
      tpu.enqueue_dma source(%dma_start3A_349 : memref<32x128xf32, #tpu.memory_space<vmem>>) target(%dma_start3A_345 : memref<32x128xf32, #tpu.memory_space<vmem_shared>>) target_semaphore(%run_scoped3A_337 : memref<!tpu.dma_semaphore, #tpu.memory_space<semaphore_mem>>)
      %dma_wait3A_350 = arith.constant 0 : i32
      %dma_wait3A_351 = arith.constant 0 : i32
      %dma_wait3A_352 = tpu.memref_slice %arg8[%run_scoped3A_16, %dma_wait3A_350, %dma_wait3A_351] : memref<4x32x128xf32, #tpu.memory_space<vmem>> -> memref<1x32x128xf32, #tpu.memory_space<vmem>>
      %dma_wait3A_353 = tpu.memref_squeeze %dma_wait3A_352 : memref<1x32x128xf32, #tpu.memory_space<vmem>> -> memref<32x128xf32, #tpu.memory_space<vmem>>
      %dma_wait3A_354 = arith.constant 0 : i32
      %dma_wait3A_355 = tpu.memref_slice %arg9[%add3A_15, %dma_wait3A_354] : memref<10240x128xf32, #tpu.memory_space<vmem_shared>> -> memref<32x128xf32, #tpu.memory_space<vmem_shared>>
      %dma_wait3A_356 = arith.constant 0 : i32
      %dma_wait3A_357 = tpu.memref_slice %arg9[%add3A_15, %dma_wait3A_356] : memref<10240x128xf32, #tpu.memory_space<vmem_shared>> -> memref<32x128xf32, #tpu.memory_space<vmem_shared>>
      %dma_wait3A_358 = arith.constant 0 : i32
      %dma_wait3A_359 = arith.constant 0 : i32
      %dma_wait3A_360 = tpu.memref_slice %arg8[%run_scoped3A_16, %dma_wait3A_358, %dma_wait3A_359] : memref<4x32x128xf32, #tpu.memory_space<vmem>> -> memref<1x32x128xf32, #tpu.memory_space<vmem>>
      %dma_wait3A_361 = tpu.memref_squeeze %dma_wait3A_360 : memref<1x32x128xf32, #tpu.memory_space<vmem>> -> memref<32x128xf32, #tpu.memory_space<vmem>>
      tpu.wait_dma2 semaphore(%run_scoped3A_337 : memref<!tpu.dma_semaphore, #tpu.memory_space<semaphore_mem>>) src(%dma_wait3A_361 : memref<32x128xf32, #tpu.memory_space<vmem>>) dst(%dma_wait3A_357 : memref<32x128xf32, #tpu.memory_space<vmem_shared>>)
      tpu.yield
    }) : () -> ()
    %mul3A_17 = arith.constant 640 : i32
    %mul3A_18 = arith.muli %arg1, %mul3A_17 : i32
    %add3A_19 = arith.constant 96 : i32
    %add3A_20 = arith.addi %mul3A_18, %add3A_19 : i32
    %run_scoped3A_21 = arith.constant 0 : i32
    "tpu.region"() ({
      %run_scoped3A_337 = tpu.sem_alloc : memref<!tpu.dma_semaphore, #tpu.memory_space<semaphore_mem>>
      %dma_start3A_338 = arith.constant 0 : i32
      %dma_start3A_339 = arith.constant 0 : i32
      %dma_start3A_340 = tpu.memref_slice %arg8[%run_scoped3A_21, %dma_start3A_338, %dma_start3A_339] : memref<4x32x128xf32, #tpu.memory_space<vmem>> -> memref<1x32x128xf32, #tpu.memory_space<vmem>>
      %dma_start3A_341 = tpu.memref_squeeze %dma_start3A_340 : memref<1x32x128xf32, #tpu.memory_space<vmem>> -> memref<32x128xf32, #tpu.memory_space<vmem>>
      %dma_start3A_342 = arith.constant 0 : i32
      %dma_start3A_343 = tpu.memref_slice %arg9[%add3A_20, %dma_start3A_342] : memref<10240x128xf32, #tpu.memory_space<vmem_shared>> -> memref<32x128xf32, #tpu.memory_space<vmem_shared>>
      %dma_start3A_344 = arith.constant 0 : i32
      %dma_start3A_345 = tpu.memref_slice %arg9[%add3A_20, %dma_start3A_344] : memref<10240x128xf32, #tpu.memory_space<vmem_shared>> -> memref<32x128xf32, #tpu.memory_space<vmem_shared>>
      %dma_start3A_346 = arith.constant 0 : i32
      %dma_start3A_347 = arith.constant 0 : i32
      %dma_start3A_348 = tpu.memref_slice %arg8[%run_scoped3A_21, %dma_start3A_346, %dma_start3A_347] : memref<4x32x128xf32, #tpu.memory_space<vmem>> -> memref<1x32x128xf32, #tpu.memory_space<vmem>>
      %dma_start3A_349 = tpu.memref_squeeze %dma_start3A_348 : memref<1x32x128xf32, #tpu.memory_space<vmem>> -> memref<32x128xf32, #tpu.memory_space<vmem>>
      tpu.enqueue_dma source(%dma_start3A_349 : memref<32x128xf32, #tpu.memory_space<vmem>>) target(%dma_start3A_345 : memref<32x128xf32, #tpu.memory_space<vmem_shared>>) target_semaphore(%run_scoped3A_337 : memref<!tpu.dma_semaphore, #tpu.memory_space<semaphore_mem>>)
      %dma_wait3A_350 = arith.constant 0 : i32
      %dma_wait3A_351 = arith.constant 0 : i32
      %dma_wait3A_352 = tpu.memref_slice %arg8[%run_scoped3A_21, %dma_wait3A_350, %dma_wait3A_351] : memref<4x32x128xf32, #tpu.memory_space<vmem>> -> memref<1x32x128xf32, #tpu.memory_space<vmem>>
      %dma_wait3A_353 = tpu.memref_squeeze %dma_wait3A_352 : memref<1x32x128xf32, #tpu.memory_space<vmem>> -> memref<32x128xf32, #tpu.memory_space<vmem>>
      %dma_wait3A_354 = arith.constant 0 : i32
      %dma_wait3A_355 = tpu.memref_slice %arg9[%add3A_20, %dma_wait3A_354] : memref<10240x128xf32, #tpu.memory_space<vmem_shared>> -> memref<32x128xf32, #tpu.memory_space<vmem_shared>>
      %dma_wait3A_356 = arith.constant 0 : i32
      %dma_wait3A_357 = tpu.memref_slice %arg9[%add3A_20, %dma_wait3A_356] : memref<10240x128xf32, #tpu.memory_space<vmem_shared>> -> memref<32x128xf32, #tpu.memory_space<vmem_shared>>
      %dma_wait3A_358 = arith.constant 0 : i32
      %dma_wait3A_359 = arith.constant 0 : i32
      %dma_wait3A_360 = tpu.memref_slice %arg8[%run_scoped3A_21, %dma_wait3A_358, %dma_wait3A_359] : memref<4x32x128xf32, #tpu.memory_space<vmem>> -> memref<1x32x128xf32, #tpu.memory_space<vmem>>
      %dma_wait3A_361 = tpu.memref_squeeze %dma_wait3A_360 : memref<1x32x128xf32, #tpu.memory_space<vmem>> -> memref<32x128xf32, #tpu.memory_space<vmem>>
      tpu.wait_dma2 semaphore(%run_scoped3A_337 : memref<!tpu.dma_semaphore, #tpu.memory_space<semaphore_mem>>) src(%dma_wait3A_361 : memref<32x128xf32, #tpu.memory_space<vmem>>) dst(%dma_wait3A_357 : memref<32x128xf32, #tpu.memory_space<vmem_shared>>)
      tpu.yield
    }) : () -> ()
    %mul3A_22 = arith.constant 640 : i32
    %mul3A_23 = arith.muli %arg1, %mul3A_22 : i32
    %add3A_24 = arith.constant 128 : i32
    %add3A_25 = arith.addi %mul3A_23, %add3A_24 : i32
    %run_scoped3A_26 = arith.constant 0 : i32
    "tpu.region"() ({
      %run_scoped3A_337 = tpu.sem_alloc : memref<!tpu.dma_semaphore, #tpu.memory_space<semaphore_mem>>
      %dma_start3A_338 = arith.constant 0 : i32
      %dma_start3A_339 = arith.constant 0 : i32
      %dma_start3A_340 = tpu.memref_slice %arg8[%run_scoped3A_26, %dma_start3A_338, %dma_start3A_339] : memref<4x32x128xf32, #tpu.memory_space<vmem>> -> memref<1x32x128xf32, #tpu.memory_space<vmem>>
      %dma_start3A_341 = tpu.memref_squeeze %dma_start3A_340 : memref<1x32x128xf32, #tpu.memory_space<vmem>> -> memref<32x128xf32, #tpu.memory_space<vmem>>
      %dma_start3A_342 = arith.constant 0 : i32
      %dma_start3A_343 = tpu.memref_slice %arg9[%add3A_25, %dma_start3A_342] : memref<10240x128xf32, #tpu.memory_space<vmem_shared>> -> memref<32x128xf32, #tpu.memory_space<vmem_shared>>
      %dma_start3A_344 = arith.constant 0 : i32
      %dma_start3A_345 = tpu.memref_slice %arg9[%add3A_25, %dma_start3A_344] : memref<10240x128xf32, #tpu.memory_space<vmem_shared>> -> memref<32x128xf32, #tpu.memory_space<vmem_shared>>
      %dma_start3A_346 = arith.constant 0 : i32
      %dma_start3A_347 = arith.constant 0 : i32
      %dma_start3A_348 = tpu.memref_slice %arg8[%run_scoped3A_26, %dma_start3A_346, %dma_start3A_347] : memref<4x32x128xf32, #tpu.memory_space<vmem>> -> memref<1x32x128xf32, #tpu.memory_space<vmem>>
      %dma_start3A_349 = tpu.memref_squeeze %dma_start3A_348 : memref<1x32x128xf32, #tpu.memory_space<vmem>> -> memref<32x128xf32, #tpu.memory_space<vmem>>
      tpu.enqueue_dma source(%dma_start3A_349 : memref<32x128xf32, #tpu.memory_space<vmem>>) target(%dma_start3A_345 : memref<32x128xf32, #tpu.memory_space<vmem_shared>>) target_semaphore(%run_scoped3A_337 : memref<!tpu.dma_semaphore, #tpu.memory_space<semaphore_mem>>)
      %dma_wait3A_350 = arith.constant 0 : i32
      %dma_wait3A_351 = arith.constant 0 : i32
      %dma_wait3A_352 = tpu.memref_slice %arg8[%run_scoped3A_26, %dma_wait3A_350, %dma_wait3A_351] : memref<4x32x128xf32, #tpu.memory_space<vmem>> -> memref<1x32x128xf32, #tpu.memory_space<vmem>>
      %dma_wait3A_353 = tpu.memref_squeeze %dma_wait3A_352 : memref<1x32x128xf32, #tpu.memory_space<vmem>> -> memref<32x128xf32, #tpu.memory_space<vmem>>
      %dma_wait3A_354 = arith.constant 0 : i32
      %dma_wait3A_355 = tpu.memref_slice %arg9[%add3A_25, %dma_wait3A_354] : memref<10240x128xf32, #tpu.memory_space<vmem_shared>> -> memref<32x128xf32, #tpu.memory_space<vmem_shared>>
      %dma_wait3A_356 = arith.constant 0 : i32
      %dma_wait3A_357 = tpu.memref_slice %arg9[%add3A_25, %dma_wait3A_356] : memref<10240x128xf32, #tpu.memory_space<vmem_shared>> -> memref<32x128xf32, #tpu.memory_space<vmem_shared>>
      %dma_wait3A_358 = arith.constant 0 : i32
      %dma_wait3A_359 = arith.constant 0 : i32
      %dma_wait3A_360 = tpu.memref_slice %arg8[%run_scoped3A_26, %dma_wait3A_358, %dma_wait3A_359] : memref<4x32x128xf32, #tpu.memory_space<vmem>> -> memref<1x32x128xf32, #tpu.memory_space<vmem>>
      %dma_wait3A_361 = tpu.memref_squeeze %dma_wait3A_360 : memref<1x32x128xf32, #tpu.memory_space<vmem>> -> memref<32x128xf32, #tpu.memory_space<vmem>>
      tpu.wait_dma2 semaphore(%run_scoped3A_337 : memref<!tpu.dma_semaphore, #tpu.memory_space<semaphore_mem>>) src(%dma_wait3A_361 : memref<32x128xf32, #tpu.memory_space<vmem>>) dst(%dma_wait3A_357 : memref<32x128xf32, #tpu.memory_space<vmem_shared>>)
      tpu.yield
    }) : () -> ()
    %mul3A_27 = arith.constant 640 : i32
    %mul3A_28 = arith.muli %arg1, %mul3A_27 : i32
    %add3A_29 = arith.constant 160 : i32
    %add3A_30 = arith.addi %mul3A_28, %add3A_29 : i32
    %run_scoped3A_31 = arith.constant 0 : i32
    "tpu.region"() ({
      %run_scoped3A_337 = tpu.sem_alloc : memref<!tpu.dma_semaphore, #tpu.memory_space<semaphore_mem>>
      %dma_start3A_338 = arith.constant 0 : i32
      %dma_start3A_339 = arith.constant 0 : i32
      %dma_start3A_340 = tpu.memref_slice %arg8[%run_scoped3A_31, %dma_start3A_338, %dma_start3A_339] : memref<4x32x128xf32, #tpu.memory_space<vmem>> -> memref<1x32x128xf32, #tpu.memory_space<vmem>>
      %dma_start3A_341 = tpu.memref_squeeze %dma_start3A_340 : memref<1x32x128xf32, #tpu.memory_space<vmem>> -> memref<32x128xf32, #tpu.memory_space<vmem>>
      %dma_start3A_342 = arith.constant 0 : i32
      %dma_start3A_343 = tpu.memref_slice %arg9[%add3A_30, %dma_start3A_342] : memref<10240x128xf32, #tpu.memory_space<vmem_shared>> -> memref<32x128xf32, #tpu.memory_space<vmem_shared>>
      %dma_start3A_344 = arith.constant 0 : i32
      %dma_start3A_345 = tpu.memref_slice %arg9[%add3A_30, %dma_start3A_344] : memref<10240x128xf32, #tpu.memory_space<vmem_shared>> -> memref<32x128xf32, #tpu.memory_space<vmem_shared>>
      %dma_start3A_346 = arith.constant 0 : i32
      %dma_start3A_347 = arith.constant 0 : i32
      %dma_start3A_348 = tpu.memref_slice %arg8[%run_scoped3A_31, %dma_start3A_346, %dma_start3A_347] : memref<4x32x128xf32, #tpu.memory_space<vmem>> -> memref<1x32x128xf32, #tpu.memory_space<vmem>>
      %dma_start3A_349 = tpu.memref_squeeze %dma_start3A_348 : memref<1x32x128xf32, #tpu.memory_space<vmem>> -> memref<32x128xf32, #tpu.memory_space<vmem>>
      tpu.enqueue_dma source(%dma_start3A_349 : memref<32x128xf32, #tpu.memory_space<vmem>>) target(%dma_start3A_345 : memref<32x128xf32, #tpu.memory_space<vmem_shared>>) target_semaphore(%run_scoped3A_337 : memref<!tpu.dma_semaphore, #tpu.memory_space<semaphore_mem>>)
      %dma_wait3A_350 = arith.constant 0 : i32
      %dma_wait3A_351 = arith.constant 0 : i32
      %dma_wait3A_352 = tpu.memref_slice %arg8[%run_scoped3A_31, %dma_wait3A_350, %dma_wait3A_351] : memref<4x32x128xf32, #tpu.memory_space<vmem>> -> memref<1x32x128xf32, #tpu.memory_space<vmem>>
      %dma_wait3A_353 = tpu.memref_squeeze %dma_wait3A_352 : memref<1x32x128xf32, #tpu.memory_space<vmem>> -> memref<32x128xf32, #tpu.memory_space<vmem>>
      %dma_wait3A_354 = arith.constant 0 : i32
      %dma_wait3A_355 = tpu.memref_slice %arg9[%add3A_30, %dma_wait3A_354] : memref<10240x128xf32, #tpu.memory_space<vmem_shared>> -> memref<32x128xf32, #tpu.memory_space<vmem_shared>>
      %dma_wait3A_356 = arith.constant 0 : i32
      %dma_wait3A_357 = tpu.memref_slice %arg9[%add3A_30, %dma_wait3A_356] : memref<10240x128xf32, #tpu.memory_space<vmem_shared>> -> memref<32x128xf32, #tpu.memory_space<vmem_shared>>
      %dma_wait3A_358 = arith.constant 0 : i32
      %dma_wait3A_359 = arith.constant 0 : i32
      %dma_wait3A_360 = tpu.memref_slice %arg8[%run_scoped3A_31, %dma_wait3A_358, %dma_wait3A_359] : memref<4x32x128xf32, #tpu.memory_space<vmem>> -> memref<1x32x128xf32, #tpu.memory_space<vmem>>
      %dma_wait3A_361 = tpu.memref_squeeze %dma_wait3A_360 : memref<1x32x128xf32, #tpu.memory_space<vmem>> -> memref<32x128xf32, #tpu.memory_space<vmem>>
      tpu.wait_dma2 semaphore(%run_scoped3A_337 : memref<!tpu.dma_semaphore, #tpu.memory_space<semaphore_mem>>) src(%dma_wait3A_361 : memref<32x128xf32, #tpu.memory_space<vmem>>) dst(%dma_wait3A_357 : memref<32x128xf32, #tpu.memory_space<vmem_shared>>)
      tpu.yield
    }) : () -> ()
    %mul3A_32 = arith.constant 640 : i32
    %mul3A_33 = arith.muli %arg1, %mul3A_32 : i32
    %add3A_34 = arith.constant 192 : i32
    %add3A_35 = arith.addi %mul3A_33, %add3A_34 : i32
    %run_scoped3A_36 = arith.constant 0 : i32
    "tpu.region"() ({
      %run_scoped3A_337 = tpu.sem_alloc : memref<!tpu.dma_semaphore, #tpu.memory_space<semaphore_mem>>
      %dma_start3A_338 = arith.constant 0 : i32
      %dma_start3A_339 = arith.constant 0 : i32
      %dma_start3A_340 = tpu.memref_slice %arg8[%run_scoped3A_36, %dma_start3A_338, %dma_start3A_339] : memref<4x32x128xf32, #tpu.memory_space<vmem>> -> memref<1x32x128xf32, #tpu.memory_space<vmem>>
      %dma_start3A_341 = tpu.memref_squeeze %dma_start3A_340 : memref<1x32x128xf32, #tpu.memory_space<vmem>> -> memref<32x128xf32, #tpu.memory_space<vmem>>
      %dma_start3A_342 = arith.constant 0 : i32
      %dma_start3A_343 = tpu.memref_slice %arg9[%add3A_35, %dma_start3A_342] : memref<10240x128xf32, #tpu.memory_space<vmem_shared>> -> memref<32x128xf32, #tpu.memory_space<vmem_shared>>
      %dma_start3A_344 = arith.constant 0 : i32
      %dma_start3A_345 = tpu.memref_slice %arg9[%add3A_35, %dma_start3A_344] : memref<10240x128xf32, #tpu.memory_space<vmem_shared>> -> memref<32x128xf32, #tpu.memory_space<vmem_shared>>
      %dma_start3A_346 = arith.constant 0 : i32
      %dma_start3A_347 = arith.constant 0 : i32
      %dma_start3A_348 = tpu.memref_slice %arg8[%run_scoped3A_36, %dma_start3A_346, %dma_start3A_347] : memref<4x32x128xf32, #tpu.memory_space<vmem>> -> memref<1x32x128xf32, #tpu.memory_space<vmem>>
      %dma_start3A_349 = tpu.memref_squeeze %dma_start3A_348 : memref<1x32x128xf32, #tpu.memory_space<vmem>> -> memref<32x128xf32, #tpu.memory_space<vmem>>
      tpu.enqueue_dma source(%dma_start3A_349 : memref<32x128xf32, #tpu.memory_space<vmem>>) target(%dma_start3A_345 : memref<32x128xf32, #tpu.memory_space<vmem_shared>>) target_semaphore(%run_scoped3A_337 : memref<!tpu.dma_semaphore, #tpu.memory_space<semaphore_mem>>)
      %dma_wait3A_350 = arith.constant 0 : i32
      %dma_wait3A_351 = arith.constant 0 : i32
      %dma_wait3A_352 = tpu.memref_slice %arg8[%run_scoped3A_36, %dma_wait3A_350, %dma_wait3A_351] : memref<4x32x128xf32, #tpu.memory_space<vmem>> -> memref<1x32x128xf32, #tpu.memory_space<vmem>>
      %dma_wait3A_353 = tpu.memref_squeeze %dma_wait3A_352 : memref<1x32x128xf32, #tpu.memory_space<vmem>> -> memref<32x128xf32, #tpu.memory_space<vmem>>
      %dma_wait3A_354 = arith.constant 0 : i32
      %dma_wait3A_355 = tpu.memref_slice %arg9[%add3A_35, %dma_wait3A_354] : memref<10240x128xf32, #tpu.memory_space<vmem_shared>> -> memref<32x128xf32, #tpu.memory_space<vmem_shared>>
      %dma_wait3A_356 = arith.constant 0 : i32
      %dma_wait3A_357 = tpu.memref_slice %arg9[%add3A_35, %dma_wait3A_356] : memref<10240x128xf32, #tpu.memory_space<vmem_shared>> -> memref<32x128xf32, #tpu.memory_space<vmem_shared>>
      %dma_wait3A_358 = arith.constant 0 : i32
      %dma_wait3A_359 = arith.constant 0 : i32
      %dma_wait3A_360 = tpu.memref_slice %arg8[%run_scoped3A_36, %dma_wait3A_358, %dma_wait3A_359] : memref<4x32x128xf32, #tpu.memory_space<vmem>> -> memref<1x32x128xf32, #tpu.memory_space<vmem>>
      %dma_wait3A_361 = tpu.memref_squeeze %dma_wait3A_360 : memref<1x32x128xf32, #tpu.memory_space<vmem>> -> memref<32x128xf32, #tpu.memory_space<vmem>>
      tpu.wait_dma2 semaphore(%run_scoped3A_337 : memref<!tpu.dma_semaphore, #tpu.memory_space<semaphore_mem>>) src(%dma_wait3A_361 : memref<32x128xf32, #tpu.memory_space<vmem>>) dst(%dma_wait3A_357 : memref<32x128xf32, #tpu.memory_space<vmem_shared>>)
      tpu.yield
    }) : () -> ()
    %mul3A_37 = arith.constant 640 : i32
    %mul3A_38 = arith.muli %arg1, %mul3A_37 : i32
    %add3A_39 = arith.constant 224 : i32
    %add3A_40 = arith.addi %mul3A_38, %add3A_39 : i32
    %run_scoped3A_41 = arith.constant 0 : i32
    "tpu.region"() ({
      %run_scoped3A_337 = tpu.sem_alloc : memref<!tpu.dma_semaphore, #tpu.memory_space<semaphore_mem>>
      %dma_start3A_338 = arith.constant 0 : i32
      %dma_start3A_339 = arith.constant 0 : i32
      %dma_start3A_340 = tpu.memref_slice %arg8[%run_scoped3A_41, %dma_start3A_338, %dma_start3A_339] : memref<4x32x128xf32, #tpu.memory_space<vmem>> -> memref<1x32x128xf32, #tpu.memory_space<vmem>>
      %dma_start3A_341 = tpu.memref_squeeze %dma_start3A_340 : memref<1x32x128xf32, #tpu.memory_space<vmem>> -> memref<32x128xf32, #tpu.memory_space<vmem>>
      %dma_start3A_342 = arith.constant 0 : i32
      %dma_start3A_343 = tpu.memref_slice %arg9[%add3A_40, %dma_start3A_342] : memref<10240x128xf32, #tpu.memory_space<vmem_shared>> -> memref<32x128xf32, #tpu.memory_space<vmem_shared>>
      %dma_start3A_344 = arith.constant 0 : i32
      %dma_start3A_345 = tpu.memref_slice %arg9[%add3A_40, %dma_start3A_344] : memref<10240x128xf32, #tpu.memory_space<vmem_shared>> -> memref<32x128xf32, #tpu.memory_space<vmem_shared>>
      %dma_start3A_346 = arith.constant 0 : i32
      %dma_start3A_347 = arith.constant 0 : i32
      %dma_start3A_348 = tpu.memref_slice %arg8[%run_scoped3A_41, %dma_start3A_346, %dma_start3A_347] : memref<4x32x128xf32, #tpu.memory_space<vmem>> -> memref<1x32x128xf32, #tpu.memory_space<vmem>>
      %dma_start3A_349 = tpu.memref_squeeze %dma_start3A_348 : memref<1x32x128xf32, #tpu.memory_space<vmem>> -> memref<32x128xf32, #tpu.memory_space<vmem>>
      tpu.enqueue_dma source(%dma_start3A_349 : memref<32x128xf32, #tpu.memory_space<vmem>>) target(%dma_start3A_345 : memref<32x128xf32, #tpu.memory_space<vmem_shared>>) target_semaphore(%run_scoped3A_337 : memref<!tpu.dma_semaphore, #tpu.memory_space<semaphore_mem>>)
      %dma_wait3A_350 = arith.constant 0 : i32
      %dma_wait3A_351 = arith.constant 0 : i32
      %dma_wait3A_352 = tpu.memref_slice %arg8[%run_scoped3A_41, %dma_wait3A_350, %dma_wait3A_351] : memref<4x32x128xf32, #tpu.memory_space<vmem>> -> memref<1x32x128xf32, #tpu.memory_space<vmem>>
      %dma_wait3A_353 = tpu.memref_squeeze %dma_wait3A_352 : memref<1x32x128xf32, #tpu.memory_space<vmem>> -> memref<32x128xf32, #tpu.memory_space<vmem>>
      %dma_wait3A_354 = arith.constant 0 : i32
      %dma_wait3A_355 = tpu.memref_slice %arg9[%add3A_40, %dma_wait3A_354] : memref<10240x128xf32, #tpu.memory_space<vmem_shared>> -> memref<32x128xf32, #tpu.memory_space<vmem_shared>>
      %dma_wait3A_356 = arith.constant 0 : i32
      %dma_wait3A_357 = tpu.memref_slice %arg9[%add3A_40, %dma_wait3A_356] : memref<10240x128xf32, #tpu.memory_space<vmem_shared>> -> memref<32x128xf32, #tpu.memory_space<vmem_shared>>
      %dma_wait3A_358 = arith.constant 0 : i32
      %dma_wait3A_359 = arith.constant 0 : i32
      %dma_wait3A_360 = tpu.memref_slice %arg8[%run_scoped3A_41, %dma_wait3A_358, %dma_wait3A_359] : memref<4x32x128xf32, #tpu.memory_space<vmem>> -> memref<1x32x128xf32, #tpu.memory_space<vmem>>
      %dma_wait3A_361 = tpu.memref_squeeze %dma_wait3A_360 : memref<1x32x128xf32, #tpu.memory_space<vmem>> -> memref<32x128xf32, #tpu.memory_space<vmem>>
      tpu.wait_dma2 semaphore(%run_scoped3A_337 : memref<!tpu.dma_semaphore, #tpu.memory_space<semaphore_mem>>) src(%dma_wait3A_361 : memref<32x128xf32, #tpu.memory_space<vmem>>) dst(%dma_wait3A_357 : memref<32x128xf32, #tpu.memory_space<vmem_shared>>)
      tpu.yield
    }) : () -> ()
    %mul3A_42 = arith.constant 640 : i32
    %mul3A_43 = arith.muli %arg1, %mul3A_42 : i32
    %add3A_44 = arith.constant 256 : i32
    %add3A_45 = arith.addi %mul3A_43, %add3A_44 : i32
    %run_scoped3A_46 = arith.constant 0 : i32
    "tpu.region"() ({
      %run_scoped3A_337 = tpu.sem_alloc : memref<!tpu.dma_semaphore, #tpu.memory_space<semaphore_mem>>
      %dma_start3A_338 = arith.constant 0 : i32
      %dma_start3A_339 = arith.constant 0 : i32
      %dma_start3A_340 = tpu.memref_slice %arg8[%run_scoped3A_46, %dma_start3A_338, %dma_start3A_339] : memref<4x32x128xf32, #tpu.memory_space<vmem>> -> memref<1x32x128xf32, #tpu.memory_space<vmem>>
      %dma_start3A_341 = tpu.memref_squeeze %dma_start3A_340 : memref<1x32x128xf32, #tpu.memory_space<vmem>> -> memref<32x128xf32, #tpu.memory_space<vmem>>
      %dma_start3A_342 = arith.constant 0 : i32
      %dma_start3A_343 = tpu.memref_slice %arg9[%add3A_45, %dma_start3A_342] : memref<10240x128xf32, #tpu.memory_space<vmem_shared>> -> memref<32x128xf32, #tpu.memory_space<vmem_shared>>
      %dma_start3A_344 = arith.constant 0 : i32
      %dma_start3A_345 = tpu.memref_slice %arg9[%add3A_45, %dma_start3A_344] : memref<10240x128xf32, #tpu.memory_space<vmem_shared>> -> memref<32x128xf32, #tpu.memory_space<vmem_shared>>
      %dma_start3A_346 = arith.constant 0 : i32
      %dma_start3A_347 = arith.constant 0 : i32
      %dma_start3A_348 = tpu.memref_slice %arg8[%run_scoped3A_46, %dma_start3A_346, %dma_start3A_347] : memref<4x32x128xf32, #tpu.memory_space<vmem>> -> memref<1x32x128xf32, #tpu.memory_space<vmem>>
      %dma_start3A_349 = tpu.memref_squeeze %dma_start3A_348 : memref<1x32x128xf32, #tpu.memory_space<vmem>> -> memref<32x128xf32, #tpu.memory_space<vmem>>
      tpu.enqueue_dma source(%dma_start3A_349 : memref<32x128xf32, #tpu.memory_space<vmem>>) target(%dma_start3A_345 : memref<32x128xf32, #tpu.memory_space<vmem_shared>>) target_semaphore(%run_scoped3A_337 : memref<!tpu.dma_semaphore, #tpu.memory_space<semaphore_mem>>)
      %dma_wait3A_350 = arith.constant 0 : i32
      %dma_wait3A_351 = arith.constant 0 : i32
      %dma_wait3A_352 = tpu.memref_slice %arg8[%run_scoped3A_46, %dma_wait3A_350, %dma_wait3A_351] : memref<4x32x128xf32, #tpu.memory_space<vmem>> -> memref<1x32x128xf32, #tpu.memory_space<vmem>>
      %dma_wait3A_353 = tpu.memref_squeeze %dma_wait3A_352 : memref<1x32x128xf32, #tpu.memory_space<vmem>> -> memref<32x128xf32, #tpu.memory_space<vmem>>
      %dma_wait3A_354 = arith.constant 0 : i32
      %dma_wait3A_355 = tpu.memref_slice %arg9[%add3A_45, %dma_wait3A_354] : memref<10240x128xf32, #tpu.memory_space<vmem_shared>> -> memref<32x128xf32, #tpu.memory_space<vmem_shared>>
      %dma_wait3A_356 = arith.constant 0 : i32
      %dma_wait3A_357 = tpu.memref_slice %arg9[%add3A_45, %dma_wait3A_356] : memref<10240x128xf32, #tpu.memory_space<vmem_shared>> -> memref<32x128xf32, #tpu.memory_space<vmem_shared>>
      %dma_wait3A_358 = arith.constant 0 : i32
      %dma_wait3A_359 = arith.constant 0 : i32
      %dma_wait3A_360 = tpu.memref_slice %arg8[%run_scoped3A_46, %dma_wait3A_358, %dma_wait3A_359] : memref<4x32x128xf32, #tpu.memory_space<vmem>> -> memref<1x32x128xf32, #tpu.memory_space<vmem>>
      %dma_wait3A_361 = tpu.memref_squeeze %dma_wait3A_360 : memref<1x32x128xf32, #tpu.memory_space<vmem>> -> memref<32x128xf32, #tpu.memory_space<vmem>>
      tpu.wait_dma2 semaphore(%run_scoped3A_337 : memref<!tpu.dma_semaphore, #tpu.memory_space<semaphore_mem>>) src(%dma_wait3A_361 : memref<32x128xf32, #tpu.memory_space<vmem>>) dst(%dma_wait3A_357 : memref<32x128xf32, #tpu.memory_space<vmem_shared>>)
      tpu.yield
    }) : () -> ()
    %mul3A_47 = arith.constant 640 : i32
    %mul3A_48 = arith.muli %arg1, %mul3A_47 : i32
    %add3A_49 = arith.constant 288 : i32
    %add3A_50 = arith.addi %mul3A_48, %add3A_49 : i32
    %run_scoped3A_51 = arith.constant 0 : i32
    "tpu.region"() ({
      %run_scoped3A_337 = tpu.sem_alloc : memref<!tpu.dma_semaphore, #tpu.memory_space<semaphore_mem>>
      %dma_start3A_338 = arith.constant 0 : i32
      %dma_start3A_339 = arith.constant 0 : i32
      %dma_start3A_340 = tpu.memref_slice %arg8[%run_scoped3A_51, %dma_start3A_338, %dma_start3A_339] : memref<4x32x128xf32, #tpu.memory_space<vmem>> -> memref<1x32x128xf32, #tpu.memory_space<vmem>>
      %dma_start3A_341 = tpu.memref_squeeze %dma_start3A_340 : memref<1x32x128xf32, #tpu.memory_space<vmem>> -> memref<32x128xf32, #tpu.memory_space<vmem>>
      %dma_start3A_342 = arith.constant 0 : i32
      %dma_start3A_343 = tpu.memref_slice %arg9[%add3A_50, %dma_start3A_342] : memref<10240x128xf32, #tpu.memory_space<vmem_shared>> -> memref<32x128xf32, #tpu.memory_space<vmem_shared>>
      %dma_start3A_344 = arith.constant 0 : i32
      %dma_start3A_345 = tpu.memref_slice %arg9[%add3A_50, %dma_start3A_344] : memref<10240x128xf32, #tpu.memory_space<vmem_shared>> -> memref<32x128xf32, #tpu.memory_space<vmem_shared>>
      %dma_start3A_346 = arith.constant 0 : i32
      %dma_start3A_347 = arith.constant 0 : i32
      %dma_start3A_348 = tpu.memref_slice %arg8[%run_scoped3A_51, %dma_start3A_346, %dma_start3A_347] : memref<4x32x128xf32, #tpu.memory_space<vmem>> -> memref<1x32x128xf32, #tpu.memory_space<vmem>>
      %dma_start3A_349 = tpu.memref_squeeze %dma_start3A_348 : memref<1x32x128xf32, #tpu.memory_space<vmem>> -> memref<32x128xf32, #tpu.memory_space<vmem>>
      tpu.enqueue_dma source(%dma_start3A_349 : memref<32x128xf32, #tpu.memory_space<vmem>>) target(%dma_start3A_345 : memref<32x128xf32, #tpu.memory_space<vmem_shared>>) target_semaphore(%run_scoped3A_337 : memref<!tpu.dma_semaphore, #tpu.memory_space<semaphore_mem>>)
      %dma_wait3A_350 = arith.constant 0 : i32
      %dma_wait3A_351 = arith.constant 0 : i32
      %dma_wait3A_352 = tpu.memref_slice %arg8[%run_scoped3A_51, %dma_wait3A_350, %dma_wait3A_351] : memref<4x32x128xf32, #tpu.memory_space<vmem>> -> memref<1x32x128xf32, #tpu.memory_space<vmem>>
      %dma_wait3A_353 = tpu.memref_squeeze %dma_wait3A_352 : memref<1x32x128xf32, #tpu.memory_space<vmem>> -> memref<32x128xf32, #tpu.memory_space<vmem>>
      %dma_wait3A_354 = arith.constant 0 : i32
      %dma_wait3A_355 = tpu.memref_slice %arg9[%add3A_50, %dma_wait3A_354] : memref<10240x128xf32, #tpu.memory_space<vmem_shared>> -> memref<32x128xf32, #tpu.memory_space<vmem_shared>>
      %dma_wait3A_356 = arith.constant 0 : i32
      %dma_wait3A_357 = tpu.memref_slice %arg9[%add3A_50, %dma_wait3A_356] : memref<10240x128xf32, #tpu.memory_space<vmem_shared>> -> memref<32x128xf32, #tpu.memory_space<vmem_shared>>
      %dma_wait3A_358 = arith.constant 0 : i32
      %dma_wait3A_359 = arith.constant 0 : i32
      %dma_wait3A_360 = tpu.memref_slice %arg8[%run_scoped3A_51, %dma_wait3A_358, %dma_wait3A_359] : memref<4x32x128xf32, #tpu.memory_space<vmem>> -> memref<1x32x128xf32, #tpu.memory_space<vmem>>
      %dma_wait3A_361 = tpu.memref_squeeze %dma_wait3A_360 : memref<1x32x128xf32, #tpu.memory_space<vmem>> -> memref<32x128xf32, #tpu.memory_space<vmem>>
      tpu.wait_dma2 semaphore(%run_scoped3A_337 : memref<!tpu.dma_semaphore, #tpu.memory_space<semaphore_mem>>) src(%dma_wait3A_361 : memref<32x128xf32, #tpu.memory_space<vmem>>) dst(%dma_wait3A_357 : memref<32x128xf32, #tpu.memory_space<vmem_shared>>)
      tpu.yield
    }) : () -> ()
    %mul3A_52 = arith.constant 640 : i32
    %mul3A_53 = arith.muli %arg1, %mul3A_52 : i32
    %add3A_54 = arith.constant 320 : i32
    %add3A_55 = arith.addi %mul3A_53, %add3A_54 : i32
    %run_scoped3A_56 = arith.constant 0 : i32
    "tpu.region"() ({
      %run_scoped3A_337 = tpu.sem_alloc : memref<!tpu.dma_semaphore, #tpu.memory_space<semaphore_mem>>
      %dma_start3A_338 = arith.constant 0 : i32
      %dma_start3A_339 = arith.constant 0 : i32
      %dma_start3A_340 = tpu.memref_slice %arg8[%run_scoped3A_56, %dma_start3A_338, %dma_start3A_339] : memref<4x32x128xf32, #tpu.memory_space<vmem>> -> memref<1x32x128xf32, #tpu.memory_space<vmem>>
      %dma_start3A_341 = tpu.memref_squeeze %dma_start3A_340 : memref<1x32x128xf32, #tpu.memory_space<vmem>> -> memref<32x128xf32, #tpu.memory_space<vmem>>
      %dma_start3A_342 = arith.constant 0 : i32
      %dma_start3A_343 = tpu.memref_slice %arg9[%add3A_55, %dma_start3A_342] : memref<10240x128xf32, #tpu.memory_space<vmem_shared>> -> memref<32x128xf32, #tpu.memory_space<vmem_shared>>
      %dma_start3A_344 = arith.constant 0 : i32
      %dma_start3A_345 = tpu.memref_slice %arg9[%add3A_55, %dma_start3A_344] : memref<10240x128xf32, #tpu.memory_space<vmem_shared>> -> memref<32x128xf32, #tpu.memory_space<vmem_shared>>
      %dma_start3A_346 = arith.constant 0 : i32
      %dma_start3A_347 = arith.constant 0 : i32
      %dma_start3A_348 = tpu.memref_slice %arg8[%run_scoped3A_56, %dma_start3A_346, %dma_start3A_347] : memref<4x32x128xf32, #tpu.memory_space<vmem>> -> memref<1x32x128xf32, #tpu.memory_space<vmem>>
      %dma_start3A_349 = tpu.memref_squeeze %dma_start3A_348 : memref<1x32x128xf32, #tpu.memory_space<vmem>> -> memref<32x128xf32, #tpu.memory_space<vmem>>
      tpu.enqueue_dma source(%dma_start3A_349 : memref<32x128xf32, #tpu.memory_space<vmem>>) target(%dma_start3A_345 : memref<32x128xf32, #tpu.memory_space<vmem_shared>>) target_semaphore(%run_scoped3A_337 : memref<!tpu.dma_semaphore, #tpu.memory_space<semaphore_mem>>)
      %dma_wait3A_350 = arith.constant 0 : i32
      %dma_wait3A_351 = arith.constant 0 : i32
      %dma_wait3A_352 = tpu.memref_slice %arg8[%run_scoped3A_56, %dma_wait3A_350, %dma_wait3A_351] : memref<4x32x128xf32, #tpu.memory_space<vmem>> -> memref<1x32x128xf32, #tpu.memory_space<vmem>>
      %dma_wait3A_353 = tpu.memref_squeeze %dma_wait3A_352 : memref<1x32x128xf32, #tpu.memory_space<vmem>> -> memref<32x128xf32, #tpu.memory_space<vmem>>
      %dma_wait3A_354 = arith.constant 0 : i32
      %dma_wait3A_355 = tpu.memref_slice %arg9[%add3A_55, %dma_wait3A_354] : memref<10240x128xf32, #tpu.memory_space<vmem_shared>> -> memref<32x128xf32, #tpu.memory_space<vmem_shared>>
      %dma_wait3A_356 = arith.constant 0 : i32
      %dma_wait3A_357 = tpu.memref_slice %arg9[%add3A_55, %dma_wait3A_356] : memref<10240x128xf32, #tpu.memory_space<vmem_shared>> -> memref<32x128xf32, #tpu.memory_space<vmem_shared>>
      %dma_wait3A_358 = arith.constant 0 : i32
      %dma_wait3A_359 = arith.constant 0 : i32
      %dma_wait3A_360 = tpu.memref_slice %arg8[%run_scoped3A_56, %dma_wait3A_358, %dma_wait3A_359] : memref<4x32x128xf32, #tpu.memory_space<vmem>> -> memref<1x32x128xf32, #tpu.memory_space<vmem>>
      %dma_wait3A_361 = tpu.memref_squeeze %dma_wait3A_360 : memref<1x32x128xf32, #tpu.memory_space<vmem>> -> memref<32x128xf32, #tpu.memory_space<vmem>>
      tpu.wait_dma2 semaphore(%run_scoped3A_337 : memref<!tpu.dma_semaphore, #tpu.memory_space<semaphore_mem>>) src(%dma_wait3A_361 : memref<32x128xf32, #tpu.memory_space<vmem>>) dst(%dma_wait3A_357 : memref<32x128xf32, #tpu.memory_space<vmem_shared>>)
      tpu.yield
    }) : () -> ()
    %mul3A_57 = arith.constant 640 : i32
    %mul3A_58 = arith.muli %arg1, %mul3A_57 : i32
    %add3A_59 = arith.constant 352 : i32
    %add3A_60 = arith.addi %mul3A_58, %add3A_59 : i32
    %run_scoped3A_61 = arith.constant 0 : i32
    "tpu.region"() ({
      %run_scoped3A_337 = tpu.sem_alloc : memref<!tpu.dma_semaphore, #tpu.memory_space<semaphore_mem>>
      %dma_start3A_338 = arith.constant 0 : i32
      %dma_start3A_339 = arith.constant 0 : i32
      %dma_start3A_340 = tpu.memref_slice %arg8[%run_scoped3A_61, %dma_start3A_338, %dma_start3A_339] : memref<4x32x128xf32, #tpu.memory_space<vmem>> -> memref<1x32x128xf32, #tpu.memory_space<vmem>>
      %dma_start3A_341 = tpu.memref_squeeze %dma_start3A_340 : memref<1x32x128xf32, #tpu.memory_space<vmem>> -> memref<32x128xf32, #tpu.memory_space<vmem>>
      %dma_start3A_342 = arith.constant 0 : i32
      %dma_start3A_343 = tpu.memref_slice %arg9[%add3A_60, %dma_start3A_342] : memref<10240x128xf32, #tpu.memory_space<vmem_shared>> -> memref<32x128xf32, #tpu.memory_space<vmem_shared>>
      %dma_start3A_344 = arith.constant 0 : i32
      %dma_start3A_345 = tpu.memref_slice %arg9[%add3A_60, %dma_start3A_344] : memref<10240x128xf32, #tpu.memory_space<vmem_shared>> -> memref<32x128xf32, #tpu.memory_space<vmem_shared>>
      %dma_start3A_346 = arith.constant 0 : i32
      %dma_start3A_347 = arith.constant 0 : i32
      %dma_start3A_348 = tpu.memref_slice %arg8[%run_scoped3A_61, %dma_start3A_346, %dma_start3A_347] : memref<4x32x128xf32, #tpu.memory_space<vmem>> -> memref<1x32x128xf32, #tpu.memory_space<vmem>>
      %dma_start3A_349 = tpu.memref_squeeze %dma_start3A_348 : memref<1x32x128xf32, #tpu.memory_space<vmem>> -> memref<32x128xf32, #tpu.memory_space<vmem>>
      tpu.enqueue_dma source(%dma_start3A_349 : memref<32x128xf32, #tpu.memory_space<vmem>>) target(%dma_start3A_345 : memref<32x128xf32, #tpu.memory_space<vmem_shared>>) target_semaphore(%run_scoped3A_337 : memref<!tpu.dma_semaphore, #tpu.memory_space<semaphore_mem>>)
      %dma_wait3A_350 = arith.constant 0 : i32
      %dma_wait3A_351 = arith.constant 0 : i32
      %dma_wait3A_352 = tpu.memref_slice %arg8[%run_scoped3A_61, %dma_wait3A_350, %dma_wait3A_351] : memref<4x32x128xf32, #tpu.memory_space<vmem>> -> memref<1x32x128xf32, #tpu.memory_space<vmem>>
      %dma_wait3A_353 = tpu.memref_squeeze %dma_wait3A_352 : memref<1x32x128xf32, #tpu.memory_space<vmem>> -> memref<32x128xf32, #tpu.memory_space<vmem>>
      %dma_wait3A_354 = arith.constant 0 : i32
      %dma_wait3A_355 = tpu.memref_slice %arg9[%add3A_60, %dma_wait3A_354] : memref<10240x128xf32, #tpu.memory_space<vmem_shared>> -> memref<32x128xf32, #tpu.memory_space<vmem_shared>>
      %dma_wait3A_356 = arith.constant 0 : i32
      %dma_wait3A_357 = tpu.memref_slice %arg9[%add3A_60, %dma_wait3A_356] : memref<10240x128xf32, #tpu.memory_space<vmem_shared>> -> memref<32x128xf32, #tpu.memory_space<vmem_shared>>
      %dma_wait3A_358 = arith.constant 0 : i32
      %dma_wait3A_359 = arith.constant 0 : i32
      %dma_wait3A_360 = tpu.memref_slice %arg8[%run_scoped3A_61, %dma_wait3A_358, %dma_wait3A_359] : memref<4x32x128xf32, #tpu.memory_space<vmem>> -> memref<1x32x128xf32, #tpu.memory_space<vmem>>
      %dma_wait3A_361 = tpu.memref_squeeze %dma_wait3A_360 : memref<1x32x128xf32, #tpu.memory_space<vmem>> -> memref<32x128xf32, #tpu.memory_space<vmem>>
      tpu.wait_dma2 semaphore(%run_scoped3A_337 : memref<!tpu.dma_semaphore, #tpu.memory_space<semaphore_mem>>) src(%dma_wait3A_361 : memref<32x128xf32, #tpu.memory_space<vmem>>) dst(%dma_wait3A_357 : memref<32x128xf32, #tpu.memory_space<vmem_shared>>)
      tpu.yield
    }) : () -> ()
    %mul3A_62 = arith.constant 640 : i32
    %mul3A_63 = arith.muli %arg1, %mul3A_62 : i32
    %add3A_64 = arith.constant 384 : i32
    %add3A_65 = arith.addi %mul3A_63, %add3A_64 : i32
    %run_scoped3A_66 = arith.constant 0 : i32
    "tpu.region"() ({
      %run_scoped3A_337 = tpu.sem_alloc : memref<!tpu.dma_semaphore, #tpu.memory_space<semaphore_mem>>
      %dma_start3A_338 = arith.constant 0 : i32
      %dma_start3A_339 = arith.constant 0 : i32
      %dma_start3A_340 = tpu.memref_slice %arg8[%run_scoped3A_66, %dma_start3A_338, %dma_start3A_339] : memref<4x32x128xf32, #tpu.memory_space<vmem>> -> memref<1x32x128xf32, #tpu.memory_space<vmem>>
      %dma_start3A_341 = tpu.memref_squeeze %dma_start3A_340 : memref<1x32x128xf32, #tpu.memory_space<vmem>> -> memref<32x128xf32, #tpu.memory_space<vmem>>
      %dma_start3A_342 = arith.constant 0 : i32
      %dma_start3A_343 = tpu.memref_slice %arg9[%add3A_65, %dma_start3A_342] : memref<10240x128xf32, #tpu.memory_space<vmem_shared>> -> memref<32x128xf32, #tpu.memory_space<vmem_shared>>
      %dma_start3A_344 = arith.constant 0 : i32
      %dma_start3A_345 = tpu.memref_slice %arg9[%add3A_65, %dma_start3A_344] : memref<10240x128xf32, #tpu.memory_space<vmem_shared>> -> memref<32x128xf32, #tpu.memory_space<vmem_shared>>
      %dma_start3A_346 = arith.constant 0 : i32
      %dma_start3A_347 = arith.constant 0 : i32
      %dma_start3A_348 = tpu.memref_slice %arg8[%run_scoped3A_66, %dma_start3A_346, %dma_start3A_347] : memref<4x32x128xf32, #tpu.memory_space<vmem>> -> memref<1x32x128xf32, #tpu.memory_space<vmem>>
      %dma_start3A_349 = tpu.memref_squeeze %dma_start3A_348 : memref<1x32x128xf32, #tpu.memory_space<vmem>> -> memref<32x128xf32, #tpu.memory_space<vmem>>
      tpu.enqueue_dma source(%dma_start3A_349 : memref<32x128xf32, #tpu.memory_space<vmem>>) target(%dma_start3A_345 : memref<32x128xf32, #tpu.memory_space<vmem_shared>>) target_semaphore(%run_scoped3A_337 : memref<!tpu.dma_semaphore, #tpu.memory_space<semaphore_mem>>)
      %dma_wait3A_350 = arith.constant 0 : i32
      %dma_wait3A_351 = arith.constant 0 : i32
      %dma_wait3A_352 = tpu.memref_slice %arg8[%run_scoped3A_66, %dma_wait3A_350, %dma_wait3A_351] : memref<4x32x128xf32, #tpu.memory_space<vmem>> -> memref<1x32x128xf32, #tpu.memory_space<vmem>>
      %dma_wait3A_353 = tpu.memref_squeeze %dma_wait3A_352 : memref<1x32x128xf32, #tpu.memory_space<vmem>> -> memref<32x128xf32, #tpu.memory_space<vmem>>
      %dma_wait3A_354 = arith.constant 0 : i32
      %dma_wait3A_355 = tpu.memref_slice %arg9[%add3A_65, %dma_wait3A_354] : memref<10240x128xf32, #tpu.memory_space<vmem_shared>> -> memref<32x128xf32, #tpu.memory_space<vmem_shared>>
      %dma_wait3A_356 = arith.constant 0 : i32
      %dma_wait3A_357 = tpu.memref_slice %arg9[%add3A_65, %dma_wait3A_356] : memref<10240x128xf32, #tpu.memory_space<vmem_shared>> -> memref<32x128xf32, #tpu.memory_space<vmem_shared>>
      %dma_wait3A_358 = arith.constant 0 : i32
      %dma_wait3A_359 = arith.constant 0 : i32
      %dma_wait3A_360 = tpu.memref_slice %arg8[%run_scoped3A_66, %dma_wait3A_358, %dma_wait3A_359] : memref<4x32x128xf32, #tpu.memory_space<vmem>> -> memref<1x32x128xf32, #tpu.memory_space<vmem>>
      %dma_wait3A_361 = tpu.memref_squeeze %dma_wait3A_360 : memref<1x32x128xf32, #tpu.memory_space<vmem>> -> memref<32x128xf32, #tpu.memory_space<vmem>>
      tpu.wait_dma2 semaphore(%run_scoped3A_337 : memref<!tpu.dma_semaphore, #tpu.memory_space<semaphore_mem>>) src(%dma_wait3A_361 : memref<32x128xf32, #tpu.memory_space<vmem>>) dst(%dma_wait3A_357 : memref<32x128xf32, #tpu.memory_space<vmem_shared>>)
      tpu.yield
    }) : () -> ()
    %mul3A_67 = arith.constant 640 : i32
    %mul3A_68 = arith.muli %arg1, %mul3A_67 : i32
    %add3A_69 = arith.constant 416 : i32
    %add3A_70 = arith.addi %mul3A_68, %add3A_69 : i32
    %run_scoped3A_71 = arith.constant 0 : i32
    "tpu.region"() ({
      %run_scoped3A_337 = tpu.sem_alloc : memref<!tpu.dma_semaphore, #tpu.memory_space<semaphore_mem>>
      %dma_start3A_338 = arith.constant 0 : i32
      %dma_start3A_339 = arith.constant 0 : i32
      %dma_start3A_340 = tpu.memref_slice %arg8[%run_scoped3A_71, %dma_start3A_338, %dma_start3A_339] : memref<4x32x128xf32, #tpu.memory_space<vmem>> -> memref<1x32x128xf32, #tpu.memory_space<vmem>>
      %dma_start3A_341 = tpu.memref_squeeze %dma_start3A_340 : memref<1x32x128xf32, #tpu.memory_space<vmem>> -> memref<32x128xf32, #tpu.memory_space<vmem>>
      %dma_start3A_342 = arith.constant 0 : i32
      %dma_start3A_343 = tpu.memref_slice %arg9[%add3A_70, %dma_start3A_342] : memref<10240x128xf32, #tpu.memory_space<vmem_shared>> -> memref<32x128xf32, #tpu.memory_space<vmem_shared>>
      %dma_start3A_344 = arith.constant 0 : i32
      %dma_start3A_345 = tpu.memref_slice %arg9[%add3A_70, %dma_start3A_344] : memref<10240x128xf32, #tpu.memory_space<vmem_shared>> -> memref<32x128xf32, #tpu.memory_space<vmem_shared>>
      %dma_start3A_346 = arith.constant 0 : i32
      %dma_start3A_347 = arith.constant 0 : i32
      %dma_start3A_348 = tpu.memref_slice %arg8[%run_scoped3A_71, %dma_start3A_346, %dma_start3A_347] : memref<4x32x128xf32, #tpu.memory_space<vmem>> -> memref<1x32x128xf32, #tpu.memory_space<vmem>>
      %dma_start3A_349 = tpu.memref_squeeze %dma_start3A_348 : memref<1x32x128xf32, #tpu.memory_space<vmem>> -> memref<32x128xf32, #tpu.memory_space<vmem>>
      tpu.enqueue_dma source(%dma_start3A_349 : memref<32x128xf32, #tpu.memory_space<vmem>>) target(%dma_start3A_345 : memref<32x128xf32, #tpu.memory_space<vmem_shared>>) target_semaphore(%run_scoped3A_337 : memref<!tpu.dma_semaphore, #tpu.memory_space<semaphore_mem>>)
      %dma_wait3A_350 = arith.constant 0 : i32
      %dma_wait3A_351 = arith.constant 0 : i32
      %dma_wait3A_352 = tpu.memref_slice %arg8[%run_scoped3A_71, %dma_wait3A_350, %dma_wait3A_351] : memref<4x32x128xf32, #tpu.memory_space<vmem>> -> memref<1x32x128xf32, #tpu.memory_space<vmem>>
      %dma_wait3A_353 = tpu.memref_squeeze %dma_wait3A_352 : memref<1x32x128xf32, #tpu.memory_space<vmem>> -> memref<32x128xf32, #tpu.memory_space<vmem>>
      %dma_wait3A_354 = arith.constant 0 : i32
      %dma_wait3A_355 = tpu.memref_slice %arg9[%add3A_70, %dma_wait3A_354] : memref<10240x128xf32, #tpu.memory_space<vmem_shared>> -> memref<32x128xf32, #tpu.memory_space<vmem_shared>>
      %dma_wait3A_356 = arith.constant 0 : i32
      %dma_wait3A_357 = tpu.memref_slice %arg9[%add3A_70, %dma_wait3A_356] : memref<10240x128xf32, #tpu.memory_space<vmem_shared>> -> memref<32x128xf32, #tpu.memory_space<vmem_shared>>
      %dma_wait3A_358 = arith.constant 0 : i32
      %dma_wait3A_359 = arith.constant 0 : i32
      %dma_wait3A_360 = tpu.memref_slice %arg8[%run_scoped3A_71, %dma_wait3A_358, %dma_wait3A_359] : memref<4x32x128xf32, #tpu.memory_space<vmem>> -> memref<1x32x128xf32, #tpu.memory_space<vmem>>
      %dma_wait3A_361 = tpu.memref_squeeze %dma_wait3A_360 : memref<1x32x128xf32, #tpu.memory_space<vmem>> -> memref<32x128xf32, #tpu.memory_space<vmem>>
      tpu.wait_dma2 semaphore(%run_scoped3A_337 : memref<!tpu.dma_semaphore, #tpu.memory_space<semaphore_mem>>) src(%dma_wait3A_361 : memref<32x128xf32, #tpu.memory_space<vmem>>) dst(%dma_wait3A_357 : memref<32x128xf32, #tpu.memory_space<vmem_shared>>)
      tpu.yield
    }) : () -> ()
    %mul3A_72 = arith.constant 640 : i32
    %mul3A_73 = arith.muli %arg1, %mul3A_72 : i32
    %add3A_74 = arith.constant 448 : i32
    %add3A_75 = arith.addi %mul3A_73, %add3A_74 : i32
    %run_scoped3A_76 = arith.constant 0 : i32
    "tpu.region"() ({
      %run_scoped3A_337 = tpu.sem_alloc : memref<!tpu.dma_semaphore, #tpu.memory_space<semaphore_mem>>
      %dma_start3A_338 = arith.constant 0 : i32
      %dma_start3A_339 = arith.constant 0 : i32
      %dma_start3A_340 = tpu.memref_slice %arg8[%run_scoped3A_76, %dma_start3A_338, %dma_start3A_339] : memref<4x32x128xf32, #tpu.memory_space<vmem>> -> memref<1x32x128xf32, #tpu.memory_space<vmem>>
      %dma_start3A_341 = tpu.memref_squeeze %dma_start3A_340 : memref<1x32x128xf32, #tpu.memory_space<vmem>> -> memref<32x128xf32, #tpu.memory_space<vmem>>
      %dma_start3A_342 = arith.constant 0 : i32
      %dma_start3A_343 = tpu.memref_slice %arg9[%add3A_75, %dma_start3A_342] : memref<10240x128xf32, #tpu.memory_space<vmem_shared>> -> memref<32x128xf32, #tpu.memory_space<vmem_shared>>
      %dma_start3A_344 = arith.constant 0 : i32
      %dma_start3A_345 = tpu.memref_slice %arg9[%add3A_75, %dma_start3A_344] : memref<10240x128xf32, #tpu.memory_space<vmem_shared>> -> memref<32x128xf32, #tpu.memory_space<vmem_shared>>
      %dma_start3A_346 = arith.constant 0 : i32
      %dma_start3A_347 = arith.constant 0 : i32
      %dma_start3A_348 = tpu.memref_slice %arg8[%run_scoped3A_76, %dma_start3A_346, %dma_start3A_347] : memref<4x32x128xf32, #tpu.memory_space<vmem>> -> memref<1x32x128xf32, #tpu.memory_space<vmem>>
      %dma_start3A_349 = tpu.memref_squeeze %dma_start3A_348 : memref<1x32x128xf32, #tpu.memory_space<vmem>> -> memref<32x128xf32, #tpu.memory_space<vmem>>
      tpu.enqueue_dma source(%dma_start3A_349 : memref<32x128xf32, #tpu.memory_space<vmem>>) target(%dma_start3A_345 : memref<32x128xf32, #tpu.memory_space<vmem_shared>>) target_semaphore(%run_scoped3A_337 : memref<!tpu.dma_semaphore, #tpu.memory_space<semaphore_mem>>)
      %dma_wait3A_350 = arith.constant 0 : i32
      %dma_wait3A_351 = arith.constant 0 : i32
      %dma_wait3A_352 = tpu.memref_slice %arg8[%run_scoped3A_76, %dma_wait3A_350, %dma_wait3A_351] : memref<4x32x128xf32, #tpu.memory_space<vmem>> -> memref<1x32x128xf32, #tpu.memory_space<vmem>>
      %dma_wait3A_353 = tpu.memref_squeeze %dma_wait3A_352 : memref<1x32x128xf32, #tpu.memory_space<vmem>> -> memref<32x128xf32, #tpu.memory_space<vmem>>
      %dma_wait3A_354 = arith.constant 0 : i32
      %dma_wait3A_355 = tpu.memref_slice %arg9[%add3A_75, %dma_wait3A_354] : memref<10240x128xf32, #tpu.memory_space<vmem_shared>> -> memref<32x128xf32, #tpu.memory_space<vmem_shared>>
      %dma_wait3A_356 = arith.constant 0 : i32
      %dma_wait3A_357 = tpu.memref_slice %arg9[%add3A_75, %dma_wait3A_356] : memref<10240x128xf32, #tpu.memory_space<vmem_shared>> -> memref<32x128xf32, #tpu.memory_space<vmem_shared>>
      %dma_wait3A_358 = arith.constant 0 : i32
      %dma_wait3A_359 = arith.constant 0 : i32
      %dma_wait3A_360 = tpu.memref_slice %arg8[%run_scoped3A_76, %dma_wait3A_358, %dma_wait3A_359] : memref<4x32x128xf32, #tpu.memory_space<vmem>> -> memref<1x32x128xf32, #tpu.memory_space<vmem>>
      %dma_wait3A_361 = tpu.memref_squeeze %dma_wait3A_360 : memref<1x32x128xf32, #tpu.memory_space<vmem>> -> memref<32x128xf32, #tpu.memory_space<vmem>>
      tpu.wait_dma2 semaphore(%run_scoped3A_337 : memref<!tpu.dma_semaphore, #tpu.memory_space<semaphore_mem>>) src(%dma_wait3A_361 : memref<32x128xf32, #tpu.memory_space<vmem>>) dst(%dma_wait3A_357 : memref<32x128xf32, #tpu.memory_space<vmem_shared>>)
      tpu.yield
    }) : () -> ()
    %mul3A_77 = arith.constant 640 : i32
    %mul3A_78 = arith.muli %arg1, %mul3A_77 : i32
    %add3A_79 = arith.constant 480 : i32
    %add3A_80 = arith.addi %mul3A_78, %add3A_79 : i32
    %run_scoped3A_81 = arith.constant 0 : i32
    "tpu.region"() ({
      %run_scoped3A_337 = tpu.sem_alloc : memref<!tpu.dma_semaphore, #tpu.memory_space<semaphore_mem>>
      %dma_start3A_338 = arith.constant 0 : i32
      %dma_start3A_339 = arith.constant 0 : i32
      %dma_start3A_340 = tpu.memref_slice %arg8[%run_scoped3A_81, %dma_start3A_338, %dma_start3A_339] : memref<4x32x128xf32, #tpu.memory_space<vmem>> -> memref<1x32x128xf32, #tpu.memory_space<vmem>>
      %dma_start3A_341 = tpu.memref_squeeze %dma_start3A_340 : memref<1x32x128xf32, #tpu.memory_space<vmem>> -> memref<32x128xf32, #tpu.memory_space<vmem>>
      %dma_start3A_342 = arith.constant 0 : i32
      %dma_start3A_343 = tpu.memref_slice %arg9[%add3A_80, %dma_start3A_342] : memref<10240x128xf32, #tpu.memory_space<vmem_shared>> -> memref<32x128xf32, #tpu.memory_space<vmem_shared>>
      %dma_start3A_344 = arith.constant 0 : i32
      %dma_start3A_345 = tpu.memref_slice %arg9[%add3A_80, %dma_start3A_344] : memref<10240x128xf32, #tpu.memory_space<vmem_shared>> -> memref<32x128xf32, #tpu.memory_space<vmem_shared>>
      %dma_start3A_346 = arith.constant 0 : i32
      %dma_start3A_347 = arith.constant 0 : i32
      %dma_start3A_348 = tpu.memref_slice %arg8[%run_scoped3A_81, %dma_start3A_346, %dma_start3A_347] : memref<4x32x128xf32, #tpu.memory_space<vmem>> -> memref<1x32x128xf32, #tpu.memory_space<vmem>>
      %dma_start3A_349 = tpu.memref_squeeze %dma_start3A_348 : memref<1x32x128xf32, #tpu.memory_space<vmem>> -> memref<32x128xf32, #tpu.memory_space<vmem>>
      tpu.enqueue_dma source(%dma_start3A_349 : memref<32x128xf32, #tpu.memory_space<vmem>>) target(%dma_start3A_345 : memref<32x128xf32, #tpu.memory_space<vmem_shared>>) target_semaphore(%run_scoped3A_337 : memref<!tpu.dma_semaphore, #tpu.memory_space<semaphore_mem>>)
      %dma_wait3A_350 = arith.constant 0 : i32
      %dma_wait3A_351 = arith.constant 0 : i32
      %dma_wait3A_352 = tpu.memref_slice %arg8[%run_scoped3A_81, %dma_wait3A_350, %dma_wait3A_351] : memref<4x32x128xf32, #tpu.memory_space<vmem>> -> memref<1x32x128xf32, #tpu.memory_space<vmem>>
      %dma_wait3A_353 = tpu.memref_squeeze %dma_wait3A_352 : memref<1x32x128xf32, #tpu.memory_space<vmem>> -> memref<32x128xf32, #tpu.memory_space<vmem>>
      %dma_wait3A_354 = arith.constant 0 : i32
      %dma_wait3A_355 = tpu.memref_slice %arg9[%add3A_80, %dma_wait3A_354] : memref<10240x128xf32, #tpu.memory_space<vmem_shared>> -> memref<32x128xf32, #tpu.memory_space<vmem_shared>>
      %dma_wait3A_356 = arith.constant 0 : i32
      %dma_wait3A_357 = tpu.memref_slice %arg9[%add3A_80, %dma_wait3A_356] : memref<10240x128xf32, #tpu.memory_space<vmem_shared>> -> memref<32x128xf32, #tpu.memory_space<vmem_shared>>
      %dma_wait3A_358 = arith.constant 0 : i32
      %dma_wait3A_359 = arith.constant 0 : i32
      %dma_wait3A_360 = tpu.memref_slice %arg8[%run_scoped3A_81, %dma_wait3A_358, %dma_wait3A_359] : memref<4x32x128xf32, #tpu.memory_space<vmem>> -> memref<1x32x128xf32, #tpu.memory_space<vmem>>
      %dma_wait3A_361 = tpu.memref_squeeze %dma_wait3A_360 : memref<1x32x128xf32, #tpu.memory_space<vmem>> -> memref<32x128xf32, #tpu.memory_space<vmem>>
      tpu.wait_dma2 semaphore(%run_scoped3A_337 : memref<!tpu.dma_semaphore, #tpu.memory_space<semaphore_mem>>) src(%dma_wait3A_361 : memref<32x128xf32, #tpu.memory_space<vmem>>) dst(%dma_wait3A_357 : memref<32x128xf32, #tpu.memory_space<vmem_shared>>)
      tpu.yield
    }) : () -> ()
    %mul3A_82 = arith.constant 640 : i32
    %mul3A_83 = arith.muli %arg1, %mul3A_82 : i32
    %add3A_84 = arith.constant 512 : i32
    %add3A_85 = arith.addi %mul3A_83, %add3A_84 : i32
    %run_scoped3A_86 = arith.constant 0 : i32
    "tpu.region"() ({
      %run_scoped3A_337 = tpu.sem_alloc : memref<!tpu.dma_semaphore, #tpu.memory_space<semaphore_mem>>
      %dma_start3A_338 = arith.constant 0 : i32
      %dma_start3A_339 = arith.constant 0 : i32
      %dma_start3A_340 = tpu.memref_slice %arg8[%run_scoped3A_86, %dma_start3A_338, %dma_start3A_339] : memref<4x32x128xf32, #tpu.memory_space<vmem>> -> memref<1x32x128xf32, #tpu.memory_space<vmem>>
      %dma_start3A_341 = tpu.memref_squeeze %dma_start3A_340 : memref<1x32x128xf32, #tpu.memory_space<vmem>> -> memref<32x128xf32, #tpu.memory_space<vmem>>
      %dma_start3A_342 = arith.constant 0 : i32
      %dma_start3A_343 = tpu.memref_slice %arg9[%add3A_85, %dma_start3A_342] : memref<10240x128xf32, #tpu.memory_space<vmem_shared>> -> memref<32x128xf32, #tpu.memory_space<vmem_shared>>
      %dma_start3A_344 = arith.constant 0 : i32
      %dma_start3A_345 = tpu.memref_slice %arg9[%add3A_85, %dma_start3A_344] : memref<10240x128xf32, #tpu.memory_space<vmem_shared>> -> memref<32x128xf32, #tpu.memory_space<vmem_shared>>
      %dma_start3A_346 = arith.constant 0 : i32
      %dma_start3A_347 = arith.constant 0 : i32
      %dma_start3A_348 = tpu.memref_slice %arg8[%run_scoped3A_86, %dma_start3A_346, %dma_start3A_347] : memref<4x32x128xf32, #tpu.memory_space<vmem>> -> memref<1x32x128xf32, #tpu.memory_space<vmem>>
      %dma_start3A_349 = tpu.memref_squeeze %dma_start3A_348 : memref<1x32x128xf32, #tpu.memory_space<vmem>> -> memref<32x128xf32, #tpu.memory_space<vmem>>
      tpu.enqueue_dma source(%dma_start3A_349 : memref<32x128xf32, #tpu.memory_space<vmem>>) target(%dma_start3A_345 : memref<32x128xf32, #tpu.memory_space<vmem_shared>>) target_semaphore(%run_scoped3A_337 : memref<!tpu.dma_semaphore, #tpu.memory_space<semaphore_mem>>)
      %dma_wait3A_350 = arith.constant 0 : i32
      %dma_wait3A_351 = arith.constant 0 : i32
      %dma_wait3A_352 = tpu.memref_slice %arg8[%run_scoped3A_86, %dma_wait3A_350, %dma_wait3A_351] : memref<4x32x128xf32, #tpu.memory_space<vmem>> -> memref<1x32x128xf32, #tpu.memory_space<vmem>>
      %dma_wait3A_353 = tpu.memref_squeeze %dma_wait3A_352 : memref<1x32x128xf32, #tpu.memory_space<vmem>> -> memref<32x128xf32, #tpu.memory_space<vmem>>
      %dma_wait3A_354 = arith.constant 0 : i32
      %dma_wait3A_355 = tpu.memref_slice %arg9[%add3A_85, %dma_wait3A_354] : memref<10240x128xf32, #tpu.memory_space<vmem_shared>> -> memref<32x128xf32, #tpu.memory_space<vmem_shared>>
      %dma_wait3A_356 = arith.constant 0 : i32
      %dma_wait3A_357 = tpu.memref_slice %arg9[%add3A_85, %dma_wait3A_356] : memref<10240x128xf32, #tpu.memory_space<vmem_shared>> -> memref<32x128xf32, #tpu.memory_space<vmem_shared>>
      %dma_wait3A_358 = arith.constant 0 : i32
      %dma_wait3A_359 = arith.constant 0 : i32
      %dma_wait3A_360 = tpu.memref_slice %arg8[%run_scoped3A_86, %dma_wait3A_358, %dma_wait3A_359] : memref<4x32x128xf32, #tpu.memory_space<vmem>> -> memref<1x32x128xf32, #tpu.memory_space<vmem>>
      %dma_wait3A_361 = tpu.memref_squeeze %dma_wait3A_360 : memref<1x32x128xf32, #tpu.memory_space<vmem>> -> memref<32x128xf32, #tpu.memory_space<vmem>>
      tpu.wait_dma2 semaphore(%run_scoped3A_337 : memref<!tpu.dma_semaphore, #tpu.memory_space<semaphore_mem>>) src(%dma_wait3A_361 : memref<32x128xf32, #tpu.memory_space<vmem>>) dst(%dma_wait3A_357 : memref<32x128xf32, #tpu.memory_space<vmem_shared>>)
      tpu.yield
    }) : () -> ()
    %mul3A_87 = arith.constant 640 : i32
    %mul3A_88 = arith.muli %arg1, %mul3A_87 : i32
    %add3A_89 = arith.constant 544 : i32
    %add3A_90 = arith.addi %mul3A_88, %add3A_89 : i32
    %run_scoped3A_91 = arith.constant 0 : i32
    "tpu.region"() ({
      %run_scoped3A_337 = tpu.sem_alloc : memref<!tpu.dma_semaphore, #tpu.memory_space<semaphore_mem>>
      %dma_start3A_338 = arith.constant 0 : i32
      %dma_start3A_339 = arith.constant 0 : i32
      %dma_start3A_340 = tpu.memref_slice %arg8[%run_scoped3A_91, %dma_start3A_338, %dma_start3A_339] : memref<4x32x128xf32, #tpu.memory_space<vmem>> -> memref<1x32x128xf32, #tpu.memory_space<vmem>>
      %dma_start3A_341 = tpu.memref_squeeze %dma_start3A_340 : memref<1x32x128xf32, #tpu.memory_space<vmem>> -> memref<32x128xf32, #tpu.memory_space<vmem>>
      %dma_start3A_342 = arith.constant 0 : i32
      %dma_start3A_343 = tpu.memref_slice %arg9[%add3A_90, %dma_start3A_342] : memref<10240x128xf32, #tpu.memory_space<vmem_shared>> -> memref<32x128xf32, #tpu.memory_space<vmem_shared>>
      %dma_start3A_344 = arith.constant 0 : i32
      %dma_start3A_345 = tpu.memref_slice %arg9[%add3A_90, %dma_start3A_344] : memref<10240x128xf32, #tpu.memory_space<vmem_shared>> -> memref<32x128xf32, #tpu.memory_space<vmem_shared>>
      %dma_start3A_346 = arith.constant 0 : i32
      %dma_start3A_347 = arith.constant 0 : i32
      %dma_start3A_348 = tpu.memref_slice %arg8[%run_scoped3A_91, %dma_start3A_346, %dma_start3A_347] : memref<4x32x128xf32, #tpu.memory_space<vmem>> -> memref<1x32x128xf32, #tpu.memory_space<vmem>>
      %dma_start3A_349 = tpu.memref_squeeze %dma_start3A_348 : memref<1x32x128xf32, #tpu.memory_space<vmem>> -> memref<32x128xf32, #tpu.memory_space<vmem>>
      tpu.enqueue_dma source(%dma_start3A_349 : memref<32x128xf32, #tpu.memory_space<vmem>>) target(%dma_start3A_345 : memref<32x128xf32, #tpu.memory_space<vmem_shared>>) target_semaphore(%run_scoped3A_337 : memref<!tpu.dma_semaphore, #tpu.memory_space<semaphore_mem>>)
      %dma_wait3A_350 = arith.constant 0 : i32
      %dma_wait3A_351 = arith.constant 0 : i32
      %dma_wait3A_352 = tpu.memref_slice %arg8[%run_scoped3A_91, %dma_wait3A_350, %dma_wait3A_351] : memref<4x32x128xf32, #tpu.memory_space<vmem>> -> memref<1x32x128xf32, #tpu.memory_space<vmem>>
      %dma_wait3A_353 = tpu.memref_squeeze %dma_wait3A_352 : memref<1x32x128xf32, #tpu.memory_space<vmem>> -> memref<32x128xf32, #tpu.memory_space<vmem>>
      %dma_wait3A_354 = arith.constant 0 : i32
      %dma_wait3A_355 = tpu.memref_slice %arg9[%add3A_90, %dma_wait3A_354] : memref<10240x128xf32, #tpu.memory_space<vmem_shared>> -> memref<32x128xf32, #tpu.memory_space<vmem_shared>>
      %dma_wait3A_356 = arith.constant 0 : i32
      %dma_wait3A_357 = tpu.memref_slice %arg9[%add3A_90, %dma_wait3A_356] : memref<10240x128xf32, #tpu.memory_space<vmem_shared>> -> memref<32x128xf32, #tpu.memory_space<vmem_shared>>
      %dma_wait3A_358 = arith.constant 0 : i32
      %dma_wait3A_359 = arith.constant 0 : i32
      %dma_wait3A_360 = tpu.memref_slice %arg8[%run_scoped3A_91, %dma_wait3A_358, %dma_wait3A_359] : memref<4x32x128xf32, #tpu.memory_space<vmem>> -> memref<1x32x128xf32, #tpu.memory_space<vmem>>
      %dma_wait3A_361 = tpu.memref_squeeze %dma_wait3A_360 : memref<1x32x128xf32, #tpu.memory_space<vmem>> -> memref<32x128xf32, #tpu.memory_space<vmem>>
      tpu.wait_dma2 semaphore(%run_scoped3A_337 : memref<!tpu.dma_semaphore, #tpu.memory_space<semaphore_mem>>) src(%dma_wait3A_361 : memref<32x128xf32, #tpu.memory_space<vmem>>) dst(%dma_wait3A_357 : memref<32x128xf32, #tpu.memory_space<vmem_shared>>)
      tpu.yield
    }) : () -> ()
    %mul3A_92 = arith.constant 640 : i32
    %mul3A_93 = arith.muli %arg1, %mul3A_92 : i32
    %add3A_94 = arith.constant 576 : i32
    %add3A_95 = arith.addi %mul3A_93, %add3A_94 : i32
    %run_scoped3A_96 = arith.constant 0 : i32
    "tpu.region"() ({
      %run_scoped3A_337 = tpu.sem_alloc : memref<!tpu.dma_semaphore, #tpu.memory_space<semaphore_mem>>
      %dma_start3A_338 = arith.constant 0 : i32
      %dma_start3A_339 = arith.constant 0 : i32
      %dma_start3A_340 = tpu.memref_slice %arg8[%run_scoped3A_96, %dma_start3A_338, %dma_start3A_339] : memref<4x32x128xf32, #tpu.memory_space<vmem>> -> memref<1x32x128xf32, #tpu.memory_space<vmem>>
      %dma_start3A_341 = tpu.memref_squeeze %dma_start3A_340 : memref<1x32x128xf32, #tpu.memory_space<vmem>> -> memref<32x128xf32, #tpu.memory_space<vmem>>
      %dma_start3A_342 = arith.constant 0 : i32
      %dma_start3A_343 = tpu.memref_slice %arg9[%add3A_95, %dma_start3A_342] : memref<10240x128xf32, #tpu.memory_space<vmem_shared>> -> memref<32x128xf32, #tpu.memory_space<vmem_shared>>
      %dma_start3A_344 = arith.constant 0 : i32
      %dma_start3A_345 = tpu.memref_slice %arg9[%add3A_95, %dma_start3A_344] : memref<10240x128xf32, #tpu.memory_space<vmem_shared>> -> memref<32x128xf32, #tpu.memory_space<vmem_shared>>
      %dma_start3A_346 = arith.constant 0 : i32
      %dma_start3A_347 = arith.constant 0 : i32
      %dma_start3A_348 = tpu.memref_slice %arg8[%run_scoped3A_96, %dma_start3A_346, %dma_start3A_347] : memref<4x32x128xf32, #tpu.memory_space<vmem>> -> memref<1x32x128xf32, #tpu.memory_space<vmem>>
      %dma_start3A_349 = tpu.memref_squeeze %dma_start3A_348 : memref<1x32x128xf32, #tpu.memory_space<vmem>> -> memref<32x128xf32, #tpu.memory_space<vmem>>
      tpu.enqueue_dma source(%dma_start3A_349 : memref<32x128xf32, #tpu.memory_space<vmem>>) target(%dma_start3A_345 : memref<32x128xf32, #tpu.memory_space<vmem_shared>>) target_semaphore(%run_scoped3A_337 : memref<!tpu.dma_semaphore, #tpu.memory_space<semaphore_mem>>)
      %dma_wait3A_350 = arith.constant 0 : i32
      %dma_wait3A_351 = arith.constant 0 : i32
      %dma_wait3A_352 = tpu.memref_slice %arg8[%run_scoped3A_96, %dma_wait3A_350, %dma_wait3A_351] : memref<4x32x128xf32, #tpu.memory_space<vmem>> -> memref<1x32x128xf32, #tpu.memory_space<vmem>>
      %dma_wait3A_353 = tpu.memref_squeeze %dma_wait3A_352 : memref<1x32x128xf32, #tpu.memory_space<vmem>> -> memref<32x128xf32, #tpu.memory_space<vmem>>
      %dma_wait3A_354 = arith.constant 0 : i32
      %dma_wait3A_355 = tpu.memref_slice %arg9[%add3A_95, %dma_wait3A_354] : memref<10240x128xf32, #tpu.memory_space<vmem_shared>> -> memref<32x128xf32, #tpu.memory_space<vmem_shared>>
      %dma_wait3A_356 = arith.constant 0 : i32
      %dma_wait3A_357 = tpu.memref_slice %arg9[%add3A_95, %dma_wait3A_356] : memref<10240x128xf32, #tpu.memory_space<vmem_shared>> -> memref<32x128xf32, #tpu.memory_space<vmem_shared>>
      %dma_wait3A_358 = arith.constant 0 : i32
      %dma_wait3A_359 = arith.constant 0 : i32
      %dma_wait3A_360 = tpu.memref_slice %arg8[%run_scoped3A_96, %dma_wait3A_358, %dma_wait3A_359] : memref<4x32x128xf32, #tpu.memory_space<vmem>> -> memref<1x32x128xf32, #tpu.memory_space<vmem>>
      %dma_wait3A_361 = tpu.memref_squeeze %dma_wait3A_360 : memref<1x32x128xf32, #tpu.memory_space<vmem>> -> memref<32x128xf32, #tpu.memory_space<vmem>>
      tpu.wait_dma2 semaphore(%run_scoped3A_337 : memref<!tpu.dma_semaphore, #tpu.memory_space<semaphore_mem>>) src(%dma_wait3A_361 : memref<32x128xf32, #tpu.memory_space<vmem>>) dst(%dma_wait3A_357 : memref<32x128xf32, #tpu.memory_space<vmem_shared>>)
      tpu.yield
    }) : () -> ()
    %mul3A_97 = arith.constant 640 : i32
    %mul3A_98 = arith.muli %arg1, %mul3A_97 : i32
    %add3A_99 = arith.constant 608 : i32
    %add3A_100 = arith.addi %mul3A_98, %add3A_99 : i32
    %run_scoped3A_101 = arith.constant 0 : i32
    "tpu.region"() ({
      %run_scoped3A_337 = tpu.sem_alloc : memref<!tpu.dma_semaphore, #tpu.memory_space<semaphore_mem>>
      %dma_start3A_338 = arith.constant 0 : i32
      %dma_start3A_339 = arith.constant 0 : i32
      %dma_start3A_340 = tpu.memref_slice %arg8[%run_scoped3A_101, %dma_start3A_338, %dma_start3A_339] : memref<4x32x128xf32, #tpu.memory_space<vmem>> -> memref<1x32x128xf32, #tpu.memory_space<vmem>>
      %dma_start3A_341 = tpu.memref_squeeze %dma_start3A_340 : memref<1x32x128xf32, #tpu.memory_space<vmem>> -> memref<32x128xf32, #tpu.memory_space<vmem>>
      %dma_start3A_342 = arith.constant 0 : i32
      %dma_start3A_343 = tpu.memref_slice %arg9[%add3A_100, %dma_start3A_342] : memref<10240x128xf32, #tpu.memory_space<vmem_shared>> -> memref<32x128xf32, #tpu.memory_space<vmem_shared>>
      %dma_start3A_344 = arith.constant 0 : i32
      %dma_start3A_345 = tpu.memref_slice %arg9[%add3A_100, %dma_start3A_344] : memref<10240x128xf32, #tpu.memory_space<vmem_shared>> -> memref<32x128xf32, #tpu.memory_space<vmem_shared>>
      %dma_start3A_346 = arith.constant 0 : i32
      %dma_start3A_347 = arith.constant 0 : i32
      %dma_start3A_348 = tpu.memref_slice %arg8[%run_scoped3A_101, %dma_start3A_346, %dma_start3A_347] : memref<4x32x128xf32, #tpu.memory_space<vmem>> -> memref<1x32x128xf32, #tpu.memory_space<vmem>>
      %dma_start3A_349 = tpu.memref_squeeze %dma_start3A_348 : memref<1x32x128xf32, #tpu.memory_space<vmem>> -> memref<32x128xf32, #tpu.memory_space<vmem>>
      tpu.enqueue_dma source(%dma_start3A_349 : memref<32x128xf32, #tpu.memory_space<vmem>>) target(%dma_start3A_345 : memref<32x128xf32, #tpu.memory_space<vmem_shared>>) target_semaphore(%run_scoped3A_337 : memref<!tpu.dma_semaphore, #tpu.memory_space<semaphore_mem>>)
      %dma_wait3A_350 = arith.constant 0 : i32
      %dma_wait3A_351 = arith.constant 0 : i32
      %dma_wait3A_352 = tpu.memref_slice %arg8[%run_scoped3A_101, %dma_wait3A_350, %dma_wait3A_351] : memref<4x32x128xf32, #tpu.memory_space<vmem>> -> memref<1x32x128xf32, #tpu.memory_space<vmem>>
      %dma_wait3A_353 = tpu.memref_squeeze %dma_wait3A_352 : memref<1x32x128xf32, #tpu.memory_space<vmem>> -> memref<32x128xf32, #tpu.memory_space<vmem>>
      %dma_wait3A_354 = arith.constant 0 : i32
      %dma_wait3A_355 = tpu.memref_slice %arg9[%add3A_100, %dma_wait3A_354] : memref<10240x128xf32, #tpu.memory_space<vmem_shared>> -> memref<32x128xf32, #tpu.memory_space<vmem_shared>>
      %dma_wait3A_356 = arith.constant 0 : i32
      %dma_wait3A_357 = tpu.memref_slice %arg9[%add3A_100, %dma_wait3A_356] : memref<10240x128xf32, #tpu.memory_space<vmem_shared>> -> memref<32x128xf32, #tpu.memory_space<vmem_shared>>
      %dma_wait3A_358 = arith.constant 0 : i32
      %dma_wait3A_359 = arith.constant 0 : i32
      %dma_wait3A_360 = tpu.memref_slice %arg8[%run_scoped3A_101, %dma_wait3A_358, %dma_wait3A_359] : memref<4x32x128xf32, #tpu.memory_space<vmem>> -> memref<1x32x128xf32, #tpu.memory_space<vmem>>
      %dma_wait3A_361 = tpu.memref_squeeze %dma_wait3A_360 : memref<1x32x128xf32, #tpu.memory_space<vmem>> -> memref<32x128xf32, #tpu.memory_space<vmem>>
      tpu.wait_dma2 semaphore(%run_scoped3A_337 : memref<!tpu.dma_semaphore, #tpu.memory_space<semaphore_mem>>) src(%dma_wait3A_361 : memref<32x128xf32, #tpu.memory_space<vmem>>) dst(%dma_wait3A_357 : memref<32x128xf32, #tpu.memory_space<vmem_shared>>)
      tpu.yield
    }) : () -> ()
    %barrier3A = arith.constant 0 : index
    tpu.barrier barrier_id(%barrier3A)
    %mul3A_102 = arith.constant 0 : i32
    %mul3A_103 = arith.constant 8 : i32
    %mul3A_104 = arith.muli %mul3A_102, %mul3A_103 : i32
    %dma_start3A = arith.constant 0 : i32
    %dma_start3A_105 = arith.constant 0 : i32
    %dma_start3A_106 = arith.constant 0 : i32
    %dma_start3A_107 = tpu.memref_slice %arg6[%dma_start3A, %dma_start3A_105, %dma_start3A_106] : memref<2x8x32xi32, #tpu.memory_space<vmem>> -> memref<1x8x32xi32, #tpu.memory_space<vmem>>
    %dma_start3A_108 = tpu.memref_squeeze %dma_start3A_107 : memref<1x8x32xi32, #tpu.memory_space<vmem>> -> memref<8x32xi32, #tpu.memory_space<vmem>>
    %dma_start3A_109 = arith.constant 0 : i32
    %dma_start3A_110 = tpu.memref_slice %arg2[%arg0, %arg1, %mul3A_104, %dma_start3A_109] : memref<2x16x632x32xi32, #tpu.memory_space<hbm>> -> memref<1x1x8x32xi32, #tpu.memory_space<hbm>>
    %dma_start3A_111 = tpu.memref_squeeze %dma_start3A_110 : memref<1x1x8x32xi32, #tpu.memory_space<hbm>> -> memref<8x32xi32, #tpu.memory_space<hbm>>
    %dma_start3A_112 = arith.constant 0 : i32
    %dma_start3A_113 = arith.constant 0 : i32
    %dma_start3A_114 = tpu.memref_slice %arg6[%dma_start3A, %dma_start3A_112, %dma_start3A_113] : memref<2x8x32xi32, #tpu.memory_space<vmem>> -> memref<1x8x32xi32, #tpu.memory_space<vmem>>
    %dma_start3A_115 = tpu.memref_squeeze %dma_start3A_114 : memref<1x8x32xi32, #tpu.memory_space<vmem>> -> memref<8x32xi32, #tpu.memory_space<vmem>>
    %dma_start3A_116 = arith.constant 0 : i32
    %dma_start3A_117 = tpu.memref_slice %arg2[%arg0, %arg1, %mul3A_104, %dma_start3A_116] : memref<2x16x632x32xi32, #tpu.memory_space<hbm>> -> memref<1x1x8x32xi32, #tpu.memory_space<hbm>>
    %dma_start3A_118 = tpu.memref_squeeze %dma_start3A_117 : memref<1x1x8x32xi32, #tpu.memory_space<hbm>> -> memref<8x32xi32, #tpu.memory_space<hbm>>
    tpu.enqueue_dma source(%dma_start3A_118 : memref<8x32xi32, #tpu.memory_space<hbm>>) target(%dma_start3A_115 : memref<8x32xi32, #tpu.memory_space<vmem>>) target_semaphore(%arg18 : memref<!tpu.dma_semaphore, #tpu.memory_space<semaphore_mem>>)
    %mul3A_119 = arith.constant 0 : i32
    %mul3A_120 = arith.constant 8 : i32
    %mul3A_121 = arith.muli %mul3A_119, %mul3A_120 : i32
    %dma_start3A_122 = arith.constant 0 : i32
    %dma_start3A_123 = arith.constant 0 : i32
    %dma_start3A_124 = arith.constant 0 : i32
    %dma_start3A_125 = tpu.memref_slice %arg7[%dma_start3A_122, %dma_start3A_123, %dma_start3A_124] : memref<2x8x32xi32, #tpu.memory_space<vmem>> -> memref<1x8x32xi32, #tpu.memory_space<vmem>>
    %dma_start3A_126 = tpu.memref_squeeze %dma_start3A_125 : memref<1x8x32xi32, #tpu.memory_space<vmem>> -> memref<8x32xi32, #tpu.memory_space<vmem>>
    %dma_start3A_127 = arith.constant 0 : i32
    %dma_start3A_128 = tpu.memref_slice %arg3[%arg0, %arg1, %mul3A_121, %dma_start3A_127] : memref<2x16x632x32xi32, #tpu.memory_space<hbm>> -> memref<1x1x8x32xi32, #tpu.memory_space<hbm>>
    %dma_start3A_129 = tpu.memref_squeeze %dma_start3A_128 : memref<1x1x8x32xi32, #tpu.memory_space<hbm>> -> memref<8x32xi32, #tpu.memory_space<hbm>>
    %dma_start3A_130 = arith.constant 0 : i32
    %dma_start3A_131 = arith.constant 0 : i32
    %dma_start3A_132 = tpu.memref_slice %arg7[%dma_start3A_122, %dma_start3A_130, %dma_start3A_131] : memref<2x8x32xi32, #tpu.memory_space<vmem>> -> memref<1x8x32xi32, #tpu.memory_space<vmem>>
    %dma_start3A_133 = tpu.memref_squeeze %dma_start3A_132 : memref<1x8x32xi32, #tpu.memory_space<vmem>> -> memref<8x32xi32, #tpu.memory_space<vmem>>
    %dma_start3A_134 = arith.constant 0 : i32
    %dma_start3A_135 = tpu.memref_slice %arg3[%arg0, %arg1, %mul3A_121, %dma_start3A_134] : memref<2x16x632x32xi32, #tpu.memory_space<hbm>> -> memref<1x1x8x32xi32, #tpu.memory_space<hbm>>
    %dma_start3A_136 = tpu.memref_squeeze %dma_start3A_135 : memref<1x1x8x32xi32, #tpu.memory_space<hbm>> -> memref<8x32xi32, #tpu.memory_space<hbm>>
    tpu.enqueue_dma source(%dma_start3A_136 : memref<8x32xi32, #tpu.memory_space<hbm>>) target(%dma_start3A_133 : memref<8x32xi32, #tpu.memory_space<vmem>>) target_semaphore(%arg19 : memref<!tpu.dma_semaphore, #tpu.memory_space<semaphore_mem>>)
    %dma_wait3A = arith.constant 0 : i32
    %dma_wait3A_137 = arith.constant 0 : i32
    %dma_wait3A_138 = arith.constant 0 : i32
    %dma_wait3A_139 = tpu.memref_slice %arg6[%dma_wait3A, %dma_wait3A_137, %dma_wait3A_138] : memref<2x8x32xi32, #tpu.memory_space<vmem>> -> memref<1x8x32xi32, #tpu.memory_space<vmem>>
    %dma_wait3A_140 = tpu.memref_squeeze %dma_wait3A_139 : memref<1x8x32xi32, #tpu.memory_space<vmem>> -> memref<8x32xi32, #tpu.memory_space<vmem>>
    %dma_wait3A_141 = arith.constant 0 : i32
    %dma_wait3A_142 = arith.constant 0 : i32
    %dma_wait3A_143 = tpu.memref_slice %arg2[%arg0, %arg1, %dma_wait3A_141, %dma_wait3A_142] : memref<2x16x632x32xi32, #tpu.memory_space<hbm>> -> memref<1x1x8x32xi32, #tpu.memory_space<hbm>>
    %dma_wait3A_144 = tpu.memref_squeeze %dma_wait3A_143 : memref<1x1x8x32xi32, #tpu.memory_space<hbm>> -> memref<8x32xi32, #tpu.memory_space<hbm>>
    %dma_wait3A_145 = arith.constant 0 : i32
    %dma_wait3A_146 = arith.constant 0 : i32
    %dma_wait3A_147 = tpu.memref_slice %arg6[%dma_wait3A, %dma_wait3A_145, %dma_wait3A_146] : memref<2x8x32xi32, #tpu.memory_space<vmem>> -> memref<1x8x32xi32, #tpu.memory_space<vmem>>
    %dma_wait3A_148 = tpu.memref_squeeze %dma_wait3A_147 : memref<1x8x32xi32, #tpu.memory_space<vmem>> -> memref<8x32xi32, #tpu.memory_space<vmem>>
    %dma_wait3A_149 = arith.constant 0 : i32
    %dma_wait3A_150 = arith.constant 0 : i32
    %dma_wait3A_151 = tpu.memref_slice %arg2[%arg0, %arg1, %dma_wait3A_149, %dma_wait3A_150] : memref<2x16x632x32xi32, #tpu.memory_space<hbm>> -> memref<1x1x8x32xi32, #tpu.memory_space<hbm>>
    %dma_wait3A_152 = tpu.memref_squeeze %dma_wait3A_151 : memref<1x1x8x32xi32, #tpu.memory_space<hbm>> -> memref<8x32xi32, #tpu.memory_space<hbm>>
    tpu.wait_dma2 semaphore(%arg18 : memref<!tpu.dma_semaphore, #tpu.memory_space<semaphore_mem>>) src(%dma_wait3A_152 : memref<8x32xi32, #tpu.memory_space<hbm>>) dst(%dma_wait3A_148 : memref<8x32xi32, #tpu.memory_space<vmem>>)
    %dma_wait3A_153 = arith.constant 0 : i32
    %dma_wait3A_154 = arith.constant 0 : i32
    %dma_wait3A_155 = arith.constant 0 : i32
    %dma_wait3A_156 = tpu.memref_slice %arg7[%dma_wait3A_153, %dma_wait3A_154, %dma_wait3A_155] : memref<2x8x32xi32, #tpu.memory_space<vmem>> -> memref<1x8x32xi32, #tpu.memory_space<vmem>>
    %dma_wait3A_157 = tpu.memref_squeeze %dma_wait3A_156 : memref<1x8x32xi32, #tpu.memory_space<vmem>> -> memref<8x32xi32, #tpu.memory_space<vmem>>
    %dma_wait3A_158 = arith.constant 0 : i32
    %dma_wait3A_159 = arith.constant 0 : i32
    %dma_wait3A_160 = tpu.memref_slice %arg3[%arg0, %arg1, %dma_wait3A_158, %dma_wait3A_159] : memref<2x16x632x32xi32, #tpu.memory_space<hbm>> -> memref<1x1x8x32xi32, #tpu.memory_space<hbm>>
    %dma_wait3A_161 = tpu.memref_squeeze %dma_wait3A_160 : memref<1x1x8x32xi32, #tpu.memory_space<hbm>> -> memref<8x32xi32, #tpu.memory_space<hbm>>
    %dma_wait3A_162 = arith.constant 0 : i32
    %dma_wait3A_163 = arith.constant 0 : i32
    %dma_wait3A_164 = tpu.memref_slice %arg7[%dma_wait3A_153, %dma_wait3A_162, %dma_wait3A_163] : memref<2x8x32xi32, #tpu.memory_space<vmem>> -> memref<1x8x32xi32, #tpu.memory_space<vmem>>
    %dma_wait3A_165 = tpu.memref_squeeze %dma_wait3A_164 : memref<1x8x32xi32, #tpu.memory_space<vmem>> -> memref<8x32xi32, #tpu.memory_space<vmem>>
    %dma_wait3A_166 = arith.constant 0 : i32
    %dma_wait3A_167 = arith.constant 0 : i32
    %dma_wait3A_168 = tpu.memref_slice %arg3[%arg0, %arg1, %dma_wait3A_166, %dma_wait3A_167] : memref<2x16x632x32xi32, #tpu.memory_space<hbm>> -> memref<1x1x8x32xi32, #tpu.memory_space<hbm>>
    %dma_wait3A_169 = tpu.memref_squeeze %dma_wait3A_168 : memref<1x1x8x32xi32, #tpu.memory_space<hbm>> -> memref<8x32xi32, #tpu.memory_space<hbm>>
    tpu.wait_dma2 semaphore(%arg19 : memref<!tpu.dma_semaphore, #tpu.memory_space<semaphore_mem>>) src(%dma_wait3A_169 : memref<8x32xi32, #tpu.memory_space<hbm>>) dst(%dma_wait3A_165 : memref<8x32xi32, #tpu.memory_space<vmem>>)
    %dma_start3A_170 = arith.constant 0 : i32
    %dma_start3A_171 = arith.constant 0 : i32
    %dma_start3A_172 = arith.constant 0 : i32
    %dma_start3A_173 = arith.constant 0 : i32
    %dma_start3A_174 = arith.constant 0 : i32
    %dma_start3A_175 = tpu.memref_slice %arg8[%dma_start3A_172, %dma_start3A_173, %dma_start3A_174] : memref<4x32x128xf32, #tpu.memory_space<vmem>> -> memref<1x32x128xf32, #tpu.memory_space<vmem>>
    %dma_start3A_176 = tpu.memref_squeeze %dma_start3A_175 : memref<1x32x128xf32, #tpu.memory_space<vmem>> -> memref<32x128xf32, #tpu.memory_space<vmem>>
    %dma_start3A_177 = arith.constant 0 : i32
    %dma_start3A_178 = tpu.memref_slice %arg6[%dma_start3A_170, %dma_start3A_171, %dma_start3A_177] : memref<2x8x32xi32, #tpu.memory_space<vmem>> -> memref<1x1x32xi32, #tpu.memory_space<vmem>>
    %dma_start3A_179 = tpu.memref_squeeze %dma_start3A_178 : memref<1x1x32xi32, #tpu.memory_space<vmem>> -> memref<32xi32, #tpu.memory_space<vmem>>
    %dma_start3A_180 = arith.constant 0 : i32
    %dma_start3A_181 = arith.constant 0 : i32
    %dma_start3A_182 = tpu.memref_slice %arg4[%dma_start3A_180, %dma_start3A_181] : memref<20000x128xf32, #tpu.memory_space<hbm>> -> memref<20000x128xf32, #tpu.memory_space<hbm>>
    tpu.enqueue_indirect_dma source(%dma_start3A_182 : memref<20000x128xf32, #tpu.memory_space<hbm>>) target(%dma_start3A_176 : memref<32x128xf32, #tpu.memory_space<vmem>>) offsets(%dma_start3A_179 : memref<32xi32, #tpu.memory_space<vmem>>) semaphore(%arg10 : memref<!tpu.dma_semaphore, #tpu.memory_space<semaphore_mem>>)
    %dma_start3A_183 = arith.constant 0 : i32
    %dma_start3A_184 = arith.constant 1 : i32
    %dma_start3A_185 = arith.constant 1 : i32
    %dma_start3A_186 = arith.constant 0 : i32
    %dma_start3A_187 = arith.constant 0 : i32
    %dma_start3A_188 = tpu.memref_slice %arg8[%dma_start3A_185, %dma_start3A_186, %dma_start3A_187] : memref<4x32x128xf32, #tpu.memory_space<vmem>> -> memref<1x32x128xf32, #tpu.memory_space<vmem>>
    %dma_start3A_189 = tpu.memref_squeeze %dma_start3A_188 : memref<1x32x128xf32, #tpu.memory_space<vmem>> -> memref<32x128xf32, #tpu.memory_space<vmem>>
    %dma_start3A_190 = arith.constant 0 : i32
    %dma_start3A_191 = tpu.memref_slice %arg6[%dma_start3A_183, %dma_start3A_184, %dma_start3A_190] : memref<2x8x32xi32, #tpu.memory_space<vmem>> -> memref<1x1x32xi32, #tpu.memory_space<vmem>>
    %dma_start3A_192 = tpu.memref_squeeze %dma_start3A_191 : memref<1x1x32xi32, #tpu.memory_space<vmem>> -> memref<32xi32, #tpu.memory_space<vmem>>
    %dma_start3A_193 = arith.constant 0 : i32
    %dma_start3A_194 = arith.constant 0 : i32
    %dma_start3A_195 = tpu.memref_slice %arg4[%dma_start3A_193, %dma_start3A_194] : memref<20000x128xf32, #tpu.memory_space<hbm>> -> memref<20000x128xf32, #tpu.memory_space<hbm>>
    tpu.enqueue_indirect_dma source(%dma_start3A_195 : memref<20000x128xf32, #tpu.memory_space<hbm>>) target(%dma_start3A_189 : memref<32x128xf32, #tpu.memory_space<vmem>>) offsets(%dma_start3A_192 : memref<32xi32, #tpu.memory_space<vmem>>) semaphore(%arg11 : memref<!tpu.dma_semaphore, #tpu.memory_space<semaphore_mem>>)
    %dma_start3A_196 = arith.constant 0 : i32
    %dma_start3A_197 = arith.constant 2 : i32
    %dma_start3A_198 = arith.constant 2 : i32
    %dma_start3A_199 = arith.constant 0 : i32
    %dma_start3A_200 = arith.constant 0 : i32
    %dma_start3A_201 = tpu.memref_slice %arg8[%dma_start3A_198, %dma_start3A_199, %dma_start3A_200] : memref<4x32x128xf32, #tpu.memory_space<vmem>> -> memref<1x32x128xf32, #tpu.memory_space<vmem>>
    %dma_start3A_202 = tpu.memref_squeeze %dma_start3A_201 : memref<1x32x128xf32, #tpu.memory_space<vmem>> -> memref<32x128xf32, #tpu.memory_space<vmem>>
    %dma_start3A_203 = arith.constant 0 : i32
    %dma_start3A_204 = tpu.memref_slice %arg6[%dma_start3A_196, %dma_start3A_197, %dma_start3A_203] : memref<2x8x32xi32, #tpu.memory_space<vmem>> -> memref<1x1x32xi32, #tpu.memory_space<vmem>>
    %dma_start3A_205 = tpu.memref_squeeze %dma_start3A_204 : memref<1x1x32xi32, #tpu.memory_space<vmem>> -> memref<32xi32, #tpu.memory_space<vmem>>
    %dma_start3A_206 = arith.constant 0 : i32
    %dma_start3A_207 = arith.constant 0 : i32
    %dma_start3A_208 = tpu.memref_slice %arg4[%dma_start3A_206, %dma_start3A_207] : memref<20000x128xf32, #tpu.memory_space<hbm>> -> memref<20000x128xf32, #tpu.memory_space<hbm>>
    tpu.enqueue_indirect_dma source(%dma_start3A_208 : memref<20000x128xf32, #tpu.memory_space<hbm>>) target(%dma_start3A_202 : memref<32x128xf32, #tpu.memory_space<vmem>>) offsets(%dma_start3A_205 : memref<32xi32, #tpu.memory_space<vmem>>) semaphore(%arg12 : memref<!tpu.dma_semaphore, #tpu.memory_space<semaphore_mem>>)
    %dma_wait3A_209 = arith.constant 0 : i32
    %dma_wait3A_210 = arith.constant 0 : i32
    %dma_wait3A_211 = arith.constant 0 : i32
    %dma_wait3A_212 = arith.constant 0 : i32
    %dma_wait3A_213 = arith.constant 0 : i32
    %dma_wait3A_214 = tpu.memref_slice %arg8[%dma_wait3A_211, %dma_wait3A_212, %dma_wait3A_213] : memref<4x32x128xf32, #tpu.memory_space<vmem>> -> memref<1x32x128xf32, #tpu.memory_space<vmem>>
    %dma_wait3A_215 = tpu.memref_squeeze %dma_wait3A_214 : memref<1x32x128xf32, #tpu.memory_space<vmem>> -> memref<32x128xf32, #tpu.memory_space<vmem>>
    %dma_wait3A_216 = arith.constant 0 : i32
    %dma_wait3A_217 = tpu.memref_slice %arg6[%dma_wait3A_209, %dma_wait3A_210, %dma_wait3A_216] : memref<2x8x32xi32, #tpu.memory_space<vmem>> -> memref<1x1x32xi32, #tpu.memory_space<vmem>>
    %dma_wait3A_218 = tpu.memref_squeeze %dma_wait3A_217 : memref<1x1x32xi32, #tpu.memory_space<vmem>> -> memref<32xi32, #tpu.memory_space<vmem>>
    %dma_wait3A_219 = arith.constant 0 : i32
    %dma_wait3A_220 = arith.constant 0 : i32
    %dma_wait3A_221 = tpu.memref_slice %arg4[%dma_wait3A_219, %dma_wait3A_220] : memref<20000x128xf32, #tpu.memory_space<hbm>> -> memref<20000x128xf32, #tpu.memory_space<hbm>>
    tpu.wait_indirect_dma semaphore(%arg10 : memref<!tpu.dma_semaphore, #tpu.memory_space<semaphore_mem>>) src(%dma_wait3A_221 : memref<20000x128xf32, #tpu.memory_space<hbm>>) dst(%dma_wait3A_215 : memref<32x128xf32, #tpu.memory_space<vmem>>)
    %dma_start3A_222 = arith.constant 0 : i32
    %dma_start3A_223 = arith.constant 0 : i32
    %dma_start3A_224 = arith.constant 0 : i32
    %dma_start3A_225 = arith.constant 0 : i32
    %dma_start3A_226 = arith.constant 0 : i32
    %dma_start3A_227 = tpu.memref_slice %arg8[%dma_start3A_222, %dma_start3A_225, %dma_start3A_226] : memref<4x32x128xf32, #tpu.memory_space<vmem>> -> memref<1x32x128xf32, #tpu.memory_space<vmem>>
    %dma_start3A_228 = tpu.memref_squeeze %dma_start3A_227 : memref<1x32x128xf32, #tpu.memory_space<vmem>> -> memref<32x128xf32, #tpu.memory_space<vmem>>
    %dma_start3A_229 = arith.constant 0 : i32
    %dma_start3A_230 = tpu.memref_slice %arg7[%dma_start3A_223, %dma_start3A_224, %dma_start3A_229] : memref<2x8x32xi32, #tpu.memory_space<vmem>> -> memref<1x1x32xi32, #tpu.memory_space<vmem>>
    %dma_start3A_231 = tpu.memref_squeeze %dma_start3A_230 : memref<1x1x32xi32, #tpu.memory_space<vmem>> -> memref<32xi32, #tpu.memory_space<vmem>>
    %dma_start3A_232 = arith.constant 0 : i32
    %dma_start3A_233 = arith.constant 0 : i32
    %dma_start3A_234 = tpu.memref_slice %arg9[%dma_start3A_232, %dma_start3A_233] : memref<10240x128xf32, #tpu.memory_space<vmem_shared>> -> memref<10240x128xf32, #tpu.memory_space<vmem_shared>>
    tpu.enqueue_indirect_dma source(%dma_start3A_228 : memref<32x128xf32, #tpu.memory_space<vmem>>) target(%dma_start3A_234 : memref<10240x128xf32, #tpu.memory_space<vmem_shared>>) offsets(%dma_start3A_231 : memref<32xi32, #tpu.memory_space<vmem>>) semaphore(%arg14 : memref<!tpu.dma_semaphore, #tpu.memory_space<semaphore_mem>>) {add = true}
    %dma_start3A_235 = arith.constant 0 : i32
    %dma_start3A_236 = arith.constant 3 : i32
    %dma_start3A_237 = arith.constant 3 : i32
    %dma_start3A_238 = arith.constant 0 : i32
    %dma_start3A_239 = arith.constant 0 : i32
    %dma_start3A_240 = tpu.memref_slice %arg8[%dma_start3A_237, %dma_start3A_238, %dma_start3A_239] : memref<4x32x128xf32, #tpu.memory_space<vmem>> -> memref<1x32x128xf32, #tpu.memory_space<vmem>>
    %dma_start3A_241 = tpu.memref_squeeze %dma_start3A_240 : memref<1x32x128xf32, #tpu.memory_space<vmem>> -> memref<32x128xf32, #tpu.memory_space<vmem>>
    %dma_start3A_242 = arith.constant 0 : i32
    %dma_start3A_243 = tpu.memref_slice %arg6[%dma_start3A_235, %dma_start3A_236, %dma_start3A_242] : memref<2x8x32xi32, #tpu.memory_space<vmem>> -> memref<1x1x32xi32, #tpu.memory_space<vmem>>
    %dma_start3A_244 = tpu.memref_squeeze %dma_start3A_243 : memref<1x1x32xi32, #tpu.memory_space<vmem>> -> memref<32xi32, #tpu.memory_space<vmem>>
    %dma_start3A_245 = arith.constant 0 : i32
    %dma_start3A_246 = arith.constant 0 : i32
    %dma_start3A_247 = tpu.memref_slice %arg4[%dma_start3A_245, %dma_start3A_246] : memref<20000x128xf32, #tpu.memory_space<hbm>> -> memref<20000x128xf32, #tpu.memory_space<hbm>>
    tpu.enqueue_indirect_dma source(%dma_start3A_247 : memref<20000x128xf32, #tpu.memory_space<hbm>>) target(%dma_start3A_241 : memref<32x128xf32, #tpu.memory_space<vmem>>) offsets(%dma_start3A_244 : memref<32xi32, #tpu.memory_space<vmem>>) semaphore(%arg13 : memref<!tpu.dma_semaphore, #tpu.memory_space<semaphore_mem>>)
    %dma_wait3A_248 = arith.constant 0 : i32
    %dma_wait3A_249 = arith.constant 0 : i32
    %dma_wait3A_250 = arith.constant 1 : i32
    %dma_wait3A_251 = arith.constant 0 : i32
    %dma_wait3A_252 = arith.constant 0 : i32
    %dma_wait3A_253 = tpu.memref_slice %arg8[%dma_wait3A_250, %dma_wait3A_251, %dma_wait3A_252] : memref<4x32x128xf32, #tpu.memory_space<vmem>> -> memref<1x32x128xf32, #tpu.memory_space<vmem>>
    %dma_wait3A_254 = tpu.memref_squeeze %dma_wait3A_253 : memref<1x32x128xf32, #tpu.memory_space<vmem>> -> memref<32x128xf32, #tpu.memory_space<vmem>>
    %dma_wait3A_255 = arith.constant 0 : i32
    %dma_wait3A_256 = tpu.memref_slice %arg6[%dma_wait3A_248, %dma_wait3A_249, %dma_wait3A_255] : memref<2x8x32xi32, #tpu.memory_space<vmem>> -> memref<1x1x32xi32, #tpu.memory_space<vmem>>
    %dma_wait3A_257 = tpu.memref_squeeze %dma_wait3A_256 : memref<1x1x32xi32, #tpu.memory_space<vmem>> -> memref<32xi32, #tpu.memory_space<vmem>>
    %dma_wait3A_258 = arith.constant 0 : i32
    %dma_wait3A_259 = arith.constant 0 : i32
    %dma_wait3A_260 = tpu.memref_slice %arg4[%dma_wait3A_258, %dma_wait3A_259] : memref<20000x128xf32, #tpu.memory_space<hbm>> -> memref<20000x128xf32, #tpu.memory_space<hbm>>
    tpu.wait_indirect_dma semaphore(%arg11 : memref<!tpu.dma_semaphore, #tpu.memory_space<semaphore_mem>>) src(%dma_wait3A_260 : memref<20000x128xf32, #tpu.memory_space<hbm>>) dst(%dma_wait3A_254 : memref<32x128xf32, #tpu.memory_space<vmem>>)
    %dma_start3A_261 = arith.constant 1 : i32
    %dma_start3A_262 = arith.constant 0 : i32
    %dma_start3A_263 = arith.constant 1 : i32
    %dma_start3A_264 = arith.constant 0 : i32
    %dma_start3A_265 = arith.constant 0 : i32
    %dma_start3A_266 = tpu.memref_slice %arg8[%dma_start3A_261, %dma_start3A_264, %dma_start3A_265] : memref<4x32x128xf32, #tpu.memory_space<vmem>> -> memref<1x32x128xf32, #tpu.memory_space<vmem>>
    %dma_start3A_267 = tpu.memref_squeeze %dma_start3A_266 : memref<1x32x128xf32, #tpu.memory_space<vmem>> -> memref<32x128xf32, #tpu.memory_space<vmem>>
    %dma_start3A_268 = arith.constant 0 : i32
    %dma_start3A_269 = tpu.memref_slice %arg7[%dma_start3A_262, %dma_start3A_263, %dma_start3A_268] : memref<2x8x32xi32, #tpu.memory_space<vmem>> -> memref<1x1x32xi32, #tpu.memory_space<vmem>>
    %dma_start3A_270 = tpu.memref_squeeze %dma_start3A_269 : memref<1x1x32xi32, #tpu.memory_space<vmem>> -> memref<32xi32, #tpu.memory_space<vmem>>
    %dma_start3A_271 = arith.constant 0 : i32
    %dma_start3A_272 = arith.constant 0 : i32
    %dma_start3A_273 = tpu.memref_slice %arg9[%dma_start3A_271, %dma_start3A_272] : memref<10240x128xf32, #tpu.memory_space<vmem_shared>> -> memref<10240x128xf32, #tpu.memory_space<vmem_shared>>
    tpu.enqueue_indirect_dma source(%dma_start3A_267 : memref<32x128xf32, #tpu.memory_space<vmem>>) target(%dma_start3A_273 : memref<10240x128xf32, #tpu.memory_space<vmem_shared>>) offsets(%dma_start3A_270 : memref<32xi32, #tpu.memory_space<vmem>>) semaphore(%arg15 : memref<!tpu.dma_semaphore, #tpu.memory_space<semaphore_mem>>) {add = true}
    %scan3A_274 = arith.constant 0 : i32
    %scan3A_275 = arith.constant 0 : i32
    %scan3A_276 = arith.constant 78 : i32
    %scan3A_277 = arith.addi %scan3A_275, %scan3A_276 : i32
    %scan3A_278 = arith.constant 1 : i32
    scf.for %scan3A_337 = %scan3A_275 to %scan3A_277 step %scan3A_278  : i32 {
      %and3A = arith.constant 1 : i32
      %and3A_338 = arith.andi %scan3A_337, %and3A : i32
      %add3A_339 = arith.constant 1 : i32
      %add3A_340 = arith.addi %scan3A_337, %add3A_339 : i32
      %and3A_341 = arith.constant 1 : i32
      %and3A_342 = arith.andi %add3A_340, %and3A_341 : i32
      %add3A_343 = arith.constant 1 : i32
      %add3A_344 = arith.addi %scan3A_337, %add3A_343 : i32
      %mul3A_345 = arith.constant 8 : i32
      %mul3A_346 = arith.muli %add3A_344, %mul3A_345 : i32
      %dma_start3A_347 = arith.constant 0 : i32
      %dma_start3A_348 = arith.constant 0 : i32
      %dma_start3A_349 = tpu.memref_slice %arg6[%and3A_342, %dma_start3A_347, %dma_start3A_348] : memref<2x8x32xi32, #tpu.memory_space<vmem>> -> memref<1x8x32xi32, #tpu.memory_space<vmem>>
      %dma_start3A_350 = tpu.memref_squeeze %dma_start3A_349 : memref<1x8x32xi32, #tpu.memory_space<vmem>> -> memref<8x32xi32, #tpu.memory_space<vmem>>
      %dma_start3A_351 = arith.constant 0 : i32
      %dma_start3A_352 = tpu.memref_slice %arg2[%arg0, %arg1, %mul3A_346, %dma_start3A_351] : memref<2x16x632x32xi32, #tpu.memory_space<hbm>> -> memref<1x1x8x32xi32, #tpu.memory_space<hbm>>
      %dma_start3A_353 = tpu.memref_squeeze %dma_start3A_352 : memref<1x1x8x32xi32, #tpu.memory_space<hbm>> -> memref<8x32xi32, #tpu.memory_space<hbm>>
      %dma_start3A_354 = arith.constant 0 : i32
      %dma_start3A_355 = arith.constant 0 : i32
      %dma_start3A_356 = tpu.memref_slice %arg6[%and3A_342, %dma_start3A_354, %dma_start3A_355] : memref<2x8x32xi32, #tpu.memory_space<vmem>> -> memref<1x8x32xi32, #tpu.memory_space<vmem>>
      %dma_start3A_357 = tpu.memref_squeeze %dma_start3A_356 : memref<1x8x32xi32, #tpu.memory_space<vmem>> -> memref<8x32xi32, #tpu.memory_space<vmem>>
      %dma_start3A_358 = arith.constant 0 : i32
      %dma_start3A_359 = tpu.memref_slice %arg2[%arg0, %arg1, %mul3A_346, %dma_start3A_358] : memref<2x16x632x32xi32, #tpu.memory_space<hbm>> -> memref<1x1x8x32xi32, #tpu.memory_space<hbm>>
      %dma_start3A_360 = tpu.memref_squeeze %dma_start3A_359 : memref<1x1x8x32xi32, #tpu.memory_space<hbm>> -> memref<8x32xi32, #tpu.memory_space<hbm>>
      tpu.enqueue_dma source(%dma_start3A_360 : memref<8x32xi32, #tpu.memory_space<hbm>>) target(%dma_start3A_357 : memref<8x32xi32, #tpu.memory_space<vmem>>) target_semaphore(%arg18 : memref<!tpu.dma_semaphore, #tpu.memory_space<semaphore_mem>>)
      %mul3A_361 = arith.constant 8 : i32
      %mul3A_362 = arith.muli %add3A_344, %mul3A_361 : i32
      %dma_start3A_363 = arith.constant 0 : i32
      %dma_start3A_364 = arith.constant 0 : i32
      %dma_start3A_365 = tpu.memref_slice %arg7[%and3A_342, %dma_start3A_363, %dma_start3A_364] : memref<2x8x32xi32, #tpu.memory_space<vmem>> -> memref<1x8x32xi32, #tpu.memory_space<vmem>>
      %dma_start3A_366 = tpu.memref_squeeze %dma_start3A_365 : memref<1x8x32xi32, #tpu.memory_space<vmem>> -> memref<8x32xi32, #tpu.memory_space<vmem>>
      %dma_start3A_367 = arith.constant 0 : i32
      %dma_start3A_368 = tpu.memref_slice %arg3[%arg0, %arg1, %mul3A_362, %dma_start3A_367] : memref<2x16x632x32xi32, #tpu.memory_space<hbm>> -> memref<1x1x8x32xi32, #tpu.memory_space<hbm>>
      %dma_start3A_369 = tpu.memref_squeeze %dma_start3A_368 : memref<1x1x8x32xi32, #tpu.memory_space<hbm>> -> memref<8x32xi32, #tpu.memory_space<hbm>>
      %dma_start3A_370 = arith.constant 0 : i32
      %dma_start3A_371 = arith.constant 0 : i32
      %dma_start3A_372 = tpu.memref_slice %arg7[%and3A_342, %dma_start3A_370, %dma_start3A_371] : memref<2x8x32xi32, #tpu.memory_space<vmem>> -> memref<1x8x32xi32, #tpu.memory_space<vmem>>
      %dma_start3A_373 = tpu.memref_squeeze %dma_start3A_372 : memref<1x8x32xi32, #tpu.memory_space<vmem>> -> memref<8x32xi32, #tpu.memory_space<vmem>>
      %dma_start3A_374 = arith.constant 0 : i32
      %dma_start3A_375 = tpu.memref_slice %arg3[%arg0, %arg1, %mul3A_362, %dma_start3A_374] : memref<2x16x632x32xi32, #tpu.memory_space<hbm>> -> memref<1x1x8x32xi32, #tpu.memory_space<hbm>>
      %dma_start3A_376 = tpu.memref_squeeze %dma_start3A_375 : memref<1x1x8x32xi32, #tpu.memory_space<hbm>> -> memref<8x32xi32, #tpu.memory_space<hbm>>
      tpu.enqueue_dma source(%dma_start3A_376 : memref<8x32xi32, #tpu.memory_space<hbm>>) target(%dma_start3A_373 : memref<8x32xi32, #tpu.memory_space<vmem>>) target_semaphore(%arg19 : memref<!tpu.dma_semaphore, #tpu.memory_space<semaphore_mem>>)
      %dma_wait3A_377 = arith.constant 0 : i32
      %dma_wait3A_378 = arith.constant 0 : i32
      %dma_wait3A_379 = arith.constant 0 : i32
      %dma_wait3A_380 = arith.constant 0 : i32
      %dma_wait3A_381 = arith.constant 0 : i32
      %dma_wait3A_382 = tpu.memref_slice %arg8[%dma_wait3A_377, %dma_wait3A_380, %dma_wait3A_381] : memref<4x32x128xf32, #tpu.memory_space<vmem>> -> memref<1x32x128xf32, #tpu.memory_space<vmem>>
      %dma_wait3A_383 = tpu.memref_squeeze %dma_wait3A_382 : memref<1x32x128xf32, #tpu.memory_space<vmem>> -> memref<32x128xf32, #tpu.memory_space<vmem>>
      %dma_wait3A_384 = arith.constant 0 : i32
      %dma_wait3A_385 = tpu.memref_slice %arg7[%dma_wait3A_378, %dma_wait3A_379, %dma_wait3A_384] : memref<2x8x32xi32, #tpu.memory_space<vmem>> -> memref<1x1x32xi32, #tpu.memory_space<vmem>>
      %dma_wait3A_386 = tpu.memref_squeeze %dma_wait3A_385 : memref<1x1x32xi32, #tpu.memory_space<vmem>> -> memref<32xi32, #tpu.memory_space<vmem>>
      %dma_wait3A_387 = arith.constant 0 : i32
      %dma_wait3A_388 = arith.constant 0 : i32
      %dma_wait3A_389 = tpu.memref_slice %arg9[%dma_wait3A_387, %dma_wait3A_388] : memref<10240x128xf32, #tpu.memory_space<vmem_shared>> -> memref<10240x128xf32, #tpu.memory_space<vmem_shared>>
      tpu.wait_indirect_dma semaphore(%arg14 : memref<!tpu.dma_semaphore, #tpu.memory_space<semaphore_mem>>) src(%dma_wait3A_383 : memref<32x128xf32, #tpu.memory_space<vmem>>) dst(%dma_wait3A_389 : memref<10240x128xf32, #tpu.memory_space<vmem_shared>>)
      %dma_start3A_390 = arith.constant 4 : i32
      %dma_start3A_391 = arith.constant 0 : i32
      %dma_start3A_392 = arith.constant 0 : i32
      %dma_start3A_393 = arith.constant 0 : i32
      %dma_start3A_394 = tpu.memref_slice %arg8[%dma_start3A_391, %dma_start3A_392, %dma_start3A_393] : memref<4x32x128xf32, #tpu.memory_space<vmem>> -> memref<1x32x128xf32, #tpu.memory_space<vmem>>
      %dma_start3A_395 = tpu.memref_squeeze %dma_start3A_394 : memref<1x32x128xf32, #tpu.memory_space<vmem>> -> memref<32x128xf32, #tpu.memory_space<vmem>>
      %dma_start3A_396 = arith.constant 0 : i32
      %dma_start3A_397 = tpu.memref_slice %arg6[%and3A_338, %dma_start3A_390, %dma_start3A_396] : memref<2x8x32xi32, #tpu.memory_space<vmem>> -> memref<1x1x32xi32, #tpu.memory_space<vmem>>
      %dma_start3A_398 = tpu.memref_squeeze %dma_start3A_397 : memref<1x1x32xi32, #tpu.memory_space<vmem>> -> memref<32xi32, #tpu.memory_space<vmem>>
      %dma_start3A_399 = arith.constant 0 : i32
      %dma_start3A_400 = arith.constant 0 : i32
      %dma_start3A_401 = tpu.memref_slice %arg4[%dma_start3A_399, %dma_start3A_400] : memref<20000x128xf32, #tpu.memory_space<hbm>> -> memref<20000x128xf32, #tpu.memory_space<hbm>>
      tpu.enqueue_indirect_dma source(%dma_start3A_401 : memref<20000x128xf32, #tpu.memory_space<hbm>>) target(%dma_start3A_395 : memref<32x128xf32, #tpu.memory_space<vmem>>) offsets(%dma_start3A_398 : memref<32xi32, #tpu.memory_space<vmem>>) semaphore(%arg10 : memref<!tpu.dma_semaphore, #tpu.memory_space<semaphore_mem>>)
      %dma_wait3A_402 = arith.constant 0 : i32
      %dma_wait3A_403 = arith.constant 0 : i32
      %dma_wait3A_404 = arith.constant 2 : i32
      %dma_wait3A_405 = arith.constant 0 : i32
      %dma_wait3A_406 = arith.constant 0 : i32
      %dma_wait3A_407 = tpu.memref_slice %arg8[%dma_wait3A_404, %dma_wait3A_405, %dma_wait3A_406] : memref<4x32x128xf32, #tpu.memory_space<vmem>> -> memref<1x32x128xf32, #tpu.memory_space<vmem>>
      %dma_wait3A_408 = tpu.memref_squeeze %dma_wait3A_407 : memref<1x32x128xf32, #tpu.memory_space<vmem>> -> memref<32x128xf32, #tpu.memory_space<vmem>>
      %dma_wait3A_409 = arith.constant 0 : i32
      %dma_wait3A_410 = tpu.memref_slice %arg6[%dma_wait3A_402, %dma_wait3A_403, %dma_wait3A_409] : memref<2x8x32xi32, #tpu.memory_space<vmem>> -> memref<1x1x32xi32, #tpu.memory_space<vmem>>
      %dma_wait3A_411 = tpu.memref_squeeze %dma_wait3A_410 : memref<1x1x32xi32, #tpu.memory_space<vmem>> -> memref<32xi32, #tpu.memory_space<vmem>>
      %dma_wait3A_412 = arith.constant 0 : i32
      %dma_wait3A_413 = arith.constant 0 : i32
      %dma_wait3A_414 = tpu.memref_slice %arg4[%dma_wait3A_412, %dma_wait3A_413] : memref<20000x128xf32, #tpu.memory_space<hbm>> -> memref<20000x128xf32, #tpu.memory_space<hbm>>
      tpu.wait_indirect_dma semaphore(%arg12 : memref<!tpu.dma_semaphore, #tpu.memory_space<semaphore_mem>>) src(%dma_wait3A_414 : memref<20000x128xf32, #tpu.memory_space<hbm>>) dst(%dma_wait3A_408 : memref<32x128xf32, #tpu.memory_space<vmem>>)
      %dma_start3A_415 = arith.constant 2 : i32
      %dma_start3A_416 = arith.constant 2 : i32
      %dma_start3A_417 = arith.constant 0 : i32
      %dma_start3A_418 = arith.constant 0 : i32
      %dma_start3A_419 = tpu.memref_slice %arg8[%dma_start3A_415, %dma_start3A_417, %dma_start3A_418] : memref<4x32x128xf32, #tpu.memory_space<vmem>> -> memref<1x32x128xf32, #tpu.memory_space<vmem>>
      %dma_start3A_420 = tpu.memref_squeeze %dma_start3A_419 : memref<1x32x128xf32, #tpu.memory_space<vmem>> -> memref<32x128xf32, #tpu.memory_space<vmem>>
      %dma_start3A_421 = arith.constant 0 : i32
      %dma_start3A_422 = tpu.memref_slice %arg7[%and3A_338, %dma_start3A_416, %dma_start3A_421] : memref<2x8x32xi32, #tpu.memory_space<vmem>> -> memref<1x1x32xi32, #tpu.memory_space<vmem>>
      %dma_start3A_423 = tpu.memref_squeeze %dma_start3A_422 : memref<1x1x32xi32, #tpu.memory_space<vmem>> -> memref<32xi32, #tpu.memory_space<vmem>>
      %dma_start3A_424 = arith.constant 0 : i32
      %dma_start3A_425 = arith.constant 0 : i32
      %dma_start3A_426 = tpu.memref_slice %arg9[%dma_start3A_424, %dma_start3A_425] : memref<10240x128xf32, #tpu.memory_space<vmem_shared>> -> memref<10240x128xf32, #tpu.memory_space<vmem_shared>>
      tpu.enqueue_indirect_dma source(%dma_start3A_420 : memref<32x128xf32, #tpu.memory_space<vmem>>) target(%dma_start3A_426 : memref<10240x128xf32, #tpu.memory_space<vmem_shared>>) offsets(%dma_start3A_423 : memref<32xi32, #tpu.memory_space<vmem>>) semaphore(%arg16 : memref<!tpu.dma_semaphore, #tpu.memory_space<semaphore_mem>>) {add = true}
      %dma_wait3A_427 = arith.constant 1 : i32
      %dma_wait3A_428 = arith.constant 0 : i32
      %dma_wait3A_429 = arith.constant 0 : i32
      %dma_wait3A_430 = arith.constant 0 : i32
      %dma_wait3A_431 = arith.constant 0 : i32
      %dma_wait3A_432 = tpu.memref_slice %arg8[%dma_wait3A_427, %dma_wait3A_430, %dma_wait3A_431] : memref<4x32x128xf32, #tpu.memory_space<vmem>> -> memref<1x32x128xf32, #tpu.memory_space<vmem>>
      %dma_wait3A_433 = tpu.memref_squeeze %dma_wait3A_432 : memref<1x32x128xf32, #tpu.memory_space<vmem>> -> memref<32x128xf32, #tpu.memory_space<vmem>>
      %dma_wait3A_434 = arith.constant 0 : i32
      %dma_wait3A_435 = tpu.memref_slice %arg7[%dma_wait3A_428, %dma_wait3A_429, %dma_wait3A_434] : memref<2x8x32xi32, #tpu.memory_space<vmem>> -> memref<1x1x32xi32, #tpu.memory_space<vmem>>
      %dma_wait3A_436 = tpu.memref_squeeze %dma_wait3A_435 : memref<1x1x32xi32, #tpu.memory_space<vmem>> -> memref<32xi32, #tpu.memory_space<vmem>>
      %dma_wait3A_437 = arith.constant 0 : i32
      %dma_wait3A_438 = arith.constant 0 : i32
      %dma_wait3A_439 = tpu.memref_slice %arg9[%dma_wait3A_437, %dma_wait3A_438] : memref<10240x128xf32, #tpu.memory_space<vmem_shared>> -> memref<10240x128xf32, #tpu.memory_space<vmem_shared>>
      tpu.wait_indirect_dma semaphore(%arg15 : memref<!tpu.dma_semaphore, #tpu.memory_space<semaphore_mem>>) src(%dma_wait3A_433 : memref<32x128xf32, #tpu.memory_space<vmem>>) dst(%dma_wait3A_439 : memref<10240x128xf32, #tpu.memory_space<vmem_shared>>)
      %dma_start3A_440 = arith.constant 5 : i32
      %dma_start3A_441 = arith.constant 1 : i32
      %dma_start3A_442 = arith.constant 0 : i32
      %dma_start3A_443 = arith.constant 0 : i32
      %dma_start3A_444 = tpu.memref_slice %arg8[%dma_start3A_441, %dma_start3A_442, %dma_start3A_443] : memref<4x32x128xf32, #tpu.memory_space<vmem>> -> memref<1x32x128xf32, #tpu.memory_space<vmem>>
      %dma_start3A_445 = tpu.memref_squeeze %dma_start3A_444 : memref<1x32x128xf32, #tpu.memory_space<vmem>> -> memref<32x128xf32, #tpu.memory_space<vmem>>
      %dma_start3A_446 = arith.constant 0 : i32
      %dma_start3A_447 = tpu.memref_slice %arg6[%and3A_338, %dma_start3A_440, %dma_start3A_446] : memref<2x8x32xi32, #tpu.memory_space<vmem>> -> memref<1x1x32xi32, #tpu.memory_space<vmem>>
      %dma_start3A_448 = tpu.memref_squeeze %dma_start3A_447 : memref<1x1x32xi32, #tpu.memory_space<vmem>> -> memref<32xi32, #tpu.memory_space<vmem>>
      %dma_start3A_449 = arith.constant 0 : i32
      %dma_start3A_450 = arith.constant 0 : i32
      %dma_start3A_451 = tpu.memref_slice %arg4[%dma_start3A_449, %dma_start3A_450] : memref<20000x128xf32, #tpu.memory_space<hbm>> -> memref<20000x128xf32, #tpu.memory_space<hbm>>
      tpu.enqueue_indirect_dma source(%dma_start3A_451 : memref<20000x128xf32, #tpu.memory_space<hbm>>) target(%dma_start3A_445 : memref<32x128xf32, #tpu.memory_space<vmem>>) offsets(%dma_start3A_448 : memref<32xi32, #tpu.memory_space<vmem>>) semaphore(%arg11 : memref<!tpu.dma_semaphore, #tpu.memory_space<semaphore_mem>>)
      %dma_wait3A_452 = arith.constant 0 : i32
      %dma_wait3A_453 = arith.constant 0 : i32
      %dma_wait3A_454 = arith.constant 3 : i32
      %dma_wait3A_455 = arith.constant 0 : i32
      %dma_wait3A_456 = arith.constant 0 : i32
      %dma_wait3A_457 = tpu.memref_slice %arg8[%dma_wait3A_454, %dma_wait3A_455, %dma_wait3A_456] : memref<4x32x128xf32, #tpu.memory_space<vmem>> -> memref<1x32x128xf32, #tpu.memory_space<vmem>>
      %dma_wait3A_458 = tpu.memref_squeeze %dma_wait3A_457 : memref<1x32x128xf32, #tpu.memory_space<vmem>> -> memref<32x128xf32, #tpu.memory_space<vmem>>
      %dma_wait3A_459 = arith.constant 0 : i32
      %dma_wait3A_460 = tpu.memref_slice %arg6[%dma_wait3A_452, %dma_wait3A_453, %dma_wait3A_459] : memref<2x8x32xi32, #tpu.memory_space<vmem>> -> memref<1x1x32xi32, #tpu.memory_space<vmem>>
      %dma_wait3A_461 = tpu.memref_squeeze %dma_wait3A_460 : memref<1x1x32xi32, #tpu.memory_space<vmem>> -> memref<32xi32, #tpu.memory_space<vmem>>
      %dma_wait3A_462 = arith.constant 0 : i32
      %dma_wait3A_463 = arith.constant 0 : i32
      %dma_wait3A_464 = tpu.memref_slice %arg4[%dma_wait3A_462, %dma_wait3A_463] : memref<20000x128xf32, #tpu.memory_space<hbm>> -> memref<20000x128xf32, #tpu.memory_space<hbm>>
      tpu.wait_indirect_dma semaphore(%arg13 : memref<!tpu.dma_semaphore, #tpu.memory_space<semaphore_mem>>) src(%dma_wait3A_464 : memref<20000x128xf32, #tpu.memory_space<hbm>>) dst(%dma_wait3A_458 : memref<32x128xf32, #tpu.memory_space<vmem>>)
      %dma_start3A_465 = arith.constant 3 : i32
      %dma_start3A_466 = arith.constant 3 : i32
      %dma_start3A_467 = arith.constant 0 : i32
      %dma_start3A_468 = arith.constant 0 : i32
      %dma_start3A_469 = tpu.memref_slice %arg8[%dma_start3A_465, %dma_start3A_467, %dma_start3A_468] : memref<4x32x128xf32, #tpu.memory_space<vmem>> -> memref<1x32x128xf32, #tpu.memory_space<vmem>>
      %dma_start3A_470 = tpu.memref_squeeze %dma_start3A_469 : memref<1x32x128xf32, #tpu.memory_space<vmem>> -> memref<32x128xf32, #tpu.memory_space<vmem>>
      %dma_start3A_471 = arith.constant 0 : i32
      %dma_start3A_472 = tpu.memref_slice %arg7[%and3A_338, %dma_start3A_466, %dma_start3A_471] : memref<2x8x32xi32, #tpu.memory_space<vmem>> -> memref<1x1x32xi32, #tpu.memory_space<vmem>>
      %dma_start3A_473 = tpu.memref_squeeze %dma_start3A_472 : memref<1x1x32xi32, #tpu.memory_space<vmem>> -> memref<32xi32, #tpu.memory_space<vmem>>
      %dma_start3A_474 = arith.constant 0 : i32
      %dma_start3A_475 = arith.constant 0 : i32
      %dma_start3A_476 = tpu.memref_slice %arg9[%dma_start3A_474, %dma_start3A_475] : memref<10240x128xf32, #tpu.memory_space<vmem_shared>> -> memref<10240x128xf32, #tpu.memory_space<vmem_shared>>
      tpu.enqueue_indirect_dma source(%dma_start3A_470 : memref<32x128xf32, #tpu.memory_space<vmem>>) target(%dma_start3A_476 : memref<10240x128xf32, #tpu.memory_space<vmem_shared>>) offsets(%dma_start3A_473 : memref<32xi32, #tpu.memory_space<vmem>>) semaphore(%arg17 : memref<!tpu.dma_semaphore, #tpu.memory_space<semaphore_mem>>) {add = true}
      %dma_wait3A_477 = arith.constant 2 : i32
      %dma_wait3A_478 = arith.constant 0 : i32
      %dma_wait3A_479 = arith.constant 0 : i32
      %dma_wait3A_480 = arith.constant 0 : i32
      %dma_wait3A_481 = arith.constant 0 : i32
      %dma_wait3A_482 = tpu.memref_slice %arg8[%dma_wait3A_477, %dma_wait3A_480, %dma_wait3A_481] : memref<4x32x128xf32, #tpu.memory_space<vmem>> -> memref<1x32x128xf32, #tpu.memory_space<vmem>>
      %dma_wait3A_483 = tpu.memref_squeeze %dma_wait3A_482 : memref<1x32x128xf32, #tpu.memory_space<vmem>> -> memref<32x128xf32, #tpu.memory_space<vmem>>
      %dma_wait3A_484 = arith.constant 0 : i32
      %dma_wait3A_485 = tpu.memref_slice %arg7[%dma_wait3A_478, %dma_wait3A_479, %dma_wait3A_484] : memref<2x8x32xi32, #tpu.memory_space<vmem>> -> memref<1x1x32xi32, #tpu.memory_space<vmem>>
      %dma_wait3A_486 = tpu.memref_squeeze %dma_wait3A_485 : memref<1x1x32xi32, #tpu.memory_space<vmem>> -> memref<32xi32, #tpu.memory_space<vmem>>
      %dma_wait3A_487 = arith.constant 0 : i32
      %dma_wait3A_488 = arith.constant 0 : i32
      %dma_wait3A_489 = tpu.memref_slice %arg9[%dma_wait3A_487, %dma_wait3A_488] : memref<10240x128xf32, #tpu.memory_space<vmem_shared>> -> memref<10240x128xf32, #tpu.memory_space<vmem_shared>>
      tpu.wait_indirect_dma semaphore(%arg16 : memref<!tpu.dma_semaphore, #tpu.memory_space<semaphore_mem>>) src(%dma_wait3A_483 : memref<32x128xf32, #tpu.memory_space<vmem>>) dst(%dma_wait3A_489 : memref<10240x128xf32, #tpu.memory_space<vmem_shared>>)
      %dma_start3A_490 = arith.constant 6 : i32
      %dma_start3A_491 = arith.constant 2 : i32
      %dma_start3A_492 = arith.constant 0 : i32
      %dma_start3A_493 = arith.constant 0 : i32
      %dma_start3A_494 = tpu.memref_slice %arg8[%dma_start3A_491, %dma_start3A_492, %dma_start3A_493] : memref<4x32x128xf32, #tpu.memory_space<vmem>> -> memref<1x32x128xf32, #tpu.memory_space<vmem>>
      %dma_start3A_495 = tpu.memref_squeeze %dma_start3A_494 : memref<1x32x128xf32, #tpu.memory_space<vmem>> -> memref<32x128xf32, #tpu.memory_space<vmem>>
      %dma_start3A_496 = arith.constant 0 : i32
      %dma_start3A_497 = tpu.memref_slice %arg6[%and3A_338, %dma_start3A_490, %dma_start3A_496] : memref<2x8x32xi32, #tpu.memory_space<vmem>> -> memref<1x1x32xi32, #tpu.memory_space<vmem>>
      %dma_start3A_498 = tpu.memref_squeeze %dma_start3A_497 : memref<1x1x32xi32, #tpu.memory_space<vmem>> -> memref<32xi32, #tpu.memory_space<vmem>>
      %dma_start3A_499 = arith.constant 0 : i32
      %dma_start3A_500 = arith.constant 0 : i32
      %dma_start3A_501 = tpu.memref_slice %arg4[%dma_start3A_499, %dma_start3A_500] : memref<20000x128xf32, #tpu.memory_space<hbm>> -> memref<20000x128xf32, #tpu.memory_space<hbm>>
      tpu.enqueue_indirect_dma source(%dma_start3A_501 : memref<20000x128xf32, #tpu.memory_space<hbm>>) target(%dma_start3A_495 : memref<32x128xf32, #tpu.memory_space<vmem>>) offsets(%dma_start3A_498 : memref<32xi32, #tpu.memory_space<vmem>>) semaphore(%arg12 : memref<!tpu.dma_semaphore, #tpu.memory_space<semaphore_mem>>)
      %dma_wait3A_502 = arith.constant 0 : i32
      %dma_wait3A_503 = arith.constant 0 : i32
      %dma_wait3A_504 = arith.constant 0 : i32
      %dma_wait3A_505 = arith.constant 0 : i32
      %dma_wait3A_506 = arith.constant 0 : i32
      %dma_wait3A_507 = tpu.memref_slice %arg8[%dma_wait3A_504, %dma_wait3A_505, %dma_wait3A_506] : memref<4x32x128xf32, #tpu.memory_space<vmem>> -> memref<1x32x128xf32, #tpu.memory_space<vmem>>
      %dma_wait3A_508 = tpu.memref_squeeze %dma_wait3A_507 : memref<1x32x128xf32, #tpu.memory_space<vmem>> -> memref<32x128xf32, #tpu.memory_space<vmem>>
      %dma_wait3A_509 = arith.constant 0 : i32
      %dma_wait3A_510 = tpu.memref_slice %arg6[%dma_wait3A_502, %dma_wait3A_503, %dma_wait3A_509] : memref<2x8x32xi32, #tpu.memory_space<vmem>> -> memref<1x1x32xi32, #tpu.memory_space<vmem>>
      %dma_wait3A_511 = tpu.memref_squeeze %dma_wait3A_510 : memref<1x1x32xi32, #tpu.memory_space<vmem>> -> memref<32xi32, #tpu.memory_space<vmem>>
      %dma_wait3A_512 = arith.constant 0 : i32
      %dma_wait3A_513 = arith.constant 0 : i32
      %dma_wait3A_514 = tpu.memref_slice %arg4[%dma_wait3A_512, %dma_wait3A_513] : memref<20000x128xf32, #tpu.memory_space<hbm>> -> memref<20000x128xf32, #tpu.memory_space<hbm>>
      tpu.wait_indirect_dma semaphore(%arg10 : memref<!tpu.dma_semaphore, #tpu.memory_space<semaphore_mem>>) src(%dma_wait3A_514 : memref<20000x128xf32, #tpu.memory_space<hbm>>) dst(%dma_wait3A_508 : memref<32x128xf32, #tpu.memory_space<vmem>>)
      %dma_start3A_515 = arith.constant 0 : i32
      %dma_start3A_516 = arith.constant 4 : i32
      %dma_start3A_517 = arith.constant 0 : i32
      %dma_start3A_518 = arith.constant 0 : i32
      %dma_start3A_519 = tpu.memref_slice %arg8[%dma_start3A_515, %dma_start3A_517, %dma_start3A_518] : memref<4x32x128xf32, #tpu.memory_space<vmem>> -> memref<1x32x128xf32, #tpu.memory_space<vmem>>
      %dma_start3A_520 = tpu.memref_squeeze %dma_start3A_519 : memref<1x32x128xf32, #tpu.memory_space<vmem>> -> memref<32x128xf32, #tpu.memory_space<vmem>>
      %dma_start3A_521 = arith.constant 0 : i32
      %dma_start3A_522 = tpu.memref_slice %arg7[%and3A_338, %dma_start3A_516, %dma_start3A_521] : memref<2x8x32xi32, #tpu.memory_space<vmem>> -> memref<1x1x32xi32, #tpu.memory_space<vmem>>
      %dma_start3A_523 = tpu.memref_squeeze %dma_start3A_522 : memref<1x1x32xi32, #tpu.memory_space<vmem>> -> memref<32xi32, #tpu.memory_space<vmem>>
      %dma_start3A_524 = arith.constant 0 : i32
      %dma_start3A_525 = arith.constant 0 : i32
      %dma_start3A_526 = tpu.memref_slice %arg9[%dma_start3A_524, %dma_start3A_525] : memref<10240x128xf32, #tpu.memory_space<vmem_shared>> -> memref<10240x128xf32, #tpu.memory_space<vmem_shared>>
      tpu.enqueue_indirect_dma source(%dma_start3A_520 : memref<32x128xf32, #tpu.memory_space<vmem>>) target(%dma_start3A_526 : memref<10240x128xf32, #tpu.memory_space<vmem_shared>>) offsets(%dma_start3A_523 : memref<32xi32, #tpu.memory_space<vmem>>) semaphore(%arg14 : memref<!tpu.dma_semaphore, #tpu.memory_space<semaphore_mem>>) {add = true}
      %dma_wait3A_527 = arith.constant 3 : i32
      %dma_wait3A_528 = arith.constant 0 : i32
      %dma_wait3A_529 = arith.constant 0 : i32
      %dma_wait3A_530 = arith.constant 0 : i32
      %dma_wait3A_531 = arith.constant 0 : i32
      %dma_wait3A_532 = tpu.memref_slice %arg8[%dma_wait3A_527, %dma_wait3A_530, %dma_wait3A_531] : memref<4x32x128xf32, #tpu.memory_space<vmem>> -> memref<1x32x128xf32, #tpu.memory_space<vmem>>
      %dma_wait3A_533 = tpu.memref_squeeze %dma_wait3A_532 : memref<1x32x128xf32, #tpu.memory_space<vmem>> -> memref<32x128xf32, #tpu.memory_space<vmem>>
      %dma_wait3A_534 = arith.constant 0 : i32
      %dma_wait3A_535 = tpu.memref_slice %arg7[%dma_wait3A_528, %dma_wait3A_529, %dma_wait3A_534] : memref<2x8x32xi32, #tpu.memory_space<vmem>> -> memref<1x1x32xi32, #tpu.memory_space<vmem>>
      %dma_wait3A_536 = tpu.memref_squeeze %dma_wait3A_535 : memref<1x1x32xi32, #tpu.memory_space<vmem>> -> memref<32xi32, #tpu.memory_space<vmem>>
      %dma_wait3A_537 = arith.constant 0 : i32
      %dma_wait3A_538 = arith.constant 0 : i32
      %dma_wait3A_539 = tpu.memref_slice %arg9[%dma_wait3A_537, %dma_wait3A_538] : memref<10240x128xf32, #tpu.memory_space<vmem_shared>> -> memref<10240x128xf32, #tpu.memory_space<vmem_shared>>
      tpu.wait_indirect_dma semaphore(%arg17 : memref<!tpu.dma_semaphore, #tpu.memory_space<semaphore_mem>>) src(%dma_wait3A_533 : memref<32x128xf32, #tpu.memory_space<vmem>>) dst(%dma_wait3A_539 : memref<10240x128xf32, #tpu.memory_space<vmem_shared>>)
      %dma_start3A_540 = arith.constant 7 : i32
      %dma_start3A_541 = arith.constant 3 : i32
      %dma_start3A_542 = arith.constant 0 : i32
      %dma_start3A_543 = arith.constant 0 : i32
      %dma_start3A_544 = tpu.memref_slice %arg8[%dma_start3A_541, %dma_start3A_542, %dma_start3A_543] : memref<4x32x128xf32, #tpu.memory_space<vmem>> -> memref<1x32x128xf32, #tpu.memory_space<vmem>>
      %dma_start3A_545 = tpu.memref_squeeze %dma_start3A_544 : memref<1x32x128xf32, #tpu.memory_space<vmem>> -> memref<32x128xf32, #tpu.memory_space<vmem>>
      %dma_start3A_546 = arith.constant 0 : i32
      %dma_start3A_547 = tpu.memref_slice %arg6[%and3A_338, %dma_start3A_540, %dma_start3A_546] : memref<2x8x32xi32, #tpu.memory_space<vmem>> -> memref<1x1x32xi32, #tpu.memory_space<vmem>>
      %dma_start3A_548 = tpu.memref_squeeze %dma_start3A_547 : memref<1x1x32xi32, #tpu.memory_space<vmem>> -> memref<32xi32, #tpu.memory_space<vmem>>
      %dma_start3A_549 = arith.constant 0 : i32
      %dma_start3A_550 = arith.constant 0 : i32
      %dma_start3A_551 = tpu.memref_slice %arg4[%dma_start3A_549, %dma_start3A_550] : memref<20000x128xf32, #tpu.memory_space<hbm>> -> memref<20000x128xf32, #tpu.memory_space<hbm>>
      tpu.enqueue_indirect_dma source(%dma_start3A_551 : memref<20000x128xf32, #tpu.memory_space<hbm>>) target(%dma_start3A_545 : memref<32x128xf32, #tpu.memory_space<vmem>>) offsets(%dma_start3A_548 : memref<32xi32, #tpu.memory_space<vmem>>) semaphore(%arg13 : memref<!tpu.dma_semaphore, #tpu.memory_space<semaphore_mem>>)
      %dma_wait3A_552 = arith.constant 0 : i32
      %dma_wait3A_553 = arith.constant 0 : i32
      %dma_wait3A_554 = arith.constant 1 : i32
      %dma_wait3A_555 = arith.constant 0 : i32
      %dma_wait3A_556 = arith.constant 0 : i32
      %dma_wait3A_557 = tpu.memref_slice %arg8[%dma_wait3A_554, %dma_wait3A_555, %dma_wait3A_556] : memref<4x32x128xf32, #tpu.memory_space<vmem>> -> memref<1x32x128xf32, #tpu.memory_space<vmem>>
      %dma_wait3A_558 = tpu.memref_squeeze %dma_wait3A_557 : memref<1x32x128xf32, #tpu.memory_space<vmem>> -> memref<32x128xf32, #tpu.memory_space<vmem>>
      %dma_wait3A_559 = arith.constant 0 : i32
      %dma_wait3A_560 = tpu.memref_slice %arg6[%dma_wait3A_552, %dma_wait3A_553, %dma_wait3A_559] : memref<2x8x32xi32, #tpu.memory_space<vmem>> -> memref<1x1x32xi32, #tpu.memory_space<vmem>>
      %dma_wait3A_561 = tpu.memref_squeeze %dma_wait3A_560 : memref<1x1x32xi32, #tpu.memory_space<vmem>> -> memref<32xi32, #tpu.memory_space<vmem>>
      %dma_wait3A_562 = arith.constant 0 : i32
      %dma_wait3A_563 = arith.constant 0 : i32
      %dma_wait3A_564 = tpu.memref_slice %arg4[%dma_wait3A_562, %dma_wait3A_563] : memref<20000x128xf32, #tpu.memory_space<hbm>> -> memref<20000x128xf32, #tpu.memory_space<hbm>>
      tpu.wait_indirect_dma semaphore(%arg11 : memref<!tpu.dma_semaphore, #tpu.memory_space<semaphore_mem>>) src(%dma_wait3A_564 : memref<20000x128xf32, #tpu.memory_space<hbm>>) dst(%dma_wait3A_558 : memref<32x128xf32, #tpu.memory_space<vmem>>)
      %dma_start3A_565 = arith.constant 1 : i32
      %dma_start3A_566 = arith.constant 5 : i32
      %dma_start3A_567 = arith.constant 0 : i32
      %dma_start3A_568 = arith.constant 0 : i32
      %dma_start3A_569 = tpu.memref_slice %arg8[%dma_start3A_565, %dma_start3A_567, %dma_start3A_568] : memref<4x32x128xf32, #tpu.memory_space<vmem>> -> memref<1x32x128xf32, #tpu.memory_space<vmem>>
      %dma_start3A_570 = tpu.memref_squeeze %dma_start3A_569 : memref<1x32x128xf32, #tpu.memory_space<vmem>> -> memref<32x128xf32, #tpu.memory_space<vmem>>
      %dma_start3A_571 = arith.constant 0 : i32
      %dma_start3A_572 = tpu.memref_slice %arg7[%and3A_338, %dma_start3A_566, %dma_start3A_571] : memref<2x8x32xi32, #tpu.memory_space<vmem>> -> memref<1x1x32xi32, #tpu.memory_space<vmem>>
      %dma_start3A_573 = tpu.memref_squeeze %dma_start3A_572 : memref<1x1x32xi32, #tpu.memory_space<vmem>> -> memref<32xi32, #tpu.memory_space<vmem>>
      %dma_start3A_574 = arith.constant 0 : i32
      %dma_start3A_575 = arith.constant 0 : i32
      %dma_start3A_576 = tpu.memref_slice %arg9[%dma_start3A_574, %dma_start3A_575] : memref<10240x128xf32, #tpu.memory_space<vmem_shared>> -> memref<10240x128xf32, #tpu.memory_space<vmem_shared>>
      tpu.enqueue_indirect_dma source(%dma_start3A_570 : memref<32x128xf32, #tpu.memory_space<vmem>>) target(%dma_start3A_576 : memref<10240x128xf32, #tpu.memory_space<vmem_shared>>) offsets(%dma_start3A_573 : memref<32xi32, #tpu.memory_space<vmem>>) semaphore(%arg15 : memref<!tpu.dma_semaphore, #tpu.memory_space<semaphore_mem>>) {add = true}
      %dma_wait3A_577 = arith.constant 0 : i32
      %dma_wait3A_578 = arith.constant 0 : i32
      %dma_wait3A_579 = arith.constant 0 : i32
      %dma_wait3A_580 = arith.constant 0 : i32
      %dma_wait3A_581 = arith.constant 0 : i32
      %dma_wait3A_582 = tpu.memref_slice %arg8[%dma_wait3A_577, %dma_wait3A_580, %dma_wait3A_581] : memref<4x32x128xf32, #tpu.memory_space<vmem>> -> memref<1x32x128xf32, #tpu.memory_space<vmem>>
      %dma_wait3A_583 = tpu.memref_squeeze %dma_wait3A_582 : memref<1x32x128xf32, #tpu.memory_space<vmem>> -> memref<32x128xf32, #tpu.memory_space<vmem>>
      %dma_wait3A_584 = arith.constant 0 : i32
      %dma_wait3A_585 = tpu.memref_slice %arg7[%dma_wait3A_578, %dma_wait3A_579, %dma_wait3A_584] : memref<2x8x32xi32, #tpu.memory_space<vmem>> -> memref<1x1x32xi32, #tpu.memory_space<vmem>>
      %dma_wait3A_586 = tpu.memref_squeeze %dma_wait3A_585 : memref<1x1x32xi32, #tpu.memory_space<vmem>> -> memref<32xi32, #tpu.memory_space<vmem>>
      %dma_wait3A_587 = arith.constant 0 : i32
      %dma_wait3A_588 = arith.constant 0 : i32
      %dma_wait3A_589 = tpu.memref_slice %arg9[%dma_wait3A_587, %dma_wait3A_588] : memref<10240x128xf32, #tpu.memory_space<vmem_shared>> -> memref<10240x128xf32, #tpu.memory_space<vmem_shared>>
      tpu.wait_indirect_dma semaphore(%arg14 : memref<!tpu.dma_semaphore, #tpu.memory_space<semaphore_mem>>) src(%dma_wait3A_583 : memref<32x128xf32, #tpu.memory_space<vmem>>) dst(%dma_wait3A_589 : memref<10240x128xf32, #tpu.memory_space<vmem_shared>>)
      %dma_wait3A_590 = arith.constant 0 : i32
      %dma_wait3A_591 = arith.constant 0 : i32
      %dma_wait3A_592 = tpu.memref_slice %arg6[%and3A_342, %dma_wait3A_590, %dma_wait3A_591] : memref<2x8x32xi32, #tpu.memory_space<vmem>> -> memref<1x8x32xi32, #tpu.memory_space<vmem>>
      %dma_wait3A_593 = tpu.memref_squeeze %dma_wait3A_592 : memref<1x8x32xi32, #tpu.memory_space<vmem>> -> memref<8x32xi32, #tpu.memory_space<vmem>>
      %dma_wait3A_594 = arith.constant 0 : i32
      %dma_wait3A_595 = arith.constant 0 : i32
      %dma_wait3A_596 = tpu.memref_slice %arg2[%arg0, %arg1, %dma_wait3A_594, %dma_wait3A_595] : memref<2x16x632x32xi32, #tpu.memory_space<hbm>> -> memref<1x1x8x32xi32, #tpu.memory_space<hbm>>
      %dma_wait3A_597 = tpu.memref_squeeze %dma_wait3A_596 : memref<1x1x8x32xi32, #tpu.memory_space<hbm>> -> memref<8x32xi32, #tpu.memory_space<hbm>>
      %dma_wait3A_598 = arith.constant 0 : i32
      %dma_wait3A_599 = arith.constant 0 : i32
      %dma_wait3A_600 = tpu.memref_slice %arg6[%and3A_342, %dma_wait3A_598, %dma_wait3A_599] : memref<2x8x32xi32, #tpu.memory_space<vmem>> -> memref<1x8x32xi32, #tpu.memory_space<vmem>>
      %dma_wait3A_601 = tpu.memref_squeeze %dma_wait3A_600 : memref<1x8x32xi32, #tpu.memory_space<vmem>> -> memref<8x32xi32, #tpu.memory_space<vmem>>
      %dma_wait3A_602 = arith.constant 0 : i32
      %dma_wait3A_603 = arith.constant 0 : i32
      %dma_wait3A_604 = tpu.memref_slice %arg2[%arg0, %arg1, %dma_wait3A_602, %dma_wait3A_603] : memref<2x16x632x32xi32, #tpu.memory_space<hbm>> -> memref<1x1x8x32xi32, #tpu.memory_space<hbm>>
      %dma_wait3A_605 = tpu.memref_squeeze %dma_wait3A_604 : memref<1x1x8x32xi32, #tpu.memory_space<hbm>> -> memref<8x32xi32, #tpu.memory_space<hbm>>
      tpu.wait_dma2 semaphore(%arg18 : memref<!tpu.dma_semaphore, #tpu.memory_space<semaphore_mem>>) src(%dma_wait3A_605 : memref<8x32xi32, #tpu.memory_space<hbm>>) dst(%dma_wait3A_601 : memref<8x32xi32, #tpu.memory_space<vmem>>)
      %dma_wait3A_606 = arith.constant 0 : i32
      %dma_wait3A_607 = arith.constant 0 : i32
      %dma_wait3A_608 = tpu.memref_slice %arg7[%and3A_342, %dma_wait3A_606, %dma_wait3A_607] : memref<2x8x32xi32, #tpu.memory_space<vmem>> -> memref<1x8x32xi32, #tpu.memory_space<vmem>>
      %dma_wait3A_609 = tpu.memref_squeeze %dma_wait3A_608 : memref<1x8x32xi32, #tpu.memory_space<vmem>> -> memref<8x32xi32, #tpu.memory_space<vmem>>
      %dma_wait3A_610 = arith.constant 0 : i32
      %dma_wait3A_611 = arith.constant 0 : i32
      %dma_wait3A_612 = tpu.memref_slice %arg3[%arg0, %arg1, %dma_wait3A_610, %dma_wait3A_611] : memref<2x16x632x32xi32, #tpu.memory_space<hbm>> -> memref<1x1x8x32xi32, #tpu.memory_space<hbm>>
      %dma_wait3A_613 = tpu.memref_squeeze %dma_wait3A_612 : memref<1x1x8x32xi32, #tpu.memory_space<hbm>> -> memref<8x32xi32, #tpu.memory_space<hbm>>
      %dma_wait3A_614 = arith.constant 0 : i32
      %dma_wait3A_615 = arith.constant 0 : i32
      %dma_wait3A_616 = tpu.memref_slice %arg7[%and3A_342, %dma_wait3A_614, %dma_wait3A_615] : memref<2x8x32xi32, #tpu.memory_space<vmem>> -> memref<1x8x32xi32, #tpu.memory_space<vmem>>
      %dma_wait3A_617 = tpu.memref_squeeze %dma_wait3A_616 : memref<1x8x32xi32, #tpu.memory_space<vmem>> -> memref<8x32xi32, #tpu.memory_space<vmem>>
      %dma_wait3A_618 = arith.constant 0 : i32
      %dma_wait3A_619 = arith.constant 0 : i32
      %dma_wait3A_620 = tpu.memref_slice %arg3[%arg0, %arg1, %dma_wait3A_618, %dma_wait3A_619] : memref<2x16x632x32xi32, #tpu.memory_space<hbm>> -> memref<1x1x8x32xi32, #tpu.memory_space<hbm>>
      %dma_wait3A_621 = tpu.memref_squeeze %dma_wait3A_620 : memref<1x1x8x32xi32, #tpu.memory_space<hbm>> -> memref<8x32xi32, #tpu.memory_space<hbm>>
      tpu.wait_dma2 semaphore(%arg19 : memref<!tpu.dma_semaphore, #tpu.memory_space<semaphore_mem>>) src(%dma_wait3A_621 : memref<8x32xi32, #tpu.memory_space<hbm>>) dst(%dma_wait3A_617 : memref<8x32xi32, #tpu.memory_space<vmem>>)
      %dma_start3A_622 = arith.constant 0 : i32
      %dma_start3A_623 = arith.constant 0 : i32
      %dma_start3A_624 = arith.constant 0 : i32
      %dma_start3A_625 = arith.constant 0 : i32
      %dma_start3A_626 = tpu.memref_slice %arg8[%dma_start3A_623, %dma_start3A_624, %dma_start3A_625] : memref<4x32x128xf32, #tpu.memory_space<vmem>> -> memref<1x32x128xf32, #tpu.memory_space<vmem>>
      %dma_start3A_627 = tpu.memref_squeeze %dma_start3A_626 : memref<1x32x128xf32, #tpu.memory_space<vmem>> -> memref<32x128xf32, #tpu.memory_space<vmem>>
      %dma_start3A_628 = arith.constant 0 : i32
      %dma_start3A_629 = tpu.memref_slice %arg6[%and3A_342, %dma_start3A_622, %dma_start3A_628] : memref<2x8x32xi32, #tpu.memory_space<vmem>> -> memref<1x1x32xi32, #tpu.memory_space<vmem>>
      %dma_start3A_630 = tpu.memref_squeeze %dma_start3A_629 : memref<1x1x32xi32, #tpu.memory_space<vmem>> -> memref<32xi32, #tpu.memory_space<vmem>>
      %dma_start3A_631 = arith.constant 0 : i32
      %dma_start3A_632 = arith.constant 0 : i32
      %dma_start3A_633 = tpu.memref_slice %arg4[%dma_start3A_631, %dma_start3A_632] : memref<20000x128xf32, #tpu.memory_space<hbm>> -> memref<20000x128xf32, #tpu.memory_space<hbm>>
      tpu.enqueue_indirect_dma source(%dma_start3A_633 : memref<20000x128xf32, #tpu.memory_space<hbm>>) target(%dma_start3A_627 : memref<32x128xf32, #tpu.memory_space<vmem>>) offsets(%dma_start3A_630 : memref<32xi32, #tpu.memory_space<vmem>>) semaphore(%arg10 : memref<!tpu.dma_semaphore, #tpu.memory_space<semaphore_mem>>)
      %dma_wait3A_634 = arith.constant 0 : i32
      %dma_wait3A_635 = arith.constant 0 : i32
      %dma_wait3A_636 = arith.constant 2 : i32
      %dma_wait3A_637 = arith.constant 0 : i32
      %dma_wait3A_638 = arith.constant 0 : i32
      %dma_wait3A_639 = tpu.memref_slice %arg8[%dma_wait3A_636, %dma_wait3A_637, %dma_wait3A_638] : memref<4x32x128xf32, #tpu.memory_space<vmem>> -> memref<1x32x128xf32, #tpu.memory_space<vmem>>
      %dma_wait3A_640 = tpu.memref_squeeze %dma_wait3A_639 : memref<1x32x128xf32, #tpu.memory_space<vmem>> -> memref<32x128xf32, #tpu.memory_space<vmem>>
      %dma_wait3A_641 = arith.constant 0 : i32
      %dma_wait3A_642 = tpu.memref_slice %arg6[%dma_wait3A_634, %dma_wait3A_635, %dma_wait3A_641] : memref<2x8x32xi32, #tpu.memory_space<vmem>> -> memref<1x1x32xi32, #tpu.memory_space<vmem>>
      %dma_wait3A_643 = tpu.memref_squeeze %dma_wait3A_642 : memref<1x1x32xi32, #tpu.memory_space<vmem>> -> memref<32xi32, #tpu.memory_space<vmem>>
      %dma_wait3A_644 = arith.constant 0 : i32
      %dma_wait3A_645 = arith.constant 0 : i32
      %dma_wait3A_646 = tpu.memref_slice %arg4[%dma_wait3A_644, %dma_wait3A_645] : memref<20000x128xf32, #tpu.memory_space<hbm>> -> memref<20000x128xf32, #tpu.memory_space<hbm>>
      tpu.wait_indirect_dma semaphore(%arg12 : memref<!tpu.dma_semaphore, #tpu.memory_space<semaphore_mem>>) src(%dma_wait3A_646 : memref<20000x128xf32, #tpu.memory_space<hbm>>) dst(%dma_wait3A_640 : memref<32x128xf32, #tpu.memory_space<vmem>>)
      %dma_start3A_647 = arith.constant 2 : i32
      %dma_start3A_648 = arith.constant 6 : i32
      %dma_start3A_649 = arith.constant 0 : i32
      %dma_start3A_650 = arith.constant 0 : i32
      %dma_start3A_651 = tpu.memref_slice %arg8[%dma_start3A_647, %dma_start3A_649, %dma_start3A_650] : memref<4x32x128xf32, #tpu.memory_space<vmem>> -> memref<1x32x128xf32, #tpu.memory_space<vmem>>
      %dma_start3A_652 = tpu.memref_squeeze %dma_start3A_651 : memref<1x32x128xf32, #tpu.memory_space<vmem>> -> memref<32x128xf32, #tpu.memory_space<vmem>>
      %dma_start3A_653 = arith.constant 0 : i32
      %dma_start3A_654 = tpu.memref_slice %arg7[%and3A_338, %dma_start3A_648, %dma_start3A_653] : memref<2x8x32xi32, #tpu.memory_space<vmem>> -> memref<1x1x32xi32, #tpu.memory_space<vmem>>
      %dma_start3A_655 = tpu.memref_squeeze %dma_start3A_654 : memref<1x1x32xi32, #tpu.memory_space<vmem>> -> memref<32xi32, #tpu.memory_space<vmem>>
      %dma_start3A_656 = arith.constant 0 : i32
      %dma_start3A_657 = arith.constant 0 : i32
      %dma_start3A_658 = tpu.memref_slice %arg9[%dma_start3A_656, %dma_start3A_657] : memref<10240x128xf32, #tpu.memory_space<vmem_shared>> -> memref<10240x128xf32, #tpu.memory_space<vmem_shared>>
      tpu.enqueue_indirect_dma source(%dma_start3A_652 : memref<32x128xf32, #tpu.memory_space<vmem>>) target(%dma_start3A_658 : memref<10240x128xf32, #tpu.memory_space<vmem_shared>>) offsets(%dma_start3A_655 : memref<32xi32, #tpu.memory_space<vmem>>) semaphore(%arg16 : memref<!tpu.dma_semaphore, #tpu.memory_space<semaphore_mem>>) {add = true}
      %dma_wait3A_659 = arith.constant 1 : i32
      %dma_wait3A_660 = arith.constant 0 : i32
      %dma_wait3A_661 = arith.constant 0 : i32
      %dma_wait3A_662 = arith.constant 0 : i32
      %dma_wait3A_663 = arith.constant 0 : i32
      %dma_wait3A_664 = tpu.memref_slice %arg8[%dma_wait3A_659, %dma_wait3A_662, %dma_wait3A_663] : memref<4x32x128xf32, #tpu.memory_space<vmem>> -> memref<1x32x128xf32, #tpu.memory_space<vmem>>
      %dma_wait3A_665 = tpu.memref_squeeze %dma_wait3A_664 : memref<1x32x128xf32, #tpu.memory_space<vmem>> -> memref<32x128xf32, #tpu.memory_space<vmem>>
      %dma_wait3A_666 = arith.constant 0 : i32
      %dma_wait3A_667 = tpu.memref_slice %arg7[%dma_wait3A_660, %dma_wait3A_661, %dma_wait3A_666] : memref<2x8x32xi32, #tpu.memory_space<vmem>> -> memref<1x1x32xi32, #tpu.memory_space<vmem>>
      %dma_wait3A_668 = tpu.memref_squeeze %dma_wait3A_667 : memref<1x1x32xi32, #tpu.memory_space<vmem>> -> memref<32xi32, #tpu.memory_space<vmem>>
      %dma_wait3A_669 = arith.constant 0 : i32
      %dma_wait3A_670 = arith.constant 0 : i32
      %dma_wait3A_671 = tpu.memref_slice %arg9[%dma_wait3A_669, %dma_wait3A_670] : memref<10240x128xf32, #tpu.memory_space<vmem_shared>> -> memref<10240x128xf32, #tpu.memory_space<vmem_shared>>
      tpu.wait_indirect_dma semaphore(%arg15 : memref<!tpu.dma_semaphore, #tpu.memory_space<semaphore_mem>>) src(%dma_wait3A_665 : memref<32x128xf32, #tpu.memory_space<vmem>>) dst(%dma_wait3A_671 : memref<10240x128xf32, #tpu.memory_space<vmem_shared>>)
      %dma_start3A_672 = arith.constant 1 : i32
      %dma_start3A_673 = arith.constant 1 : i32
      %dma_start3A_674 = arith.constant 0 : i32
      %dma_start3A_675 = arith.constant 0 : i32
      %dma_start3A_676 = tpu.memref_slice %arg8[%dma_start3A_673, %dma_start3A_674, %dma_start3A_675] : memref<4x32x128xf32, #tpu.memory_space<vmem>> -> memref<1x32x128xf32, #tpu.memory_space<vmem>>
      %dma_start3A_677 = tpu.memref_squeeze %dma_start3A_676 : memref<1x32x128xf32, #tpu.memory_space<vmem>> -> memref<32x128xf32, #tpu.memory_space<vmem>>
      %dma_start3A_678 = arith.constant 0 : i32
      %dma_start3A_679 = tpu.memref_slice %arg6[%and3A_342, %dma_start3A_672, %dma_start3A_678] : memref<2x8x32xi32, #tpu.memory_space<vmem>> -> memref<1x1x32xi32, #tpu.memory_space<vmem>>
      %dma_start3A_680 = tpu.memref_squeeze %dma_start3A_679 : memref<1x1x32xi32, #tpu.memory_space<vmem>> -> memref<32xi32, #tpu.memory_space<vmem>>
      %dma_start3A_681 = arith.constant 0 : i32
      %dma_start3A_682 = arith.constant 0 : i32
      %dma_start3A_683 = tpu.memref_slice %arg4[%dma_start3A_681, %dma_start3A_682] : memref<20000x128xf32, #tpu.memory_space<hbm>> -> memref<20000x128xf32, #tpu.memory_space<hbm>>
      tpu.enqueue_indirect_dma source(%dma_start3A_683 : memref<20000x128xf32, #tpu.memory_space<hbm>>) target(%dma_start3A_677 : memref<32x128xf32, #tpu.memory_space<vmem>>) offsets(%dma_start3A_680 : memref<32xi32, #tpu.memory_space<vmem>>) semaphore(%arg11 : memref<!tpu.dma_semaphore, #tpu.memory_space<semaphore_mem>>)
      %dma_wait3A_684 = arith.constant 0 : i32
      %dma_wait3A_685 = arith.constant 0 : i32
      %dma_wait3A_686 = arith.constant 3 : i32
      %dma_wait3A_687 = arith.constant 0 : i32
      %dma_wait3A_688 = arith.constant 0 : i32
      %dma_wait3A_689 = tpu.memref_slice %arg8[%dma_wait3A_686, %dma_wait3A_687, %dma_wait3A_688] : memref<4x32x128xf32, #tpu.memory_space<vmem>> -> memref<1x32x128xf32, #tpu.memory_space<vmem>>
      %dma_wait3A_690 = tpu.memref_squeeze %dma_wait3A_689 : memref<1x32x128xf32, #tpu.memory_space<vmem>> -> memref<32x128xf32, #tpu.memory_space<vmem>>
      %dma_wait3A_691 = arith.constant 0 : i32
      %dma_wait3A_692 = tpu.memref_slice %arg6[%dma_wait3A_684, %dma_wait3A_685, %dma_wait3A_691] : memref<2x8x32xi32, #tpu.memory_space<vmem>> -> memref<1x1x32xi32, #tpu.memory_space<vmem>>
      %dma_wait3A_693 = tpu.memref_squeeze %dma_wait3A_692 : memref<1x1x32xi32, #tpu.memory_space<vmem>> -> memref<32xi32, #tpu.memory_space<vmem>>
      %dma_wait3A_694 = arith.constant 0 : i32
      %dma_wait3A_695 = arith.constant 0 : i32
      %dma_wait3A_696 = tpu.memref_slice %arg4[%dma_wait3A_694, %dma_wait3A_695] : memref<20000x128xf32, #tpu.memory_space<hbm>> -> memref<20000x128xf32, #tpu.memory_space<hbm>>
      tpu.wait_indirect_dma semaphore(%arg13 : memref<!tpu.dma_semaphore, #tpu.memory_space<semaphore_mem>>) src(%dma_wait3A_696 : memref<20000x128xf32, #tpu.memory_space<hbm>>) dst(%dma_wait3A_690 : memref<32x128xf32, #tpu.memory_space<vmem>>)
      %dma_start3A_697 = arith.constant 3 : i32
      %dma_start3A_698 = arith.constant 7 : i32
      %dma_start3A_699 = arith.constant 0 : i32
      %dma_start3A_700 = arith.constant 0 : i32
      %dma_start3A_701 = tpu.memref_slice %arg8[%dma_start3A_697, %dma_start3A_699, %dma_start3A_700] : memref<4x32x128xf32, #tpu.memory_space<vmem>> -> memref<1x32x128xf32, #tpu.memory_space<vmem>>
      %dma_start3A_702 = tpu.memref_squeeze %dma_start3A_701 : memref<1x32x128xf32, #tpu.memory_space<vmem>> -> memref<32x128xf32, #tpu.memory_space<vmem>>
      %dma_start3A_703 = arith.constant 0 : i32
      %dma_start3A_704 = tpu.memref_slice %arg7[%and3A_338, %dma_start3A_698, %dma_start3A_703] : memref<2x8x32xi32, #tpu.memory_space<vmem>> -> memref<1x1x32xi32, #tpu.memory_space<vmem>>
      %dma_start3A_705 = tpu.memref_squeeze %dma_start3A_704 : memref<1x1x32xi32, #tpu.memory_space<vmem>> -> memref<32xi32, #tpu.memory_space<vmem>>
      %dma_start3A_706 = arith.constant 0 : i32
      %dma_start3A_707 = arith.constant 0 : i32
      %dma_start3A_708 = tpu.memref_slice %arg9[%dma_start3A_706, %dma_start3A_707] : memref<10240x128xf32, #tpu.memory_space<vmem_shared>> -> memref<10240x128xf32, #tpu.memory_space<vmem_shared>>
      tpu.enqueue_indirect_dma source(%dma_start3A_702 : memref<32x128xf32, #tpu.memory_space<vmem>>) target(%dma_start3A_708 : memref<10240x128xf32, #tpu.memory_space<vmem_shared>>) offsets(%dma_start3A_705 : memref<32xi32, #tpu.memory_space<vmem>>) semaphore(%arg17 : memref<!tpu.dma_semaphore, #tpu.memory_space<semaphore_mem>>) {add = true}
      %dma_wait3A_709 = arith.constant 2 : i32
      %dma_wait3A_710 = arith.constant 0 : i32
      %dma_wait3A_711 = arith.constant 0 : i32
      %dma_wait3A_712 = arith.constant 0 : i32
      %dma_wait3A_713 = arith.constant 0 : i32
      %dma_wait3A_714 = tpu.memref_slice %arg8[%dma_wait3A_709, %dma_wait3A_712, %dma_wait3A_713] : memref<4x32x128xf32, #tpu.memory_space<vmem>> -> memref<1x32x128xf32, #tpu.memory_space<vmem>>
      %dma_wait3A_715 = tpu.memref_squeeze %dma_wait3A_714 : memref<1x32x128xf32, #tpu.memory_space<vmem>> -> memref<32x128xf32, #tpu.memory_space<vmem>>
      %dma_wait3A_716 = arith.constant 0 : i32
      %dma_wait3A_717 = tpu.memref_slice %arg7[%dma_wait3A_710, %dma_wait3A_711, %dma_wait3A_716] : memref<2x8x32xi32, #tpu.memory_space<vmem>> -> memref<1x1x32xi32, #tpu.memory_space<vmem>>
      %dma_wait3A_718 = tpu.memref_squeeze %dma_wait3A_717 : memref<1x1x32xi32, #tpu.memory_space<vmem>> -> memref<32xi32, #tpu.memory_space<vmem>>
      %dma_wait3A_719 = arith.constant 0 : i32
      %dma_wait3A_720 = arith.constant 0 : i32
      %dma_wait3A_721 = tpu.memref_slice %arg9[%dma_wait3A_719, %dma_wait3A_720] : memref<10240x128xf32, #tpu.memory_space<vmem_shared>> -> memref<10240x128xf32, #tpu.memory_space<vmem_shared>>
      tpu.wait_indirect_dma semaphore(%arg16 : memref<!tpu.dma_semaphore, #tpu.memory_space<semaphore_mem>>) src(%dma_wait3A_715 : memref<32x128xf32, #tpu.memory_space<vmem>>) dst(%dma_wait3A_721 : memref<10240x128xf32, #tpu.memory_space<vmem_shared>>)
      %dma_start3A_722 = arith.constant 2 : i32
      %dma_start3A_723 = arith.constant 2 : i32
      %dma_start3A_724 = arith.constant 0 : i32
      %dma_start3A_725 = arith.constant 0 : i32
      %dma_start3A_726 = tpu.memref_slice %arg8[%dma_start3A_723, %dma_start3A_724, %dma_start3A_725] : memref<4x32x128xf32, #tpu.memory_space<vmem>> -> memref<1x32x128xf32, #tpu.memory_space<vmem>>
      %dma_start3A_727 = tpu.memref_squeeze %dma_start3A_726 : memref<1x32x128xf32, #tpu.memory_space<vmem>> -> memref<32x128xf32, #tpu.memory_space<vmem>>
      %dma_start3A_728 = arith.constant 0 : i32
      %dma_start3A_729 = tpu.memref_slice %arg6[%and3A_342, %dma_start3A_722, %dma_start3A_728] : memref<2x8x32xi32, #tpu.memory_space<vmem>> -> memref<1x1x32xi32, #tpu.memory_space<vmem>>
      %dma_start3A_730 = tpu.memref_squeeze %dma_start3A_729 : memref<1x1x32xi32, #tpu.memory_space<vmem>> -> memref<32xi32, #tpu.memory_space<vmem>>
      %dma_start3A_731 = arith.constant 0 : i32
      %dma_start3A_732 = arith.constant 0 : i32
      %dma_start3A_733 = tpu.memref_slice %arg4[%dma_start3A_731, %dma_start3A_732] : memref<20000x128xf32, #tpu.memory_space<hbm>> -> memref<20000x128xf32, #tpu.memory_space<hbm>>
      tpu.enqueue_indirect_dma source(%dma_start3A_733 : memref<20000x128xf32, #tpu.memory_space<hbm>>) target(%dma_start3A_727 : memref<32x128xf32, #tpu.memory_space<vmem>>) offsets(%dma_start3A_730 : memref<32xi32, #tpu.memory_space<vmem>>) semaphore(%arg12 : memref<!tpu.dma_semaphore, #tpu.memory_space<semaphore_mem>>)
      %dma_wait3A_734 = arith.constant 0 : i32
      %dma_wait3A_735 = arith.constant 0 : i32
      %dma_wait3A_736 = arith.constant 0 : i32
      %dma_wait3A_737 = arith.constant 0 : i32
      %dma_wait3A_738 = arith.constant 0 : i32
      %dma_wait3A_739 = tpu.memref_slice %arg8[%dma_wait3A_736, %dma_wait3A_737, %dma_wait3A_738] : memref<4x32x128xf32, #tpu.memory_space<vmem>> -> memref<1x32x128xf32, #tpu.memory_space<vmem>>
      %dma_wait3A_740 = tpu.memref_squeeze %dma_wait3A_739 : memref<1x32x128xf32, #tpu.memory_space<vmem>> -> memref<32x128xf32, #tpu.memory_space<vmem>>
      %dma_wait3A_741 = arith.constant 0 : i32
      %dma_wait3A_742 = tpu.memref_slice %arg6[%dma_wait3A_734, %dma_wait3A_735, %dma_wait3A_741] : memref<2x8x32xi32, #tpu.memory_space<vmem>> -> memref<1x1x32xi32, #tpu.memory_space<vmem>>
      %dma_wait3A_743 = tpu.memref_squeeze %dma_wait3A_742 : memref<1x1x32xi32, #tpu.memory_space<vmem>> -> memref<32xi32, #tpu.memory_space<vmem>>
      %dma_wait3A_744 = arith.constant 0 : i32
      %dma_wait3A_745 = arith.constant 0 : i32
      %dma_wait3A_746 = tpu.memref_slice %arg4[%dma_wait3A_744, %dma_wait3A_745] : memref<20000x128xf32, #tpu.memory_space<hbm>> -> memref<20000x128xf32, #tpu.memory_space<hbm>>
      tpu.wait_indirect_dma semaphore(%arg10 : memref<!tpu.dma_semaphore, #tpu.memory_space<semaphore_mem>>) src(%dma_wait3A_746 : memref<20000x128xf32, #tpu.memory_space<hbm>>) dst(%dma_wait3A_740 : memref<32x128xf32, #tpu.memory_space<vmem>>)
      %dma_start3A_747 = arith.constant 0 : i32
      %dma_start3A_748 = arith.constant 0 : i32
      %dma_start3A_749 = arith.constant 0 : i32
      %dma_start3A_750 = arith.constant 0 : i32
      %dma_start3A_751 = tpu.memref_slice %arg8[%dma_start3A_747, %dma_start3A_749, %dma_start3A_750] : memref<4x32x128xf32, #tpu.memory_space<vmem>> -> memref<1x32x128xf32, #tpu.memory_space<vmem>>
      %dma_start3A_752 = tpu.memref_squeeze %dma_start3A_751 : memref<1x32x128xf32, #tpu.memory_space<vmem>> -> memref<32x128xf32, #tpu.memory_space<vmem>>
      %dma_start3A_753 = arith.constant 0 : i32
      %dma_start3A_754 = tpu.memref_slice %arg7[%and3A_342, %dma_start3A_748, %dma_start3A_753] : memref<2x8x32xi32, #tpu.memory_space<vmem>> -> memref<1x1x32xi32, #tpu.memory_space<vmem>>
      %dma_start3A_755 = tpu.memref_squeeze %dma_start3A_754 : memref<1x1x32xi32, #tpu.memory_space<vmem>> -> memref<32xi32, #tpu.memory_space<vmem>>
      %dma_start3A_756 = arith.constant 0 : i32
      %dma_start3A_757 = arith.constant 0 : i32
      %dma_start3A_758 = tpu.memref_slice %arg9[%dma_start3A_756, %dma_start3A_757] : memref<10240x128xf32, #tpu.memory_space<vmem_shared>> -> memref<10240x128xf32, #tpu.memory_space<vmem_shared>>
      tpu.enqueue_indirect_dma source(%dma_start3A_752 : memref<32x128xf32, #tpu.memory_space<vmem>>) target(%dma_start3A_758 : memref<10240x128xf32, #tpu.memory_space<vmem_shared>>) offsets(%dma_start3A_755 : memref<32xi32, #tpu.memory_space<vmem>>) semaphore(%arg14 : memref<!tpu.dma_semaphore, #tpu.memory_space<semaphore_mem>>) {add = true}
      %dma_wait3A_759 = arith.constant 3 : i32
      %dma_wait3A_760 = arith.constant 0 : i32
      %dma_wait3A_761 = arith.constant 0 : i32
      %dma_wait3A_762 = arith.constant 0 : i32
      %dma_wait3A_763 = arith.constant 0 : i32
      %dma_wait3A_764 = tpu.memref_slice %arg8[%dma_wait3A_759, %dma_wait3A_762, %dma_wait3A_763] : memref<4x32x128xf32, #tpu.memory_space<vmem>> -> memref<1x32x128xf32, #tpu.memory_space<vmem>>
      %dma_wait3A_765 = tpu.memref_squeeze %dma_wait3A_764 : memref<1x32x128xf32, #tpu.memory_space<vmem>> -> memref<32x128xf32, #tpu.memory_space<vmem>>
      %dma_wait3A_766 = arith.constant 0 : i32
      %dma_wait3A_767 = tpu.memref_slice %arg7[%dma_wait3A_760, %dma_wait3A_761, %dma_wait3A_766] : memref<2x8x32xi32, #tpu.memory_space<vmem>> -> memref<1x1x32xi32, #tpu.memory_space<vmem>>
      %dma_wait3A_768 = tpu.memref_squeeze %dma_wait3A_767 : memref<1x1x32xi32, #tpu.memory_space<vmem>> -> memref<32xi32, #tpu.memory_space<vmem>>
      %dma_wait3A_769 = arith.constant 0 : i32
      %dma_wait3A_770 = arith.constant 0 : i32
      %dma_wait3A_771 = tpu.memref_slice %arg9[%dma_wait3A_769, %dma_wait3A_770] : memref<10240x128xf32, #tpu.memory_space<vmem_shared>> -> memref<10240x128xf32, #tpu.memory_space<vmem_shared>>
      tpu.wait_indirect_dma semaphore(%arg17 : memref<!tpu.dma_semaphore, #tpu.memory_space<semaphore_mem>>) src(%dma_wait3A_765 : memref<32x128xf32, #tpu.memory_space<vmem>>) dst(%dma_wait3A_771 : memref<10240x128xf32, #tpu.memory_space<vmem_shared>>)
      %dma_start3A_772 = arith.constant 3 : i32
      %dma_start3A_773 = arith.constant 3 : i32
      %dma_start3A_774 = arith.constant 0 : i32
      %dma_start3A_775 = arith.constant 0 : i32
      %dma_start3A_776 = tpu.memref_slice %arg8[%dma_start3A_773, %dma_start3A_774, %dma_start3A_775] : memref<4x32x128xf32, #tpu.memory_space<vmem>> -> memref<1x32x128xf32, #tpu.memory_space<vmem>>
      %dma_start3A_777 = tpu.memref_squeeze %dma_start3A_776 : memref<1x32x128xf32, #tpu.memory_space<vmem>> -> memref<32x128xf32, #tpu.memory_space<vmem>>
      %dma_start3A_778 = arith.constant 0 : i32
      %dma_start3A_779 = tpu.memref_slice %arg6[%and3A_342, %dma_start3A_772, %dma_start3A_778] : memref<2x8x32xi32, #tpu.memory_space<vmem>> -> memref<1x1x32xi32, #tpu.memory_space<vmem>>
      %dma_start3A_780 = tpu.memref_squeeze %dma_start3A_779 : memref<1x1x32xi32, #tpu.memory_space<vmem>> -> memref<32xi32, #tpu.memory_space<vmem>>
      %dma_start3A_781 = arith.constant 0 : i32
      %dma_start3A_782 = arith.constant 0 : i32
      %dma_start3A_783 = tpu.memref_slice %arg4[%dma_start3A_781, %dma_start3A_782] : memref<20000x128xf32, #tpu.memory_space<hbm>> -> memref<20000x128xf32, #tpu.memory_space<hbm>>
      tpu.enqueue_indirect_dma source(%dma_start3A_783 : memref<20000x128xf32, #tpu.memory_space<hbm>>) target(%dma_start3A_777 : memref<32x128xf32, #tpu.memory_space<vmem>>) offsets(%dma_start3A_780 : memref<32xi32, #tpu.memory_space<vmem>>) semaphore(%arg13 : memref<!tpu.dma_semaphore, #tpu.memory_space<semaphore_mem>>)
      %dma_wait3A_784 = arith.constant 0 : i32
      %dma_wait3A_785 = arith.constant 0 : i32
      %dma_wait3A_786 = arith.constant 1 : i32
      %dma_wait3A_787 = arith.constant 0 : i32
      %dma_wait3A_788 = arith.constant 0 : i32
      %dma_wait3A_789 = tpu.memref_slice %arg8[%dma_wait3A_786, %dma_wait3A_787, %dma_wait3A_788] : memref<4x32x128xf32, #tpu.memory_space<vmem>> -> memref<1x32x128xf32, #tpu.memory_space<vmem>>
      %dma_wait3A_790 = tpu.memref_squeeze %dma_wait3A_789 : memref<1x32x128xf32, #tpu.memory_space<vmem>> -> memref<32x128xf32, #tpu.memory_space<vmem>>
      %dma_wait3A_791 = arith.constant 0 : i32
      %dma_wait3A_792 = tpu.memref_slice %arg6[%dma_wait3A_784, %dma_wait3A_785, %dma_wait3A_791] : memref<2x8x32xi32, #tpu.memory_space<vmem>> -> memref<1x1x32xi32, #tpu.memory_space<vmem>>
      %dma_wait3A_793 = tpu.memref_squeeze %dma_wait3A_792 : memref<1x1x32xi32, #tpu.memory_space<vmem>> -> memref<32xi32, #tpu.memory_space<vmem>>
      %dma_wait3A_794 = arith.constant 0 : i32
      %dma_wait3A_795 = arith.constant 0 : i32
      %dma_wait3A_796 = tpu.memref_slice %arg4[%dma_wait3A_794, %dma_wait3A_795] : memref<20000x128xf32, #tpu.memory_space<hbm>> -> memref<20000x128xf32, #tpu.memory_space<hbm>>
      tpu.wait_indirect_dma semaphore(%arg11 : memref<!tpu.dma_semaphore, #tpu.memory_space<semaphore_mem>>) src(%dma_wait3A_796 : memref<20000x128xf32, #tpu.memory_space<hbm>>) dst(%dma_wait3A_790 : memref<32x128xf32, #tpu.memory_space<vmem>>)
      %dma_start3A_797 = arith.constant 1 : i32
      %dma_start3A_798 = arith.constant 1 : i32
      %dma_start3A_799 = arith.constant 0 : i32
      %dma_start3A_800 = arith.constant 0 : i32
      %dma_start3A_801 = tpu.memref_slice %arg8[%dma_start3A_797, %dma_start3A_799, %dma_start3A_800] : memref<4x32x128xf32, #tpu.memory_space<vmem>> -> memref<1x32x128xf32, #tpu.memory_space<vmem>>
      %dma_start3A_802 = tpu.memref_squeeze %dma_start3A_801 : memref<1x32x128xf32, #tpu.memory_space<vmem>> -> memref<32x128xf32, #tpu.memory_space<vmem>>
      %dma_start3A_803 = arith.constant 0 : i32
      %dma_start3A_804 = tpu.memref_slice %arg7[%and3A_342, %dma_start3A_798, %dma_start3A_803] : memref<2x8x32xi32, #tpu.memory_space<vmem>> -> memref<1x1x32xi32, #tpu.memory_space<vmem>>
      %dma_start3A_805 = tpu.memref_squeeze %dma_start3A_804 : memref<1x1x32xi32, #tpu.memory_space<vmem>> -> memref<32xi32, #tpu.memory_space<vmem>>
      %dma_start3A_806 = arith.constant 0 : i32
      %dma_start3A_807 = arith.constant 0 : i32
      %dma_start3A_808 = tpu.memref_slice %arg9[%dma_start3A_806, %dma_start3A_807] : memref<10240x128xf32, #tpu.memory_space<vmem_shared>> -> memref<10240x128xf32, #tpu.memory_space<vmem_shared>>
      tpu.enqueue_indirect_dma source(%dma_start3A_802 : memref<32x128xf32, #tpu.memory_space<vmem>>) target(%dma_start3A_808 : memref<10240x128xf32, #tpu.memory_space<vmem_shared>>) offsets(%dma_start3A_805 : memref<32xi32, #tpu.memory_space<vmem>>) semaphore(%arg15 : memref<!tpu.dma_semaphore, #tpu.memory_space<semaphore_mem>>) {add = true}
    }
    %scan3A_279 = arith.constant 78 : i32
    %dma_wait3A_280 = arith.constant 0 : i32
    %dma_wait3A_281 = arith.constant 0 : i32
    %dma_wait3A_282 = arith.constant 2 : i32
    %dma_wait3A_283 = arith.constant 0 : i32
    %dma_wait3A_284 = arith.constant 0 : i32
    %dma_wait3A_285 = tpu.memref_slice %arg8[%dma_wait3A_282, %dma_wait3A_283, %dma_wait3A_284] : memref<4x32x128xf32, #tpu.memory_space<vmem>> -> memref<1x32x128xf32, #tpu.memory_space<vmem>>
    %dma_wait3A_286 = tpu.memref_squeeze %dma_wait3A_285 : memref<1x32x128xf32, #tpu.memory_space<vmem>> -> memref<32x128xf32, #tpu.memory_space<vmem>>
    %dma_wait3A_287 = arith.constant 0 : i32
    %dma_wait3A_288 = tpu.memref_slice %arg6[%dma_wait3A_280, %dma_wait3A_281, %dma_wait3A_287] : memref<2x8x32xi32, #tpu.memory_space<vmem>> -> memref<1x1x32xi32, #tpu.memory_space<vmem>>
    %dma_wait3A_289 = tpu.memref_squeeze %dma_wait3A_288 : memref<1x1x32xi32, #tpu.memory_space<vmem>> -> memref<32xi32, #tpu.memory_space<vmem>>
    %dma_wait3A_290 = arith.constant 0 : i32
    %dma_wait3A_291 = arith.constant 0 : i32
    %dma_wait3A_292 = tpu.memref_slice %arg4[%dma_wait3A_290, %dma_wait3A_291] : memref<20000x128xf32, #tpu.memory_space<hbm>> -> memref<20000x128xf32, #tpu.memory_space<hbm>>
    tpu.wait_indirect_dma semaphore(%arg12 : memref<!tpu.dma_semaphore, #tpu.memory_space<semaphore_mem>>) src(%dma_wait3A_292 : memref<20000x128xf32, #tpu.memory_space<hbm>>) dst(%dma_wait3A_286 : memref<32x128xf32, #tpu.memory_space<vmem>>)
    %dma_wait3A_293 = arith.constant 0 : i32
    %dma_wait3A_294 = arith.constant 0 : i32
    %dma_wait3A_295 = arith.constant 3 : i32
    %dma_wait3A_296 = arith.constant 0 : i32
    %dma_wait3A_297 = arith.constant 0 : i32
    %dma_wait3A_298 = tpu.memref_slice %arg8[%dma_wait3A_295, %dma_wait3A_296, %dma_wait3A_297] : memref<4x32x128xf32, #tpu.memory_space<vmem>> -> memref<1x32x128xf32, #tpu.memory_space<vmem>>
    %dma_wait3A_299 = tpu.memref_squeeze %dma_wait3A_298 : memref<1x32x128xf32, #tpu.memory_space<vmem>> -> memref<32x128xf32, #tpu.memory_space<vmem>>
    %dma_wait3A_300 = arith.constant 0 : i32
    %dma_wait3A_301 = tpu.memref_slice %arg6[%dma_wait3A_293, %dma_wait3A_294, %dma_wait3A_300] : memref<2x8x32xi32, #tpu.memory_space<vmem>> -> memref<1x1x32xi32, #tpu.memory_space<vmem>>
    %dma_wait3A_302 = tpu.memref_squeeze %dma_wait3A_301 : memref<1x1x32xi32, #tpu.memory_space<vmem>> -> memref<32xi32, #tpu.memory_space<vmem>>
    %dma_wait3A_303 = arith.constant 0 : i32
    %dma_wait3A_304 = arith.constant 0 : i32
    %dma_wait3A_305 = tpu.memref_slice %arg4[%dma_wait3A_303, %dma_wait3A_304] : memref<20000x128xf32, #tpu.memory_space<hbm>> -> memref<20000x128xf32, #tpu.memory_space<hbm>>
    tpu.wait_indirect_dma semaphore(%arg13 : memref<!tpu.dma_semaphore, #tpu.memory_space<semaphore_mem>>) src(%dma_wait3A_305 : memref<20000x128xf32, #tpu.memory_space<hbm>>) dst(%dma_wait3A_299 : memref<32x128xf32, #tpu.memory_space<vmem>>)
    %dma_wait3A_306 = arith.constant 0 : i32
    %dma_wait3A_307 = arith.constant 0 : i32
    %dma_wait3A_308 = arith.constant 0 : i32
    %dma_wait3A_309 = arith.constant 0 : i32
    %dma_wait3A_310 = arith.constant 0 : i32
    %dma_wait3A_311 = tpu.memref_slice %arg8[%dma_wait3A_306, %dma_wait3A_309, %dma_wait3A_310] : memref<4x32x128xf32, #tpu.memory_space<vmem>> -> memref<1x32x128xf32, #tpu.memory_space<vmem>>
    %dma_wait3A_312 = tpu.memref_squeeze %dma_wait3A_311 : memref<1x32x128xf32, #tpu.memory_space<vmem>> -> memref<32x128xf32, #tpu.memory_space<vmem>>
    %dma_wait3A_313 = arith.constant 0 : i32
    %dma_wait3A_314 = tpu.memref_slice %arg7[%dma_wait3A_307, %dma_wait3A_308, %dma_wait3A_313] : memref<2x8x32xi32, #tpu.memory_space<vmem>> -> memref<1x1x32xi32, #tpu.memory_space<vmem>>
    %dma_wait3A_315 = tpu.memref_squeeze %dma_wait3A_314 : memref<1x1x32xi32, #tpu.memory_space<vmem>> -> memref<32xi32, #tpu.memory_space<vmem>>
    %dma_wait3A_316 = arith.constant 0 : i32
    %dma_wait3A_317 = arith.constant 0 : i32
    %dma_wait3A_318 = tpu.memref_slice %arg9[%dma_wait3A_316, %dma_wait3A_317] : memref<10240x128xf32, #tpu.memory_space<vmem_shared>> -> memref<10240x128xf32, #tpu.memory_space<vmem_shared>>
    tpu.wait_indirect_dma semaphore(%arg14 : memref<!tpu.dma_semaphore, #tpu.memory_space<semaphore_mem>>) src(%dma_wait3A_312 : memref<32x128xf32, #tpu.memory_space<vmem>>) dst(%dma_wait3A_318 : memref<10240x128xf32, #tpu.memory_space<vmem_shared>>)
    %dma_wait3A_319 = arith.constant 1 : i32
    %dma_wait3A_320 = arith.constant 0 : i32
    %dma_wait3A_321 = arith.constant 0 : i32
    %dma_wait3A_322 = arith.constant 0 : i32
    %dma_wait3A_323 = arith.constant 0 : i32
    %dma_wait3A_324 = tpu.memref_slice %arg8[%dma_wait3A_319, %dma_wait3A_322, %dma_wait3A_323] : memref<4x32x128xf32, #tpu.memory_space<vmem>> -> memref<1x32x128xf32, #tpu.memory_space<vmem>>
    %dma_wait3A_325 = tpu.memref_squeeze %dma_wait3A_324 : memref<1x32x128xf32, #tpu.memory_space<vmem>> -> memref<32x128xf32, #tpu.memory_space<vmem>>
    %dma_wait3A_326 = arith.constant 0 : i32
    %dma_wait3A_327 = tpu.memref_slice %arg7[%dma_wait3A_320, %dma_wait3A_321, %dma_wait3A_326] : memref<2x8x32xi32, #tpu.memory_space<vmem>> -> memref<1x1x32xi32, #tpu.memory_space<vmem>>
    %dma_wait3A_328 = tpu.memref_squeeze %dma_wait3A_327 : memref<1x1x32xi32, #tpu.memory_space<vmem>> -> memref<32xi32, #tpu.memory_space<vmem>>
    %dma_wait3A_329 = arith.constant 0 : i32
    %dma_wait3A_330 = arith.constant 0 : i32
    %dma_wait3A_331 = tpu.memref_slice %arg9[%dma_wait3A_329, %dma_wait3A_330] : memref<10240x128xf32, #tpu.memory_space<vmem_shared>> -> memref<10240x128xf32, #tpu.memory_space<vmem_shared>>
    tpu.wait_indirect_dma semaphore(%arg15 : memref<!tpu.dma_semaphore, #tpu.memory_space<semaphore_mem>>) src(%dma_wait3A_325 : memref<32x128xf32, #tpu.memory_space<vmem>>) dst(%dma_wait3A_331 : memref<10240x128xf32, #tpu.memory_space<vmem_shared>>)
    %barrier3A_332 = arith.constant 0 : index
    tpu.barrier barrier_id(%barrier3A_332)
    %mul3A_333 = arith.constant 640 : i32
    %mul3A_334 = arith.muli %arg1, %mul3A_333 : i32
    %mul3A_335 = arith.constant 640 : i32
    %mul3A_336 = arith.muli %arg1, %mul3A_335 : i32
    "tpu.region"() ({
      %run_scoped3A_337 = tpu.sem_alloc : memref<!tpu.dma_semaphore, #tpu.memory_space<semaphore_mem>>
      %dma_start3A_338 = arith.constant 0 : i32
      %dma_start3A_339 = tpu.memref_slice %arg5[%arg0, %mul3A_336, %dma_start3A_338] : memref<2x10240x128xf32, #tpu.memory_space<hbm>> -> memref<1x640x128xf32, #tpu.memory_space<hbm>>
      %dma_start3A_340 = tpu.memref_squeeze %dma_start3A_339 : memref<1x640x128xf32, #tpu.memory_space<hbm>> -> memref<640x128xf32, #tpu.memory_space<hbm>>
      %dma_start3A_341 = arith.constant 0 : i32
      %dma_start3A_342 = tpu.memref_slice %arg9[%mul3A_334, %dma_start3A_341] : memref<10240x128xf32, #tpu.memory_space<vmem_shared>> -> memref<640x128xf32, #tpu.memory_space<vmem_shared>>
      tpu.enqueue_dma source(%dma_start3A_342 : memref<640x128xf32, #tpu.memory_space<vmem_shared>>) target(%dma_start3A_340 : memref<640x128xf32, #tpu.memory_space<hbm>>) target_semaphore(%run_scoped3A_337 : memref<!tpu.dma_semaphore, #tpu.memory_space<semaphore_mem>>)
      %dma_wait3A_343 = arith.constant 0 : i32
      %dma_wait3A_344 = tpu.memref_slice %arg5[%arg0, %mul3A_336, %dma_wait3A_343] : memref<2x10240x128xf32, #tpu.memory_space<hbm>> -> memref<1x640x128xf32, #tpu.memory_space<hbm>>
      %dma_wait3A_345 = tpu.memref_squeeze %dma_wait3A_344 : memref<1x640x128xf32, #tpu.memory_space<hbm>> -> memref<640x128xf32, #tpu.memory_space<hbm>>
      %dma_wait3A_346 = arith.constant 0 : i32
      %dma_wait3A_347 = tpu.memref_slice %arg9[%mul3A_334, %dma_wait3A_346] : memref<10240x128xf32, #tpu.memory_space<vmem_shared>> -> memref<640x128xf32, #tpu.memory_space<vmem_shared>>
      tpu.wait_dma2 semaphore(%run_scoped3A_337 : memref<!tpu.dma_semaphore, #tpu.memory_space<semaphore_mem>>) src(%dma_wait3A_347 : memref<640x128xf32, #tpu.memory_space<vmem_shared>>) dst(%dma_wait3A_345 : memref<640x128xf32, #tpu.memory_space<hbm>>)
      tpu.yield
    }) : () -> ()
    return
  }
}

#map = affine_map<(d0, d1) -> (0, 0, 0, 0)>
#map1 = affine_map<(d0, d1) -> (0, 0)>
#map2 = affine_map<(d0, d1) -> (0, 0, 0)>
module attributes {stable_mosaic.version = 14 : i64} {
  func.func @k(%arg0: i32, %arg1: i32, %arg2: memref<2x16x320x32xi32, #tpu.memory_space<hbm>>, %arg3: memref<2x16x320x32xi32, #tpu.memory_space<hbm>>, %arg4: memref<20000x128xf32, #tpu.memory_space<hbm>>, %arg5: memref<2x10240x128xf32, #tpu.memory_space<hbm>>, %arg6: memref<2x8x32xi32, #tpu.memory_space<vmem>>, %arg7: memref<2x8x32xi32, #tpu.memory_space<vmem>>, %arg8: memref<4x32x128xf32, #tpu.memory_space<vmem>>, %arg9: memref<10240x128xf32, #tpu.memory_space<vmem_shared>>, %arg10: memref<!tpu.dma_semaphore, #tpu.memory_space<semaphore_mem>>, %arg11: memref<!tpu.dma_semaphore, #tpu.memory_space<semaphore_mem>>, %arg12: memref<!tpu.dma_semaphore, #tpu.memory_space<semaphore_mem>>, %arg13: memref<!tpu.dma_semaphore, #tpu.memory_space<semaphore_mem>>, %arg14: memref<!tpu.dma_semaphore, #tpu.memory_space<semaphore_mem>>, %arg15: memref<!tpu.dma_semaphore, #tpu.memory_space<semaphore_mem>>, %arg16: memref<!tpu.dma_semaphore, #tpu.memory_space<semaphore_mem>>, %arg17: memref<!tpu.dma_semaphore, #tpu.memory_space<semaphore_mem>>, %arg18: memref<!tpu.dma_semaphore, #tpu.memory_space<semaphore_mem>>, %arg19: memref<!tpu.dma_semaphore, #tpu.memory_space<semaphore_mem>>) attributes {dimension_semantics = [#tpu.dimension_semantics<core_parallel>, #tpu.dimension_semantics<subcore_parallel>], iteration_bounds = array<i64: 2, 16>, scalar_prefetch = 0 : i64, scratch_operands = 14 : i64, tpu.core_type = #tpu.core_type<sc_vector_subcore>, window_params = [{transform_indices = #map}, {transform_indices = #map}, {transform_indices = #map1}, {transform_indices = #map2}]} {
    %scan3A = arith.constant 0 : i32
    %scan3A_0 = arith.constant 0 : i32
    %scan3A_1 = arith.constant 32 : i32
    %scan3A_2 = arith.addi %scan3A_0, %scan3A_1 : i32
    %scan3A_3 = arith.constant 1 : i32
    scf.for %scan3A_337 = %scan3A_0 to %scan3A_2 step %scan3A_3  : i32 {
      %broadcast_in_dim3A = arith.constant 0.000000e+00 : f32
      %broadcast_in_dim3A_338 = vector.broadcast %broadcast_in_dim3A : f32 to vector<16xf32>
      %swap3A = arith.constant 0 : i32
      %swap3A_339 = arith.index_cast %swap3A : i32 to index
      %swap3A_340 = arith.index_cast %scan3A_337 : i32 to index
      %swap3A_341 = arith.constant 0 : index
      %swap3A_342 = tpu.vector_load %arg8[%swap3A_339, %swap3A_340, %swap3A_341] {strides = array<i32>} : memref<4x32x128xf32, #tpu.memory_space<vmem>>, vector<1x1x16xf32>,
      %swap3A_343 = vector.shape_cast %swap3A_342 : vector<1x1x16xf32> to vector<16xf32>
      %swap3A_344 = vector.shape_cast %broadcast_in_dim3A_338 : vector<16xf32> to vector<1x1x16xf32>
      tpu.vector_store %arg8[%swap3A_339, %swap3A_340, %swap3A_341], %swap3A_344 {strides = array<i32>} : memref<4x32x128xf32, #tpu.memory_space<vmem>>, vector<1x1x16xf32>,
      %broadcast_in_dim3A_345 = arith.constant 0.000000e+00 : f32
      %broadcast_in_dim3A_346 = vector.broadcast %broadcast_in_dim3A_345 : f32 to vector<16xf32>
      %swap3A_347 = arith.constant 0 : i32
      %swap3A_348 = arith.index_cast %swap3A_347 : i32 to index
      %swap3A_349 = arith.index_cast %scan3A_337 : i32 to index
      %swap3A_350 = arith.constant 16 : index
      %swap3A_351 = tpu.vector_load %arg8[%swap3A_348, %swap3A_349, %swap3A_350] {strides = array<i32>} : memref<4x32x128xf32, #tpu.memory_space<vmem>>, vector<1x1x16xf32>,
      %swap3A_352 = vector.shape_cast %swap3A_351 : vector<1x1x16xf32> to vector<16xf32>
      %swap3A_353 = vector.shape_cast %broadcast_in_dim3A_346 : vector<16xf32> to vector<1x1x16xf32>
      tpu.vector_store %arg8[%swap3A_348, %swap3A_349, %swap3A_350], %swap3A_353 {strides = array<i32>} : memref<4x32x128xf32, #tpu.memory_space<vmem>>, vector<1x1x16xf32>,
      %broadcast_in_dim3A_354 = arith.constant 0.000000e+00 : f32
      %broadcast_in_dim3A_355 = vector.broadcast %broadcast_in_dim3A_354 : f32 to vector<16xf32>
      %swap3A_356 = arith.constant 0 : i32
      %swap3A_357 = arith.index_cast %swap3A_356 : i32 to index
      %swap3A_358 = arith.index_cast %scan3A_337 : i32 to index
      %swap3A_359 = arith.constant 32 : index
      %swap3A_360 = tpu.vector_load %arg8[%swap3A_357, %swap3A_358, %swap3A_359] {strides = array<i32>} : memref<4x32x128xf32, #tpu.memory_space<vmem>>, vector<1x1x16xf32>,
      %swap3A_361 = vector.shape_cast %swap3A_360 : vector<1x1x16xf32> to vector<16xf32>
      %swap3A_362 = vector.shape_cast %broadcast_in_dim3A_355 : vector<16xf32> to vector<1x1x16xf32>
      tpu.vector_store %arg8[%swap3A_357, %swap3A_358, %swap3A_359], %swap3A_362 {strides = array<i32>} : memref<4x32x128xf32, #tpu.memory_space<vmem>>, vector<1x1x16xf32>,
      %broadcast_in_dim3A_363 = arith.constant 0.000000e+00 : f32
      %broadcast_in_dim3A_364 = vector.broadcast %broadcast_in_dim3A_363 : f32 to vector<16xf32>
      %swap3A_365 = arith.constant 0 : i32
      %swap3A_366 = arith.index_cast %swap3A_365 : i32 to index
      %swap3A_367 = arith.index_cast %scan3A_337 : i32 to index
      %swap3A_368 = arith.constant 48 : index
      %swap3A_369 = tpu.vector_load %arg8[%swap3A_366, %swap3A_367, %swap3A_368] {strides = array<i32>} : memref<4x32x128xf32, #tpu.memory_space<vmem>>, vector<1x1x16xf32>,
      %swap3A_370 = vector.shape_cast %swap3A_369 : vector<1x1x16xf32> to vector<16xf32>
      %swap3A_371 = vector.shape_cast %broadcast_in_dim3A_364 : vector<16xf32> to vector<1x1x16xf32>
      tpu.vector_store %arg8[%swap3A_366, %swap3A_367, %swap3A_368], %swap3A_371 {strides = array<i32>} : memref<4x32x128xf32, #tpu.memory_space<vmem>>, vector<1x1x16xf32>,
      %broadcast_in_dim3A_372 = arith.constant 0.000000e+00 : f32
      %broadcast_in_dim3A_373 = vector.broadcast %broadcast_in_dim3A_372 : f32 to vector<16xf32>
      %swap3A_374 = arith.constant 0 : i32
      %swap3A_375 = arith.index_cast %swap3A_374 : i32 to index
      %swap3A_376 = arith.index_cast %scan3A_337 : i32 to index
      %swap3A_377 = arith.constant 64 : index
      %swap3A_378 = tpu.vector_load %arg8[%swap3A_375, %swap3A_376, %swap3A_377] {strides = array<i32>} : memref<4x32x128xf32, #tpu.memory_space<vmem>>, vector<1x1x16xf32>,
      %swap3A_379 = vector.shape_cast %swap3A_378 : vector<1x1x16xf32> to vector<16xf32>
      %swap3A_380 = vector.shape_cast %broadcast_in_dim3A_373 : vector<16xf32> to vector<1x1x16xf32>
      tpu.vector_store %arg8[%swap3A_375, %swap3A_376, %swap3A_377], %swap3A_380 {strides = array<i32>} : memref<4x32x128xf32, #tpu.memory_space<vmem>>, vector<1x1x16xf32>,
      %broadcast_in_dim3A_381 = arith.constant 0.000000e+00 : f32
      %broadcast_in_dim3A_382 = vector.broadcast %broadcast_in_dim3A_381 : f32 to vector<16xf32>
      %swap3A_383 = arith.constant 0 : i32
      %swap3A_384 = arith.index_cast %swap3A_383 : i32 to index
      %swap3A_385 = arith.index_cast %scan3A_337 : i32 to index
      %swap3A_386 = arith.constant 80 : index
      %swap3A_387 = tpu.vector_load %arg8[%swap3A_384, %swap3A_385, %swap3A_386] {strides = array<i32>} : memref<4x32x128xf32, #tpu.memory_space<vmem>>, vector<1x1x16xf32>,
      %swap3A_388 = vector.shape_cast %swap3A_387 : vector<1x1x16xf32> to vector<16xf32>
      %swap3A_389 = vector.shape_cast %broadcast_in_dim3A_382 : vector<16xf32> to vector<1x1x16xf32>
      tpu.vector_store %arg8[%swap3A_384, %swap3A_385, %swap3A_386], %swap3A_389 {strides = array<i32>} : memref<4x32x128xf32, #tpu.memory_space<vmem>>, vector<1x1x16xf32>,
      %broadcast_in_dim3A_390 = arith.constant 0.000000e+00 : f32
      %broadcast_in_dim3A_391 = vector.broadcast %broadcast_in_dim3A_390 : f32 to vector<16xf32>
      %swap3A_392 = arith.constant 0 : i32
      %swap3A_393 = arith.index_cast %swap3A_392 : i32 to index
      %swap3A_394 = arith.index_cast %scan3A_337 : i32 to index
      %swap3A_395 = arith.constant 96 : index
      %swap3A_396 = tpu.vector_load %arg8[%swap3A_393, %swap3A_394, %swap3A_395] {strides = array<i32>} : memref<4x32x128xf32, #tpu.memory_space<vmem>>, vector<1x1x16xf32>,
      %swap3A_397 = vector.shape_cast %swap3A_396 : vector<1x1x16xf32> to vector<16xf32>
      %swap3A_398 = vector.shape_cast %broadcast_in_dim3A_391 : vector<16xf32> to vector<1x1x16xf32>
      tpu.vector_store %arg8[%swap3A_393, %swap3A_394, %swap3A_395], %swap3A_398 {strides = array<i32>} : memref<4x32x128xf32, #tpu.memory_space<vmem>>, vector<1x1x16xf32>,
      %broadcast_in_dim3A_399 = arith.constant 0.000000e+00 : f32
      %broadcast_in_dim3A_400 = vector.broadcast %broadcast_in_dim3A_399 : f32 to vector<16xf32>
      %swap3A_401 = arith.constant 0 : i32
      %swap3A_402 = arith.index_cast %swap3A_401 : i32 to index
      %swap3A_403 = arith.index_cast %scan3A_337 : i32 to index
      %swap3A_404 = arith.constant 112 : index
      %swap3A_405 = tpu.vector_load %arg8[%swap3A_402, %swap3A_403, %swap3A_404] {strides = array<i32>} : memref<4x32x128xf32, #tpu.memory_space<vmem>>, vector<1x1x16xf32>,
      %swap3A_406 = vector.shape_cast %swap3A_405 : vector<1x1x16xf32> to vector<16xf32>
      %swap3A_407 = vector.shape_cast %broadcast_in_dim3A_400 : vector<16xf32> to vector<1x1x16xf32>
      tpu.vector_store %arg8[%swap3A_402, %swap3A_403, %swap3A_404], %swap3A_407 {strides = array<i32>} : memref<4x32x128xf32, #tpu.memory_space<vmem>>, vector<1x1x16xf32>,
    }
    %scan3A_4 = arith.constant 32 : i32
    %mul3A = arith.constant 640 : i32
    %mul3A_5 = arith.muli %arg1, %mul3A : i32
    %add3A = arith.constant 0 : i32
    %add3A_6 = arith.addi %mul3A_5, %add3A : i32
    %run_scoped3A = arith.constant 0 : i32
    "tpu.region"() ({
      %run_scoped3A_337 = tpu.sem_alloc : memref<!tpu.dma_semaphore, #tpu.memory_space<semaphore_mem>>
      %dma_start3A_338 = arith.constant 0 : i32
      %dma_start3A_339 = arith.constant 0 : i32
      %dma_start3A_340 = tpu.memref_slice %arg8[%run_scoped3A, %dma_start3A_338, %dma_start3A_339] : memref<4x32x128xf32, #tpu.memory_space<vmem>> -> memref<1x32x128xf32, #tpu.memory_space<vmem>>
      %dma_start3A_341 = tpu.memref_squeeze %dma_start3A_340 : memref<1x32x128xf32, #tpu.memory_space<vmem>> -> memref<32x128xf32, #tpu.memory_space<vmem>>
      %dma_start3A_342 = arith.constant 0 : i32
      %dma_start3A_343 = tpu.memref_slice %arg9[%add3A_6, %dma_start3A_342] : memref<10240x128xf32, #tpu.memory_space<vmem_shared>> -> memref<32x128xf32, #tpu.memory_space<vmem_shared>>
      %dma_start3A_344 = arith.constant 0 : i32
      %dma_start3A_345 = tpu.memref_slice %arg9[%add3A_6, %dma_start3A_344] : memref<10240x128xf32, #tpu.memory_space<vmem_shared>> -> memref<32x128xf32, #tpu.memory_space<vmem_shared>>
      %dma_start3A_346 = arith.constant 0 : i32
      %dma_start3A_347 = arith.constant 0 : i32
      %dma_start3A_348 = tpu.memref_slice %arg8[%run_scoped3A, %dma_start3A_346, %dma_start3A_347] : memref<4x32x128xf32, #tpu.memory_space<vmem>> -> memref<1x32x128xf32, #tpu.memory_space<vmem>>
      %dma_start3A_349 = tpu.memref_squeeze %dma_start3A_348 : memref<1x32x128xf32, #tpu.memory_space<vmem>> -> memref<32x128xf32, #tpu.memory_space<vmem>>
      tpu.enqueue_dma source(%dma_start3A_349 : memref<32x128xf32, #tpu.memory_space<vmem>>) target(%dma_start3A_345 : memref<32x128xf32, #tpu.memory_space<vmem_shared>>) target_semaphore(%run_scoped3A_337 : memref<!tpu.dma_semaphore, #tpu.memory_space<semaphore_mem>>)
      %dma_wait3A_350 = arith.constant 0 : i32
      %dma_wait3A_351 = arith.constant 0 : i32
      %dma_wait3A_352 = tpu.memref_slice %arg8[%run_scoped3A, %dma_wait3A_350, %dma_wait3A_351] : memref<4x32x128xf32, #tpu.memory_space<vmem>> -> memref<1x32x128xf32, #tpu.memory_space<vmem>>
      %dma_wait3A_353 = tpu.memref_squeeze %dma_wait3A_352 : memref<1x32x128xf32, #tpu.memory_space<vmem>> -> memref<32x128xf32, #tpu.memory_space<vmem>>
      %dma_wait3A_354 = arith.constant 0 : i32
      %dma_wait3A_355 = tpu.memref_slice %arg9[%add3A_6, %dma_wait3A_354] : memref<10240x128xf32, #tpu.memory_space<vmem_shared>> -> memref<32x128xf32, #tpu.memory_space<vmem_shared>>
      %dma_wait3A_356 = arith.constant 0 : i32
      %dma_wait3A_357 = tpu.memref_slice %arg9[%add3A_6, %dma_wait3A_356] : memref<10240x128xf32, #tpu.memory_space<vmem_shared>> -> memref<32x128xf32, #tpu.memory_space<vmem_shared>>
      %dma_wait3A_358 = arith.constant 0 : i32
      %dma_wait3A_359 = arith.constant 0 : i32
      %dma_wait3A_360 = tpu.memref_slice %arg8[%run_scoped3A, %dma_wait3A_358, %dma_wait3A_359] : memref<4x32x128xf32, #tpu.memory_space<vmem>> -> memref<1x32x128xf32, #tpu.memory_space<vmem>>
      %dma_wait3A_361 = tpu.memref_squeeze %dma_wait3A_360 : memref<1x32x128xf32, #tpu.memory_space<vmem>> -> memref<32x128xf32, #tpu.memory_space<vmem>>
      tpu.wait_dma2 semaphore(%run_scoped3A_337 : memref<!tpu.dma_semaphore, #tpu.memory_space<semaphore_mem>>) src(%dma_wait3A_361 : memref<32x128xf32, #tpu.memory_space<vmem>>) dst(%dma_wait3A_357 : memref<32x128xf32, #tpu.memory_space<vmem_shared>>)
      tpu.yield
    }) : () -> ()
    %mul3A_7 = arith.constant 640 : i32
    %mul3A_8 = arith.muli %arg1, %mul3A_7 : i32
    %add3A_9 = arith.constant 32 : i32
    %add3A_10 = arith.addi %mul3A_8, %add3A_9 : i32
    %run_scoped3A_11 = arith.constant 0 : i32
    "tpu.region"() ({
      %run_scoped3A_337 = tpu.sem_alloc : memref<!tpu.dma_semaphore, #tpu.memory_space<semaphore_mem>>
      %dma_start3A_338 = arith.constant 0 : i32
      %dma_start3A_339 = arith.constant 0 : i32
      %dma_start3A_340 = tpu.memref_slice %arg8[%run_scoped3A_11, %dma_start3A_338, %dma_start3A_339] : memref<4x32x128xf32, #tpu.memory_space<vmem>> -> memref<1x32x128xf32, #tpu.memory_space<vmem>>
      %dma_start3A_341 = tpu.memref_squeeze %dma_start3A_340 : memref<1x32x128xf32, #tpu.memory_space<vmem>> -> memref<32x128xf32, #tpu.memory_space<vmem>>
      %dma_start3A_342 = arith.constant 0 : i32
      %dma_start3A_343 = tpu.memref_slice %arg9[%add3A_10, %dma_start3A_342] : memref<10240x128xf32, #tpu.memory_space<vmem_shared>> -> memref<32x128xf32, #tpu.memory_space<vmem_shared>>
      %dma_start3A_344 = arith.constant 0 : i32
      %dma_start3A_345 = tpu.memref_slice %arg9[%add3A_10, %dma_start3A_344] : memref<10240x128xf32, #tpu.memory_space<vmem_shared>> -> memref<32x128xf32, #tpu.memory_space<vmem_shared>>
      %dma_start3A_346 = arith.constant 0 : i32
      %dma_start3A_347 = arith.constant 0 : i32
      %dma_start3A_348 = tpu.memref_slice %arg8[%run_scoped3A_11, %dma_start3A_346, %dma_start3A_347] : memref<4x32x128xf32, #tpu.memory_space<vmem>> -> memref<1x32x128xf32, #tpu.memory_space<vmem>>
      %dma_start3A_349 = tpu.memref_squeeze %dma_start3A_348 : memref<1x32x128xf32, #tpu.memory_space<vmem>> -> memref<32x128xf32, #tpu.memory_space<vmem>>
      tpu.enqueue_dma source(%dma_start3A_349 : memref<32x128xf32, #tpu.memory_space<vmem>>) target(%dma_start3A_345 : memref<32x128xf32, #tpu.memory_space<vmem_shared>>) target_semaphore(%run_scoped3A_337 : memref<!tpu.dma_semaphore, #tpu.memory_space<semaphore_mem>>)
      %dma_wait3A_350 = arith.constant 0 : i32
      %dma_wait3A_351 = arith.constant 0 : i32
      %dma_wait3A_352 = tpu.memref_slice %arg8[%run_scoped3A_11, %dma_wait3A_350, %dma_wait3A_351] : memref<4x32x128xf32, #tpu.memory_space<vmem>> -> memref<1x32x128xf32, #tpu.memory_space<vmem>>
      %dma_wait3A_353 = tpu.memref_squeeze %dma_wait3A_352 : memref<1x32x128xf32, #tpu.memory_space<vmem>> -> memref<32x128xf32, #tpu.memory_space<vmem>>
      %dma_wait3A_354 = arith.constant 0 : i32
      %dma_wait3A_355 = tpu.memref_slice %arg9[%add3A_10, %dma_wait3A_354] : memref<10240x128xf32, #tpu.memory_space<vmem_shared>> -> memref<32x128xf32, #tpu.memory_space<vmem_shared>>
      %dma_wait3A_356 = arith.constant 0 : i32
      %dma_wait3A_357 = tpu.memref_slice %arg9[%add3A_10, %dma_wait3A_356] : memref<10240x128xf32, #tpu.memory_space<vmem_shared>> -> memref<32x128xf32, #tpu.memory_space<vmem_shared>>
      %dma_wait3A_358 = arith.constant 0 : i32
      %dma_wait3A_359 = arith.constant 0 : i32
      %dma_wait3A_360 = tpu.memref_slice %arg8[%run_scoped3A_11, %dma_wait3A_358, %dma_wait3A_359] : memref<4x32x128xf32, #tpu.memory_space<vmem>> -> memref<1x32x128xf32, #tpu.memory_space<vmem>>
      %dma_wait3A_361 = tpu.memref_squeeze %dma_wait3A_360 : memref<1x32x128xf32, #tpu.memory_space<vmem>> -> memref<32x128xf32, #tpu.memory_space<vmem>>
      tpu.wait_dma2 semaphore(%run_scoped3A_337 : memref<!tpu.dma_semaphore, #tpu.memory_space<semaphore_mem>>) src(%dma_wait3A_361 : memref<32x128xf32, #tpu.memory_space<vmem>>) dst(%dma_wait3A_357 : memref<32x128xf32, #tpu.memory_space<vmem_shared>>)
      tpu.yield
    }) : () -> ()
    %mul3A_12 = arith.constant 640 : i32
    %mul3A_13 = arith.muli %arg1, %mul3A_12 : i32
    %add3A_14 = arith.constant 64 : i32
    %add3A_15 = arith.addi %mul3A_13, %add3A_14 : i32
    %run_scoped3A_16 = arith.constant 0 : i32
    "tpu.region"() ({
      %run_scoped3A_337 = tpu.sem_alloc : memref<!tpu.dma_semaphore, #tpu.memory_space<semaphore_mem>>
      %dma_start3A_338 = arith.constant 0 : i32
      %dma_start3A_339 = arith.constant 0 : i32
      %dma_start3A_340 = tpu.memref_slice %arg8[%run_scoped3A_16, %dma_start3A_338, %dma_start3A_339] : memref<4x32x128xf32, #tpu.memory_space<vmem>> -> memref<1x32x128xf32, #tpu.memory_space<vmem>>
      %dma_start3A_341 = tpu.memref_squeeze %dma_start3A_340 : memref<1x32x128xf32, #tpu.memory_space<vmem>> -> memref<32x128xf32, #tpu.memory_space<vmem>>
      %dma_start3A_342 = arith.constant 0 : i32
      %dma_start3A_343 = tpu.memref_slice %arg9[%add3A_15, %dma_start3A_342] : memref<10240x128xf32, #tpu.memory_space<vmem_shared>> -> memref<32x128xf32, #tpu.memory_space<vmem_shared>>
      %dma_start3A_344 = arith.constant 0 : i32
      %dma_start3A_345 = tpu.memref_slice %arg9[%add3A_15, %dma_start3A_344] : memref<10240x128xf32, #tpu.memory_space<vmem_shared>> -> memref<32x128xf32, #tpu.memory_space<vmem_shared>>
      %dma_start3A_346 = arith.constant 0 : i32
      %dma_start3A_347 = arith.constant 0 : i32
      %dma_start3A_348 = tpu.memref_slice %arg8[%run_scoped3A_16, %dma_start3A_346, %dma_start3A_347] : memref<4x32x128xf32, #tpu.memory_space<vmem>> -> memref<1x32x128xf32, #tpu.memory_space<vmem>>
      %dma_start3A_349 = tpu.memref_squeeze %dma_start3A_348 : memref<1x32x128xf32, #tpu.memory_space<vmem>> -> memref<32x128xf32, #tpu.memory_space<vmem>>
      tpu.enqueue_dma source(%dma_start3A_349 : memref<32x128xf32, #tpu.memory_space<vmem>>) target(%dma_start3A_345 : memref<32x128xf32, #tpu.memory_space<vmem_shared>>) target_semaphore(%run_scoped3A_337 : memref<!tpu.dma_semaphore, #tpu.memory_space<semaphore_mem>>)
      %dma_wait3A_350 = arith.constant 0 : i32
      %dma_wait3A_351 = arith.constant 0 : i32
      %dma_wait3A_352 = tpu.memref_slice %arg8[%run_scoped3A_16, %dma_wait3A_350, %dma_wait3A_351] : memref<4x32x128xf32, #tpu.memory_space<vmem>> -> memref<1x32x128xf32, #tpu.memory_space<vmem>>
      %dma_wait3A_353 = tpu.memref_squeeze %dma_wait3A_352 : memref<1x32x128xf32, #tpu.memory_space<vmem>> -> memref<32x128xf32, #tpu.memory_space<vmem>>
      %dma_wait3A_354 = arith.constant 0 : i32
      %dma_wait3A_355 = tpu.memref_slice %arg9[%add3A_15, %dma_wait3A_354] : memref<10240x128xf32, #tpu.memory_space<vmem_shared>> -> memref<32x128xf32, #tpu.memory_space<vmem_shared>>
      %dma_wait3A_356 = arith.constant 0 : i32
      %dma_wait3A_357 = tpu.memref_slice %arg9[%add3A_15, %dma_wait3A_356] : memref<10240x128xf32, #tpu.memory_space<vmem_shared>> -> memref<32x128xf32, #tpu.memory_space<vmem_shared>>
      %dma_wait3A_358 = arith.constant 0 : i32
      %dma_wait3A_359 = arith.constant 0 : i32
      %dma_wait3A_360 = tpu.memref_slice %arg8[%run_scoped3A_16, %dma_wait3A_358, %dma_wait3A_359] : memref<4x32x128xf32, #tpu.memory_space<vmem>> -> memref<1x32x128xf32, #tpu.memory_space<vmem>>
      %dma_wait3A_361 = tpu.memref_squeeze %dma_wait3A_360 : memref<1x32x128xf32, #tpu.memory_space<vmem>> -> memref<32x128xf32, #tpu.memory_space<vmem>>
      tpu.wait_dma2 semaphore(%run_scoped3A_337 : memref<!tpu.dma_semaphore, #tpu.memory_space<semaphore_mem>>) src(%dma_wait3A_361 : memref<32x128xf32, #tpu.memory_space<vmem>>) dst(%dma_wait3A_357 : memref<32x128xf32, #tpu.memory_space<vmem_shared>>)
      tpu.yield
    }) : () -> ()
    %mul3A_17 = arith.constant 640 : i32
    %mul3A_18 = arith.muli %arg1, %mul3A_17 : i32
    %add3A_19 = arith.constant 96 : i32
    %add3A_20 = arith.addi %mul3A_18, %add3A_19 : i32
    %run_scoped3A_21 = arith.constant 0 : i32
    "tpu.region"() ({
      %run_scoped3A_337 = tpu.sem_alloc : memref<!tpu.dma_semaphore, #tpu.memory_space<semaphore_mem>>
      %dma_start3A_338 = arith.constant 0 : i32
      %dma_start3A_339 = arith.constant 0 : i32
      %dma_start3A_340 = tpu.memref_slice %arg8[%run_scoped3A_21, %dma_start3A_338, %dma_start3A_339] : memref<4x32x128xf32, #tpu.memory_space<vmem>> -> memref<1x32x128xf32, #tpu.memory_space<vmem>>
      %dma_start3A_341 = tpu.memref_squeeze %dma_start3A_340 : memref<1x32x128xf32, #tpu.memory_space<vmem>> -> memref<32x128xf32, #tpu.memory_space<vmem>>
      %dma_start3A_342 = arith.constant 0 : i32
      %dma_start3A_343 = tpu.memref_slice %arg9[%add3A_20, %dma_start3A_342] : memref<10240x128xf32, #tpu.memory_space<vmem_shared>> -> memref<32x128xf32, #tpu.memory_space<vmem_shared>>
      %dma_start3A_344 = arith.constant 0 : i32
      %dma_start3A_345 = tpu.memref_slice %arg9[%add3A_20, %dma_start3A_344] : memref<10240x128xf32, #tpu.memory_space<vmem_shared>> -> memref<32x128xf32, #tpu.memory_space<vmem_shared>>
      %dma_start3A_346 = arith.constant 0 : i32
      %dma_start3A_347 = arith.constant 0 : i32
      %dma_start3A_348 = tpu.memref_slice %arg8[%run_scoped3A_21, %dma_start3A_346, %dma_start3A_347] : memref<4x32x128xf32, #tpu.memory_space<vmem>> -> memref<1x32x128xf32, #tpu.memory_space<vmem>>
      %dma_start3A_349 = tpu.memref_squeeze %dma_start3A_348 : memref<1x32x128xf32, #tpu.memory_space<vmem>> -> memref<32x128xf32, #tpu.memory_space<vmem>>
      tpu.enqueue_dma source(%dma_start3A_349 : memref<32x128xf32, #tpu.memory_space<vmem>>) target(%dma_start3A_345 : memref<32x128xf32, #tpu.memory_space<vmem_shared>>) target_semaphore(%run_scoped3A_337 : memref<!tpu.dma_semaphore, #tpu.memory_space<semaphore_mem>>)
      %dma_wait3A_350 = arith.constant 0 : i32
      %dma_wait3A_351 = arith.constant 0 : i32
      %dma_wait3A_352 = tpu.memref_slice %arg8[%run_scoped3A_21, %dma_wait3A_350, %dma_wait3A_351] : memref<4x32x128xf32, #tpu.memory_space<vmem>> -> memref<1x32x128xf32, #tpu.memory_space<vmem>>
      %dma_wait3A_353 = tpu.memref_squeeze %dma_wait3A_352 : memref<1x32x128xf32, #tpu.memory_space<vmem>> -> memref<32x128xf32, #tpu.memory_space<vmem>>
      %dma_wait3A_354 = arith.constant 0 : i32
      %dma_wait3A_355 = tpu.memref_slice %arg9[%add3A_20, %dma_wait3A_354] : memref<10240x128xf32, #tpu.memory_space<vmem_shared>> -> memref<32x128xf32, #tpu.memory_space<vmem_shared>>
      %dma_wait3A_356 = arith.constant 0 : i32
      %dma_wait3A_357 = tpu.memref_slice %arg9[%add3A_20, %dma_wait3A_356] : memref<10240x128xf32, #tpu.memory_space<vmem_shared>> -> memref<32x128xf32, #tpu.memory_space<vmem_shared>>
      %dma_wait3A_358 = arith.constant 0 : i32
      %dma_wait3A_359 = arith.constant 0 : i32
      %dma_wait3A_360 = tpu.memref_slice %arg8[%run_scoped3A_21, %dma_wait3A_358, %dma_wait3A_359] : memref<4x32x128xf32, #tpu.memory_space<vmem>> -> memref<1x32x128xf32, #tpu.memory_space<vmem>>
      %dma_wait3A_361 = tpu.memref_squeeze %dma_wait3A_360 : memref<1x32x128xf32, #tpu.memory_space<vmem>> -> memref<32x128xf32, #tpu.memory_space<vmem>>
      tpu.wait_dma2 semaphore(%run_scoped3A_337 : memref<!tpu.dma_semaphore, #tpu.memory_space<semaphore_mem>>) src(%dma_wait3A_361 : memref<32x128xf32, #tpu.memory_space<vmem>>) dst(%dma_wait3A_357 : memref<32x128xf32, #tpu.memory_space<vmem_shared>>)
      tpu.yield
    }) : () -> ()
    %mul3A_22 = arith.constant 640 : i32
    %mul3A_23 = arith.muli %arg1, %mul3A_22 : i32
    %add3A_24 = arith.constant 128 : i32
    %add3A_25 = arith.addi %mul3A_23, %add3A_24 : i32
    %run_scoped3A_26 = arith.constant 0 : i32
    "tpu.region"() ({
      %run_scoped3A_337 = tpu.sem_alloc : memref<!tpu.dma_semaphore, #tpu.memory_space<semaphore_mem>>
      %dma_start3A_338 = arith.constant 0 : i32
      %dma_start3A_339 = arith.constant 0 : i32
      %dma_start3A_340 = tpu.memref_slice %arg8[%run_scoped3A_26, %dma_start3A_338, %dma_start3A_339] : memref<4x32x128xf32, #tpu.memory_space<vmem>> -> memref<1x32x128xf32, #tpu.memory_space<vmem>>
      %dma_start3A_341 = tpu.memref_squeeze %dma_start3A_340 : memref<1x32x128xf32, #tpu.memory_space<vmem>> -> memref<32x128xf32, #tpu.memory_space<vmem>>
      %dma_start3A_342 = arith.constant 0 : i32
      %dma_start3A_343 = tpu.memref_slice %arg9[%add3A_25, %dma_start3A_342] : memref<10240x128xf32, #tpu.memory_space<vmem_shared>> -> memref<32x128xf32, #tpu.memory_space<vmem_shared>>
      %dma_start3A_344 = arith.constant 0 : i32
      %dma_start3A_345 = tpu.memref_slice %arg9[%add3A_25, %dma_start3A_344] : memref<10240x128xf32, #tpu.memory_space<vmem_shared>> -> memref<32x128xf32, #tpu.memory_space<vmem_shared>>
      %dma_start3A_346 = arith.constant 0 : i32
      %dma_start3A_347 = arith.constant 0 : i32
      %dma_start3A_348 = tpu.memref_slice %arg8[%run_scoped3A_26, %dma_start3A_346, %dma_start3A_347] : memref<4x32x128xf32, #tpu.memory_space<vmem>> -> memref<1x32x128xf32, #tpu.memory_space<vmem>>
      %dma_start3A_349 = tpu.memref_squeeze %dma_start3A_348 : memref<1x32x128xf32, #tpu.memory_space<vmem>> -> memref<32x128xf32, #tpu.memory_space<vmem>>
      tpu.enqueue_dma source(%dma_start3A_349 : memref<32x128xf32, #tpu.memory_space<vmem>>) target(%dma_start3A_345 : memref<32x128xf32, #tpu.memory_space<vmem_shared>>) target_semaphore(%run_scoped3A_337 : memref<!tpu.dma_semaphore, #tpu.memory_space<semaphore_mem>>)
      %dma_wait3A_350 = arith.constant 0 : i32
      %dma_wait3A_351 = arith.constant 0 : i32
      %dma_wait3A_352 = tpu.memref_slice %arg8[%run_scoped3A_26, %dma_wait3A_350, %dma_wait3A_351] : memref<4x32x128xf32, #tpu.memory_space<vmem>> -> memref<1x32x128xf32, #tpu.memory_space<vmem>>
      %dma_wait3A_353 = tpu.memref_squeeze %dma_wait3A_352 : memref<1x32x128xf32, #tpu.memory_space<vmem>> -> memref<32x128xf32, #tpu.memory_space<vmem>>
      %dma_wait3A_354 = arith.constant 0 : i32
      %dma_wait3A_355 = tpu.memref_slice %arg9[%add3A_25, %dma_wait3A_354] : memref<10240x128xf32, #tpu.memory_space<vmem_shared>> -> memref<32x128xf32, #tpu.memory_space<vmem_shared>>
      %dma_wait3A_356 = arith.constant 0 : i32
      %dma_wait3A_357 = tpu.memref_slice %arg9[%add3A_25, %dma_wait3A_356] : memref<10240x128xf32, #tpu.memory_space<vmem_shared>> -> memref<32x128xf32, #tpu.memory_space<vmem_shared>>
      %dma_wait3A_358 = arith.constant 0 : i32
      %dma_wait3A_359 = arith.constant 0 : i32
      %dma_wait3A_360 = tpu.memref_slice %arg8[%run_scoped3A_26, %dma_wait3A_358, %dma_wait3A_359] : memref<4x32x128xf32, #tpu.memory_space<vmem>> -> memref<1x32x128xf32, #tpu.memory_space<vmem>>
      %dma_wait3A_361 = tpu.memref_squeeze %dma_wait3A_360 : memref<1x32x128xf32, #tpu.memory_space<vmem>> -> memref<32x128xf32, #tpu.memory_space<vmem>>
      tpu.wait_dma2 semaphore(%run_scoped3A_337 : memref<!tpu.dma_semaphore, #tpu.memory_space<semaphore_mem>>) src(%dma_wait3A_361 : memref<32x128xf32, #tpu.memory_space<vmem>>) dst(%dma_wait3A_357 : memref<32x128xf32, #tpu.memory_space<vmem_shared>>)
      tpu.yield
    }) : () -> ()
    %mul3A_27 = arith.constant 640 : i32
    %mul3A_28 = arith.muli %arg1, %mul3A_27 : i32
    %add3A_29 = arith.constant 160 : i32
    %add3A_30 = arith.addi %mul3A_28, %add3A_29 : i32
    %run_scoped3A_31 = arith.constant 0 : i32
    "tpu.region"() ({
      %run_scoped3A_337 = tpu.sem_alloc : memref<!tpu.dma_semaphore, #tpu.memory_space<semaphore_mem>>
      %dma_start3A_338 = arith.constant 0 : i32
      %dma_start3A_339 = arith.constant 0 : i32
      %dma_start3A_340 = tpu.memref_slice %arg8[%run_scoped3A_31, %dma_start3A_338, %dma_start3A_339] : memref<4x32x128xf32, #tpu.memory_space<vmem>> -> memref<1x32x128xf32, #tpu.memory_space<vmem>>
      %dma_start3A_341 = tpu.memref_squeeze %dma_start3A_340 : memref<1x32x128xf32, #tpu.memory_space<vmem>> -> memref<32x128xf32, #tpu.memory_space<vmem>>
      %dma_start3A_342 = arith.constant 0 : i32
      %dma_start3A_343 = tpu.memref_slice %arg9[%add3A_30, %dma_start3A_342] : memref<10240x128xf32, #tpu.memory_space<vmem_shared>> -> memref<32x128xf32, #tpu.memory_space<vmem_shared>>
      %dma_start3A_344 = arith.constant 0 : i32
      %dma_start3A_345 = tpu.memref_slice %arg9[%add3A_30, %dma_start3A_344] : memref<10240x128xf32, #tpu.memory_space<vmem_shared>> -> memref<32x128xf32, #tpu.memory_space<vmem_shared>>
      %dma_start3A_346 = arith.constant 0 : i32
      %dma_start3A_347 = arith.constant 0 : i32
      %dma_start3A_348 = tpu.memref_slice %arg8[%run_scoped3A_31, %dma_start3A_346, %dma_start3A_347] : memref<4x32x128xf32, #tpu.memory_space<vmem>> -> memref<1x32x128xf32, #tpu.memory_space<vmem>>
      %dma_start3A_349 = tpu.memref_squeeze %dma_start3A_348 : memref<1x32x128xf32, #tpu.memory_space<vmem>> -> memref<32x128xf32, #tpu.memory_space<vmem>>
      tpu.enqueue_dma source(%dma_start3A_349 : memref<32x128xf32, #tpu.memory_space<vmem>>) target(%dma_start3A_345 : memref<32x128xf32, #tpu.memory_space<vmem_shared>>) target_semaphore(%run_scoped3A_337 : memref<!tpu.dma_semaphore, #tpu.memory_space<semaphore_mem>>)
      %dma_wait3A_350 = arith.constant 0 : i32
      %dma_wait3A_351 = arith.constant 0 : i32
      %dma_wait3A_352 = tpu.memref_slice %arg8[%run_scoped3A_31, %dma_wait3A_350, %dma_wait3A_351] : memref<4x32x128xf32, #tpu.memory_space<vmem>> -> memref<1x32x128xf32, #tpu.memory_space<vmem>>
      %dma_wait3A_353 = tpu.memref_squeeze %dma_wait3A_352 : memref<1x32x128xf32, #tpu.memory_space<vmem>> -> memref<32x128xf32, #tpu.memory_space<vmem>>
      %dma_wait3A_354 = arith.constant 0 : i32
      %dma_wait3A_355 = tpu.memref_slice %arg9[%add3A_30, %dma_wait3A_354] : memref<10240x128xf32, #tpu.memory_space<vmem_shared>> -> memref<32x128xf32, #tpu.memory_space<vmem_shared>>
      %dma_wait3A_356 = arith.constant 0 : i32
      %dma_wait3A_357 = tpu.memref_slice %arg9[%add3A_30, %dma_wait3A_356] : memref<10240x128xf32, #tpu.memory_space<vmem_shared>> -> memref<32x128xf32, #tpu.memory_space<vmem_shared>>
      %dma_wait3A_358 = arith.constant 0 : i32
      %dma_wait3A_359 = arith.constant 0 : i32
      %dma_wait3A_360 = tpu.memref_slice %arg8[%run_scoped3A_31, %dma_wait3A_358, %dma_wait3A_359] : memref<4x32x128xf32, #tpu.memory_space<vmem>> -> memref<1x32x128xf32, #tpu.memory_space<vmem>>
      %dma_wait3A_361 = tpu.memref_squeeze %dma_wait3A_360 : memref<1x32x128xf32, #tpu.memory_space<vmem>> -> memref<32x128xf32, #tpu.memory_space<vmem>>
      tpu.wait_dma2 semaphore(%run_scoped3A_337 : memref<!tpu.dma_semaphore, #tpu.memory_space<semaphore_mem>>) src(%dma_wait3A_361 : memref<32x128xf32, #tpu.memory_space<vmem>>) dst(%dma_wait3A_357 : memref<32x128xf32, #tpu.memory_space<vmem_shared>>)
      tpu.yield
    }) : () -> ()
    %mul3A_32 = arith.constant 640 : i32
    %mul3A_33 = arith.muli %arg1, %mul3A_32 : i32
    %add3A_34 = arith.constant 192 : i32
    %add3A_35 = arith.addi %mul3A_33, %add3A_34 : i32
    %run_scoped3A_36 = arith.constant 0 : i32
    "tpu.region"() ({
      %run_scoped3A_337 = tpu.sem_alloc : memref<!tpu.dma_semaphore, #tpu.memory_space<semaphore_mem>>
      %dma_start3A_338 = arith.constant 0 : i32
      %dma_start3A_339 = arith.constant 0 : i32
      %dma_start3A_340 = tpu.memref_slice %arg8[%run_scoped3A_36, %dma_start3A_338, %dma_start3A_339] : memref<4x32x128xf32, #tpu.memory_space<vmem>> -> memref<1x32x128xf32, #tpu.memory_space<vmem>>
      %dma_start3A_341 = tpu.memref_squeeze %dma_start3A_340 : memref<1x32x128xf32, #tpu.memory_space<vmem>> -> memref<32x128xf32, #tpu.memory_space<vmem>>
      %dma_start3A_342 = arith.constant 0 : i32
      %dma_start3A_343 = tpu.memref_slice %arg9[%add3A_35, %dma_start3A_342] : memref<10240x128xf32, #tpu.memory_space<vmem_shared>> -> memref<32x128xf32, #tpu.memory_space<vmem_shared>>
      %dma_start3A_344 = arith.constant 0 : i32
      %dma_start3A_345 = tpu.memref_slice %arg9[%add3A_35, %dma_start3A_344] : memref<10240x128xf32, #tpu.memory_space<vmem_shared>> -> memref<32x128xf32, #tpu.memory_space<vmem_shared>>
      %dma_start3A_346 = arith.constant 0 : i32
      %dma_start3A_347 = arith.constant 0 : i32
      %dma_start3A_348 = tpu.memref_slice %arg8[%run_scoped3A_36, %dma_start3A_346, %dma_start3A_347] : memref<4x32x128xf32, #tpu.memory_space<vmem>> -> memref<1x32x128xf32, #tpu.memory_space<vmem>>
      %dma_start3A_349 = tpu.memref_squeeze %dma_start3A_348 : memref<1x32x128xf32, #tpu.memory_space<vmem>> -> memref<32x128xf32, #tpu.memory_space<vmem>>
      tpu.enqueue_dma source(%dma_start3A_349 : memref<32x128xf32, #tpu.memory_space<vmem>>) target(%dma_start3A_345 : memref<32x128xf32, #tpu.memory_space<vmem_shared>>) target_semaphore(%run_scoped3A_337 : memref<!tpu.dma_semaphore, #tpu.memory_space<semaphore_mem>>)
      %dma_wait3A_350 = arith.constant 0 : i32
      %dma_wait3A_351 = arith.constant 0 : i32
      %dma_wait3A_352 = tpu.memref_slice %arg8[%run_scoped3A_36, %dma_wait3A_350, %dma_wait3A_351] : memref<4x32x128xf32, #tpu.memory_space<vmem>> -> memref<1x32x128xf32, #tpu.memory_space<vmem>>
      %dma_wait3A_353 = tpu.memref_squeeze %dma_wait3A_352 : memref<1x32x128xf32, #tpu.memory_space<vmem>> -> memref<32x128xf32, #tpu.memory_space<vmem>>
      %dma_wait3A_354 = arith.constant 0 : i32
      %dma_wait3A_355 = tpu.memref_slice %arg9[%add3A_35, %dma_wait3A_354] : memref<10240x128xf32, #tpu.memory_space<vmem_shared>> -> memref<32x128xf32, #tpu.memory_space<vmem_shared>>
      %dma_wait3A_356 = arith.constant 0 : i32
      %dma_wait3A_357 = tpu.memref_slice %arg9[%add3A_35, %dma_wait3A_356] : memref<10240x128xf32, #tpu.memory_space<vmem_shared>> -> memref<32x128xf32, #tpu.memory_space<vmem_shared>>
      %dma_wait3A_358 = arith.constant 0 : i32
      %dma_wait3A_359 = arith.constant 0 : i32
      %dma_wait3A_360 = tpu.memref_slice %arg8[%run_scoped3A_36, %dma_wait3A_358, %dma_wait3A_359] : memref<4x32x128xf32, #tpu.memory_space<vmem>> -> memref<1x32x128xf32, #tpu.memory_space<vmem>>
      %dma_wait3A_361 = tpu.memref_squeeze %dma_wait3A_360 : memref<1x32x128xf32, #tpu.memory_space<vmem>> -> memref<32x128xf32, #tpu.memory_space<vmem>>
      tpu.wait_dma2 semaphore(%run_scoped3A_337 : memref<!tpu.dma_semaphore, #tpu.memory_space<semaphore_mem>>) src(%dma_wait3A_361 : memref<32x128xf32, #tpu.memory_space<vmem>>) dst(%dma_wait3A_357 : memref<32x128xf32, #tpu.memory_space<vmem_shared>>)
      tpu.yield
    }) : () -> ()
    %mul3A_37 = arith.constant 640 : i32
    %mul3A_38 = arith.muli %arg1, %mul3A_37 : i32
    %add3A_39 = arith.constant 224 : i32
    %add3A_40 = arith.addi %mul3A_38, %add3A_39 : i32
    %run_scoped3A_41 = arith.constant 0 : i32
    "tpu.region"() ({
      %run_scoped3A_337 = tpu.sem_alloc : memref<!tpu.dma_semaphore, #tpu.memory_space<semaphore_mem>>
      %dma_start3A_338 = arith.constant 0 : i32
      %dma_start3A_339 = arith.constant 0 : i32
      %dma_start3A_340 = tpu.memref_slice %arg8[%run_scoped3A_41, %dma_start3A_338, %dma_start3A_339] : memref<4x32x128xf32, #tpu.memory_space<vmem>> -> memref<1x32x128xf32, #tpu.memory_space<vmem>>
      %dma_start3A_341 = tpu.memref_squeeze %dma_start3A_340 : memref<1x32x128xf32, #tpu.memory_space<vmem>> -> memref<32x128xf32, #tpu.memory_space<vmem>>
      %dma_start3A_342 = arith.constant 0 : i32
      %dma_start3A_343 = tpu.memref_slice %arg9[%add3A_40, %dma_start3A_342] : memref<10240x128xf32, #tpu.memory_space<vmem_shared>> -> memref<32x128xf32, #tpu.memory_space<vmem_shared>>
      %dma_start3A_344 = arith.constant 0 : i32
      %dma_start3A_345 = tpu.memref_slice %arg9[%add3A_40, %dma_start3A_344] : memref<10240x128xf32, #tpu.memory_space<vmem_shared>> -> memref<32x128xf32, #tpu.memory_space<vmem_shared>>
      %dma_start3A_346 = arith.constant 0 : i32
      %dma_start3A_347 = arith.constant 0 : i32
      %dma_start3A_348 = tpu.memref_slice %arg8[%run_scoped3A_41, %dma_start3A_346, %dma_start3A_347] : memref<4x32x128xf32, #tpu.memory_space<vmem>> -> memref<1x32x128xf32, #tpu.memory_space<vmem>>
      %dma_start3A_349 = tpu.memref_squeeze %dma_start3A_348 : memref<1x32x128xf32, #tpu.memory_space<vmem>> -> memref<32x128xf32, #tpu.memory_space<vmem>>
      tpu.enqueue_dma source(%dma_start3A_349 : memref<32x128xf32, #tpu.memory_space<vmem>>) target(%dma_start3A_345 : memref<32x128xf32, #tpu.memory_space<vmem_shared>>) target_semaphore(%run_scoped3A_337 : memref<!tpu.dma_semaphore, #tpu.memory_space<semaphore_mem>>)
      %dma_wait3A_350 = arith.constant 0 : i32
      %dma_wait3A_351 = arith.constant 0 : i32
      %dma_wait3A_352 = tpu.memref_slice %arg8[%run_scoped3A_41, %dma_wait3A_350, %dma_wait3A_351] : memref<4x32x128xf32, #tpu.memory_space<vmem>> -> memref<1x32x128xf32, #tpu.memory_space<vmem>>
      %dma_wait3A_353 = tpu.memref_squeeze %dma_wait3A_352 : memref<1x32x128xf32, #tpu.memory_space<vmem>> -> memref<32x128xf32, #tpu.memory_space<vmem>>
      %dma_wait3A_354 = arith.constant 0 : i32
      %dma_wait3A_355 = tpu.memref_slice %arg9[%add3A_40, %dma_wait3A_354] : memref<10240x128xf32, #tpu.memory_space<vmem_shared>> -> memref<32x128xf32, #tpu.memory_space<vmem_shared>>
      %dma_wait3A_356 = arith.constant 0 : i32
      %dma_wait3A_357 = tpu.memref_slice %arg9[%add3A_40, %dma_wait3A_356] : memref<10240x128xf32, #tpu.memory_space<vmem_shared>> -> memref<32x128xf32, #tpu.memory_space<vmem_shared>>
      %dma_wait3A_358 = arith.constant 0 : i32
      %dma_wait3A_359 = arith.constant 0 : i32
      %dma_wait3A_360 = tpu.memref_slice %arg8[%run_scoped3A_41, %dma_wait3A_358, %dma_wait3A_359] : memref<4x32x128xf32, #tpu.memory_space<vmem>> -> memref<1x32x128xf32, #tpu.memory_space<vmem>>
      %dma_wait3A_361 = tpu.memref_squeeze %dma_wait3A_360 : memref<1x32x128xf32, #tpu.memory_space<vmem>> -> memref<32x128xf32, #tpu.memory_space<vmem>>
      tpu.wait_dma2 semaphore(%run_scoped3A_337 : memref<!tpu.dma_semaphore, #tpu.memory_space<semaphore_mem>>) src(%dma_wait3A_361 : memref<32x128xf32, #tpu.memory_space<vmem>>) dst(%dma_wait3A_357 : memref<32x128xf32, #tpu.memory_space<vmem_shared>>)
      tpu.yield
    }) : () -> ()
    %mul3A_42 = arith.constant 640 : i32
    %mul3A_43 = arith.muli %arg1, %mul3A_42 : i32
    %add3A_44 = arith.constant 256 : i32
    %add3A_45 = arith.addi %mul3A_43, %add3A_44 : i32
    %run_scoped3A_46 = arith.constant 0 : i32
    "tpu.region"() ({
      %run_scoped3A_337 = tpu.sem_alloc : memref<!tpu.dma_semaphore, #tpu.memory_space<semaphore_mem>>
      %dma_start3A_338 = arith.constant 0 : i32
      %dma_start3A_339 = arith.constant 0 : i32
      %dma_start3A_340 = tpu.memref_slice %arg8[%run_scoped3A_46, %dma_start3A_338, %dma_start3A_339] : memref<4x32x128xf32, #tpu.memory_space<vmem>> -> memref<1x32x128xf32, #tpu.memory_space<vmem>>
      %dma_start3A_341 = tpu.memref_squeeze %dma_start3A_340 : memref<1x32x128xf32, #tpu.memory_space<vmem>> -> memref<32x128xf32, #tpu.memory_space<vmem>>
      %dma_start3A_342 = arith.constant 0 : i32
      %dma_start3A_343 = tpu.memref_slice %arg9[%add3A_45, %dma_start3A_342] : memref<10240x128xf32, #tpu.memory_space<vmem_shared>> -> memref<32x128xf32, #tpu.memory_space<vmem_shared>>
      %dma_start3A_344 = arith.constant 0 : i32
      %dma_start3A_345 = tpu.memref_slice %arg9[%add3A_45, %dma_start3A_344] : memref<10240x128xf32, #tpu.memory_space<vmem_shared>> -> memref<32x128xf32, #tpu.memory_space<vmem_shared>>
      %dma_start3A_346 = arith.constant 0 : i32
      %dma_start3A_347 = arith.constant 0 : i32
      %dma_start3A_348 = tpu.memref_slice %arg8[%run_scoped3A_46, %dma_start3A_346, %dma_start3A_347] : memref<4x32x128xf32, #tpu.memory_space<vmem>> -> memref<1x32x128xf32, #tpu.memory_space<vmem>>
      %dma_start3A_349 = tpu.memref_squeeze %dma_start3A_348 : memref<1x32x128xf32, #tpu.memory_space<vmem>> -> memref<32x128xf32, #tpu.memory_space<vmem>>
      tpu.enqueue_dma source(%dma_start3A_349 : memref<32x128xf32, #tpu.memory_space<vmem>>) target(%dma_start3A_345 : memref<32x128xf32, #tpu.memory_space<vmem_shared>>) target_semaphore(%run_scoped3A_337 : memref<!tpu.dma_semaphore, #tpu.memory_space<semaphore_mem>>)
      %dma_wait3A_350 = arith.constant 0 : i32
      %dma_wait3A_351 = arith.constant 0 : i32
      %dma_wait3A_352 = tpu.memref_slice %arg8[%run_scoped3A_46, %dma_wait3A_350, %dma_wait3A_351] : memref<4x32x128xf32, #tpu.memory_space<vmem>> -> memref<1x32x128xf32, #tpu.memory_space<vmem>>
      %dma_wait3A_353 = tpu.memref_squeeze %dma_wait3A_352 : memref<1x32x128xf32, #tpu.memory_space<vmem>> -> memref<32x128xf32, #tpu.memory_space<vmem>>
      %dma_wait3A_354 = arith.constant 0 : i32
      %dma_wait3A_355 = tpu.memref_slice %arg9[%add3A_45, %dma_wait3A_354] : memref<10240x128xf32, #tpu.memory_space<vmem_shared>> -> memref<32x128xf32, #tpu.memory_space<vmem_shared>>
      %dma_wait3A_356 = arith.constant 0 : i32
      %dma_wait3A_357 = tpu.memref_slice %arg9[%add3A_45, %dma_wait3A_356] : memref<10240x128xf32, #tpu.memory_space<vmem_shared>> -> memref<32x128xf32, #tpu.memory_space<vmem_shared>>
      %dma_wait3A_358 = arith.constant 0 : i32
      %dma_wait3A_359 = arith.constant 0 : i32
      %dma_wait3A_360 = tpu.memref_slice %arg8[%run_scoped3A_46, %dma_wait3A_358, %dma_wait3A_359] : memref<4x32x128xf32, #tpu.memory_space<vmem>> -> memref<1x32x128xf32, #tpu.memory_space<vmem>>
      %dma_wait3A_361 = tpu.memref_squeeze %dma_wait3A_360 : memref<1x32x128xf32, #tpu.memory_space<vmem>> -> memref<32x128xf32, #tpu.memory_space<vmem>>
      tpu.wait_dma2 semaphore(%run_scoped3A_337 : memref<!tpu.dma_semaphore, #tpu.memory_space<semaphore_mem>>) src(%dma_wait3A_361 : memref<32x128xf32, #tpu.memory_space<vmem>>) dst(%dma_wait3A_357 : memref<32x128xf32, #tpu.memory_space<vmem_shared>>)
      tpu.yield
    }) : () -> ()
    %mul3A_47 = arith.constant 640 : i32
    %mul3A_48 = arith.muli %arg1, %mul3A_47 : i32
    %add3A_49 = arith.constant 288 : i32
    %add3A_50 = arith.addi %mul3A_48, %add3A_49 : i32
    %run_scoped3A_51 = arith.constant 0 : i32
    "tpu.region"() ({
      %run_scoped3A_337 = tpu.sem_alloc : memref<!tpu.dma_semaphore, #tpu.memory_space<semaphore_mem>>
      %dma_start3A_338 = arith.constant 0 : i32
      %dma_start3A_339 = arith.constant 0 : i32
      %dma_start3A_340 = tpu.memref_slice %arg8[%run_scoped3A_51, %dma_start3A_338, %dma_start3A_339] : memref<4x32x128xf32, #tpu.memory_space<vmem>> -> memref<1x32x128xf32, #tpu.memory_space<vmem>>
      %dma_start3A_341 = tpu.memref_squeeze %dma_start3A_340 : memref<1x32x128xf32, #tpu.memory_space<vmem>> -> memref<32x128xf32, #tpu.memory_space<vmem>>
      %dma_start3A_342 = arith.constant 0 : i32
      %dma_start3A_343 = tpu.memref_slice %arg9[%add3A_50, %dma_start3A_342] : memref<10240x128xf32, #tpu.memory_space<vmem_shared>> -> memref<32x128xf32, #tpu.memory_space<vmem_shared>>
      %dma_start3A_344 = arith.constant 0 : i32
      %dma_start3A_345 = tpu.memref_slice %arg9[%add3A_50, %dma_start3A_344] : memref<10240x128xf32, #tpu.memory_space<vmem_shared>> -> memref<32x128xf32, #tpu.memory_space<vmem_shared>>
      %dma_start3A_346 = arith.constant 0 : i32
      %dma_start3A_347 = arith.constant 0 : i32
      %dma_start3A_348 = tpu.memref_slice %arg8[%run_scoped3A_51, %dma_start3A_346, %dma_start3A_347] : memref<4x32x128xf32, #tpu.memory_space<vmem>> -> memref<1x32x128xf32, #tpu.memory_space<vmem>>
      %dma_start3A_349 = tpu.memref_squeeze %dma_start3A_348 : memref<1x32x128xf32, #tpu.memory_space<vmem>> -> memref<32x128xf32, #tpu.memory_space<vmem>>
      tpu.enqueue_dma source(%dma_start3A_349 : memref<32x128xf32, #tpu.memory_space<vmem>>) target(%dma_start3A_345 : memref<32x128xf32, #tpu.memory_space<vmem_shared>>) target_semaphore(%run_scoped3A_337 : memref<!tpu.dma_semaphore, #tpu.memory_space<semaphore_mem>>)
      %dma_wait3A_350 = arith.constant 0 : i32
      %dma_wait3A_351 = arith.constant 0 : i32
      %dma_wait3A_352 = tpu.memref_slice %arg8[%run_scoped3A_51, %dma_wait3A_350, %dma_wait3A_351] : memref<4x32x128xf32, #tpu.memory_space<vmem>> -> memref<1x32x128xf32, #tpu.memory_space<vmem>>
      %dma_wait3A_353 = tpu.memref_squeeze %dma_wait3A_352 : memref<1x32x128xf32, #tpu.memory_space<vmem>> -> memref<32x128xf32, #tpu.memory_space<vmem>>
      %dma_wait3A_354 = arith.constant 0 : i32
      %dma_wait3A_355 = tpu.memref_slice %arg9[%add3A_50, %dma_wait3A_354] : memref<10240x128xf32, #tpu.memory_space<vmem_shared>> -> memref<32x128xf32, #tpu.memory_space<vmem_shared>>
      %dma_wait3A_356 = arith.constant 0 : i32
      %dma_wait3A_357 = tpu.memref_slice %arg9[%add3A_50, %dma_wait3A_356] : memref<10240x128xf32, #tpu.memory_space<vmem_shared>> -> memref<32x128xf32, #tpu.memory_space<vmem_shared>>
      %dma_wait3A_358 = arith.constant 0 : i32
      %dma_wait3A_359 = arith.constant 0 : i32
      %dma_wait3A_360 = tpu.memref_slice %arg8[%run_scoped3A_51, %dma_wait3A_358, %dma_wait3A_359] : memref<4x32x128xf32, #tpu.memory_space<vmem>> -> memref<1x32x128xf32, #tpu.memory_space<vmem>>
      %dma_wait3A_361 = tpu.memref_squeeze %dma_wait3A_360 : memref<1x32x128xf32, #tpu.memory_space<vmem>> -> memref<32x128xf32, #tpu.memory_space<vmem>>
      tpu.wait_dma2 semaphore(%run_scoped3A_337 : memref<!tpu.dma_semaphore, #tpu.memory_space<semaphore_mem>>) src(%dma_wait3A_361 : memref<32x128xf32, #tpu.memory_space<vmem>>) dst(%dma_wait3A_357 : memref<32x128xf32, #tpu.memory_space<vmem_shared>>)
      tpu.yield
    }) : () -> ()
    %mul3A_52 = arith.constant 640 : i32
    %mul3A_53 = arith.muli %arg1, %mul3A_52 : i32
    %add3A_54 = arith.constant 320 : i32
    %add3A_55 = arith.addi %mul3A_53, %add3A_54 : i32
    %run_scoped3A_56 = arith.constant 0 : i32
    "tpu.region"() ({
      %run_scoped3A_337 = tpu.sem_alloc : memref<!tpu.dma_semaphore, #tpu.memory_space<semaphore_mem>>
      %dma_start3A_338 = arith.constant 0 : i32
      %dma_start3A_339 = arith.constant 0 : i32
      %dma_start3A_340 = tpu.memref_slice %arg8[%run_scoped3A_56, %dma_start3A_338, %dma_start3A_339] : memref<4x32x128xf32, #tpu.memory_space<vmem>> -> memref<1x32x128xf32, #tpu.memory_space<vmem>>
      %dma_start3A_341 = tpu.memref_squeeze %dma_start3A_340 : memref<1x32x128xf32, #tpu.memory_space<vmem>> -> memref<32x128xf32, #tpu.memory_space<vmem>>
      %dma_start3A_342 = arith.constant 0 : i32
      %dma_start3A_343 = tpu.memref_slice %arg9[%add3A_55, %dma_start3A_342] : memref<10240x128xf32, #tpu.memory_space<vmem_shared>> -> memref<32x128xf32, #tpu.memory_space<vmem_shared>>
      %dma_start3A_344 = arith.constant 0 : i32
      %dma_start3A_345 = tpu.memref_slice %arg9[%add3A_55, %dma_start3A_344] : memref<10240x128xf32, #tpu.memory_space<vmem_shared>> -> memref<32x128xf32, #tpu.memory_space<vmem_shared>>
      %dma_start3A_346 = arith.constant 0 : i32
      %dma_start3A_347 = arith.constant 0 : i32
      %dma_start3A_348 = tpu.memref_slice %arg8[%run_scoped3A_56, %dma_start3A_346, %dma_start3A_347] : memref<4x32x128xf32, #tpu.memory_space<vmem>> -> memref<1x32x128xf32, #tpu.memory_space<vmem>>
      %dma_start3A_349 = tpu.memref_squeeze %dma_start3A_348 : memref<1x32x128xf32, #tpu.memory_space<vmem>> -> memref<32x128xf32, #tpu.memory_space<vmem>>
      tpu.enqueue_dma source(%dma_start3A_349 : memref<32x128xf32, #tpu.memory_space<vmem>>) target(%dma_start3A_345 : memref<32x128xf32, #tpu.memory_space<vmem_shared>>) target_semaphore(%run_scoped3A_337 : memref<!tpu.dma_semaphore, #tpu.memory_space<semaphore_mem>>)
      %dma_wait3A_350 = arith.constant 0 : i32
      %dma_wait3A_351 = arith.constant 0 : i32
      %dma_wait3A_352 = tpu.memref_slice %arg8[%run_scoped3A_56, %dma_wait3A_350, %dma_wait3A_351] : memref<4x32x128xf32, #tpu.memory_space<vmem>> -> memref<1x32x128xf32, #tpu.memory_space<vmem>>
      %dma_wait3A_353 = tpu.memref_squeeze %dma_wait3A_352 : memref<1x32x128xf32, #tpu.memory_space<vmem>> -> memref<32x128xf32, #tpu.memory_space<vmem>>
      %dma_wait3A_354 = arith.constant 0 : i32
      %dma_wait3A_355 = tpu.memref_slice %arg9[%add3A_55, %dma_wait3A_354] : memref<10240x128xf32, #tpu.memory_space<vmem_shared>> -> memref<32x128xf32, #tpu.memory_space<vmem_shared>>
      %dma_wait3A_356 = arith.constant 0 : i32
      %dma_wait3A_357 = tpu.memref_slice %arg9[%add3A_55, %dma_wait3A_356] : memref<10240x128xf32, #tpu.memory_space<vmem_shared>> -> memref<32x128xf32, #tpu.memory_space<vmem_shared>>
      %dma_wait3A_358 = arith.constant 0 : i32
      %dma_wait3A_359 = arith.constant 0 : i32
      %dma_wait3A_360 = tpu.memref_slice %arg8[%run_scoped3A_56, %dma_wait3A_358, %dma_wait3A_359] : memref<4x32x128xf32, #tpu.memory_space<vmem>> -> memref<1x32x128xf32, #tpu.memory_space<vmem>>
      %dma_wait3A_361 = tpu.memref_squeeze %dma_wait3A_360 : memref<1x32x128xf32, #tpu.memory_space<vmem>> -> memref<32x128xf32, #tpu.memory_space<vmem>>
      tpu.wait_dma2 semaphore(%run_scoped3A_337 : memref<!tpu.dma_semaphore, #tpu.memory_space<semaphore_mem>>) src(%dma_wait3A_361 : memref<32x128xf32, #tpu.memory_space<vmem>>) dst(%dma_wait3A_357 : memref<32x128xf32, #tpu.memory_space<vmem_shared>>)
      tpu.yield
    }) : () -> ()
    %mul3A_57 = arith.constant 640 : i32
    %mul3A_58 = arith.muli %arg1, %mul3A_57 : i32
    %add3A_59 = arith.constant 352 : i32
    %add3A_60 = arith.addi %mul3A_58, %add3A_59 : i32
    %run_scoped3A_61 = arith.constant 0 : i32
    "tpu.region"() ({
      %run_scoped3A_337 = tpu.sem_alloc : memref<!tpu.dma_semaphore, #tpu.memory_space<semaphore_mem>>
      %dma_start3A_338 = arith.constant 0 : i32
      %dma_start3A_339 = arith.constant 0 : i32
      %dma_start3A_340 = tpu.memref_slice %arg8[%run_scoped3A_61, %dma_start3A_338, %dma_start3A_339] : memref<4x32x128xf32, #tpu.memory_space<vmem>> -> memref<1x32x128xf32, #tpu.memory_space<vmem>>
      %dma_start3A_341 = tpu.memref_squeeze %dma_start3A_340 : memref<1x32x128xf32, #tpu.memory_space<vmem>> -> memref<32x128xf32, #tpu.memory_space<vmem>>
      %dma_start3A_342 = arith.constant 0 : i32
      %dma_start3A_343 = tpu.memref_slice %arg9[%add3A_60, %dma_start3A_342] : memref<10240x128xf32, #tpu.memory_space<vmem_shared>> -> memref<32x128xf32, #tpu.memory_space<vmem_shared>>
      %dma_start3A_344 = arith.constant 0 : i32
      %dma_start3A_345 = tpu.memref_slice %arg9[%add3A_60, %dma_start3A_344] : memref<10240x128xf32, #tpu.memory_space<vmem_shared>> -> memref<32x128xf32, #tpu.memory_space<vmem_shared>>
      %dma_start3A_346 = arith.constant 0 : i32
      %dma_start3A_347 = arith.constant 0 : i32
      %dma_start3A_348 = tpu.memref_slice %arg8[%run_scoped3A_61, %dma_start3A_346, %dma_start3A_347] : memref<4x32x128xf32, #tpu.memory_space<vmem>> -> memref<1x32x128xf32, #tpu.memory_space<vmem>>
      %dma_start3A_349 = tpu.memref_squeeze %dma_start3A_348 : memref<1x32x128xf32, #tpu.memory_space<vmem>> -> memref<32x128xf32, #tpu.memory_space<vmem>>
      tpu.enqueue_dma source(%dma_start3A_349 : memref<32x128xf32, #tpu.memory_space<vmem>>) target(%dma_start3A_345 : memref<32x128xf32, #tpu.memory_space<vmem_shared>>) target_semaphore(%run_scoped3A_337 : memref<!tpu.dma_semaphore, #tpu.memory_space<semaphore_mem>>)
      %dma_wait3A_350 = arith.constant 0 : i32
      %dma_wait3A_351 = arith.constant 0 : i32
      %dma_wait3A_352 = tpu.memref_slice %arg8[%run_scoped3A_61, %dma_wait3A_350, %dma_wait3A_351] : memref<4x32x128xf32, #tpu.memory_space<vmem>> -> memref<1x32x128xf32, #tpu.memory_space<vmem>>
      %dma_wait3A_353 = tpu.memref_squeeze %dma_wait3A_352 : memref<1x32x128xf32, #tpu.memory_space<vmem>> -> memref<32x128xf32, #tpu.memory_space<vmem>>
      %dma_wait3A_354 = arith.constant 0 : i32
      %dma_wait3A_355 = tpu.memref_slice %arg9[%add3A_60, %dma_wait3A_354] : memref<10240x128xf32, #tpu.memory_space<vmem_shared>> -> memref<32x128xf32, #tpu.memory_space<vmem_shared>>
      %dma_wait3A_356 = arith.constant 0 : i32
      %dma_wait3A_357 = tpu.memref_slice %arg9[%add3A_60, %dma_wait3A_356] : memref<10240x128xf32, #tpu.memory_space<vmem_shared>> -> memref<32x128xf32, #tpu.memory_space<vmem_shared>>
      %dma_wait3A_358 = arith.constant 0 : i32
      %dma_wait3A_359 = arith.constant 0 : i32
      %dma_wait3A_360 = tpu.memref_slice %arg8[%run_scoped3A_61, %dma_wait3A_358, %dma_wait3A_359] : memref<4x32x128xf32, #tpu.memory_space<vmem>> -> memref<1x32x128xf32, #tpu.memory_space<vmem>>
      %dma_wait3A_361 = tpu.memref_squeeze %dma_wait3A_360 : memref<1x32x128xf32, #tpu.memory_space<vmem>> -> memref<32x128xf32, #tpu.memory_space<vmem>>
      tpu.wait_dma2 semaphore(%run_scoped3A_337 : memref<!tpu.dma_semaphore, #tpu.memory_space<semaphore_mem>>) src(%dma_wait3A_361 : memref<32x128xf32, #tpu.memory_space<vmem>>) dst(%dma_wait3A_357 : memref<32x128xf32, #tpu.memory_space<vmem_shared>>)
      tpu.yield
    }) : () -> ()
    %mul3A_62 = arith.constant 640 : i32
    %mul3A_63 = arith.muli %arg1, %mul3A_62 : i32
    %add3A_64 = arith.constant 384 : i32
    %add3A_65 = arith.addi %mul3A_63, %add3A_64 : i32
    %run_scoped3A_66 = arith.constant 0 : i32
    "tpu.region"() ({
      %run_scoped3A_337 = tpu.sem_alloc : memref<!tpu.dma_semaphore, #tpu.memory_space<semaphore_mem>>
      %dma_start3A_338 = arith.constant 0 : i32
      %dma_start3A_339 = arith.constant 0 : i32
      %dma_start3A_340 = tpu.memref_slice %arg8[%run_scoped3A_66, %dma_start3A_338, %dma_start3A_339] : memref<4x32x128xf32, #tpu.memory_space<vmem>> -> memref<1x32x128xf32, #tpu.memory_space<vmem>>
      %dma_start3A_341 = tpu.memref_squeeze %dma_start3A_340 : memref<1x32x128xf32, #tpu.memory_space<vmem>> -> memref<32x128xf32, #tpu.memory_space<vmem>>
      %dma_start3A_342 = arith.constant 0 : i32
      %dma_start3A_343 = tpu.memref_slice %arg9[%add3A_65, %dma_start3A_342] : memref<10240x128xf32, #tpu.memory_space<vmem_shared>> -> memref<32x128xf32, #tpu.memory_space<vmem_shared>>
      %dma_start3A_344 = arith.constant 0 : i32
      %dma_start3A_345 = tpu.memref_slice %arg9[%add3A_65, %dma_start3A_344] : memref<10240x128xf32, #tpu.memory_space<vmem_shared>> -> memref<32x128xf32, #tpu.memory_space<vmem_shared>>
      %dma_start3A_346 = arith.constant 0 : i32
      %dma_start3A_347 = arith.constant 0 : i32
      %dma_start3A_348 = tpu.memref_slice %arg8[%run_scoped3A_66, %dma_start3A_346, %dma_start3A_347] : memref<4x32x128xf32, #tpu.memory_space<vmem>> -> memref<1x32x128xf32, #tpu.memory_space<vmem>>
      %dma_start3A_349 = tpu.memref_squeeze %dma_start3A_348 : memref<1x32x128xf32, #tpu.memory_space<vmem>> -> memref<32x128xf32, #tpu.memory_space<vmem>>
      tpu.enqueue_dma source(%dma_start3A_349 : memref<32x128xf32, #tpu.memory_space<vmem>>) target(%dma_start3A_345 : memref<32x128xf32, #tpu.memory_space<vmem_shared>>) target_semaphore(%run_scoped3A_337 : memref<!tpu.dma_semaphore, #tpu.memory_space<semaphore_mem>>)
      %dma_wait3A_350 = arith.constant 0 : i32
      %dma_wait3A_351 = arith.constant 0 : i32
      %dma_wait3A_352 = tpu.memref_slice %arg8[%run_scoped3A_66, %dma_wait3A_350, %dma_wait3A_351] : memref<4x32x128xf32, #tpu.memory_space<vmem>> -> memref<1x32x128xf32, #tpu.memory_space<vmem>>
      %dma_wait3A_353 = tpu.memref_squeeze %dma_wait3A_352 : memref<1x32x128xf32, #tpu.memory_space<vmem>> -> memref<32x128xf32, #tpu.memory_space<vmem>>
      %dma_wait3A_354 = arith.constant 0 : i32
      %dma_wait3A_355 = tpu.memref_slice %arg9[%add3A_65, %dma_wait3A_354] : memref<10240x128xf32, #tpu.memory_space<vmem_shared>> -> memref<32x128xf32, #tpu.memory_space<vmem_shared>>
      %dma_wait3A_356 = arith.constant 0 : i32
      %dma_wait3A_357 = tpu.memref_slice %arg9[%add3A_65, %dma_wait3A_356] : memref<10240x128xf32, #tpu.memory_space<vmem_shared>> -> memref<32x128xf32, #tpu.memory_space<vmem_shared>>
      %dma_wait3A_358 = arith.constant 0 : i32
      %dma_wait3A_359 = arith.constant 0 : i32
      %dma_wait3A_360 = tpu.memref_slice %arg8[%run_scoped3A_66, %dma_wait3A_358, %dma_wait3A_359] : memref<4x32x128xf32, #tpu.memory_space<vmem>> -> memref<1x32x128xf32, #tpu.memory_space<vmem>>
      %dma_wait3A_361 = tpu.memref_squeeze %dma_wait3A_360 : memref<1x32x128xf32, #tpu.memory_space<vmem>> -> memref<32x128xf32, #tpu.memory_space<vmem>>
      tpu.wait_dma2 semaphore(%run_scoped3A_337 : memref<!tpu.dma_semaphore, #tpu.memory_space<semaphore_mem>>) src(%dma_wait3A_361 : memref<32x128xf32, #tpu.memory_space<vmem>>) dst(%dma_wait3A_357 : memref<32x128xf32, #tpu.memory_space<vmem_shared>>)
      tpu.yield
    }) : () -> ()
    %mul3A_67 = arith.constant 640 : i32
    %mul3A_68 = arith.muli %arg1, %mul3A_67 : i32
    %add3A_69 = arith.constant 416 : i32
    %add3A_70 = arith.addi %mul3A_68, %add3A_69 : i32
    %run_scoped3A_71 = arith.constant 0 : i32
    "tpu.region"() ({
      %run_scoped3A_337 = tpu.sem_alloc : memref<!tpu.dma_semaphore, #tpu.memory_space<semaphore_mem>>
      %dma_start3A_338 = arith.constant 0 : i32
      %dma_start3A_339 = arith.constant 0 : i32
      %dma_start3A_340 = tpu.memref_slice %arg8[%run_scoped3A_71, %dma_start3A_338, %dma_start3A_339] : memref<4x32x128xf32, #tpu.memory_space<vmem>> -> memref<1x32x128xf32, #tpu.memory_space<vmem>>
      %dma_start3A_341 = tpu.memref_squeeze %dma_start3A_340 : memref<1x32x128xf32, #tpu.memory_space<vmem>> -> memref<32x128xf32, #tpu.memory_space<vmem>>
      %dma_start3A_342 = arith.constant 0 : i32
      %dma_start3A_343 = tpu.memref_slice %arg9[%add3A_70, %dma_start3A_342] : memref<10240x128xf32, #tpu.memory_space<vmem_shared>> -> memref<32x128xf32, #tpu.memory_space<vmem_shared>>
      %dma_start3A_344 = arith.constant 0 : i32
      %dma_start3A_345 = tpu.memref_slice %arg9[%add3A_70, %dma_start3A_344] : memref<10240x128xf32, #tpu.memory_space<vmem_shared>> -> memref<32x128xf32, #tpu.memory_space<vmem_shared>>
      %dma_start3A_346 = arith.constant 0 : i32
      %dma_start3A_347 = arith.constant 0 : i32
      %dma_start3A_348 = tpu.memref_slice %arg8[%run_scoped3A_71, %dma_start3A_346, %dma_start3A_347] : memref<4x32x128xf32, #tpu.memory_space<vmem>> -> memref<1x32x128xf32, #tpu.memory_space<vmem>>
      %dma_start3A_349 = tpu.memref_squeeze %dma_start3A_348 : memref<1x32x128xf32, #tpu.memory_space<vmem>> -> memref<32x128xf32, #tpu.memory_space<vmem>>
      tpu.enqueue_dma source(%dma_start3A_349 : memref<32x128xf32, #tpu.memory_space<vmem>>) target(%dma_start3A_345 : memref<32x128xf32, #tpu.memory_space<vmem_shared>>) target_semaphore(%run_scoped3A_337 : memref<!tpu.dma_semaphore, #tpu.memory_space<semaphore_mem>>)
      %dma_wait3A_350 = arith.constant 0 : i32
      %dma_wait3A_351 = arith.constant 0 : i32
      %dma_wait3A_352 = tpu.memref_slice %arg8[%run_scoped3A_71, %dma_wait3A_350, %dma_wait3A_351] : memref<4x32x128xf32, #tpu.memory_space<vmem>> -> memref<1x32x128xf32, #tpu.memory_space<vmem>>
      %dma_wait3A_353 = tpu.memref_squeeze %dma_wait3A_352 : memref<1x32x128xf32, #tpu.memory_space<vmem>> -> memref<32x128xf32, #tpu.memory_space<vmem>>
      %dma_wait3A_354 = arith.constant 0 : i32
      %dma_wait3A_355 = tpu.memref_slice %arg9[%add3A_70, %dma_wait3A_354] : memref<10240x128xf32, #tpu.memory_space<vmem_shared>> -> memref<32x128xf32, #tpu.memory_space<vmem_shared>>
      %dma_wait3A_356 = arith.constant 0 : i32
      %dma_wait3A_357 = tpu.memref_slice %arg9[%add3A_70, %dma_wait3A_356] : memref<10240x128xf32, #tpu.memory_space<vmem_shared>> -> memref<32x128xf32, #tpu.memory_space<vmem_shared>>
      %dma_wait3A_358 = arith.constant 0 : i32
      %dma_wait3A_359 = arith.constant 0 : i32
      %dma_wait3A_360 = tpu.memref_slice %arg8[%run_scoped3A_71, %dma_wait3A_358, %dma_wait3A_359] : memref<4x32x128xf32, #tpu.memory_space<vmem>> -> memref<1x32x128xf32, #tpu.memory_space<vmem>>
      %dma_wait3A_361 = tpu.memref_squeeze %dma_wait3A_360 : memref<1x32x128xf32, #tpu.memory_space<vmem>> -> memref<32x128xf32, #tpu.memory_space<vmem>>
      tpu.wait_dma2 semaphore(%run_scoped3A_337 : memref<!tpu.dma_semaphore, #tpu.memory_space<semaphore_mem>>) src(%dma_wait3A_361 : memref<32x128xf32, #tpu.memory_space<vmem>>) dst(%dma_wait3A_357 : memref<32x128xf32, #tpu.memory_space<vmem_shared>>)
      tpu.yield
    }) : () -> ()
    %mul3A_72 = arith.constant 640 : i32
    %mul3A_73 = arith.muli %arg1, %mul3A_72 : i32
    %add3A_74 = arith.constant 448 : i32
    %add3A_75 = arith.addi %mul3A_73, %add3A_74 : i32
    %run_scoped3A_76 = arith.constant 0 : i32
    "tpu.region"() ({
      %run_scoped3A_337 = tpu.sem_alloc : memref<!tpu.dma_semaphore, #tpu.memory_space<semaphore_mem>>
      %dma_start3A_338 = arith.constant 0 : i32
      %dma_start3A_339 = arith.constant 0 : i32
      %dma_start3A_340 = tpu.memref_slice %arg8[%run_scoped3A_76, %dma_start3A_338, %dma_start3A_339] : memref<4x32x128xf32, #tpu.memory_space<vmem>> -> memref<1x32x128xf32, #tpu.memory_space<vmem>>
      %dma_start3A_341 = tpu.memref_squeeze %dma_start3A_340 : memref<1x32x128xf32, #tpu.memory_space<vmem>> -> memref<32x128xf32, #tpu.memory_space<vmem>>
      %dma_start3A_342 = arith.constant 0 : i32
      %dma_start3A_343 = tpu.memref_slice %arg9[%add3A_75, %dma_start3A_342] : memref<10240x128xf32, #tpu.memory_space<vmem_shared>> -> memref<32x128xf32, #tpu.memory_space<vmem_shared>>
      %dma_start3A_344 = arith.constant 0 : i32
      %dma_start3A_345 = tpu.memref_slice %arg9[%add3A_75, %dma_start3A_344] : memref<10240x128xf32, #tpu.memory_space<vmem_shared>> -> memref<32x128xf32, #tpu.memory_space<vmem_shared>>
      %dma_start3A_346 = arith.constant 0 : i32
      %dma_start3A_347 = arith.constant 0 : i32
      %dma_start3A_348 = tpu.memref_slice %arg8[%run_scoped3A_76, %dma_start3A_346, %dma_start3A_347] : memref<4x32x128xf32, #tpu.memory_space<vmem>> -> memref<1x32x128xf32, #tpu.memory_space<vmem>>
      %dma_start3A_349 = tpu.memref_squeeze %dma_start3A_348 : memref<1x32x128xf32, #tpu.memory_space<vmem>> -> memref<32x128xf32, #tpu.memory_space<vmem>>
      tpu.enqueue_dma source(%dma_start3A_349 : memref<32x128xf32, #tpu.memory_space<vmem>>) target(%dma_start3A_345 : memref<32x128xf32, #tpu.memory_space<vmem_shared>>) target_semaphore(%run_scoped3A_337 : memref<!tpu.dma_semaphore, #tpu.memory_space<semaphore_mem>>)
      %dma_wait3A_350 = arith.constant 0 : i32
      %dma_wait3A_351 = arith.constant 0 : i32
      %dma_wait3A_352 = tpu.memref_slice %arg8[%run_scoped3A_76, %dma_wait3A_350, %dma_wait3A_351] : memref<4x32x128xf32, #tpu.memory_space<vmem>> -> memref<1x32x128xf32, #tpu.memory_space<vmem>>
      %dma_wait3A_353 = tpu.memref_squeeze %dma_wait3A_352 : memref<1x32x128xf32, #tpu.memory_space<vmem>> -> memref<32x128xf32, #tpu.memory_space<vmem>>
      %dma_wait3A_354 = arith.constant 0 : i32
      %dma_wait3A_355 = tpu.memref_slice %arg9[%add3A_75, %dma_wait3A_354] : memref<10240x128xf32, #tpu.memory_space<vmem_shared>> -> memref<32x128xf32, #tpu.memory_space<vmem_shared>>
      %dma_wait3A_356 = arith.constant 0 : i32
      %dma_wait3A_357 = tpu.memref_slice %arg9[%add3A_75, %dma_wait3A_356] : memref<10240x128xf32, #tpu.memory_space<vmem_shared>> -> memref<32x128xf32, #tpu.memory_space<vmem_shared>>
      %dma_wait3A_358 = arith.constant 0 : i32
      %dma_wait3A_359 = arith.constant 0 : i32
      %dma_wait3A_360 = tpu.memref_slice %arg8[%run_scoped3A_76, %dma_wait3A_358, %dma_wait3A_359] : memref<4x32x128xf32, #tpu.memory_space<vmem>> -> memref<1x32x128xf32, #tpu.memory_space<vmem>>
      %dma_wait3A_361 = tpu.memref_squeeze %dma_wait3A_360 : memref<1x32x128xf32, #tpu.memory_space<vmem>> -> memref<32x128xf32, #tpu.memory_space<vmem>>
      tpu.wait_dma2 semaphore(%run_scoped3A_337 : memref<!tpu.dma_semaphore, #tpu.memory_space<semaphore_mem>>) src(%dma_wait3A_361 : memref<32x128xf32, #tpu.memory_space<vmem>>) dst(%dma_wait3A_357 : memref<32x128xf32, #tpu.memory_space<vmem_shared>>)
      tpu.yield
    }) : () -> ()
    %mul3A_77 = arith.constant 640 : i32
    %mul3A_78 = arith.muli %arg1, %mul3A_77 : i32
    %add3A_79 = arith.constant 480 : i32
    %add3A_80 = arith.addi %mul3A_78, %add3A_79 : i32
    %run_scoped3A_81 = arith.constant 0 : i32
    "tpu.region"() ({
      %run_scoped3A_337 = tpu.sem_alloc : memref<!tpu.dma_semaphore, #tpu.memory_space<semaphore_mem>>
      %dma_start3A_338 = arith.constant 0 : i32
      %dma_start3A_339 = arith.constant 0 : i32
      %dma_start3A_340 = tpu.memref_slice %arg8[%run_scoped3A_81, %dma_start3A_338, %dma_start3A_339] : memref<4x32x128xf32, #tpu.memory_space<vmem>> -> memref<1x32x128xf32, #tpu.memory_space<vmem>>
      %dma_start3A_341 = tpu.memref_squeeze %dma_start3A_340 : memref<1x32x128xf32, #tpu.memory_space<vmem>> -> memref<32x128xf32, #tpu.memory_space<vmem>>
      %dma_start3A_342 = arith.constant 0 : i32
      %dma_start3A_343 = tpu.memref_slice %arg9[%add3A_80, %dma_start3A_342] : memref<10240x128xf32, #tpu.memory_space<vmem_shared>> -> memref<32x128xf32, #tpu.memory_space<vmem_shared>>
      %dma_start3A_344 = arith.constant 0 : i32
      %dma_start3A_345 = tpu.memref_slice %arg9[%add3A_80, %dma_start3A_344] : memref<10240x128xf32, #tpu.memory_space<vmem_shared>> -> memref<32x128xf32, #tpu.memory_space<vmem_shared>>
      %dma_start3A_346 = arith.constant 0 : i32
      %dma_start3A_347 = arith.constant 0 : i32
      %dma_start3A_348 = tpu.memref_slice %arg8[%run_scoped3A_81, %dma_start3A_346, %dma_start3A_347] : memref<4x32x128xf32, #tpu.memory_space<vmem>> -> memref<1x32x128xf32, #tpu.memory_space<vmem>>
      %dma_start3A_349 = tpu.memref_squeeze %dma_start3A_348 : memref<1x32x128xf32, #tpu.memory_space<vmem>> -> memref<32x128xf32, #tpu.memory_space<vmem>>
      tpu.enqueue_dma source(%dma_start3A_349 : memref<32x128xf32, #tpu.memory_space<vmem>>) target(%dma_start3A_345 : memref<32x128xf32, #tpu.memory_space<vmem_shared>>) target_semaphore(%run_scoped3A_337 : memref<!tpu.dma_semaphore, #tpu.memory_space<semaphore_mem>>)
      %dma_wait3A_350 = arith.constant 0 : i32
      %dma_wait3A_351 = arith.constant 0 : i32
      %dma_wait3A_352 = tpu.memref_slice %arg8[%run_scoped3A_81, %dma_wait3A_350, %dma_wait3A_351] : memref<4x32x128xf32, #tpu.memory_space<vmem>> -> memref<1x32x128xf32, #tpu.memory_space<vmem>>
      %dma_wait3A_353 = tpu.memref_squeeze %dma_wait3A_352 : memref<1x32x128xf32, #tpu.memory_space<vmem>> -> memref<32x128xf32, #tpu.memory_space<vmem>>
      %dma_wait3A_354 = arith.constant 0 : i32
      %dma_wait3A_355 = tpu.memref_slice %arg9[%add3A_80, %dma_wait3A_354] : memref<10240x128xf32, #tpu.memory_space<vmem_shared>> -> memref<32x128xf32, #tpu.memory_space<vmem_shared>>
      %dma_wait3A_356 = arith.constant 0 : i32
      %dma_wait3A_357 = tpu.memref_slice %arg9[%add3A_80, %dma_wait3A_356] : memref<10240x128xf32, #tpu.memory_space<vmem_shared>> -> memref<32x128xf32, #tpu.memory_space<vmem_shared>>
      %dma_wait3A_358 = arith.constant 0 : i32
      %dma_wait3A_359 = arith.constant 0 : i32
      %dma_wait3A_360 = tpu.memref_slice %arg8[%run_scoped3A_81, %dma_wait3A_358, %dma_wait3A_359] : memref<4x32x128xf32, #tpu.memory_space<vmem>> -> memref<1x32x128xf32, #tpu.memory_space<vmem>>
      %dma_wait3A_361 = tpu.memref_squeeze %dma_wait3A_360 : memref<1x32x128xf32, #tpu.memory_space<vmem>> -> memref<32x128xf32, #tpu.memory_space<vmem>>
      tpu.wait_dma2 semaphore(%run_scoped3A_337 : memref<!tpu.dma_semaphore, #tpu.memory_space<semaphore_mem>>) src(%dma_wait3A_361 : memref<32x128xf32, #tpu.memory_space<vmem>>) dst(%dma_wait3A_357 : memref<32x128xf32, #tpu.memory_space<vmem_shared>>)
      tpu.yield
    }) : () -> ()
    %mul3A_82 = arith.constant 640 : i32
    %mul3A_83 = arith.muli %arg1, %mul3A_82 : i32
    %add3A_84 = arith.constant 512 : i32
    %add3A_85 = arith.addi %mul3A_83, %add3A_84 : i32
    %run_scoped3A_86 = arith.constant 0 : i32
    "tpu.region"() ({
      %run_scoped3A_337 = tpu.sem_alloc : memref<!tpu.dma_semaphore, #tpu.memory_space<semaphore_mem>>
      %dma_start3A_338 = arith.constant 0 : i32
      %dma_start3A_339 = arith.constant 0 : i32
      %dma_start3A_340 = tpu.memref_slice %arg8[%run_scoped3A_86, %dma_start3A_338, %dma_start3A_339] : memref<4x32x128xf32, #tpu.memory_space<vmem>> -> memref<1x32x128xf32, #tpu.memory_space<vmem>>
      %dma_start3A_341 = tpu.memref_squeeze %dma_start3A_340 : memref<1x32x128xf32, #tpu.memory_space<vmem>> -> memref<32x128xf32, #tpu.memory_space<vmem>>
      %dma_start3A_342 = arith.constant 0 : i32
      %dma_start3A_343 = tpu.memref_slice %arg9[%add3A_85, %dma_start3A_342] : memref<10240x128xf32, #tpu.memory_space<vmem_shared>> -> memref<32x128xf32, #tpu.memory_space<vmem_shared>>
      %dma_start3A_344 = arith.constant 0 : i32
      %dma_start3A_345 = tpu.memref_slice %arg9[%add3A_85, %dma_start3A_344] : memref<10240x128xf32, #tpu.memory_space<vmem_shared>> -> memref<32x128xf32, #tpu.memory_space<vmem_shared>>
      %dma_start3A_346 = arith.constant 0 : i32
      %dma_start3A_347 = arith.constant 0 : i32
      %dma_start3A_348 = tpu.memref_slice %arg8[%run_scoped3A_86, %dma_start3A_346, %dma_start3A_347] : memref<4x32x128xf32, #tpu.memory_space<vmem>> -> memref<1x32x128xf32, #tpu.memory_space<vmem>>
      %dma_start3A_349 = tpu.memref_squeeze %dma_start3A_348 : memref<1x32x128xf32, #tpu.memory_space<vmem>> -> memref<32x128xf32, #tpu.memory_space<vmem>>
      tpu.enqueue_dma source(%dma_start3A_349 : memref<32x128xf32, #tpu.memory_space<vmem>>) target(%dma_start3A_345 : memref<32x128xf32, #tpu.memory_space<vmem_shared>>) target_semaphore(%run_scoped3A_337 : memref<!tpu.dma_semaphore, #tpu.memory_space<semaphore_mem>>)
      %dma_wait3A_350 = arith.constant 0 : i32
      %dma_wait3A_351 = arith.constant 0 : i32
      %dma_wait3A_352 = tpu.memref_slice %arg8[%run_scoped3A_86, %dma_wait3A_350, %dma_wait3A_351] : memref<4x32x128xf32, #tpu.memory_space<vmem>> -> memref<1x32x128xf32, #tpu.memory_space<vmem>>
      %dma_wait3A_353 = tpu.memref_squeeze %dma_wait3A_352 : memref<1x32x128xf32, #tpu.memory_space<vmem>> -> memref<32x128xf32, #tpu.memory_space<vmem>>
      %dma_wait3A_354 = arith.constant 0 : i32
      %dma_wait3A_355 = tpu.memref_slice %arg9[%add3A_85, %dma_wait3A_354] : memref<10240x128xf32, #tpu.memory_space<vmem_shared>> -> memref<32x128xf32, #tpu.memory_space<vmem_shared>>
      %dma_wait3A_356 = arith.constant 0 : i32
      %dma_wait3A_357 = tpu.memref_slice %arg9[%add3A_85, %dma_wait3A_356] : memref<10240x128xf32, #tpu.memory_space<vmem_shared>> -> memref<32x128xf32, #tpu.memory_space<vmem_shared>>
      %dma_wait3A_358 = arith.constant 0 : i32
      %dma_wait3A_359 = arith.constant 0 : i32
      %dma_wait3A_360 = tpu.memref_slice %arg8[%run_scoped3A_86, %dma_wait3A_358, %dma_wait3A_359] : memref<4x32x128xf32, #tpu.memory_space<vmem>> -> memref<1x32x128xf32, #tpu.memory_space<vmem>>
      %dma_wait3A_361 = tpu.memref_squeeze %dma_wait3A_360 : memref<1x32x128xf32, #tpu.memory_space<vmem>> -> memref<32x128xf32, #tpu.memory_space<vmem>>
      tpu.wait_dma2 semaphore(%run_scoped3A_337 : memref<!tpu.dma_semaphore, #tpu.memory_space<semaphore_mem>>) src(%dma_wait3A_361 : memref<32x128xf32, #tpu.memory_space<vmem>>) dst(%dma_wait3A_357 : memref<32x128xf32, #tpu.memory_space<vmem_shared>>)
      tpu.yield
    }) : () -> ()
    %mul3A_87 = arith.constant 640 : i32
    %mul3A_88 = arith.muli %arg1, %mul3A_87 : i32
    %add3A_89 = arith.constant 544 : i32
    %add3A_90 = arith.addi %mul3A_88, %add3A_89 : i32
    %run_scoped3A_91 = arith.constant 0 : i32
    "tpu.region"() ({
      %run_scoped3A_337 = tpu.sem_alloc : memref<!tpu.dma_semaphore, #tpu.memory_space<semaphore_mem>>
      %dma_start3A_338 = arith.constant 0 : i32
      %dma_start3A_339 = arith.constant 0 : i32
      %dma_start3A_340 = tpu.memref_slice %arg8[%run_scoped3A_91, %dma_start3A_338, %dma_start3A_339] : memref<4x32x128xf32, #tpu.memory_space<vmem>> -> memref<1x32x128xf32, #tpu.memory_space<vmem>>
      %dma_start3A_341 = tpu.memref_squeeze %dma_start3A_340 : memref<1x32x128xf32, #tpu.memory_space<vmem>> -> memref<32x128xf32, #tpu.memory_space<vmem>>
      %dma_start3A_342 = arith.constant 0 : i32
      %dma_start3A_343 = tpu.memref_slice %arg9[%add3A_90, %dma_start3A_342] : memref<10240x128xf32, #tpu.memory_space<vmem_shared>> -> memref<32x128xf32, #tpu.memory_space<vmem_shared>>
      %dma_start3A_344 = arith.constant 0 : i32
      %dma_start3A_345 = tpu.memref_slice %arg9[%add3A_90, %dma_start3A_344] : memref<10240x128xf32, #tpu.memory_space<vmem_shared>> -> memref<32x128xf32, #tpu.memory_space<vmem_shared>>
      %dma_start3A_346 = arith.constant 0 : i32
      %dma_start3A_347 = arith.constant 0 : i32
      %dma_start3A_348 = tpu.memref_slice %arg8[%run_scoped3A_91, %dma_start3A_346, %dma_start3A_347] : memref<4x32x128xf32, #tpu.memory_space<vmem>> -> memref<1x32x128xf32, #tpu.memory_space<vmem>>
      %dma_start3A_349 = tpu.memref_squeeze %dma_start3A_348 : memref<1x32x128xf32, #tpu.memory_space<vmem>> -> memref<32x128xf32, #tpu.memory_space<vmem>>
      tpu.enqueue_dma source(%dma_start3A_349 : memref<32x128xf32, #tpu.memory_space<vmem>>) target(%dma_start3A_345 : memref<32x128xf32, #tpu.memory_space<vmem_shared>>) target_semaphore(%run_scoped3A_337 : memref<!tpu.dma_semaphore, #tpu.memory_space<semaphore_mem>>)
      %dma_wait3A_350 = arith.constant 0 : i32
      %dma_wait3A_351 = arith.constant 0 : i32
      %dma_wait3A_352 = tpu.memref_slice %arg8[%run_scoped3A_91, %dma_wait3A_350, %dma_wait3A_351] : memref<4x32x128xf32, #tpu.memory_space<vmem>> -> memref<1x32x128xf32, #tpu.memory_space<vmem>>
      %dma_wait3A_353 = tpu.memref_squeeze %dma_wait3A_352 : memref<1x32x128xf32, #tpu.memory_space<vmem>> -> memref<32x128xf32, #tpu.memory_space<vmem>>
      %dma_wait3A_354 = arith.constant 0 : i32
      %dma_wait3A_355 = tpu.memref_slice %arg9[%add3A_90, %dma_wait3A_354] : memref<10240x128xf32, #tpu.memory_space<vmem_shared>> -> memref<32x128xf32, #tpu.memory_space<vmem_shared>>
      %dma_wait3A_356 = arith.constant 0 : i32
      %dma_wait3A_357 = tpu.memref_slice %arg9[%add3A_90, %dma_wait3A_356] : memref<10240x128xf32, #tpu.memory_space<vmem_shared>> -> memref<32x128xf32, #tpu.memory_space<vmem_shared>>
      %dma_wait3A_358 = arith.constant 0 : i32
      %dma_wait3A_359 = arith.constant 0 : i32
      %dma_wait3A_360 = tpu.memref_slice %arg8[%run_scoped3A_91, %dma_wait3A_358, %dma_wait3A_359] : memref<4x32x128xf32, #tpu.memory_space<vmem>> -> memref<1x32x128xf32, #tpu.memory_space<vmem>>
      %dma_wait3A_361 = tpu.memref_squeeze %dma_wait3A_360 : memref<1x32x128xf32, #tpu.memory_space<vmem>> -> memref<32x128xf32, #tpu.memory_space<vmem>>
      tpu.wait_dma2 semaphore(%run_scoped3A_337 : memref<!tpu.dma_semaphore, #tpu.memory_space<semaphore_mem>>) src(%dma_wait3A_361 : memref<32x128xf32, #tpu.memory_space<vmem>>) dst(%dma_wait3A_357 : memref<32x128xf32, #tpu.memory_space<vmem_shared>>)
      tpu.yield
    }) : () -> ()
    %mul3A_92 = arith.constant 640 : i32
    %mul3A_93 = arith.muli %arg1, %mul3A_92 : i32
    %add3A_94 = arith.constant 576 : i32
    %add3A_95 = arith.addi %mul3A_93, %add3A_94 : i32
    %run_scoped3A_96 = arith.constant 0 : i32
    "tpu.region"() ({
      %run_scoped3A_337 = tpu.sem_alloc : memref<!tpu.dma_semaphore, #tpu.memory_space<semaphore_mem>>
      %dma_start3A_338 = arith.constant 0 : i32
      %dma_start3A_339 = arith.constant 0 : i32
      %dma_start3A_340 = tpu.memref_slice %arg8[%run_scoped3A_96, %dma_start3A_338, %dma_start3A_339] : memref<4x32x128xf32, #tpu.memory_space<vmem>> -> memref<1x32x128xf32, #tpu.memory_space<vmem>>
      %dma_start3A_341 = tpu.memref_squeeze %dma_start3A_340 : memref<1x32x128xf32, #tpu.memory_space<vmem>> -> memref<32x128xf32, #tpu.memory_space<vmem>>
      %dma_start3A_342 = arith.constant 0 : i32
      %dma_start3A_343 = tpu.memref_slice %arg9[%add3A_95, %dma_start3A_342] : memref<10240x128xf32, #tpu.memory_space<vmem_shared>> -> memref<32x128xf32, #tpu.memory_space<vmem_shared>>
      %dma_start3A_344 = arith.constant 0 : i32
      %dma_start3A_345 = tpu.memref_slice %arg9[%add3A_95, %dma_start3A_344] : memref<10240x128xf32, #tpu.memory_space<vmem_shared>> -> memref<32x128xf32, #tpu.memory_space<vmem_shared>>
      %dma_start3A_346 = arith.constant 0 : i32
      %dma_start3A_347 = arith.constant 0 : i32
      %dma_start3A_348 = tpu.memref_slice %arg8[%run_scoped3A_96, %dma_start3A_346, %dma_start3A_347] : memref<4x32x128xf32, #tpu.memory_space<vmem>> -> memref<1x32x128xf32, #tpu.memory_space<vmem>>
      %dma_start3A_349 = tpu.memref_squeeze %dma_start3A_348 : memref<1x32x128xf32, #tpu.memory_space<vmem>> -> memref<32x128xf32, #tpu.memory_space<vmem>>
      tpu.enqueue_dma source(%dma_start3A_349 : memref<32x128xf32, #tpu.memory_space<vmem>>) target(%dma_start3A_345 : memref<32x128xf32, #tpu.memory_space<vmem_shared>>) target_semaphore(%run_scoped3A_337 : memref<!tpu.dma_semaphore, #tpu.memory_space<semaphore_mem>>)
      %dma_wait3A_350 = arith.constant 0 : i32
      %dma_wait3A_351 = arith.constant 0 : i32
      %dma_wait3A_352 = tpu.memref_slice %arg8[%run_scoped3A_96, %dma_wait3A_350, %dma_wait3A_351] : memref<4x32x128xf32, #tpu.memory_space<vmem>> -> memref<1x32x128xf32, #tpu.memory_space<vmem>>
      %dma_wait3A_353 = tpu.memref_squeeze %dma_wait3A_352 : memref<1x32x128xf32, #tpu.memory_space<vmem>> -> memref<32x128xf32, #tpu.memory_space<vmem>>
      %dma_wait3A_354 = arith.constant 0 : i32
      %dma_wait3A_355 = tpu.memref_slice %arg9[%add3A_95, %dma_wait3A_354] : memref<10240x128xf32, #tpu.memory_space<vmem_shared>> -> memref<32x128xf32, #tpu.memory_space<vmem_shared>>
      %dma_wait3A_356 = arith.constant 0 : i32
      %dma_wait3A_357 = tpu.memref_slice %arg9[%add3A_95, %dma_wait3A_356] : memref<10240x128xf32, #tpu.memory_space<vmem_shared>> -> memref<32x128xf32, #tpu.memory_space<vmem_shared>>
      %dma_wait3A_358 = arith.constant 0 : i32
      %dma_wait3A_359 = arith.constant 0 : i32
      %dma_wait3A_360 = tpu.memref_slice %arg8[%run_scoped3A_96, %dma_wait3A_358, %dma_wait3A_359] : memref<4x32x128xf32, #tpu.memory_space<vmem>> -> memref<1x32x128xf32, #tpu.memory_space<vmem>>
      %dma_wait3A_361 = tpu.memref_squeeze %dma_wait3A_360 : memref<1x32x128xf32, #tpu.memory_space<vmem>> -> memref<32x128xf32, #tpu.memory_space<vmem>>
      tpu.wait_dma2 semaphore(%run_scoped3A_337 : memref<!tpu.dma_semaphore, #tpu.memory_space<semaphore_mem>>) src(%dma_wait3A_361 : memref<32x128xf32, #tpu.memory_space<vmem>>) dst(%dma_wait3A_357 : memref<32x128xf32, #tpu.memory_space<vmem_shared>>)
      tpu.yield
    }) : () -> ()
    %mul3A_97 = arith.constant 640 : i32
    %mul3A_98 = arith.muli %arg1, %mul3A_97 : i32
    %add3A_99 = arith.constant 608 : i32
    %add3A_100 = arith.addi %mul3A_98, %add3A_99 : i32
    %run_scoped3A_101 = arith.constant 0 : i32
    "tpu.region"() ({
      %run_scoped3A_337 = tpu.sem_alloc : memref<!tpu.dma_semaphore, #tpu.memory_space<semaphore_mem>>
      %dma_start3A_338 = arith.constant 0 : i32
      %dma_start3A_339 = arith.constant 0 : i32
      %dma_start3A_340 = tpu.memref_slice %arg8[%run_scoped3A_101, %dma_start3A_338, %dma_start3A_339] : memref<4x32x128xf32, #tpu.memory_space<vmem>> -> memref<1x32x128xf32, #tpu.memory_space<vmem>>
      %dma_start3A_341 = tpu.memref_squeeze %dma_start3A_340 : memref<1x32x128xf32, #tpu.memory_space<vmem>> -> memref<32x128xf32, #tpu.memory_space<vmem>>
      %dma_start3A_342 = arith.constant 0 : i32
      %dma_start3A_343 = tpu.memref_slice %arg9[%add3A_100, %dma_start3A_342] : memref<10240x128xf32, #tpu.memory_space<vmem_shared>> -> memref<32x128xf32, #tpu.memory_space<vmem_shared>>
      %dma_start3A_344 = arith.constant 0 : i32
      %dma_start3A_345 = tpu.memref_slice %arg9[%add3A_100, %dma_start3A_344] : memref<10240x128xf32, #tpu.memory_space<vmem_shared>> -> memref<32x128xf32, #tpu.memory_space<vmem_shared>>
      %dma_start3A_346 = arith.constant 0 : i32
      %dma_start3A_347 = arith.constant 0 : i32
      %dma_start3A_348 = tpu.memref_slice %arg8[%run_scoped3A_101, %dma_start3A_346, %dma_start3A_347] : memref<4x32x128xf32, #tpu.memory_space<vmem>> -> memref<1x32x128xf32, #tpu.memory_space<vmem>>
      %dma_start3A_349 = tpu.memref_squeeze %dma_start3A_348 : memref<1x32x128xf32, #tpu.memory_space<vmem>> -> memref<32x128xf32, #tpu.memory_space<vmem>>
      tpu.enqueue_dma source(%dma_start3A_349 : memref<32x128xf32, #tpu.memory_space<vmem>>) target(%dma_start3A_345 : memref<32x128xf32, #tpu.memory_space<vmem_shared>>) target_semaphore(%run_scoped3A_337 : memref<!tpu.dma_semaphore, #tpu.memory_space<semaphore_mem>>)
      %dma_wait3A_350 = arith.constant 0 : i32
      %dma_wait3A_351 = arith.constant 0 : i32
      %dma_wait3A_352 = tpu.memref_slice %arg8[%run_scoped3A_101, %dma_wait3A_350, %dma_wait3A_351] : memref<4x32x128xf32, #tpu.memory_space<vmem>> -> memref<1x32x128xf32, #tpu.memory_space<vmem>>
      %dma_wait3A_353 = tpu.memref_squeeze %dma_wait3A_352 : memref<1x32x128xf32, #tpu.memory_space<vmem>> -> memref<32x128xf32, #tpu.memory_space<vmem>>
      %dma_wait3A_354 = arith.constant 0 : i32
      %dma_wait3A_355 = tpu.memref_slice %arg9[%add3A_100, %dma_wait3A_354] : memref<10240x128xf32, #tpu.memory_space<vmem_shared>> -> memref<32x128xf32, #tpu.memory_space<vmem_shared>>
      %dma_wait3A_356 = arith.constant 0 : i32
      %dma_wait3A_357 = tpu.memref_slice %arg9[%add3A_100, %dma_wait3A_356] : memref<10240x128xf32, #tpu.memory_space<vmem_shared>> -> memref<32x128xf32, #tpu.memory_space<vmem_shared>>
      %dma_wait3A_358 = arith.constant 0 : i32
      %dma_wait3A_359 = arith.constant 0 : i32
      %dma_wait3A_360 = tpu.memref_slice %arg8[%run_scoped3A_101, %dma_wait3A_358, %dma_wait3A_359] : memref<4x32x128xf32, #tpu.memory_space<vmem>> -> memref<1x32x128xf32, #tpu.memory_space<vmem>>
      %dma_wait3A_361 = tpu.memref_squeeze %dma_wait3A_360 : memref<1x32x128xf32, #tpu.memory_space<vmem>> -> memref<32x128xf32, #tpu.memory_space<vmem>>
      tpu.wait_dma2 semaphore(%run_scoped3A_337 : memref<!tpu.dma_semaphore, #tpu.memory_space<semaphore_mem>>) src(%dma_wait3A_361 : memref<32x128xf32, #tpu.memory_space<vmem>>) dst(%dma_wait3A_357 : memref<32x128xf32, #tpu.memory_space<vmem_shared>>)
      tpu.yield
    }) : () -> ()
    %barrier3A = arith.constant 0 : index
    tpu.barrier barrier_id(%barrier3A)
    %mul3A_102 = arith.constant 0 : i32
    %mul3A_103 = arith.constant 8 : i32
    %mul3A_104 = arith.muli %mul3A_102, %mul3A_103 : i32
    %dma_start3A = arith.constant 0 : i32
    %dma_start3A_105 = arith.constant 0 : i32
    %dma_start3A_106 = arith.constant 0 : i32
    %dma_start3A_107 = tpu.memref_slice %arg6[%dma_start3A, %dma_start3A_105, %dma_start3A_106] : memref<2x8x32xi32, #tpu.memory_space<vmem>> -> memref<1x8x32xi32, #tpu.memory_space<vmem>>
    %dma_start3A_108 = tpu.memref_squeeze %dma_start3A_107 : memref<1x8x32xi32, #tpu.memory_space<vmem>> -> memref<8x32xi32, #tpu.memory_space<vmem>>
    %dma_start3A_109 = arith.constant 0 : i32
    %dma_start3A_110 = tpu.memref_slice %arg2[%arg0, %arg1, %mul3A_104, %dma_start3A_109] : memref<2x16x320x32xi32, #tpu.memory_space<hbm>> -> memref<1x1x8x32xi32, #tpu.memory_space<hbm>>
    %dma_start3A_111 = tpu.memref_squeeze %dma_start3A_110 : memref<1x1x8x32xi32, #tpu.memory_space<hbm>> -> memref<8x32xi32, #tpu.memory_space<hbm>>
    %dma_start3A_112 = arith.constant 0 : i32
    %dma_start3A_113 = arith.constant 0 : i32
    %dma_start3A_114 = tpu.memref_slice %arg6[%dma_start3A, %dma_start3A_112, %dma_start3A_113] : memref<2x8x32xi32, #tpu.memory_space<vmem>> -> memref<1x8x32xi32, #tpu.memory_space<vmem>>
    %dma_start3A_115 = tpu.memref_squeeze %dma_start3A_114 : memref<1x8x32xi32, #tpu.memory_space<vmem>> -> memref<8x32xi32, #tpu.memory_space<vmem>>
    %dma_start3A_116 = arith.constant 0 : i32
    %dma_start3A_117 = tpu.memref_slice %arg2[%arg0, %arg1, %mul3A_104, %dma_start3A_116] : memref<2x16x320x32xi32, #tpu.memory_space<hbm>> -> memref<1x1x8x32xi32, #tpu.memory_space<hbm>>
    %dma_start3A_118 = tpu.memref_squeeze %dma_start3A_117 : memref<1x1x8x32xi32, #tpu.memory_space<hbm>> -> memref<8x32xi32, #tpu.memory_space<hbm>>
    tpu.enqueue_dma source(%dma_start3A_118 : memref<8x32xi32, #tpu.memory_space<hbm>>) target(%dma_start3A_115 : memref<8x32xi32, #tpu.memory_space<vmem>>) target_semaphore(%arg18 : memref<!tpu.dma_semaphore, #tpu.memory_space<semaphore_mem>>)
    %mul3A_119 = arith.constant 0 : i32
    %mul3A_120 = arith.constant 8 : i32
    %mul3A_121 = arith.muli %mul3A_119, %mul3A_120 : i32
    %dma_start3A_122 = arith.constant 0 : i32
    %dma_start3A_123 = arith.constant 0 : i32
    %dma_start3A_124 = arith.constant 0 : i32
    %dma_start3A_125 = tpu.memref_slice %arg7[%dma_start3A_122, %dma_start3A_123, %dma_start3A_124] : memref<2x8x32xi32, #tpu.memory_space<vmem>> -> memref<1x8x32xi32, #tpu.memory_space<vmem>>
    %dma_start3A_126 = tpu.memref_squeeze %dma_start3A_125 : memref<1x8x32xi32, #tpu.memory_space<vmem>> -> memref<8x32xi32, #tpu.memory_space<vmem>>
    %dma_start3A_127 = arith.constant 0 : i32
    %dma_start3A_128 = tpu.memref_slice %arg3[%arg0, %arg1, %mul3A_121, %dma_start3A_127] : memref<2x16x320x32xi32, #tpu.memory_space<hbm>> -> memref<1x1x8x32xi32, #tpu.memory_space<hbm>>
    %dma_start3A_129 = tpu.memref_squeeze %dma_start3A_128 : memref<1x1x8x32xi32, #tpu.memory_space<hbm>> -> memref<8x32xi32, #tpu.memory_space<hbm>>
    %dma_start3A_130 = arith.constant 0 : i32
    %dma_start3A_131 = arith.constant 0 : i32
    %dma_start3A_132 = tpu.memref_slice %arg7[%dma_start3A_122, %dma_start3A_130, %dma_start3A_131] : memref<2x8x32xi32, #tpu.memory_space<vmem>> -> memref<1x8x32xi32, #tpu.memory_space<vmem>>
    %dma_start3A_133 = tpu.memref_squeeze %dma_start3A_132 : memref<1x8x32xi32, #tpu.memory_space<vmem>> -> memref<8x32xi32, #tpu.memory_space<vmem>>
    %dma_start3A_134 = arith.constant 0 : i32
    %dma_start3A_135 = tpu.memref_slice %arg3[%arg0, %arg1, %mul3A_121, %dma_start3A_134] : memref<2x16x320x32xi32, #tpu.memory_space<hbm>> -> memref<1x1x8x32xi32, #tpu.memory_space<hbm>>
    %dma_start3A_136 = tpu.memref_squeeze %dma_start3A_135 : memref<1x1x8x32xi32, #tpu.memory_space<hbm>> -> memref<8x32xi32, #tpu.memory_space<hbm>>
    tpu.enqueue_dma source(%dma_start3A_136 : memref<8x32xi32, #tpu.memory_space<hbm>>) target(%dma_start3A_133 : memref<8x32xi32, #tpu.memory_space<vmem>>) target_semaphore(%arg19 : memref<!tpu.dma_semaphore, #tpu.memory_space<semaphore_mem>>)
    %dma_wait3A = arith.constant 0 : i32
    %dma_wait3A_137 = arith.constant 0 : i32
    %dma_wait3A_138 = arith.constant 0 : i32
    %dma_wait3A_139 = tpu.memref_slice %arg6[%dma_wait3A, %dma_wait3A_137, %dma_wait3A_138] : memref<2x8x32xi32, #tpu.memory_space<vmem>> -> memref<1x8x32xi32, #tpu.memory_space<vmem>>
    %dma_wait3A_140 = tpu.memref_squeeze %dma_wait3A_139 : memref<1x8x32xi32, #tpu.memory_space<vmem>> -> memref<8x32xi32, #tpu.memory_space<vmem>>
    %dma_wait3A_141 = arith.constant 0 : i32
    %dma_wait3A_142 = arith.constant 0 : i32
    %dma_wait3A_143 = tpu.memref_slice %arg2[%arg0, %arg1, %dma_wait3A_141, %dma_wait3A_142] : memref<2x16x320x32xi32, #tpu.memory_space<hbm>> -> memref<1x1x8x32xi32, #tpu.memory_space<hbm>>
    %dma_wait3A_144 = tpu.memref_squeeze %dma_wait3A_143 : memref<1x1x8x32xi32, #tpu.memory_space<hbm>> -> memref<8x32xi32, #tpu.memory_space<hbm>>
    %dma_wait3A_145 = arith.constant 0 : i32
    %dma_wait3A_146 = arith.constant 0 : i32
    %dma_wait3A_147 = tpu.memref_slice %arg6[%dma_wait3A, %dma_wait3A_145, %dma_wait3A_146] : memref<2x8x32xi32, #tpu.memory_space<vmem>> -> memref<1x8x32xi32, #tpu.memory_space<vmem>>
    %dma_wait3A_148 = tpu.memref_squeeze %dma_wait3A_147 : memref<1x8x32xi32, #tpu.memory_space<vmem>> -> memref<8x32xi32, #tpu.memory_space<vmem>>
    %dma_wait3A_149 = arith.constant 0 : i32
    %dma_wait3A_150 = arith.constant 0 : i32
    %dma_wait3A_151 = tpu.memref_slice %arg2[%arg0, %arg1, %dma_wait3A_149, %dma_wait3A_150] : memref<2x16x320x32xi32, #tpu.memory_space<hbm>> -> memref<1x1x8x32xi32, #tpu.memory_space<hbm>>
    %dma_wait3A_152 = tpu.memref_squeeze %dma_wait3A_151 : memref<1x1x8x32xi32, #tpu.memory_space<hbm>> -> memref<8x32xi32, #tpu.memory_space<hbm>>
    tpu.wait_dma2 semaphore(%arg18 : memref<!tpu.dma_semaphore, #tpu.memory_space<semaphore_mem>>) src(%dma_wait3A_152 : memref<8x32xi32, #tpu.memory_space<hbm>>) dst(%dma_wait3A_148 : memref<8x32xi32, #tpu.memory_space<vmem>>)
    %dma_wait3A_153 = arith.constant 0 : i32
    %dma_wait3A_154 = arith.constant 0 : i32
    %dma_wait3A_155 = arith.constant 0 : i32
    %dma_wait3A_156 = tpu.memref_slice %arg7[%dma_wait3A_153, %dma_wait3A_154, %dma_wait3A_155] : memref<2x8x32xi32, #tpu.memory_space<vmem>> -> memref<1x8x32xi32, #tpu.memory_space<vmem>>
    %dma_wait3A_157 = tpu.memref_squeeze %dma_wait3A_156 : memref<1x8x32xi32, #tpu.memory_space<vmem>> -> memref<8x32xi32, #tpu.memory_space<vmem>>
    %dma_wait3A_158 = arith.constant 0 : i32
    %dma_wait3A_159 = arith.constant 0 : i32
    %dma_wait3A_160 = tpu.memref_slice %arg3[%arg0, %arg1, %dma_wait3A_158, %dma_wait3A_159] : memref<2x16x320x32xi32, #tpu.memory_space<hbm>> -> memref<1x1x8x32xi32, #tpu.memory_space<hbm>>
    %dma_wait3A_161 = tpu.memref_squeeze %dma_wait3A_160 : memref<1x1x8x32xi32, #tpu.memory_space<hbm>> -> memref<8x32xi32, #tpu.memory_space<hbm>>
    %dma_wait3A_162 = arith.constant 0 : i32
    %dma_wait3A_163 = arith.constant 0 : i32
    %dma_wait3A_164 = tpu.memref_slice %arg7[%dma_wait3A_153, %dma_wait3A_162, %dma_wait3A_163] : memref<2x8x32xi32, #tpu.memory_space<vmem>> -> memref<1x8x32xi32, #tpu.memory_space<vmem>>
    %dma_wait3A_165 = tpu.memref_squeeze %dma_wait3A_164 : memref<1x8x32xi32, #tpu.memory_space<vmem>> -> memref<8x32xi32, #tpu.memory_space<vmem>>
    %dma_wait3A_166 = arith.constant 0 : i32
    %dma_wait3A_167 = arith.constant 0 : i32
    %dma_wait3A_168 = tpu.memref_slice %arg3[%arg0, %arg1, %dma_wait3A_166, %dma_wait3A_167] : memref<2x16x320x32xi32, #tpu.memory_space<hbm>> -> memref<1x1x8x32xi32, #tpu.memory_space<hbm>>
    %dma_wait3A_169 = tpu.memref_squeeze %dma_wait3A_168 : memref<1x1x8x32xi32, #tpu.memory_space<hbm>> -> memref<8x32xi32, #tpu.memory_space<hbm>>
    tpu.wait_dma2 semaphore(%arg19 : memref<!tpu.dma_semaphore, #tpu.memory_space<semaphore_mem>>) src(%dma_wait3A_169 : memref<8x32xi32, #tpu.memory_space<hbm>>) dst(%dma_wait3A_165 : memref<8x32xi32, #tpu.memory_space<vmem>>)
    %dma_start3A_170 = arith.constant 0 : i32
    %dma_start3A_171 = arith.constant 0 : i32
    %dma_start3A_172 = arith.constant 0 : i32
    %dma_start3A_173 = arith.constant 0 : i32
    %dma_start3A_174 = arith.constant 0 : i32
    %dma_start3A_175 = tpu.memref_slice %arg8[%dma_start3A_172, %dma_start3A_173, %dma_start3A_174] : memref<4x32x128xf32, #tpu.memory_space<vmem>> -> memref<1x32x128xf32, #tpu.memory_space<vmem>>
    %dma_start3A_176 = tpu.memref_squeeze %dma_start3A_175 : memref<1x32x128xf32, #tpu.memory_space<vmem>> -> memref<32x128xf32, #tpu.memory_space<vmem>>
    %dma_start3A_177 = arith.constant 0 : i32
    %dma_start3A_178 = tpu.memref_slice %arg6[%dma_start3A_170, %dma_start3A_171, %dma_start3A_177] : memref<2x8x32xi32, #tpu.memory_space<vmem>> -> memref<1x1x32xi32, #tpu.memory_space<vmem>>
    %dma_start3A_179 = tpu.memref_squeeze %dma_start3A_178 : memref<1x1x32xi32, #tpu.memory_space<vmem>> -> memref<32xi32, #tpu.memory_space<vmem>>
    %dma_start3A_180 = arith.constant 0 : i32
    %dma_start3A_181 = arith.constant 0 : i32
    %dma_start3A_182 = tpu.memref_slice %arg4[%dma_start3A_180, %dma_start3A_181] : memref<20000x128xf32, #tpu.memory_space<hbm>> -> memref<20000x128xf32, #tpu.memory_space<hbm>>
    tpu.enqueue_indirect_dma source(%dma_start3A_182 : memref<20000x128xf32, #tpu.memory_space<hbm>>) target(%dma_start3A_176 : memref<32x128xf32, #tpu.memory_space<vmem>>) offsets(%dma_start3A_179 : memref<32xi32, #tpu.memory_space<vmem>>) semaphore(%arg10 : memref<!tpu.dma_semaphore, #tpu.memory_space<semaphore_mem>>)
    %dma_start3A_183 = arith.constant 0 : i32
    %dma_start3A_184 = arith.constant 1 : i32
    %dma_start3A_185 = arith.constant 1 : i32
    %dma_start3A_186 = arith.constant 0 : i32
    %dma_start3A_187 = arith.constant 0 : i32
    %dma_start3A_188 = tpu.memref_slice %arg8[%dma_start3A_185, %dma_start3A_186, %dma_start3A_187] : memref<4x32x128xf32, #tpu.memory_space<vmem>> -> memref<1x32x128xf32, #tpu.memory_space<vmem>>
    %dma_start3A_189 = tpu.memref_squeeze %dma_start3A_188 : memref<1x32x128xf32, #tpu.memory_space<vmem>> -> memref<32x128xf32, #tpu.memory_space<vmem>>
    %dma_start3A_190 = arith.constant 0 : i32
    %dma_start3A_191 = tpu.memref_slice %arg6[%dma_start3A_183, %dma_start3A_184, %dma_start3A_190] : memref<2x8x32xi32, #tpu.memory_space<vmem>> -> memref<1x1x32xi32, #tpu.memory_space<vmem>>
    %dma_start3A_192 = tpu.memref_squeeze %dma_start3A_191 : memref<1x1x32xi32, #tpu.memory_space<vmem>> -> memref<32xi32, #tpu.memory_space<vmem>>
    %dma_start3A_193 = arith.constant 0 : i32
    %dma_start3A_194 = arith.constant 0 : i32
    %dma_start3A_195 = tpu.memref_slice %arg4[%dma_start3A_193, %dma_start3A_194] : memref<20000x128xf32, #tpu.memory_space<hbm>> -> memref<20000x128xf32, #tpu.memory_space<hbm>>
    tpu.enqueue_indirect_dma source(%dma_start3A_195 : memref<20000x128xf32, #tpu.memory_space<hbm>>) target(%dma_start3A_189 : memref<32x128xf32, #tpu.memory_space<vmem>>) offsets(%dma_start3A_192 : memref<32xi32, #tpu.memory_space<vmem>>) semaphore(%arg11 : memref<!tpu.dma_semaphore, #tpu.memory_space<semaphore_mem>>)
    %dma_start3A_196 = arith.constant 0 : i32
    %dma_start3A_197 = arith.constant 2 : i32
    %dma_start3A_198 = arith.constant 2 : i32
    %dma_start3A_199 = arith.constant 0 : i32
    %dma_start3A_200 = arith.constant 0 : i32
    %dma_start3A_201 = tpu.memref_slice %arg8[%dma_start3A_198, %dma_start3A_199, %dma_start3A_200] : memref<4x32x128xf32, #tpu.memory_space<vmem>> -> memref<1x32x128xf32, #tpu.memory_space<vmem>>
    %dma_start3A_202 = tpu.memref_squeeze %dma_start3A_201 : memref<1x32x128xf32, #tpu.memory_space<vmem>> -> memref<32x128xf32, #tpu.memory_space<vmem>>
    %dma_start3A_203 = arith.constant 0 : i32
    %dma_start3A_204 = tpu.memref_slice %arg6[%dma_start3A_196, %dma_start3A_197, %dma_start3A_203] : memref<2x8x32xi32, #tpu.memory_space<vmem>> -> memref<1x1x32xi32, #tpu.memory_space<vmem>>
    %dma_start3A_205 = tpu.memref_squeeze %dma_start3A_204 : memref<1x1x32xi32, #tpu.memory_space<vmem>> -> memref<32xi32, #tpu.memory_space<vmem>>
    %dma_start3A_206 = arith.constant 0 : i32
    %dma_start3A_207 = arith.constant 0 : i32
    %dma_start3A_208 = tpu.memref_slice %arg4[%dma_start3A_206, %dma_start3A_207] : memref<20000x128xf32, #tpu.memory_space<hbm>> -> memref<20000x128xf32, #tpu.memory_space<hbm>>
    tpu.enqueue_indirect_dma source(%dma_start3A_208 : memref<20000x128xf32, #tpu.memory_space<hbm>>) target(%dma_start3A_202 : memref<32x128xf32, #tpu.memory_space<vmem>>) offsets(%dma_start3A_205 : memref<32xi32, #tpu.memory_space<vmem>>) semaphore(%arg12 : memref<!tpu.dma_semaphore, #tpu.memory_space<semaphore_mem>>)
    %dma_wait3A_209 = arith.constant 0 : i32
    %dma_wait3A_210 = arith.constant 0 : i32
    %dma_wait3A_211 = arith.constant 0 : i32
    %dma_wait3A_212 = arith.constant 0 : i32
    %dma_wait3A_213 = arith.constant 0 : i32
    %dma_wait3A_214 = tpu.memref_slice %arg8[%dma_wait3A_211, %dma_wait3A_212, %dma_wait3A_213] : memref<4x32x128xf32, #tpu.memory_space<vmem>> -> memref<1x32x128xf32, #tpu.memory_space<vmem>>
    %dma_wait3A_215 = tpu.memref_squeeze %dma_wait3A_214 : memref<1x32x128xf32, #tpu.memory_space<vmem>> -> memref<32x128xf32, #tpu.memory_space<vmem>>
    %dma_wait3A_216 = arith.constant 0 : i32
    %dma_wait3A_217 = tpu.memref_slice %arg6[%dma_wait3A_209, %dma_wait3A_210, %dma_wait3A_216] : memref<2x8x32xi32, #tpu.memory_space<vmem>> -> memref<1x1x32xi32, #tpu.memory_space<vmem>>
    %dma_wait3A_218 = tpu.memref_squeeze %dma_wait3A_217 : memref<1x1x32xi32, #tpu.memory_space<vmem>> -> memref<32xi32, #tpu.memory_space<vmem>>
    %dma_wait3A_219 = arith.constant 0 : i32
    %dma_wait3A_220 = arith.constant 0 : i32
    %dma_wait3A_221 = tpu.memref_slice %arg4[%dma_wait3A_219, %dma_wait3A_220] : memref<20000x128xf32, #tpu.memory_space<hbm>> -> memref<20000x128xf32, #tpu.memory_space<hbm>>
    tpu.wait_indirect_dma semaphore(%arg10 : memref<!tpu.dma_semaphore, #tpu.memory_space<semaphore_mem>>) src(%dma_wait3A_221 : memref<20000x128xf32, #tpu.memory_space<hbm>>) dst(%dma_wait3A_215 : memref<32x128xf32, #tpu.memory_space<vmem>>)
    %dma_start3A_222 = arith.constant 0 : i32
    %dma_start3A_223 = arith.constant 0 : i32
    %dma_start3A_224 = arith.constant 0 : i32
    %dma_start3A_225 = arith.constant 0 : i32
    %dma_start3A_226 = arith.constant 0 : i32
    %dma_start3A_227 = tpu.memref_slice %arg8[%dma_start3A_222, %dma_start3A_225, %dma_start3A_226] : memref<4x32x128xf32, #tpu.memory_space<vmem>> -> memref<1x32x128xf32, #tpu.memory_space<vmem>>
    %dma_start3A_228 = tpu.memref_squeeze %dma_start3A_227 : memref<1x32x128xf32, #tpu.memory_space<vmem>> -> memref<32x128xf32, #tpu.memory_space<vmem>>
    %dma_start3A_229 = arith.constant 0 : i32
    %dma_start3A_230 = tpu.memref_slice %arg7[%dma_start3A_223, %dma_start3A_224, %dma_start3A_229] : memref<2x8x32xi32, #tpu.memory_space<vmem>> -> memref<1x1x32xi32, #tpu.memory_space<vmem>>
    %dma_start3A_231 = tpu.memref_squeeze %dma_start3A_230 : memref<1x1x32xi32, #tpu.memory_space<vmem>> -> memref<32xi32, #tpu.memory_space<vmem>>
    %dma_start3A_232 = arith.constant 0 : i32
    %dma_start3A_233 = arith.constant 0 : i32
    %dma_start3A_234 = tpu.memref_slice %arg9[%dma_start3A_232, %dma_start3A_233] : memref<10240x128xf32, #tpu.memory_space<vmem_shared>> -> memref<10240x128xf32, #tpu.memory_space<vmem_shared>>
    tpu.enqueue_indirect_dma source(%dma_start3A_228 : memref<32x128xf32, #tpu.memory_space<vmem>>) target(%dma_start3A_234 : memref<10240x128xf32, #tpu.memory_space<vmem_shared>>) offsets(%dma_start3A_231 : memref<32xi32, #tpu.memory_space<vmem>>) semaphore(%arg14 : memref<!tpu.dma_semaphore, #tpu.memory_space<semaphore_mem>>) {add = true}
    %dma_start3A_235 = arith.constant 0 : i32
    %dma_start3A_236 = arith.constant 3 : i32
    %dma_start3A_237 = arith.constant 3 : i32
    %dma_start3A_238 = arith.constant 0 : i32
    %dma_start3A_239 = arith.constant 0 : i32
    %dma_start3A_240 = tpu.memref_slice %arg8[%dma_start3A_237, %dma_start3A_238, %dma_start3A_239] : memref<4x32x128xf32, #tpu.memory_space<vmem>> -> memref<1x32x128xf32, #tpu.memory_space<vmem>>
    %dma_start3A_241 = tpu.memref_squeeze %dma_start3A_240 : memref<1x32x128xf32, #tpu.memory_space<vmem>> -> memref<32x128xf32, #tpu.memory_space<vmem>>
    %dma_start3A_242 = arith.constant 0 : i32
    %dma_start3A_243 = tpu.memref_slice %arg6[%dma_start3A_235, %dma_start3A_236, %dma_start3A_242] : memref<2x8x32xi32, #tpu.memory_space<vmem>> -> memref<1x1x32xi32, #tpu.memory_space<vmem>>
    %dma_start3A_244 = tpu.memref_squeeze %dma_start3A_243 : memref<1x1x32xi32, #tpu.memory_space<vmem>> -> memref<32xi32, #tpu.memory_space<vmem>>
    %dma_start3A_245 = arith.constant 0 : i32
    %dma_start3A_246 = arith.constant 0 : i32
    %dma_start3A_247 = tpu.memref_slice %arg4[%dma_start3A_245, %dma_start3A_246] : memref<20000x128xf32, #tpu.memory_space<hbm>> -> memref<20000x128xf32, #tpu.memory_space<hbm>>
    tpu.enqueue_indirect_dma source(%dma_start3A_247 : memref<20000x128xf32, #tpu.memory_space<hbm>>) target(%dma_start3A_241 : memref<32x128xf32, #tpu.memory_space<vmem>>) offsets(%dma_start3A_244 : memref<32xi32, #tpu.memory_space<vmem>>) semaphore(%arg13 : memref<!tpu.dma_semaphore, #tpu.memory_space<semaphore_mem>>)
    %dma_wait3A_248 = arith.constant 0 : i32
    %dma_wait3A_249 = arith.constant 0 : i32
    %dma_wait3A_250 = arith.constant 1 : i32
    %dma_wait3A_251 = arith.constant 0 : i32
    %dma_wait3A_252 = arith.constant 0 : i32
    %dma_wait3A_253 = tpu.memref_slice %arg8[%dma_wait3A_250, %dma_wait3A_251, %dma_wait3A_252] : memref<4x32x128xf32, #tpu.memory_space<vmem>> -> memref<1x32x128xf32, #tpu.memory_space<vmem>>
    %dma_wait3A_254 = tpu.memref_squeeze %dma_wait3A_253 : memref<1x32x128xf32, #tpu.memory_space<vmem>> -> memref<32x128xf32, #tpu.memory_space<vmem>>
    %dma_wait3A_255 = arith.constant 0 : i32
    %dma_wait3A_256 = tpu.memref_slice %arg6[%dma_wait3A_248, %dma_wait3A_249, %dma_wait3A_255] : memref<2x8x32xi32, #tpu.memory_space<vmem>> -> memref<1x1x32xi32, #tpu.memory_space<vmem>>
    %dma_wait3A_257 = tpu.memref_squeeze %dma_wait3A_256 : memref<1x1x32xi32, #tpu.memory_space<vmem>> -> memref<32xi32, #tpu.memory_space<vmem>>
    %dma_wait3A_258 = arith.constant 0 : i32
    %dma_wait3A_259 = arith.constant 0 : i32
    %dma_wait3A_260 = tpu.memref_slice %arg4[%dma_wait3A_258, %dma_wait3A_259] : memref<20000x128xf32, #tpu.memory_space<hbm>> -> memref<20000x128xf32, #tpu.memory_space<hbm>>
    tpu.wait_indirect_dma semaphore(%arg11 : memref<!tpu.dma_semaphore, #tpu.memory_space<semaphore_mem>>) src(%dma_wait3A_260 : memref<20000x128xf32, #tpu.memory_space<hbm>>) dst(%dma_wait3A_254 : memref<32x128xf32, #tpu.memory_space<vmem>>)
    %dma_start3A_261 = arith.constant 1 : i32
    %dma_start3A_262 = arith.constant 0 : i32
    %dma_start3A_263 = arith.constant 1 : i32
    %dma_start3A_264 = arith.constant 0 : i32
    %dma_start3A_265 = arith.constant 0 : i32
    %dma_start3A_266 = tpu.memref_slice %arg8[%dma_start3A_261, %dma_start3A_264, %dma_start3A_265] : memref<4x32x128xf32, #tpu.memory_space<vmem>> -> memref<1x32x128xf32, #tpu.memory_space<vmem>>
    %dma_start3A_267 = tpu.memref_squeeze %dma_start3A_266 : memref<1x32x128xf32, #tpu.memory_space<vmem>> -> memref<32x128xf32, #tpu.memory_space<vmem>>
    %dma_start3A_268 = arith.constant 0 : i32
    %dma_start3A_269 = tpu.memref_slice %arg7[%dma_start3A_262, %dma_start3A_263, %dma_start3A_268] : memref<2x8x32xi32, #tpu.memory_space<vmem>> -> memref<1x1x32xi32, #tpu.memory_space<vmem>>
    %dma_start3A_270 = tpu.memref_squeeze %dma_start3A_269 : memref<1x1x32xi32, #tpu.memory_space<vmem>> -> memref<32xi32, #tpu.memory_space<vmem>>
    %dma_start3A_271 = arith.constant 0 : i32
    %dma_start3A_272 = arith.constant 0 : i32
    %dma_start3A_273 = tpu.memref_slice %arg9[%dma_start3A_271, %dma_start3A_272] : memref<10240x128xf32, #tpu.memory_space<vmem_shared>> -> memref<10240x128xf32, #tpu.memory_space<vmem_shared>>
    tpu.enqueue_indirect_dma source(%dma_start3A_267 : memref<32x128xf32, #tpu.memory_space<vmem>>) target(%dma_start3A_273 : memref<10240x128xf32, #tpu.memory_space<vmem_shared>>) offsets(%dma_start3A_270 : memref<32xi32, #tpu.memory_space<vmem>>) semaphore(%arg15 : memref<!tpu.dma_semaphore, #tpu.memory_space<semaphore_mem>>) {add = true}
    %scan3A_274 = arith.constant 0 : i32
    %scan3A_275 = arith.constant 0 : i32
    %scan3A_276 = arith.constant 39 : i32
    %scan3A_277 = arith.addi %scan3A_275, %scan3A_276 : i32
    %scan3A_278 = arith.constant 1 : i32
    scf.for %scan3A_337 = %scan3A_275 to %scan3A_277 step %scan3A_278  : i32 {
      %and3A = arith.constant 1 : i32
      %and3A_338 = arith.andi %scan3A_337, %and3A : i32
      %add3A_339 = arith.constant 1 : i32
      %add3A_340 = arith.addi %scan3A_337, %add3A_339 : i32
      %and3A_341 = arith.constant 1 : i32
      %and3A_342 = arith.andi %add3A_340, %and3A_341 : i32
      %add3A_343 = arith.constant 1 : i32
      %add3A_344 = arith.addi %scan3A_337, %add3A_343 : i32
      %mul3A_345 = arith.constant 8 : i32
      %mul3A_346 = arith.muli %add3A_344, %mul3A_345 : i32
      %dma_start3A_347 = arith.constant 0 : i32
      %dma_start3A_348 = arith.constant 0 : i32
      %dma_start3A_349 = tpu.memref_slice %arg6[%and3A_342, %dma_start3A_347, %dma_start3A_348] : memref<2x8x32xi32, #tpu.memory_space<vmem>> -> memref<1x8x32xi32, #tpu.memory_space<vmem>>
      %dma_start3A_350 = tpu.memref_squeeze %dma_start3A_349 : memref<1x8x32xi32, #tpu.memory_space<vmem>> -> memref<8x32xi32, #tpu.memory_space<vmem>>
      %dma_start3A_351 = arith.constant 0 : i32
      %dma_start3A_352 = tpu.memref_slice %arg2[%arg0, %arg1, %mul3A_346, %dma_start3A_351] : memref<2x16x320x32xi32, #tpu.memory_space<hbm>> -> memref<1x1x8x32xi32, #tpu.memory_space<hbm>>
      %dma_start3A_353 = tpu.memref_squeeze %dma_start3A_352 : memref<1x1x8x32xi32, #tpu.memory_space<hbm>> -> memref<8x32xi32, #tpu.memory_space<hbm>>
      %dma_start3A_354 = arith.constant 0 : i32
      %dma_start3A_355 = arith.constant 0 : i32
      %dma_start3A_356 = tpu.memref_slice %arg6[%and3A_342, %dma_start3A_354, %dma_start3A_355] : memref<2x8x32xi32, #tpu.memory_space<vmem>> -> memref<1x8x32xi32, #tpu.memory_space<vmem>>
      %dma_start3A_357 = tpu.memref_squeeze %dma_start3A_356 : memref<1x8x32xi32, #tpu.memory_space<vmem>> -> memref<8x32xi32, #tpu.memory_space<vmem>>
      %dma_start3A_358 = arith.constant 0 : i32
      %dma_start3A_359 = tpu.memref_slice %arg2[%arg0, %arg1, %mul3A_346, %dma_start3A_358] : memref<2x16x320x32xi32, #tpu.memory_space<hbm>> -> memref<1x1x8x32xi32, #tpu.memory_space<hbm>>
      %dma_start3A_360 = tpu.memref_squeeze %dma_start3A_359 : memref<1x1x8x32xi32, #tpu.memory_space<hbm>> -> memref<8x32xi32, #tpu.memory_space<hbm>>
      tpu.enqueue_dma source(%dma_start3A_360 : memref<8x32xi32, #tpu.memory_space<hbm>>) target(%dma_start3A_357 : memref<8x32xi32, #tpu.memory_space<vmem>>) target_semaphore(%arg18 : memref<!tpu.dma_semaphore, #tpu.memory_space<semaphore_mem>>)
      %mul3A_361 = arith.constant 8 : i32
      %mul3A_362 = arith.muli %add3A_344, %mul3A_361 : i32
      %dma_start3A_363 = arith.constant 0 : i32
      %dma_start3A_364 = arith.constant 0 : i32
      %dma_start3A_365 = tpu.memref_slice %arg7[%and3A_342, %dma_start3A_363, %dma_start3A_364] : memref<2x8x32xi32, #tpu.memory_space<vmem>> -> memref<1x8x32xi32, #tpu.memory_space<vmem>>
      %dma_start3A_366 = tpu.memref_squeeze %dma_start3A_365 : memref<1x8x32xi32, #tpu.memory_space<vmem>> -> memref<8x32xi32, #tpu.memory_space<vmem>>
      %dma_start3A_367 = arith.constant 0 : i32
      %dma_start3A_368 = tpu.memref_slice %arg3[%arg0, %arg1, %mul3A_362, %dma_start3A_367] : memref<2x16x320x32xi32, #tpu.memory_space<hbm>> -> memref<1x1x8x32xi32, #tpu.memory_space<hbm>>
      %dma_start3A_369 = tpu.memref_squeeze %dma_start3A_368 : memref<1x1x8x32xi32, #tpu.memory_space<hbm>> -> memref<8x32xi32, #tpu.memory_space<hbm>>
      %dma_start3A_370 = arith.constant 0 : i32
      %dma_start3A_371 = arith.constant 0 : i32
      %dma_start3A_372 = tpu.memref_slice %arg7[%and3A_342, %dma_start3A_370, %dma_start3A_371] : memref<2x8x32xi32, #tpu.memory_space<vmem>> -> memref<1x8x32xi32, #tpu.memory_space<vmem>>
      %dma_start3A_373 = tpu.memref_squeeze %dma_start3A_372 : memref<1x8x32xi32, #tpu.memory_space<vmem>> -> memref<8x32xi32, #tpu.memory_space<vmem>>
      %dma_start3A_374 = arith.constant 0 : i32
      %dma_start3A_375 = tpu.memref_slice %arg3[%arg0, %arg1, %mul3A_362, %dma_start3A_374] : memref<2x16x320x32xi32, #tpu.memory_space<hbm>> -> memref<1x1x8x32xi32, #tpu.memory_space<hbm>>
      %dma_start3A_376 = tpu.memref_squeeze %dma_start3A_375 : memref<1x1x8x32xi32, #tpu.memory_space<hbm>> -> memref<8x32xi32, #tpu.memory_space<hbm>>
      tpu.enqueue_dma source(%dma_start3A_376 : memref<8x32xi32, #tpu.memory_space<hbm>>) target(%dma_start3A_373 : memref<8x32xi32, #tpu.memory_space<vmem>>) target_semaphore(%arg19 : memref<!tpu.dma_semaphore, #tpu.memory_space<semaphore_mem>>)
      %dma_wait3A_377 = arith.constant 0 : i32
      %dma_wait3A_378 = arith.constant 0 : i32
      %dma_wait3A_379 = arith.constant 0 : i32
      %dma_wait3A_380 = arith.constant 0 : i32
      %dma_wait3A_381 = arith.constant 0 : i32
      %dma_wait3A_382 = tpu.memref_slice %arg8[%dma_wait3A_377, %dma_wait3A_380, %dma_wait3A_381] : memref<4x32x128xf32, #tpu.memory_space<vmem>> -> memref<1x32x128xf32, #tpu.memory_space<vmem>>
      %dma_wait3A_383 = tpu.memref_squeeze %dma_wait3A_382 : memref<1x32x128xf32, #tpu.memory_space<vmem>> -> memref<32x128xf32, #tpu.memory_space<vmem>>
      %dma_wait3A_384 = arith.constant 0 : i32
      %dma_wait3A_385 = tpu.memref_slice %arg7[%dma_wait3A_378, %dma_wait3A_379, %dma_wait3A_384] : memref<2x8x32xi32, #tpu.memory_space<vmem>> -> memref<1x1x32xi32, #tpu.memory_space<vmem>>
      %dma_wait3A_386 = tpu.memref_squeeze %dma_wait3A_385 : memref<1x1x32xi32, #tpu.memory_space<vmem>> -> memref<32xi32, #tpu.memory_space<vmem>>
      %dma_wait3A_387 = arith.constant 0 : i32
      %dma_wait3A_388 = arith.constant 0 : i32
      %dma_wait3A_389 = tpu.memref_slice %arg9[%dma_wait3A_387, %dma_wait3A_388] : memref<10240x128xf32, #tpu.memory_space<vmem_shared>> -> memref<10240x128xf32, #tpu.memory_space<vmem_shared>>
      tpu.wait_indirect_dma semaphore(%arg14 : memref<!tpu.dma_semaphore, #tpu.memory_space<semaphore_mem>>) src(%dma_wait3A_383 : memref<32x128xf32, #tpu.memory_space<vmem>>) dst(%dma_wait3A_389 : memref<10240x128xf32, #tpu.memory_space<vmem_shared>>)
      %dma_start3A_390 = arith.constant 4 : i32
      %dma_start3A_391 = arith.constant 0 : i32
      %dma_start3A_392 = arith.constant 0 : i32
      %dma_start3A_393 = arith.constant 0 : i32
      %dma_start3A_394 = tpu.memref_slice %arg8[%dma_start3A_391, %dma_start3A_392, %dma_start3A_393] : memref<4x32x128xf32, #tpu.memory_space<vmem>> -> memref<1x32x128xf32, #tpu.memory_space<vmem>>
      %dma_start3A_395 = tpu.memref_squeeze %dma_start3A_394 : memref<1x32x128xf32, #tpu.memory_space<vmem>> -> memref<32x128xf32, #tpu.memory_space<vmem>>
      %dma_start3A_396 = arith.constant 0 : i32
      %dma_start3A_397 = tpu.memref_slice %arg6[%and3A_338, %dma_start3A_390, %dma_start3A_396] : memref<2x8x32xi32, #tpu.memory_space<vmem>> -> memref<1x1x32xi32, #tpu.memory_space<vmem>>
      %dma_start3A_398 = tpu.memref_squeeze %dma_start3A_397 : memref<1x1x32xi32, #tpu.memory_space<vmem>> -> memref<32xi32, #tpu.memory_space<vmem>>
      %dma_start3A_399 = arith.constant 0 : i32
      %dma_start3A_400 = arith.constant 0 : i32
      %dma_start3A_401 = tpu.memref_slice %arg4[%dma_start3A_399, %dma_start3A_400] : memref<20000x128xf32, #tpu.memory_space<hbm>> -> memref<20000x128xf32, #tpu.memory_space<hbm>>
      tpu.enqueue_indirect_dma source(%dma_start3A_401 : memref<20000x128xf32, #tpu.memory_space<hbm>>) target(%dma_start3A_395 : memref<32x128xf32, #tpu.memory_space<vmem>>) offsets(%dma_start3A_398 : memref<32xi32, #tpu.memory_space<vmem>>) semaphore(%arg10 : memref<!tpu.dma_semaphore, #tpu.memory_space<semaphore_mem>>)
      %dma_wait3A_402 = arith.constant 0 : i32
      %dma_wait3A_403 = arith.constant 0 : i32
      %dma_wait3A_404 = arith.constant 2 : i32
      %dma_wait3A_405 = arith.constant 0 : i32
      %dma_wait3A_406 = arith.constant 0 : i32
      %dma_wait3A_407 = tpu.memref_slice %arg8[%dma_wait3A_404, %dma_wait3A_405, %dma_wait3A_406] : memref<4x32x128xf32, #tpu.memory_space<vmem>> -> memref<1x32x128xf32, #tpu.memory_space<vmem>>
      %dma_wait3A_408 = tpu.memref_squeeze %dma_wait3A_407 : memref<1x32x128xf32, #tpu.memory_space<vmem>> -> memref<32x128xf32, #tpu.memory_space<vmem>>
      %dma_wait3A_409 = arith.constant 0 : i32
      %dma_wait3A_410 = tpu.memref_slice %arg6[%dma_wait3A_402, %dma_wait3A_403, %dma_wait3A_409] : memref<2x8x32xi32, #tpu.memory_space<vmem>> -> memref<1x1x32xi32, #tpu.memory_space<vmem>>
      %dma_wait3A_411 = tpu.memref_squeeze %dma_wait3A_410 : memref<1x1x32xi32, #tpu.memory_space<vmem>> -> memref<32xi32, #tpu.memory_space<vmem>>
      %dma_wait3A_412 = arith.constant 0 : i32
      %dma_wait3A_413 = arith.constant 0 : i32
      %dma_wait3A_414 = tpu.memref_slice %arg4[%dma_wait3A_412, %dma_wait3A_413] : memref<20000x128xf32, #tpu.memory_space<hbm>> -> memref<20000x128xf32, #tpu.memory_space<hbm>>
      tpu.wait_indirect_dma semaphore(%arg12 : memref<!tpu.dma_semaphore, #tpu.memory_space<semaphore_mem>>) src(%dma_wait3A_414 : memref<20000x128xf32, #tpu.memory_space<hbm>>) dst(%dma_wait3A_408 : memref<32x128xf32, #tpu.memory_space<vmem>>)
      %dma_start3A_415 = arith.constant 2 : i32
      %dma_start3A_416 = arith.constant 2 : i32
      %dma_start3A_417 = arith.constant 0 : i32
      %dma_start3A_418 = arith.constant 0 : i32
      %dma_start3A_419 = tpu.memref_slice %arg8[%dma_start3A_415, %dma_start3A_417, %dma_start3A_418] : memref<4x32x128xf32, #tpu.memory_space<vmem>> -> memref<1x32x128xf32, #tpu.memory_space<vmem>>
      %dma_start3A_420 = tpu.memref_squeeze %dma_start3A_419 : memref<1x32x128xf32, #tpu.memory_space<vmem>> -> memref<32x128xf32, #tpu.memory_space<vmem>>
      %dma_start3A_421 = arith.constant 0 : i32
      %dma_start3A_422 = tpu.memref_slice %arg7[%and3A_338, %dma_start3A_416, %dma_start3A_421] : memref<2x8x32xi32, #tpu.memory_space<vmem>> -> memref<1x1x32xi32, #tpu.memory_space<vmem>>
      %dma_start3A_423 = tpu.memref_squeeze %dma_start3A_422 : memref<1x1x32xi32, #tpu.memory_space<vmem>> -> memref<32xi32, #tpu.memory_space<vmem>>
      %dma_start3A_424 = arith.constant 0 : i32
      %dma_start3A_425 = arith.constant 0 : i32
      %dma_start3A_426 = tpu.memref_slice %arg9[%dma_start3A_424, %dma_start3A_425] : memref<10240x128xf32, #tpu.memory_space<vmem_shared>> -> memref<10240x128xf32, #tpu.memory_space<vmem_shared>>
      tpu.enqueue_indirect_dma source(%dma_start3A_420 : memref<32x128xf32, #tpu.memory_space<vmem>>) target(%dma_start3A_426 : memref<10240x128xf32, #tpu.memory_space<vmem_shared>>) offsets(%dma_start3A_423 : memref<32xi32, #tpu.memory_space<vmem>>) semaphore(%arg16 : memref<!tpu.dma_semaphore, #tpu.memory_space<semaphore_mem>>) {add = true}
      %dma_wait3A_427 = arith.constant 1 : i32
      %dma_wait3A_428 = arith.constant 0 : i32
      %dma_wait3A_429 = arith.constant 0 : i32
      %dma_wait3A_430 = arith.constant 0 : i32
      %dma_wait3A_431 = arith.constant 0 : i32
      %dma_wait3A_432 = tpu.memref_slice %arg8[%dma_wait3A_427, %dma_wait3A_430, %dma_wait3A_431] : memref<4x32x128xf32, #tpu.memory_space<vmem>> -> memref<1x32x128xf32, #tpu.memory_space<vmem>>
      %dma_wait3A_433 = tpu.memref_squeeze %dma_wait3A_432 : memref<1x32x128xf32, #tpu.memory_space<vmem>> -> memref<32x128xf32, #tpu.memory_space<vmem>>
      %dma_wait3A_434 = arith.constant 0 : i32
      %dma_wait3A_435 = tpu.memref_slice %arg7[%dma_wait3A_428, %dma_wait3A_429, %dma_wait3A_434] : memref<2x8x32xi32, #tpu.memory_space<vmem>> -> memref<1x1x32xi32, #tpu.memory_space<vmem>>
      %dma_wait3A_436 = tpu.memref_squeeze %dma_wait3A_435 : memref<1x1x32xi32, #tpu.memory_space<vmem>> -> memref<32xi32, #tpu.memory_space<vmem>>
      %dma_wait3A_437 = arith.constant 0 : i32
      %dma_wait3A_438 = arith.constant 0 : i32
      %dma_wait3A_439 = tpu.memref_slice %arg9[%dma_wait3A_437, %dma_wait3A_438] : memref<10240x128xf32, #tpu.memory_space<vmem_shared>> -> memref<10240x128xf32, #tpu.memory_space<vmem_shared>>
      tpu.wait_indirect_dma semaphore(%arg15 : memref<!tpu.dma_semaphore, #tpu.memory_space<semaphore_mem>>) src(%dma_wait3A_433 : memref<32x128xf32, #tpu.memory_space<vmem>>) dst(%dma_wait3A_439 : memref<10240x128xf32, #tpu.memory_space<vmem_shared>>)
      %dma_start3A_440 = arith.constant 5 : i32
      %dma_start3A_441 = arith.constant 1 : i32
      %dma_start3A_442 = arith.constant 0 : i32
      %dma_start3A_443 = arith.constant 0 : i32
      %dma_start3A_444 = tpu.memref_slice %arg8[%dma_start3A_441, %dma_start3A_442, %dma_start3A_443] : memref<4x32x128xf32, #tpu.memory_space<vmem>> -> memref<1x32x128xf32, #tpu.memory_space<vmem>>
      %dma_start3A_445 = tpu.memref_squeeze %dma_start3A_444 : memref<1x32x128xf32, #tpu.memory_space<vmem>> -> memref<32x128xf32, #tpu.memory_space<vmem>>
      %dma_start3A_446 = arith.constant 0 : i32
      %dma_start3A_447 = tpu.memref_slice %arg6[%and3A_338, %dma_start3A_440, %dma_start3A_446] : memref<2x8x32xi32, #tpu.memory_space<vmem>> -> memref<1x1x32xi32, #tpu.memory_space<vmem>>
      %dma_start3A_448 = tpu.memref_squeeze %dma_start3A_447 : memref<1x1x32xi32, #tpu.memory_space<vmem>> -> memref<32xi32, #tpu.memory_space<vmem>>
      %dma_start3A_449 = arith.constant 0 : i32
      %dma_start3A_450 = arith.constant 0 : i32
      %dma_start3A_451 = tpu.memref_slice %arg4[%dma_start3A_449, %dma_start3A_450] : memref<20000x128xf32, #tpu.memory_space<hbm>> -> memref<20000x128xf32, #tpu.memory_space<hbm>>
      tpu.enqueue_indirect_dma source(%dma_start3A_451 : memref<20000x128xf32, #tpu.memory_space<hbm>>) target(%dma_start3A_445 : memref<32x128xf32, #tpu.memory_space<vmem>>) offsets(%dma_start3A_448 : memref<32xi32, #tpu.memory_space<vmem>>) semaphore(%arg11 : memref<!tpu.dma_semaphore, #tpu.memory_space<semaphore_mem>>)
      %dma_wait3A_452 = arith.constant 0 : i32
      %dma_wait3A_453 = arith.constant 0 : i32
      %dma_wait3A_454 = arith.constant 3 : i32
      %dma_wait3A_455 = arith.constant 0 : i32
      %dma_wait3A_456 = arith.constant 0 : i32
      %dma_wait3A_457 = tpu.memref_slice %arg8[%dma_wait3A_454, %dma_wait3A_455, %dma_wait3A_456] : memref<4x32x128xf32, #tpu.memory_space<vmem>> -> memref<1x32x128xf32, #tpu.memory_space<vmem>>
      %dma_wait3A_458 = tpu.memref_squeeze %dma_wait3A_457 : memref<1x32x128xf32, #tpu.memory_space<vmem>> -> memref<32x128xf32, #tpu.memory_space<vmem>>
      %dma_wait3A_459 = arith.constant 0 : i32
      %dma_wait3A_460 = tpu.memref_slice %arg6[%dma_wait3A_452, %dma_wait3A_453, %dma_wait3A_459] : memref<2x8x32xi32, #tpu.memory_space<vmem>> -> memref<1x1x32xi32, #tpu.memory_space<vmem>>
      %dma_wait3A_461 = tpu.memref_squeeze %dma_wait3A_460 : memref<1x1x32xi32, #tpu.memory_space<vmem>> -> memref<32xi32, #tpu.memory_space<vmem>>
      %dma_wait3A_462 = arith.constant 0 : i32
      %dma_wait3A_463 = arith.constant 0 : i32
      %dma_wait3A_464 = tpu.memref_slice %arg4[%dma_wait3A_462, %dma_wait3A_463] : memref<20000x128xf32, #tpu.memory_space<hbm>> -> memref<20000x128xf32, #tpu.memory_space<hbm>>
      tpu.wait_indirect_dma semaphore(%arg13 : memref<!tpu.dma_semaphore, #tpu.memory_space<semaphore_mem>>) src(%dma_wait3A_464 : memref<20000x128xf32, #tpu.memory_space<hbm>>) dst(%dma_wait3A_458 : memref<32x128xf32, #tpu.memory_space<vmem>>)
      %dma_start3A_465 = arith.constant 3 : i32
      %dma_start3A_466 = arith.constant 3 : i32
      %dma_start3A_467 = arith.constant 0 : i32
      %dma_start3A_468 = arith.constant 0 : i32
      %dma_start3A_469 = tpu.memref_slice %arg8[%dma_start3A_465, %dma_start3A_467, %dma_start3A_468] : memref<4x32x128xf32, #tpu.memory_space<vmem>> -> memref<1x32x128xf32, #tpu.memory_space<vmem>>
      %dma_start3A_470 = tpu.memref_squeeze %dma_start3A_469 : memref<1x32x128xf32, #tpu.memory_space<vmem>> -> memref<32x128xf32, #tpu.memory_space<vmem>>
      %dma_start3A_471 = arith.constant 0 : i32
      %dma_start3A_472 = tpu.memref_slice %arg7[%and3A_338, %dma_start3A_466, %dma_start3A_471] : memref<2x8x32xi32, #tpu.memory_space<vmem>> -> memref<1x1x32xi32, #tpu.memory_space<vmem>>
      %dma_start3A_473 = tpu.memref_squeeze %dma_start3A_472 : memref<1x1x32xi32, #tpu.memory_space<vmem>> -> memref<32xi32, #tpu.memory_space<vmem>>
      %dma_start3A_474 = arith.constant 0 : i32
      %dma_start3A_475 = arith.constant 0 : i32
      %dma_start3A_476 = tpu.memref_slice %arg9[%dma_start3A_474, %dma_start3A_475] : memref<10240x128xf32, #tpu.memory_space<vmem_shared>> -> memref<10240x128xf32, #tpu.memory_space<vmem_shared>>
      tpu.enqueue_indirect_dma source(%dma_start3A_470 : memref<32x128xf32, #tpu.memory_space<vmem>>) target(%dma_start3A_476 : memref<10240x128xf32, #tpu.memory_space<vmem_shared>>) offsets(%dma_start3A_473 : memref<32xi32, #tpu.memory_space<vmem>>) semaphore(%arg17 : memref<!tpu.dma_semaphore, #tpu.memory_space<semaphore_mem>>) {add = true}
      %dma_wait3A_477 = arith.constant 2 : i32
      %dma_wait3A_478 = arith.constant 0 : i32
      %dma_wait3A_479 = arith.constant 0 : i32
      %dma_wait3A_480 = arith.constant 0 : i32
      %dma_wait3A_481 = arith.constant 0 : i32
      %dma_wait3A_482 = tpu.memref_slice %arg8[%dma_wait3A_477, %dma_wait3A_480, %dma_wait3A_481] : memref<4x32x128xf32, #tpu.memory_space<vmem>> -> memref<1x32x128xf32, #tpu.memory_space<vmem>>
      %dma_wait3A_483 = tpu.memref_squeeze %dma_wait3A_482 : memref<1x32x128xf32, #tpu.memory_space<vmem>> -> memref<32x128xf32, #tpu.memory_space<vmem>>
      %dma_wait3A_484 = arith.constant 0 : i32
      %dma_wait3A_485 = tpu.memref_slice %arg7[%dma_wait3A_478, %dma_wait3A_479, %dma_wait3A_484] : memref<2x8x32xi32, #tpu.memory_space<vmem>> -> memref<1x1x32xi32, #tpu.memory_space<vmem>>
      %dma_wait3A_486 = tpu.memref_squeeze %dma_wait3A_485 : memref<1x1x32xi32, #tpu.memory_space<vmem>> -> memref<32xi32, #tpu.memory_space<vmem>>
      %dma_wait3A_487 = arith.constant 0 : i32
      %dma_wait3A_488 = arith.constant 0 : i32
      %dma_wait3A_489 = tpu.memref_slice %arg9[%dma_wait3A_487, %dma_wait3A_488] : memref<10240x128xf32, #tpu.memory_space<vmem_shared>> -> memref<10240x128xf32, #tpu.memory_space<vmem_shared>>
      tpu.wait_indirect_dma semaphore(%arg16 : memref<!tpu.dma_semaphore, #tpu.memory_space<semaphore_mem>>) src(%dma_wait3A_483 : memref<32x128xf32, #tpu.memory_space<vmem>>) dst(%dma_wait3A_489 : memref<10240x128xf32, #tpu.memory_space<vmem_shared>>)
      %dma_start3A_490 = arith.constant 6 : i32
      %dma_start3A_491 = arith.constant 2 : i32
      %dma_start3A_492 = arith.constant 0 : i32
      %dma_start3A_493 = arith.constant 0 : i32
      %dma_start3A_494 = tpu.memref_slice %arg8[%dma_start3A_491, %dma_start3A_492, %dma_start3A_493] : memref<4x32x128xf32, #tpu.memory_space<vmem>> -> memref<1x32x128xf32, #tpu.memory_space<vmem>>
      %dma_start3A_495 = tpu.memref_squeeze %dma_start3A_494 : memref<1x32x128xf32, #tpu.memory_space<vmem>> -> memref<32x128xf32, #tpu.memory_space<vmem>>
      %dma_start3A_496 = arith.constant 0 : i32
      %dma_start3A_497 = tpu.memref_slice %arg6[%and3A_338, %dma_start3A_490, %dma_start3A_496] : memref<2x8x32xi32, #tpu.memory_space<vmem>> -> memref<1x1x32xi32, #tpu.memory_space<vmem>>
      %dma_start3A_498 = tpu.memref_squeeze %dma_start3A_497 : memref<1x1x32xi32, #tpu.memory_space<vmem>> -> memref<32xi32, #tpu.memory_space<vmem>>
      %dma_start3A_499 = arith.constant 0 : i32
      %dma_start3A_500 = arith.constant 0 : i32
      %dma_start3A_501 = tpu.memref_slice %arg4[%dma_start3A_499, %dma_start3A_500] : memref<20000x128xf32, #tpu.memory_space<hbm>> -> memref<20000x128xf32, #tpu.memory_space<hbm>>
      tpu.enqueue_indirect_dma source(%dma_start3A_501 : memref<20000x128xf32, #tpu.memory_space<hbm>>) target(%dma_start3A_495 : memref<32x128xf32, #tpu.memory_space<vmem>>) offsets(%dma_start3A_498 : memref<32xi32, #tpu.memory_space<vmem>>) semaphore(%arg12 : memref<!tpu.dma_semaphore, #tpu.memory_space<semaphore_mem>>)
      %dma_wait3A_502 = arith.constant 0 : i32
      %dma_wait3A_503 = arith.constant 0 : i32
      %dma_wait3A_504 = arith.constant 0 : i32
      %dma_wait3A_505 = arith.constant 0 : i32
      %dma_wait3A_506 = arith.constant 0 : i32
      %dma_wait3A_507 = tpu.memref_slice %arg8[%dma_wait3A_504, %dma_wait3A_505, %dma_wait3A_506] : memref<4x32x128xf32, #tpu.memory_space<vmem>> -> memref<1x32x128xf32, #tpu.memory_space<vmem>>
      %dma_wait3A_508 = tpu.memref_squeeze %dma_wait3A_507 : memref<1x32x128xf32, #tpu.memory_space<vmem>> -> memref<32x128xf32, #tpu.memory_space<vmem>>
      %dma_wait3A_509 = arith.constant 0 : i32
      %dma_wait3A_510 = tpu.memref_slice %arg6[%dma_wait3A_502, %dma_wait3A_503, %dma_wait3A_509] : memref<2x8x32xi32, #tpu.memory_space<vmem>> -> memref<1x1x32xi32, #tpu.memory_space<vmem>>
      %dma_wait3A_511 = tpu.memref_squeeze %dma_wait3A_510 : memref<1x1x32xi32, #tpu.memory_space<vmem>> -> memref<32xi32, #tpu.memory_space<vmem>>
      %dma_wait3A_512 = arith.constant 0 : i32
      %dma_wait3A_513 = arith.constant 0 : i32
      %dma_wait3A_514 = tpu.memref_slice %arg4[%dma_wait3A_512, %dma_wait3A_513] : memref<20000x128xf32, #tpu.memory_space<hbm>> -> memref<20000x128xf32, #tpu.memory_space<hbm>>
      tpu.wait_indirect_dma semaphore(%arg10 : memref<!tpu.dma_semaphore, #tpu.memory_space<semaphore_mem>>) src(%dma_wait3A_514 : memref<20000x128xf32, #tpu.memory_space<hbm>>) dst(%dma_wait3A_508 : memref<32x128xf32, #tpu.memory_space<vmem>>)
      %dma_start3A_515 = arith.constant 0 : i32
      %dma_start3A_516 = arith.constant 4 : i32
      %dma_start3A_517 = arith.constant 0 : i32
      %dma_start3A_518 = arith.constant 0 : i32
      %dma_start3A_519 = tpu.memref_slice %arg8[%dma_start3A_515, %dma_start3A_517, %dma_start3A_518] : memref<4x32x128xf32, #tpu.memory_space<vmem>> -> memref<1x32x128xf32, #tpu.memory_space<vmem>>
      %dma_start3A_520 = tpu.memref_squeeze %dma_start3A_519 : memref<1x32x128xf32, #tpu.memory_space<vmem>> -> memref<32x128xf32, #tpu.memory_space<vmem>>
      %dma_start3A_521 = arith.constant 0 : i32
      %dma_start3A_522 = tpu.memref_slice %arg7[%and3A_338, %dma_start3A_516, %dma_start3A_521] : memref<2x8x32xi32, #tpu.memory_space<vmem>> -> memref<1x1x32xi32, #tpu.memory_space<vmem>>
      %dma_start3A_523 = tpu.memref_squeeze %dma_start3A_522 : memref<1x1x32xi32, #tpu.memory_space<vmem>> -> memref<32xi32, #tpu.memory_space<vmem>>
      %dma_start3A_524 = arith.constant 0 : i32
      %dma_start3A_525 = arith.constant 0 : i32
      %dma_start3A_526 = tpu.memref_slice %arg9[%dma_start3A_524, %dma_start3A_525] : memref<10240x128xf32, #tpu.memory_space<vmem_shared>> -> memref<10240x128xf32, #tpu.memory_space<vmem_shared>>
      tpu.enqueue_indirect_dma source(%dma_start3A_520 : memref<32x128xf32, #tpu.memory_space<vmem>>) target(%dma_start3A_526 : memref<10240x128xf32, #tpu.memory_space<vmem_shared>>) offsets(%dma_start3A_523 : memref<32xi32, #tpu.memory_space<vmem>>) semaphore(%arg14 : memref<!tpu.dma_semaphore, #tpu.memory_space<semaphore_mem>>) {add = true}
      %dma_wait3A_527 = arith.constant 3 : i32
      %dma_wait3A_528 = arith.constant 0 : i32
      %dma_wait3A_529 = arith.constant 0 : i32
      %dma_wait3A_530 = arith.constant 0 : i32
      %dma_wait3A_531 = arith.constant 0 : i32
      %dma_wait3A_532 = tpu.memref_slice %arg8[%dma_wait3A_527, %dma_wait3A_530, %dma_wait3A_531] : memref<4x32x128xf32, #tpu.memory_space<vmem>> -> memref<1x32x128xf32, #tpu.memory_space<vmem>>
      %dma_wait3A_533 = tpu.memref_squeeze %dma_wait3A_532 : memref<1x32x128xf32, #tpu.memory_space<vmem>> -> memref<32x128xf32, #tpu.memory_space<vmem>>
      %dma_wait3A_534 = arith.constant 0 : i32
      %dma_wait3A_535 = tpu.memref_slice %arg7[%dma_wait3A_528, %dma_wait3A_529, %dma_wait3A_534] : memref<2x8x32xi32, #tpu.memory_space<vmem>> -> memref<1x1x32xi32, #tpu.memory_space<vmem>>
      %dma_wait3A_536 = tpu.memref_squeeze %dma_wait3A_535 : memref<1x1x32xi32, #tpu.memory_space<vmem>> -> memref<32xi32, #tpu.memory_space<vmem>>
      %dma_wait3A_537 = arith.constant 0 : i32
      %dma_wait3A_538 = arith.constant 0 : i32
      %dma_wait3A_539 = tpu.memref_slice %arg9[%dma_wait3A_537, %dma_wait3A_538] : memref<10240x128xf32, #tpu.memory_space<vmem_shared>> -> memref<10240x128xf32, #tpu.memory_space<vmem_shared>>
      tpu.wait_indirect_dma semaphore(%arg17 : memref<!tpu.dma_semaphore, #tpu.memory_space<semaphore_mem>>) src(%dma_wait3A_533 : memref<32x128xf32, #tpu.memory_space<vmem>>) dst(%dma_wait3A_539 : memref<10240x128xf32, #tpu.memory_space<vmem_shared>>)
      %dma_start3A_540 = arith.constant 7 : i32
      %dma_start3A_541 = arith.constant 3 : i32
      %dma_start3A_542 = arith.constant 0 : i32
      %dma_start3A_543 = arith.constant 0 : i32
      %dma_start3A_544 = tpu.memref_slice %arg8[%dma_start3A_541, %dma_start3A_542, %dma_start3A_543] : memref<4x32x128xf32, #tpu.memory_space<vmem>> -> memref<1x32x128xf32, #tpu.memory_space<vmem>>
      %dma_start3A_545 = tpu.memref_squeeze %dma_start3A_544 : memref<1x32x128xf32, #tpu.memory_space<vmem>> -> memref<32x128xf32, #tpu.memory_space<vmem>>
      %dma_start3A_546 = arith.constant 0 : i32
      %dma_start3A_547 = tpu.memref_slice %arg6[%and3A_338, %dma_start3A_540, %dma_start3A_546] : memref<2x8x32xi32, #tpu.memory_space<vmem>> -> memref<1x1x32xi32, #tpu.memory_space<vmem>>
      %dma_start3A_548 = tpu.memref_squeeze %dma_start3A_547 : memref<1x1x32xi32, #tpu.memory_space<vmem>> -> memref<32xi32, #tpu.memory_space<vmem>>
      %dma_start3A_549 = arith.constant 0 : i32
      %dma_start3A_550 = arith.constant 0 : i32
      %dma_start3A_551 = tpu.memref_slice %arg4[%dma_start3A_549, %dma_start3A_550] : memref<20000x128xf32, #tpu.memory_space<hbm>> -> memref<20000x128xf32, #tpu.memory_space<hbm>>
      tpu.enqueue_indirect_dma source(%dma_start3A_551 : memref<20000x128xf32, #tpu.memory_space<hbm>>) target(%dma_start3A_545 : memref<32x128xf32, #tpu.memory_space<vmem>>) offsets(%dma_start3A_548 : memref<32xi32, #tpu.memory_space<vmem>>) semaphore(%arg13 : memref<!tpu.dma_semaphore, #tpu.memory_space<semaphore_mem>>)
      %dma_wait3A_552 = arith.constant 0 : i32
      %dma_wait3A_553 = arith.constant 0 : i32
      %dma_wait3A_554 = arith.constant 1 : i32
      %dma_wait3A_555 = arith.constant 0 : i32
      %dma_wait3A_556 = arith.constant 0 : i32
      %dma_wait3A_557 = tpu.memref_slice %arg8[%dma_wait3A_554, %dma_wait3A_555, %dma_wait3A_556] : memref<4x32x128xf32, #tpu.memory_space<vmem>> -> memref<1x32x128xf32, #tpu.memory_space<vmem>>
      %dma_wait3A_558 = tpu.memref_squeeze %dma_wait3A_557 : memref<1x32x128xf32, #tpu.memory_space<vmem>> -> memref<32x128xf32, #tpu.memory_space<vmem>>
      %dma_wait3A_559 = arith.constant 0 : i32
      %dma_wait3A_560 = tpu.memref_slice %arg6[%dma_wait3A_552, %dma_wait3A_553, %dma_wait3A_559] : memref<2x8x32xi32, #tpu.memory_space<vmem>> -> memref<1x1x32xi32, #tpu.memory_space<vmem>>
      %dma_wait3A_561 = tpu.memref_squeeze %dma_wait3A_560 : memref<1x1x32xi32, #tpu.memory_space<vmem>> -> memref<32xi32, #tpu.memory_space<vmem>>
      %dma_wait3A_562 = arith.constant 0 : i32
      %dma_wait3A_563 = arith.constant 0 : i32
      %dma_wait3A_564 = tpu.memref_slice %arg4[%dma_wait3A_562, %dma_wait3A_563] : memref<20000x128xf32, #tpu.memory_space<hbm>> -> memref<20000x128xf32, #tpu.memory_space<hbm>>
      tpu.wait_indirect_dma semaphore(%arg11 : memref<!tpu.dma_semaphore, #tpu.memory_space<semaphore_mem>>) src(%dma_wait3A_564 : memref<20000x128xf32, #tpu.memory_space<hbm>>) dst(%dma_wait3A_558 : memref<32x128xf32, #tpu.memory_space<vmem>>)
      %dma_start3A_565 = arith.constant 1 : i32
      %dma_start3A_566 = arith.constant 5 : i32
      %dma_start3A_567 = arith.constant 0 : i32
      %dma_start3A_568 = arith.constant 0 : i32
      %dma_start3A_569 = tpu.memref_slice %arg8[%dma_start3A_565, %dma_start3A_567, %dma_start3A_568] : memref<4x32x128xf32, #tpu.memory_space<vmem>> -> memref<1x32x128xf32, #tpu.memory_space<vmem>>
      %dma_start3A_570 = tpu.memref_squeeze %dma_start3A_569 : memref<1x32x128xf32, #tpu.memory_space<vmem>> -> memref<32x128xf32, #tpu.memory_space<vmem>>
      %dma_start3A_571 = arith.constant 0 : i32
      %dma_start3A_572 = tpu.memref_slice %arg7[%and3A_338, %dma_start3A_566, %dma_start3A_571] : memref<2x8x32xi32, #tpu.memory_space<vmem>> -> memref<1x1x32xi32, #tpu.memory_space<vmem>>
      %dma_start3A_573 = tpu.memref_squeeze %dma_start3A_572 : memref<1x1x32xi32, #tpu.memory_space<vmem>> -> memref<32xi32, #tpu.memory_space<vmem>>
      %dma_start3A_574 = arith.constant 0 : i32
      %dma_start3A_575 = arith.constant 0 : i32
      %dma_start3A_576 = tpu.memref_slice %arg9[%dma_start3A_574, %dma_start3A_575] : memref<10240x128xf32, #tpu.memory_space<vmem_shared>> -> memref<10240x128xf32, #tpu.memory_space<vmem_shared>>
      tpu.enqueue_indirect_dma source(%dma_start3A_570 : memref<32x128xf32, #tpu.memory_space<vmem>>) target(%dma_start3A_576 : memref<10240x128xf32, #tpu.memory_space<vmem_shared>>) offsets(%dma_start3A_573 : memref<32xi32, #tpu.memory_space<vmem>>) semaphore(%arg15 : memref<!tpu.dma_semaphore, #tpu.memory_space<semaphore_mem>>) {add = true}
      %dma_wait3A_577 = arith.constant 0 : i32
      %dma_wait3A_578 = arith.constant 0 : i32
      %dma_wait3A_579 = arith.constant 0 : i32
      %dma_wait3A_580 = arith.constant 0 : i32
      %dma_wait3A_581 = arith.constant 0 : i32
      %dma_wait3A_582 = tpu.memref_slice %arg8[%dma_wait3A_577, %dma_wait3A_580, %dma_wait3A_581] : memref<4x32x128xf32, #tpu.memory_space<vmem>> -> memref<1x32x128xf32, #tpu.memory_space<vmem>>
      %dma_wait3A_583 = tpu.memref_squeeze %dma_wait3A_582 : memref<1x32x128xf32, #tpu.memory_space<vmem>> -> memref<32x128xf32, #tpu.memory_space<vmem>>
      %dma_wait3A_584 = arith.constant 0 : i32
      %dma_wait3A_585 = tpu.memref_slice %arg7[%dma_wait3A_578, %dma_wait3A_579, %dma_wait3A_584] : memref<2x8x32xi32, #tpu.memory_space<vmem>> -> memref<1x1x32xi32, #tpu.memory_space<vmem>>
      %dma_wait3A_586 = tpu.memref_squeeze %dma_wait3A_585 : memref<1x1x32xi32, #tpu.memory_space<vmem>> -> memref<32xi32, #tpu.memory_space<vmem>>
      %dma_wait3A_587 = arith.constant 0 : i32
      %dma_wait3A_588 = arith.constant 0 : i32
      %dma_wait3A_589 = tpu.memref_slice %arg9[%dma_wait3A_587, %dma_wait3A_588] : memref<10240x128xf32, #tpu.memory_space<vmem_shared>> -> memref<10240x128xf32, #tpu.memory_space<vmem_shared>>
      tpu.wait_indirect_dma semaphore(%arg14 : memref<!tpu.dma_semaphore, #tpu.memory_space<semaphore_mem>>) src(%dma_wait3A_583 : memref<32x128xf32, #tpu.memory_space<vmem>>) dst(%dma_wait3A_589 : memref<10240x128xf32, #tpu.memory_space<vmem_shared>>)
      %dma_wait3A_590 = arith.constant 0 : i32
      %dma_wait3A_591 = arith.constant 0 : i32
      %dma_wait3A_592 = tpu.memref_slice %arg6[%and3A_342, %dma_wait3A_590, %dma_wait3A_591] : memref<2x8x32xi32, #tpu.memory_space<vmem>> -> memref<1x8x32xi32, #tpu.memory_space<vmem>>
      %dma_wait3A_593 = tpu.memref_squeeze %dma_wait3A_592 : memref<1x8x32xi32, #tpu.memory_space<vmem>> -> memref<8x32xi32, #tpu.memory_space<vmem>>
      %dma_wait3A_594 = arith.constant 0 : i32
      %dma_wait3A_595 = arith.constant 0 : i32
      %dma_wait3A_596 = tpu.memref_slice %arg2[%arg0, %arg1, %dma_wait3A_594, %dma_wait3A_595] : memref<2x16x320x32xi32, #tpu.memory_space<hbm>> -> memref<1x1x8x32xi32, #tpu.memory_space<hbm>>
      %dma_wait3A_597 = tpu.memref_squeeze %dma_wait3A_596 : memref<1x1x8x32xi32, #tpu.memory_space<hbm>> -> memref<8x32xi32, #tpu.memory_space<hbm>>
      %dma_wait3A_598 = arith.constant 0 : i32
      %dma_wait3A_599 = arith.constant 0 : i32
      %dma_wait3A_600 = tpu.memref_slice %arg6[%and3A_342, %dma_wait3A_598, %dma_wait3A_599] : memref<2x8x32xi32, #tpu.memory_space<vmem>> -> memref<1x8x32xi32, #tpu.memory_space<vmem>>
      %dma_wait3A_601 = tpu.memref_squeeze %dma_wait3A_600 : memref<1x8x32xi32, #tpu.memory_space<vmem>> -> memref<8x32xi32, #tpu.memory_space<vmem>>
      %dma_wait3A_602 = arith.constant 0 : i32
      %dma_wait3A_603 = arith.constant 0 : i32
      %dma_wait3A_604 = tpu.memref_slice %arg2[%arg0, %arg1, %dma_wait3A_602, %dma_wait3A_603] : memref<2x16x320x32xi32, #tpu.memory_space<hbm>> -> memref<1x1x8x32xi32, #tpu.memory_space<hbm>>
      %dma_wait3A_605 = tpu.memref_squeeze %dma_wait3A_604 : memref<1x1x8x32xi32, #tpu.memory_space<hbm>> -> memref<8x32xi32, #tpu.memory_space<hbm>>
      tpu.wait_dma2 semaphore(%arg18 : memref<!tpu.dma_semaphore, #tpu.memory_space<semaphore_mem>>) src(%dma_wait3A_605 : memref<8x32xi32, #tpu.memory_space<hbm>>) dst(%dma_wait3A_601 : memref<8x32xi32, #tpu.memory_space<vmem>>)
      %dma_wait3A_606 = arith.constant 0 : i32
      %dma_wait3A_607 = arith.constant 0 : i32
      %dma_wait3A_608 = tpu.memref_slice %arg7[%and3A_342, %dma_wait3A_606, %dma_wait3A_607] : memref<2x8x32xi32, #tpu.memory_space<vmem>> -> memref<1x8x32xi32, #tpu.memory_space<vmem>>
      %dma_wait3A_609 = tpu.memref_squeeze %dma_wait3A_608 : memref<1x8x32xi32, #tpu.memory_space<vmem>> -> memref<8x32xi32, #tpu.memory_space<vmem>>
      %dma_wait3A_610 = arith.constant 0 : i32
      %dma_wait3A_611 = arith.constant 0 : i32
      %dma_wait3A_612 = tpu.memref_slice %arg3[%arg0, %arg1, %dma_wait3A_610, %dma_wait3A_611] : memref<2x16x320x32xi32, #tpu.memory_space<hbm>> -> memref<1x1x8x32xi32, #tpu.memory_space<hbm>>
      %dma_wait3A_613 = tpu.memref_squeeze %dma_wait3A_612 : memref<1x1x8x32xi32, #tpu.memory_space<hbm>> -> memref<8x32xi32, #tpu.memory_space<hbm>>
      %dma_wait3A_614 = arith.constant 0 : i32
      %dma_wait3A_615 = arith.constant 0 : i32
      %dma_wait3A_616 = tpu.memref_slice %arg7[%and3A_342, %dma_wait3A_614, %dma_wait3A_615] : memref<2x8x32xi32, #tpu.memory_space<vmem>> -> memref<1x8x32xi32, #tpu.memory_space<vmem>>
      %dma_wait3A_617 = tpu.memref_squeeze %dma_wait3A_616 : memref<1x8x32xi32, #tpu.memory_space<vmem>> -> memref<8x32xi32, #tpu.memory_space<vmem>>
      %dma_wait3A_618 = arith.constant 0 : i32
      %dma_wait3A_619 = arith.constant 0 : i32
      %dma_wait3A_620 = tpu.memref_slice %arg3[%arg0, %arg1, %dma_wait3A_618, %dma_wait3A_619] : memref<2x16x320x32xi32, #tpu.memory_space<hbm>> -> memref<1x1x8x32xi32, #tpu.memory_space<hbm>>
      %dma_wait3A_621 = tpu.memref_squeeze %dma_wait3A_620 : memref<1x1x8x32xi32, #tpu.memory_space<hbm>> -> memref<8x32xi32, #tpu.memory_space<hbm>>
      tpu.wait_dma2 semaphore(%arg19 : memref<!tpu.dma_semaphore, #tpu.memory_space<semaphore_mem>>) src(%dma_wait3A_621 : memref<8x32xi32, #tpu.memory_space<hbm>>) dst(%dma_wait3A_617 : memref<8x32xi32, #tpu.memory_space<vmem>>)
      %dma_start3A_622 = arith.constant 0 : i32
      %dma_start3A_623 = arith.constant 0 : i32
      %dma_start3A_624 = arith.constant 0 : i32
      %dma_start3A_625 = arith.constant 0 : i32
      %dma_start3A_626 = tpu.memref_slice %arg8[%dma_start3A_623, %dma_start3A_624, %dma_start3A_625] : memref<4x32x128xf32, #tpu.memory_space<vmem>> -> memref<1x32x128xf32, #tpu.memory_space<vmem>>
      %dma_start3A_627 = tpu.memref_squeeze %dma_start3A_626 : memref<1x32x128xf32, #tpu.memory_space<vmem>> -> memref<32x128xf32, #tpu.memory_space<vmem>>
      %dma_start3A_628 = arith.constant 0 : i32
      %dma_start3A_629 = tpu.memref_slice %arg6[%and3A_342, %dma_start3A_622, %dma_start3A_628] : memref<2x8x32xi32, #tpu.memory_space<vmem>> -> memref<1x1x32xi32, #tpu.memory_space<vmem>>
      %dma_start3A_630 = tpu.memref_squeeze %dma_start3A_629 : memref<1x1x32xi32, #tpu.memory_space<vmem>> -> memref<32xi32, #tpu.memory_space<vmem>>
      %dma_start3A_631 = arith.constant 0 : i32
      %dma_start3A_632 = arith.constant 0 : i32
      %dma_start3A_633 = tpu.memref_slice %arg4[%dma_start3A_631, %dma_start3A_632] : memref<20000x128xf32, #tpu.memory_space<hbm>> -> memref<20000x128xf32, #tpu.memory_space<hbm>>
      tpu.enqueue_indirect_dma source(%dma_start3A_633 : memref<20000x128xf32, #tpu.memory_space<hbm>>) target(%dma_start3A_627 : memref<32x128xf32, #tpu.memory_space<vmem>>) offsets(%dma_start3A_630 : memref<32xi32, #tpu.memory_space<vmem>>) semaphore(%arg10 : memref<!tpu.dma_semaphore, #tpu.memory_space<semaphore_mem>>)
      %dma_wait3A_634 = arith.constant 0 : i32
      %dma_wait3A_635 = arith.constant 0 : i32
      %dma_wait3A_636 = arith.constant 2 : i32
      %dma_wait3A_637 = arith.constant 0 : i32
      %dma_wait3A_638 = arith.constant 0 : i32
      %dma_wait3A_639 = tpu.memref_slice %arg8[%dma_wait3A_636, %dma_wait3A_637, %dma_wait3A_638] : memref<4x32x128xf32, #tpu.memory_space<vmem>> -> memref<1x32x128xf32, #tpu.memory_space<vmem>>
      %dma_wait3A_640 = tpu.memref_squeeze %dma_wait3A_639 : memref<1x32x128xf32, #tpu.memory_space<vmem>> -> memref<32x128xf32, #tpu.memory_space<vmem>>
      %dma_wait3A_641 = arith.constant 0 : i32
      %dma_wait3A_642 = tpu.memref_slice %arg6[%dma_wait3A_634, %dma_wait3A_635, %dma_wait3A_641] : memref<2x8x32xi32, #tpu.memory_space<vmem>> -> memref<1x1x32xi32, #tpu.memory_space<vmem>>
      %dma_wait3A_643 = tpu.memref_squeeze %dma_wait3A_642 : memref<1x1x32xi32, #tpu.memory_space<vmem>> -> memref<32xi32, #tpu.memory_space<vmem>>
      %dma_wait3A_644 = arith.constant 0 : i32
      %dma_wait3A_645 = arith.constant 0 : i32
      %dma_wait3A_646 = tpu.memref_slice %arg4[%dma_wait3A_644, %dma_wait3A_645] : memref<20000x128xf32, #tpu.memory_space<hbm>> -> memref<20000x128xf32, #tpu.memory_space<hbm>>
      tpu.wait_indirect_dma semaphore(%arg12 : memref<!tpu.dma_semaphore, #tpu.memory_space<semaphore_mem>>) src(%dma_wait3A_646 : memref<20000x128xf32, #tpu.memory_space<hbm>>) dst(%dma_wait3A_640 : memref<32x128xf32, #tpu.memory_space<vmem>>)
      %dma_start3A_647 = arith.constant 2 : i32
      %dma_start3A_648 = arith.constant 6 : i32
      %dma_start3A_649 = arith.constant 0 : i32
      %dma_start3A_650 = arith.constant 0 : i32
      %dma_start3A_651 = tpu.memref_slice %arg8[%dma_start3A_647, %dma_start3A_649, %dma_start3A_650] : memref<4x32x128xf32, #tpu.memory_space<vmem>> -> memref<1x32x128xf32, #tpu.memory_space<vmem>>
      %dma_start3A_652 = tpu.memref_squeeze %dma_start3A_651 : memref<1x32x128xf32, #tpu.memory_space<vmem>> -> memref<32x128xf32, #tpu.memory_space<vmem>>
      %dma_start3A_653 = arith.constant 0 : i32
      %dma_start3A_654 = tpu.memref_slice %arg7[%and3A_338, %dma_start3A_648, %dma_start3A_653] : memref<2x8x32xi32, #tpu.memory_space<vmem>> -> memref<1x1x32xi32, #tpu.memory_space<vmem>>
      %dma_start3A_655 = tpu.memref_squeeze %dma_start3A_654 : memref<1x1x32xi32, #tpu.memory_space<vmem>> -> memref<32xi32, #tpu.memory_space<vmem>>
      %dma_start3A_656 = arith.constant 0 : i32
      %dma_start3A_657 = arith.constant 0 : i32
      %dma_start3A_658 = tpu.memref_slice %arg9[%dma_start3A_656, %dma_start3A_657] : memref<10240x128xf32, #tpu.memory_space<vmem_shared>> -> memref<10240x128xf32, #tpu.memory_space<vmem_shared>>
      tpu.enqueue_indirect_dma source(%dma_start3A_652 : memref<32x128xf32, #tpu.memory_space<vmem>>) target(%dma_start3A_658 : memref<10240x128xf32, #tpu.memory_space<vmem_shared>>) offsets(%dma_start3A_655 : memref<32xi32, #tpu.memory_space<vmem>>) semaphore(%arg16 : memref<!tpu.dma_semaphore, #tpu.memory_space<semaphore_mem>>) {add = true}
      %dma_wait3A_659 = arith.constant 1 : i32
      %dma_wait3A_660 = arith.constant 0 : i32
      %dma_wait3A_661 = arith.constant 0 : i32
      %dma_wait3A_662 = arith.constant 0 : i32
      %dma_wait3A_663 = arith.constant 0 : i32
      %dma_wait3A_664 = tpu.memref_slice %arg8[%dma_wait3A_659, %dma_wait3A_662, %dma_wait3A_663] : memref<4x32x128xf32, #tpu.memory_space<vmem>> -> memref<1x32x128xf32, #tpu.memory_space<vmem>>
      %dma_wait3A_665 = tpu.memref_squeeze %dma_wait3A_664 : memref<1x32x128xf32, #tpu.memory_space<vmem>> -> memref<32x128xf32, #tpu.memory_space<vmem>>
      %dma_wait3A_666 = arith.constant 0 : i32
      %dma_wait3A_667 = tpu.memref_slice %arg7[%dma_wait3A_660, %dma_wait3A_661, %dma_wait3A_666] : memref<2x8x32xi32, #tpu.memory_space<vmem>> -> memref<1x1x32xi32, #tpu.memory_space<vmem>>
      %dma_wait3A_668 = tpu.memref_squeeze %dma_wait3A_667 : memref<1x1x32xi32, #tpu.memory_space<vmem>> -> memref<32xi32, #tpu.memory_space<vmem>>
      %dma_wait3A_669 = arith.constant 0 : i32
      %dma_wait3A_670 = arith.constant 0 : i32
      %dma_wait3A_671 = tpu.memref_slice %arg9[%dma_wait3A_669, %dma_wait3A_670] : memref<10240x128xf32, #tpu.memory_space<vmem_shared>> -> memref<10240x128xf32, #tpu.memory_space<vmem_shared>>
      tpu.wait_indirect_dma semaphore(%arg15 : memref<!tpu.dma_semaphore, #tpu.memory_space<semaphore_mem>>) src(%dma_wait3A_665 : memref<32x128xf32, #tpu.memory_space<vmem>>) dst(%dma_wait3A_671 : memref<10240x128xf32, #tpu.memory_space<vmem_shared>>)
      %dma_start3A_672 = arith.constant 1 : i32
      %dma_start3A_673 = arith.constant 1 : i32
      %dma_start3A_674 = arith.constant 0 : i32
      %dma_start3A_675 = arith.constant 0 : i32
      %dma_start3A_676 = tpu.memref_slice %arg8[%dma_start3A_673, %dma_start3A_674, %dma_start3A_675] : memref<4x32x128xf32, #tpu.memory_space<vmem>> -> memref<1x32x128xf32, #tpu.memory_space<vmem>>
      %dma_start3A_677 = tpu.memref_squeeze %dma_start3A_676 : memref<1x32x128xf32, #tpu.memory_space<vmem>> -> memref<32x128xf32, #tpu.memory_space<vmem>>
      %dma_start3A_678 = arith.constant 0 : i32
      %dma_start3A_679 = tpu.memref_slice %arg6[%and3A_342, %dma_start3A_672, %dma_start3A_678] : memref<2x8x32xi32, #tpu.memory_space<vmem>> -> memref<1x1x32xi32, #tpu.memory_space<vmem>>
      %dma_start3A_680 = tpu.memref_squeeze %dma_start3A_679 : memref<1x1x32xi32, #tpu.memory_space<vmem>> -> memref<32xi32, #tpu.memory_space<vmem>>
      %dma_start3A_681 = arith.constant 0 : i32
      %dma_start3A_682 = arith.constant 0 : i32
      %dma_start3A_683 = tpu.memref_slice %arg4[%dma_start3A_681, %dma_start3A_682] : memref<20000x128xf32, #tpu.memory_space<hbm>> -> memref<20000x128xf32, #tpu.memory_space<hbm>>
      tpu.enqueue_indirect_dma source(%dma_start3A_683 : memref<20000x128xf32, #tpu.memory_space<hbm>>) target(%dma_start3A_677 : memref<32x128xf32, #tpu.memory_space<vmem>>) offsets(%dma_start3A_680 : memref<32xi32, #tpu.memory_space<vmem>>) semaphore(%arg11 : memref<!tpu.dma_semaphore, #tpu.memory_space<semaphore_mem>>)
      %dma_wait3A_684 = arith.constant 0 : i32
      %dma_wait3A_685 = arith.constant 0 : i32
      %dma_wait3A_686 = arith.constant 3 : i32
      %dma_wait3A_687 = arith.constant 0 : i32
      %dma_wait3A_688 = arith.constant 0 : i32
      %dma_wait3A_689 = tpu.memref_slice %arg8[%dma_wait3A_686, %dma_wait3A_687, %dma_wait3A_688] : memref<4x32x128xf32, #tpu.memory_space<vmem>> -> memref<1x32x128xf32, #tpu.memory_space<vmem>>
      %dma_wait3A_690 = tpu.memref_squeeze %dma_wait3A_689 : memref<1x32x128xf32, #tpu.memory_space<vmem>> -> memref<32x128xf32, #tpu.memory_space<vmem>>
      %dma_wait3A_691 = arith.constant 0 : i32
      %dma_wait3A_692 = tpu.memref_slice %arg6[%dma_wait3A_684, %dma_wait3A_685, %dma_wait3A_691] : memref<2x8x32xi32, #tpu.memory_space<vmem>> -> memref<1x1x32xi32, #tpu.memory_space<vmem>>
      %dma_wait3A_693 = tpu.memref_squeeze %dma_wait3A_692 : memref<1x1x32xi32, #tpu.memory_space<vmem>> -> memref<32xi32, #tpu.memory_space<vmem>>
      %dma_wait3A_694 = arith.constant 0 : i32
      %dma_wait3A_695 = arith.constant 0 : i32
      %dma_wait3A_696 = tpu.memref_slice %arg4[%dma_wait3A_694, %dma_wait3A_695] : memref<20000x128xf32, #tpu.memory_space<hbm>> -> memref<20000x128xf32, #tpu.memory_space<hbm>>
      tpu.wait_indirect_dma semaphore(%arg13 : memref<!tpu.dma_semaphore, #tpu.memory_space<semaphore_mem>>) src(%dma_wait3A_696 : memref<20000x128xf32, #tpu.memory_space<hbm>>) dst(%dma_wait3A_690 : memref<32x128xf32, #tpu.memory_space<vmem>>)
      %dma_start3A_697 = arith.constant 3 : i32
      %dma_start3A_698 = arith.constant 7 : i32
      %dma_start3A_699 = arith.constant 0 : i32
      %dma_start3A_700 = arith.constant 0 : i32
      %dma_start3A_701 = tpu.memref_slice %arg8[%dma_start3A_697, %dma_start3A_699, %dma_start3A_700] : memref<4x32x128xf32, #tpu.memory_space<vmem>> -> memref<1x32x128xf32, #tpu.memory_space<vmem>>
      %dma_start3A_702 = tpu.memref_squeeze %dma_start3A_701 : memref<1x32x128xf32, #tpu.memory_space<vmem>> -> memref<32x128xf32, #tpu.memory_space<vmem>>
      %dma_start3A_703 = arith.constant 0 : i32
      %dma_start3A_704 = tpu.memref_slice %arg7[%and3A_338, %dma_start3A_698, %dma_start3A_703] : memref<2x8x32xi32, #tpu.memory_space<vmem>> -> memref<1x1x32xi32, #tpu.memory_space<vmem>>
      %dma_start3A_705 = tpu.memref_squeeze %dma_start3A_704 : memref<1x1x32xi32, #tpu.memory_space<vmem>> -> memref<32xi32, #tpu.memory_space<vmem>>
      %dma_start3A_706 = arith.constant 0 : i32
      %dma_start3A_707 = arith.constant 0 : i32
      %dma_start3A_708 = tpu.memref_slice %arg9[%dma_start3A_706, %dma_start3A_707] : memref<10240x128xf32, #tpu.memory_space<vmem_shared>> -> memref<10240x128xf32, #tpu.memory_space<vmem_shared>>
      tpu.enqueue_indirect_dma source(%dma_start3A_702 : memref<32x128xf32, #tpu.memory_space<vmem>>) target(%dma_start3A_708 : memref<10240x128xf32, #tpu.memory_space<vmem_shared>>) offsets(%dma_start3A_705 : memref<32xi32, #tpu.memory_space<vmem>>) semaphore(%arg17 : memref<!tpu.dma_semaphore, #tpu.memory_space<semaphore_mem>>) {add = true}
      %dma_wait3A_709 = arith.constant 2 : i32
      %dma_wait3A_710 = arith.constant 0 : i32
      %dma_wait3A_711 = arith.constant 0 : i32
      %dma_wait3A_712 = arith.constant 0 : i32
      %dma_wait3A_713 = arith.constant 0 : i32
      %dma_wait3A_714 = tpu.memref_slice %arg8[%dma_wait3A_709, %dma_wait3A_712, %dma_wait3A_713] : memref<4x32x128xf32, #tpu.memory_space<vmem>> -> memref<1x32x128xf32, #tpu.memory_space<vmem>>
      %dma_wait3A_715 = tpu.memref_squeeze %dma_wait3A_714 : memref<1x32x128xf32, #tpu.memory_space<vmem>> -> memref<32x128xf32, #tpu.memory_space<vmem>>
      %dma_wait3A_716 = arith.constant 0 : i32
      %dma_wait3A_717 = tpu.memref_slice %arg7[%dma_wait3A_710, %dma_wait3A_711, %dma_wait3A_716] : memref<2x8x32xi32, #tpu.memory_space<vmem>> -> memref<1x1x32xi32, #tpu.memory_space<vmem>>
      %dma_wait3A_718 = tpu.memref_squeeze %dma_wait3A_717 : memref<1x1x32xi32, #tpu.memory_space<vmem>> -> memref<32xi32, #tpu.memory_space<vmem>>
      %dma_wait3A_719 = arith.constant 0 : i32
      %dma_wait3A_720 = arith.constant 0 : i32
      %dma_wait3A_721 = tpu.memref_slice %arg9[%dma_wait3A_719, %dma_wait3A_720] : memref<10240x128xf32, #tpu.memory_space<vmem_shared>> -> memref<10240x128xf32, #tpu.memory_space<vmem_shared>>
      tpu.wait_indirect_dma semaphore(%arg16 : memref<!tpu.dma_semaphore, #tpu.memory_space<semaphore_mem>>) src(%dma_wait3A_715 : memref<32x128xf32, #tpu.memory_space<vmem>>) dst(%dma_wait3A_721 : memref<10240x128xf32, #tpu.memory_space<vmem_shared>>)
      %dma_start3A_722 = arith.constant 2 : i32
      %dma_start3A_723 = arith.constant 2 : i32
      %dma_start3A_724 = arith.constant 0 : i32
      %dma_start3A_725 = arith.constant 0 : i32
      %dma_start3A_726 = tpu.memref_slice %arg8[%dma_start3A_723, %dma_start3A_724, %dma_start3A_725] : memref<4x32x128xf32, #tpu.memory_space<vmem>> -> memref<1x32x128xf32, #tpu.memory_space<vmem>>
      %dma_start3A_727 = tpu.memref_squeeze %dma_start3A_726 : memref<1x32x128xf32, #tpu.memory_space<vmem>> -> memref<32x128xf32, #tpu.memory_space<vmem>>
      %dma_start3A_728 = arith.constant 0 : i32
      %dma_start3A_729 = tpu.memref_slice %arg6[%and3A_342, %dma_start3A_722, %dma_start3A_728] : memref<2x8x32xi32, #tpu.memory_space<vmem>> -> memref<1x1x32xi32, #tpu.memory_space<vmem>>
      %dma_start3A_730 = tpu.memref_squeeze %dma_start3A_729 : memref<1x1x32xi32, #tpu.memory_space<vmem>> -> memref<32xi32, #tpu.memory_space<vmem>>
      %dma_start3A_731 = arith.constant 0 : i32
      %dma_start3A_732 = arith.constant 0 : i32
      %dma_start3A_733 = tpu.memref_slice %arg4[%dma_start3A_731, %dma_start3A_732] : memref<20000x128xf32, #tpu.memory_space<hbm>> -> memref<20000x128xf32, #tpu.memory_space<hbm>>
      tpu.enqueue_indirect_dma source(%dma_start3A_733 : memref<20000x128xf32, #tpu.memory_space<hbm>>) target(%dma_start3A_727 : memref<32x128xf32, #tpu.memory_space<vmem>>) offsets(%dma_start3A_730 : memref<32xi32, #tpu.memory_space<vmem>>) semaphore(%arg12 : memref<!tpu.dma_semaphore, #tpu.memory_space<semaphore_mem>>)
      %dma_wait3A_734 = arith.constant 0 : i32
      %dma_wait3A_735 = arith.constant 0 : i32
      %dma_wait3A_736 = arith.constant 0 : i32
      %dma_wait3A_737 = arith.constant 0 : i32
      %dma_wait3A_738 = arith.constant 0 : i32
      %dma_wait3A_739 = tpu.memref_slice %arg8[%dma_wait3A_736, %dma_wait3A_737, %dma_wait3A_738] : memref<4x32x128xf32, #tpu.memory_space<vmem>> -> memref<1x32x128xf32, #tpu.memory_space<vmem>>
      %dma_wait3A_740 = tpu.memref_squeeze %dma_wait3A_739 : memref<1x32x128xf32, #tpu.memory_space<vmem>> -> memref<32x128xf32, #tpu.memory_space<vmem>>
      %dma_wait3A_741 = arith.constant 0 : i32
      %dma_wait3A_742 = tpu.memref_slice %arg6[%dma_wait3A_734, %dma_wait3A_735, %dma_wait3A_741] : memref<2x8x32xi32, #tpu.memory_space<vmem>> -> memref<1x1x32xi32, #tpu.memory_space<vmem>>
      %dma_wait3A_743 = tpu.memref_squeeze %dma_wait3A_742 : memref<1x1x32xi32, #tpu.memory_space<vmem>> -> memref<32xi32, #tpu.memory_space<vmem>>
      %dma_wait3A_744 = arith.constant 0 : i32
      %dma_wait3A_745 = arith.constant 0 : i32
      %dma_wait3A_746 = tpu.memref_slice %arg4[%dma_wait3A_744, %dma_wait3A_745] : memref<20000x128xf32, #tpu.memory_space<hbm>> -> memref<20000x128xf32, #tpu.memory_space<hbm>>
      tpu.wait_indirect_dma semaphore(%arg10 : memref<!tpu.dma_semaphore, #tpu.memory_space<semaphore_mem>>) src(%dma_wait3A_746 : memref<20000x128xf32, #tpu.memory_space<hbm>>) dst(%dma_wait3A_740 : memref<32x128xf32, #tpu.memory_space<vmem>>)
      %dma_start3A_747 = arith.constant 0 : i32
      %dma_start3A_748 = arith.constant 0 : i32
      %dma_start3A_749 = arith.constant 0 : i32
      %dma_start3A_750 = arith.constant 0 : i32
      %dma_start3A_751 = tpu.memref_slice %arg8[%dma_start3A_747, %dma_start3A_749, %dma_start3A_750] : memref<4x32x128xf32, #tpu.memory_space<vmem>> -> memref<1x32x128xf32, #tpu.memory_space<vmem>>
      %dma_start3A_752 = tpu.memref_squeeze %dma_start3A_751 : memref<1x32x128xf32, #tpu.memory_space<vmem>> -> memref<32x128xf32, #tpu.memory_space<vmem>>
      %dma_start3A_753 = arith.constant 0 : i32
      %dma_start3A_754 = tpu.memref_slice %arg7[%and3A_342, %dma_start3A_748, %dma_start3A_753] : memref<2x8x32xi32, #tpu.memory_space<vmem>> -> memref<1x1x32xi32, #tpu.memory_space<vmem>>
      %dma_start3A_755 = tpu.memref_squeeze %dma_start3A_754 : memref<1x1x32xi32, #tpu.memory_space<vmem>> -> memref<32xi32, #tpu.memory_space<vmem>>
      %dma_start3A_756 = arith.constant 0 : i32
      %dma_start3A_757 = arith.constant 0 : i32
      %dma_start3A_758 = tpu.memref_slice %arg9[%dma_start3A_756, %dma_start3A_757] : memref<10240x128xf32, #tpu.memory_space<vmem_shared>> -> memref<10240x128xf32, #tpu.memory_space<vmem_shared>>
      tpu.enqueue_indirect_dma source(%dma_start3A_752 : memref<32x128xf32, #tpu.memory_space<vmem>>) target(%dma_start3A_758 : memref<10240x128xf32, #tpu.memory_space<vmem_shared>>) offsets(%dma_start3A_755 : memref<32xi32, #tpu.memory_space<vmem>>) semaphore(%arg14 : memref<!tpu.dma_semaphore, #tpu.memory_space<semaphore_mem>>) {add = true}
      %dma_wait3A_759 = arith.constant 3 : i32
      %dma_wait3A_760 = arith.constant 0 : i32
      %dma_wait3A_761 = arith.constant 0 : i32
      %dma_wait3A_762 = arith.constant 0 : i32
      %dma_wait3A_763 = arith.constant 0 : i32
      %dma_wait3A_764 = tpu.memref_slice %arg8[%dma_wait3A_759, %dma_wait3A_762, %dma_wait3A_763] : memref<4x32x128xf32, #tpu.memory_space<vmem>> -> memref<1x32x128xf32, #tpu.memory_space<vmem>>
      %dma_wait3A_765 = tpu.memref_squeeze %dma_wait3A_764 : memref<1x32x128xf32, #tpu.memory_space<vmem>> -> memref<32x128xf32, #tpu.memory_space<vmem>>
      %dma_wait3A_766 = arith.constant 0 : i32
      %dma_wait3A_767 = tpu.memref_slice %arg7[%dma_wait3A_760, %dma_wait3A_761, %dma_wait3A_766] : memref<2x8x32xi32, #tpu.memory_space<vmem>> -> memref<1x1x32xi32, #tpu.memory_space<vmem>>
      %dma_wait3A_768 = tpu.memref_squeeze %dma_wait3A_767 : memref<1x1x32xi32, #tpu.memory_space<vmem>> -> memref<32xi32, #tpu.memory_space<vmem>>
      %dma_wait3A_769 = arith.constant 0 : i32
      %dma_wait3A_770 = arith.constant 0 : i32
      %dma_wait3A_771 = tpu.memref_slice %arg9[%dma_wait3A_769, %dma_wait3A_770] : memref<10240x128xf32, #tpu.memory_space<vmem_shared>> -> memref<10240x128xf32, #tpu.memory_space<vmem_shared>>
      tpu.wait_indirect_dma semaphore(%arg17 : memref<!tpu.dma_semaphore, #tpu.memory_space<semaphore_mem>>) src(%dma_wait3A_765 : memref<32x128xf32, #tpu.memory_space<vmem>>) dst(%dma_wait3A_771 : memref<10240x128xf32, #tpu.memory_space<vmem_shared>>)
      %dma_start3A_772 = arith.constant 3 : i32
      %dma_start3A_773 = arith.constant 3 : i32
      %dma_start3A_774 = arith.constant 0 : i32
      %dma_start3A_775 = arith.constant 0 : i32
      %dma_start3A_776 = tpu.memref_slice %arg8[%dma_start3A_773, %dma_start3A_774, %dma_start3A_775] : memref<4x32x128xf32, #tpu.memory_space<vmem>> -> memref<1x32x128xf32, #tpu.memory_space<vmem>>
      %dma_start3A_777 = tpu.memref_squeeze %dma_start3A_776 : memref<1x32x128xf32, #tpu.memory_space<vmem>> -> memref<32x128xf32, #tpu.memory_space<vmem>>
      %dma_start3A_778 = arith.constant 0 : i32
      %dma_start3A_779 = tpu.memref_slice %arg6[%and3A_342, %dma_start3A_772, %dma_start3A_778] : memref<2x8x32xi32, #tpu.memory_space<vmem>> -> memref<1x1x32xi32, #tpu.memory_space<vmem>>
      %dma_start3A_780 = tpu.memref_squeeze %dma_start3A_779 : memref<1x1x32xi32, #tpu.memory_space<vmem>> -> memref<32xi32, #tpu.memory_space<vmem>>
      %dma_start3A_781 = arith.constant 0 : i32
      %dma_start3A_782 = arith.constant 0 : i32
      %dma_start3A_783 = tpu.memref_slice %arg4[%dma_start3A_781, %dma_start3A_782] : memref<20000x128xf32, #tpu.memory_space<hbm>> -> memref<20000x128xf32, #tpu.memory_space<hbm>>
      tpu.enqueue_indirect_dma source(%dma_start3A_783 : memref<20000x128xf32, #tpu.memory_space<hbm>>) target(%dma_start3A_777 : memref<32x128xf32, #tpu.memory_space<vmem>>) offsets(%dma_start3A_780 : memref<32xi32, #tpu.memory_space<vmem>>) semaphore(%arg13 : memref<!tpu.dma_semaphore, #tpu.memory_space<semaphore_mem>>)
      %dma_wait3A_784 = arith.constant 0 : i32
      %dma_wait3A_785 = arith.constant 0 : i32
      %dma_wait3A_786 = arith.constant 1 : i32
      %dma_wait3A_787 = arith.constant 0 : i32
      %dma_wait3A_788 = arith.constant 0 : i32
      %dma_wait3A_789 = tpu.memref_slice %arg8[%dma_wait3A_786, %dma_wait3A_787, %dma_wait3A_788] : memref<4x32x128xf32, #tpu.memory_space<vmem>> -> memref<1x32x128xf32, #tpu.memory_space<vmem>>
      %dma_wait3A_790 = tpu.memref_squeeze %dma_wait3A_789 : memref<1x32x128xf32, #tpu.memory_space<vmem>> -> memref<32x128xf32, #tpu.memory_space<vmem>>
      %dma_wait3A_791 = arith.constant 0 : i32
      %dma_wait3A_792 = tpu.memref_slice %arg6[%dma_wait3A_784, %dma_wait3A_785, %dma_wait3A_791] : memref<2x8x32xi32, #tpu.memory_space<vmem>> -> memref<1x1x32xi32, #tpu.memory_space<vmem>>
      %dma_wait3A_793 = tpu.memref_squeeze %dma_wait3A_792 : memref<1x1x32xi32, #tpu.memory_space<vmem>> -> memref<32xi32, #tpu.memory_space<vmem>>
      %dma_wait3A_794 = arith.constant 0 : i32
      %dma_wait3A_795 = arith.constant 0 : i32
      %dma_wait3A_796 = tpu.memref_slice %arg4[%dma_wait3A_794, %dma_wait3A_795] : memref<20000x128xf32, #tpu.memory_space<hbm>> -> memref<20000x128xf32, #tpu.memory_space<hbm>>
      tpu.wait_indirect_dma semaphore(%arg11 : memref<!tpu.dma_semaphore, #tpu.memory_space<semaphore_mem>>) src(%dma_wait3A_796 : memref<20000x128xf32, #tpu.memory_space<hbm>>) dst(%dma_wait3A_790 : memref<32x128xf32, #tpu.memory_space<vmem>>)
      %dma_start3A_797 = arith.constant 1 : i32
      %dma_start3A_798 = arith.constant 1 : i32
      %dma_start3A_799 = arith.constant 0 : i32
      %dma_start3A_800 = arith.constant 0 : i32
      %dma_start3A_801 = tpu.memref_slice %arg8[%dma_start3A_797, %dma_start3A_799, %dma_start3A_800] : memref<4x32x128xf32, #tpu.memory_space<vmem>> -> memref<1x32x128xf32, #tpu.memory_space<vmem>>
      %dma_start3A_802 = tpu.memref_squeeze %dma_start3A_801 : memref<1x32x128xf32, #tpu.memory_space<vmem>> -> memref<32x128xf32, #tpu.memory_space<vmem>>
      %dma_start3A_803 = arith.constant 0 : i32
      %dma_start3A_804 = tpu.memref_slice %arg7[%and3A_342, %dma_start3A_798, %dma_start3A_803] : memref<2x8x32xi32, #tpu.memory_space<vmem>> -> memref<1x1x32xi32, #tpu.memory_space<vmem>>
      %dma_start3A_805 = tpu.memref_squeeze %dma_start3A_804 : memref<1x1x32xi32, #tpu.memory_space<vmem>> -> memref<32xi32, #tpu.memory_space<vmem>>
      %dma_start3A_806 = arith.constant 0 : i32
      %dma_start3A_807 = arith.constant 0 : i32
      %dma_start3A_808 = tpu.memref_slice %arg9[%dma_start3A_806, %dma_start3A_807] : memref<10240x128xf32, #tpu.memory_space<vmem_shared>> -> memref<10240x128xf32, #tpu.memory_space<vmem_shared>>
      tpu.enqueue_indirect_dma source(%dma_start3A_802 : memref<32x128xf32, #tpu.memory_space<vmem>>) target(%dma_start3A_808 : memref<10240x128xf32, #tpu.memory_space<vmem_shared>>) offsets(%dma_start3A_805 : memref<32xi32, #tpu.memory_space<vmem>>) semaphore(%arg15 : memref<!tpu.dma_semaphore, #tpu.memory_space<semaphore_mem>>) {add = true}
    }
    %scan3A_279 = arith.constant 39 : i32
    %dma_wait3A_280 = arith.constant 0 : i32
    %dma_wait3A_281 = arith.constant 0 : i32
    %dma_wait3A_282 = arith.constant 2 : i32
    %dma_wait3A_283 = arith.constant 0 : i32
    %dma_wait3A_284 = arith.constant 0 : i32
    %dma_wait3A_285 = tpu.memref_slice %arg8[%dma_wait3A_282, %dma_wait3A_283, %dma_wait3A_284] : memref<4x32x128xf32, #tpu.memory_space<vmem>> -> memref<1x32x128xf32, #tpu.memory_space<vmem>>
    %dma_wait3A_286 = tpu.memref_squeeze %dma_wait3A_285 : memref<1x32x128xf32, #tpu.memory_space<vmem>> -> memref<32x128xf32, #tpu.memory_space<vmem>>
    %dma_wait3A_287 = arith.constant 0 : i32
    %dma_wait3A_288 = tpu.memref_slice %arg6[%dma_wait3A_280, %dma_wait3A_281, %dma_wait3A_287] : memref<2x8x32xi32, #tpu.memory_space<vmem>> -> memref<1x1x32xi32, #tpu.memory_space<vmem>>
    %dma_wait3A_289 = tpu.memref_squeeze %dma_wait3A_288 : memref<1x1x32xi32, #tpu.memory_space<vmem>> -> memref<32xi32, #tpu.memory_space<vmem>>
    %dma_wait3A_290 = arith.constant 0 : i32
    %dma_wait3A_291 = arith.constant 0 : i32
    %dma_wait3A_292 = tpu.memref_slice %arg4[%dma_wait3A_290, %dma_wait3A_291] : memref<20000x128xf32, #tpu.memory_space<hbm>> -> memref<20000x128xf32, #tpu.memory_space<hbm>>
    tpu.wait_indirect_dma semaphore(%arg12 : memref<!tpu.dma_semaphore, #tpu.memory_space<semaphore_mem>>) src(%dma_wait3A_292 : memref<20000x128xf32, #tpu.memory_space<hbm>>) dst(%dma_wait3A_286 : memref<32x128xf32, #tpu.memory_space<vmem>>)
    %dma_wait3A_293 = arith.constant 0 : i32
    %dma_wait3A_294 = arith.constant 0 : i32
    %dma_wait3A_295 = arith.constant 3 : i32
    %dma_wait3A_296 = arith.constant 0 : i32
    %dma_wait3A_297 = arith.constant 0 : i32
    %dma_wait3A_298 = tpu.memref_slice %arg8[%dma_wait3A_295, %dma_wait3A_296, %dma_wait3A_297] : memref<4x32x128xf32, #tpu.memory_space<vmem>> -> memref<1x32x128xf32, #tpu.memory_space<vmem>>
    %dma_wait3A_299 = tpu.memref_squeeze %dma_wait3A_298 : memref<1x32x128xf32, #tpu.memory_space<vmem>> -> memref<32x128xf32, #tpu.memory_space<vmem>>
    %dma_wait3A_300 = arith.constant 0 : i32
    %dma_wait3A_301 = tpu.memref_slice %arg6[%dma_wait3A_293, %dma_wait3A_294, %dma_wait3A_300] : memref<2x8x32xi32, #tpu.memory_space<vmem>> -> memref<1x1x32xi32, #tpu.memory_space<vmem>>
    %dma_wait3A_302 = tpu.memref_squeeze %dma_wait3A_301 : memref<1x1x32xi32, #tpu.memory_space<vmem>> -> memref<32xi32, #tpu.memory_space<vmem>>
    %dma_wait3A_303 = arith.constant 0 : i32
    %dma_wait3A_304 = arith.constant 0 : i32
    %dma_wait3A_305 = tpu.memref_slice %arg4[%dma_wait3A_303, %dma_wait3A_304] : memref<20000x128xf32, #tpu.memory_space<hbm>> -> memref<20000x128xf32, #tpu.memory_space<hbm>>
    tpu.wait_indirect_dma semaphore(%arg13 : memref<!tpu.dma_semaphore, #tpu.memory_space<semaphore_mem>>) src(%dma_wait3A_305 : memref<20000x128xf32, #tpu.memory_space<hbm>>) dst(%dma_wait3A_299 : memref<32x128xf32, #tpu.memory_space<vmem>>)
    %dma_wait3A_306 = arith.constant 0 : i32
    %dma_wait3A_307 = arith.constant 0 : i32
    %dma_wait3A_308 = arith.constant 0 : i32
    %dma_wait3A_309 = arith.constant 0 : i32
    %dma_wait3A_310 = arith.constant 0 : i32
    %dma_wait3A_311 = tpu.memref_slice %arg8[%dma_wait3A_306, %dma_wait3A_309, %dma_wait3A_310] : memref<4x32x128xf32, #tpu.memory_space<vmem>> -> memref<1x32x128xf32, #tpu.memory_space<vmem>>
    %dma_wait3A_312 = tpu.memref_squeeze %dma_wait3A_311 : memref<1x32x128xf32, #tpu.memory_space<vmem>> -> memref<32x128xf32, #tpu.memory_space<vmem>>
    %dma_wait3A_313 = arith.constant 0 : i32
    %dma_wait3A_314 = tpu.memref_slice %arg7[%dma_wait3A_307, %dma_wait3A_308, %dma_wait3A_313] : memref<2x8x32xi32, #tpu.memory_space<vmem>> -> memref<1x1x32xi32, #tpu.memory_space<vmem>>
    %dma_wait3A_315 = tpu.memref_squeeze %dma_wait3A_314 : memref<1x1x32xi32, #tpu.memory_space<vmem>> -> memref<32xi32, #tpu.memory_space<vmem>>
    %dma_wait3A_316 = arith.constant 0 : i32
    %dma_wait3A_317 = arith.constant 0 : i32
    %dma_wait3A_318 = tpu.memref_slice %arg9[%dma_wait3A_316, %dma_wait3A_317] : memref<10240x128xf32, #tpu.memory_space<vmem_shared>> -> memref<10240x128xf32, #tpu.memory_space<vmem_shared>>
    tpu.wait_indirect_dma semaphore(%arg14 : memref<!tpu.dma_semaphore, #tpu.memory_space<semaphore_mem>>) src(%dma_wait3A_312 : memref<32x128xf32, #tpu.memory_space<vmem>>) dst(%dma_wait3A_318 : memref<10240x128xf32, #tpu.memory_space<vmem_shared>>)
    %dma_wait3A_319 = arith.constant 1 : i32
    %dma_wait3A_320 = arith.constant 0 : i32
    %dma_wait3A_321 = arith.constant 0 : i32
    %dma_wait3A_322 = arith.constant 0 : i32
    %dma_wait3A_323 = arith.constant 0 : i32
    %dma_wait3A_324 = tpu.memref_slice %arg8[%dma_wait3A_319, %dma_wait3A_322, %dma_wait3A_323] : memref<4x32x128xf32, #tpu.memory_space<vmem>> -> memref<1x32x128xf32, #tpu.memory_space<vmem>>
    %dma_wait3A_325 = tpu.memref_squeeze %dma_wait3A_324 : memref<1x32x128xf32, #tpu.memory_space<vmem>> -> memref<32x128xf32, #tpu.memory_space<vmem>>
    %dma_wait3A_326 = arith.constant 0 : i32
    %dma_wait3A_327 = tpu.memref_slice %arg7[%dma_wait3A_320, %dma_wait3A_321, %dma_wait3A_326] : memref<2x8x32xi32, #tpu.memory_space<vmem>> -> memref<1x1x32xi32, #tpu.memory_space<vmem>>
    %dma_wait3A_328 = tpu.memref_squeeze %dma_wait3A_327 : memref<1x1x32xi32, #tpu.memory_space<vmem>> -> memref<32xi32, #tpu.memory_space<vmem>>
    %dma_wait3A_329 = arith.constant 0 : i32
    %dma_wait3A_330 = arith.constant 0 : i32
    %dma_wait3A_331 = tpu.memref_slice %arg9[%dma_wait3A_329, %dma_wait3A_330] : memref<10240x128xf32, #tpu.memory_space<vmem_shared>> -> memref<10240x128xf32, #tpu.memory_space<vmem_shared>>
    tpu.wait_indirect_dma semaphore(%arg15 : memref<!tpu.dma_semaphore, #tpu.memory_space<semaphore_mem>>) src(%dma_wait3A_325 : memref<32x128xf32, #tpu.memory_space<vmem>>) dst(%dma_wait3A_331 : memref<10240x128xf32, #tpu.memory_space<vmem_shared>>)
    %barrier3A_332 = arith.constant 0 : index
    tpu.barrier barrier_id(%barrier3A_332)
    %mul3A_333 = arith.constant 640 : i32
    %mul3A_334 = arith.muli %arg1, %mul3A_333 : i32
    %mul3A_335 = arith.constant 640 : i32
    %mul3A_336 = arith.muli %arg1, %mul3A_335 : i32
    "tpu.region"() ({
      %run_scoped3A_337 = tpu.sem_alloc : memref<!tpu.dma_semaphore, #tpu.memory_space<semaphore_mem>>
      %dma_start3A_338 = arith.constant 0 : i32
      %dma_start3A_339 = tpu.memref_slice %arg5[%arg0, %mul3A_336, %dma_start3A_338] : memref<2x10240x128xf32, #tpu.memory_space<hbm>> -> memref<1x640x128xf32, #tpu.memory_space<hbm>>
      %dma_start3A_340 = tpu.memref_squeeze %dma_start3A_339 : memref<1x640x128xf32, #tpu.memory_space<hbm>> -> memref<640x128xf32, #tpu.memory_space<hbm>>
      %dma_start3A_341 = arith.constant 0 : i32
      %dma_start3A_342 = tpu.memref_slice %arg9[%mul3A_334, %dma_start3A_341] : memref<10240x128xf32, #tpu.memory_space<vmem_shared>> -> memref<640x128xf32, #tpu.memory_space<vmem_shared>>
      tpu.enqueue_dma source(%dma_start3A_342 : memref<640x128xf32, #tpu.memory_space<vmem_shared>>) target(%dma_start3A_340 : memref<640x128xf32, #tpu.memory_space<hbm>>) target_semaphore(%run_scoped3A_337 : memref<!tpu.dma_semaphore, #tpu.memory_space<semaphore_mem>>)
      %dma_wait3A_343 = arith.constant 0 : i32
      %dma_wait3A_344 = tpu.memref_slice %arg5[%arg0, %mul3A_336, %dma_wait3A_343] : memref<2x10240x128xf32, #tpu.memory_space<hbm>> -> memref<1x640x128xf32, #tpu.memory_space<hbm>>
      %dma_wait3A_345 = tpu.memref_squeeze %dma_wait3A_344 : memref<1x640x128xf32, #tpu.memory_space<hbm>> -> memref<640x128xf32, #tpu.memory_space<hbm>>
      %dma_wait3A_346 = arith.constant 0 : i32
      %dma_wait3A_347 = tpu.memref_slice %arg9[%mul3A_334, %dma_wait3A_346] : memref<10240x128xf32, #tpu.memory_space<vmem_shared>> -> memref<640x128xf32, #tpu.memory_space<vmem_shared>>
      tpu.wait_dma2 semaphore(%run_scoped3A_337 : memref<!tpu.dma_semaphore, #tpu.memory_space<semaphore_mem>>) src(%dma_wait3A_347 : memref<640x128xf32, #tpu.memory_space<vmem_shared>>) dst(%dma_wait3A_345 : memref<640x128xf32, #tpu.memory_space<hbm>>)
      tpu.yield
    }) : () -> ()
    return
  }
}

module attributes {stable_mosaic.version = 14 : i64} {
  func.func @body(%arg0: i32, %arg1: memref<1x2x400xf32, #tpu.memory_space<vmem>>, %arg2: memref<400x128xf32, #tpu.memory_space<vmem>>, %arg3: memref<128x256xf32, #tpu.memory_space<vmem>>, %arg4: memref<2x400x128xf32, #tpu.memory_space<vmem>>) attributes {dimension_semantics = [#tpu.dimension_semantics<arbitrary>], iteration_bounds = array<i64: 25>, scalar_prefetch = 0 : i64, scratch_operands = 0 : i64, tpu.core_type = #tpu.core_type<tc>, window_params = [{transform_indices = @transform_0, window_bounds = array<i64: 1, 2, 400>}, {transform_indices = @transform_1, window_bounds = array<i64: 400, 128>}, {pipeline_mode = #tpu.pipeline_mode<synchronous>, transform_indices = @transform_2, window_bounds = array<i64: 128, 256>}, {transform_indices = @transform_3, window_bounds = array<i64: 2, 400, 128>}]} {
    %get3A = arith.constant 0 : index
    %get3A_0 = arith.constant 0 : index
    %get3A_1 = arith.constant 0 : index
    %get3A_2 = vector.load %arg1[%get3A, %get3A_0, %get3A_1] : memref<1x2x400xf32, #tpu.memory_space<vmem>>, vector<1x1x400xf32>
    %get3A_3 = vector.shape_cast %get3A_2 : vector<1x1x400xf32> to vector<400xf32>
    %get3A_4 = arith.constant 0 : index
    %get3A_5 = arith.constant 1 : index
    %get3A_6 = arith.constant 0 : index
    %get3A_7 = vector.load %arg1[%get3A_4, %get3A_5, %get3A_6] : memref<1x2x400xf32, #tpu.memory_space<vmem>>, vector<1x1x400xf32>
    %get3A_8 = vector.shape_cast %get3A_7 : vector<1x1x400xf32> to vector<400xf32>
    %add3A = arith.addf %get3A_3, %get3A_8 : vector<400xf32>
    %add3A_9 = arith.constant 1.000000e+00 : f32
    %add3A_10 = vector.broadcast %add3A_9 : f32 to vector<400xf32>
    %add3A_11 = arith.addf %add3A, %add3A_10 : vector<400xf32>
    %rsqrt3A = math.rsqrt %add3A_11 : vector<400xf32>
    %broadcast_in_dim3A = vector.shape_cast %rsqrt3A : vector<400xf32> to vector<400x1xf32>
    %get3A_12 = arith.constant 0 : index
    %get3A_13 = arith.constant 0 : index
    %get3A_14 = vector.load %arg2[%get3A_12, %get3A_13] : memref<400x128xf32, #tpu.memory_space<vmem>>, vector<400x128xf32>
    %get3A_15 = arith.constant 0 : index
    %get3A_16 = arith.constant 0 : index
    %get3A_17 = vector.load %arg3[%get3A_15, %get3A_16] : memref<128x256xf32, #tpu.memory_space<vmem>>, vector<128x256xf32>
    %dot_general3A = arith.constant dense<0.000000e+00> : vector<400x256xf32>
    %dot_general3A_18 = tpu.matmul %get3A_14, %get3A_17, %dot_general3A {dimension_numbers = #tpu.dot_dimension_numbers<[1], [0], [0], [1], [0, 0, 1, 1], [], []>, transpose_lhs_hint = false} : vector<400x128xf32>, vector<128x256xf32>, vector<400x256xf32> -> vector<400x256xf32>
    %slice3A = vector.extract_strided_slice %dot_general3A_18 {offsets = [0, 0], sizes = [400, 128], strides = [1, 1]} : vector<400x256xf32> to vector<400x128xf32>
    %mul3A = vector.broadcast %broadcast_in_dim3A : vector<400x1xf32> to vector<400x128xf32>
    %mul3A_19 = arith.mulf %slice3A, %mul3A : vector<400x128xf32>
    %swap3A = arith.constant 0 : index
    %swap3A_20 = arith.constant 0 : index
    %swap3A_21 = arith.constant 0 : index
    %swap3A_22 = vector.load %arg4[%swap3A, %swap3A_20, %swap3A_21] : memref<2x400x128xf32, #tpu.memory_space<vmem>>, vector<1x400x128xf32>
    %swap3A_23 = vector.shape_cast %swap3A_22 : vector<1x400x128xf32> to vector<400x128xf32>
    %swap3A_24 = vector.shape_cast %mul3A_19 : vector<400x128xf32> to vector<1x400x128xf32>
    tpu.vector_store %arg4[%swap3A, %swap3A_20, %swap3A_21], %swap3A_24 {strides = array<i32>} : memref<2x400x128xf32, #tpu.memory_space<vmem>>, vector<1x400x128xf32>,
    %slice3A_25 = vector.extract_strided_slice %dot_general3A_18 {offsets = [0, 128], sizes = [400, 128], strides = [1, 1]} : vector<400x256xf32> to vector<400x128xf32>
    %mul3A_26 = vector.broadcast %broadcast_in_dim3A : vector<400x1xf32> to vector<400x128xf32>
    %mul3A_27 = arith.mulf %slice3A_25, %mul3A_26 : vector<400x128xf32>
    %swap3A_28 = arith.constant 1 : index
    %swap3A_29 = arith.constant 0 : index
    %swap3A_30 = arith.constant 0 : index
    %swap3A_31 = vector.load %arg4[%swap3A_28, %swap3A_29, %swap3A_30] : memref<2x400x128xf32, #tpu.memory_space<vmem>>, vector<1x400x128xf32>
    %swap3A_32 = vector.shape_cast %swap3A_31 : vector<1x400x128xf32> to vector<400x128xf32>
    %swap3A_33 = vector.shape_cast %mul3A_27 : vector<400x128xf32> to vector<1x400x128xf32>
    tpu.vector_store %arg4[%swap3A_28, %swap3A_29, %swap3A_30], %swap3A_33 {strides = array<i32>} : memref<2x400x128xf32, #tpu.memory_space<vmem>>, vector<1x400x128xf32>,
    return
  }
  func.func @transform_0(%arg0: i32) -> (i32, i32, i32) {
    %c0_i32 = arith.constant 0 : i32
    %c0_i32_0 = arith.constant 0 : i32
    %c0_i32_1 = arith.constant 0 : i32
    return %arg0, %c0_i32, %c0_i32_0 : i32, i32, i32
  }
  func.func @transform_1(%arg0: i32) -> (i32, i32) {
    %c0_i32 = arith.constant 0 : i32
    %c0_i32_0 = arith.constant 0 : i32
    return %arg0, %c0_i32 : i32, i32
  }
  func.func @transform_2(%arg0: i32) -> (i32, i32) {
    %c0_i32 = arith.constant 0 : i32
    %c0_i32_0 = arith.constant 0 : i32
    %c0_i32_1 = arith.constant 0 : i32
    return %c0_i32, %c0_i32_0 : i32, i32
  }
  func.func @transform_3(%arg0: i32) -> (i32, i32, i32) {
    %c0_i32 = arith.constant 0 : i32
    %c0_i32_0 = arith.constant 0 : i32
    %c0_i32_1 = arith.constant 0 : i32
    return %c0_i32, %arg0, %c0_i32_0 : i32, i32, i32
  }
}

module attributes {stable_mosaic.version = 14 : i64} {
  func.func @body(%arg0: i32, %arg1: memref<1x2x400xf32, #tpu.memory_space<vmem>>, %arg2: memref<2x400x128xf32, #tpu.memory_space<vmem>>, %arg3: memref<2x400x128xf32, #tpu.memory_space<vmem>>, %arg4: memref<256x128xf32, #tpu.memory_space<vmem>>, %arg5: memref<1x256xf32, #tpu.memory_space<vmem>>, %arg6: memref<2x400x128xf32, #tpu.memory_space<vmem>>) attributes {dimension_semantics = [#tpu.dimension_semantics<arbitrary>], iteration_bounds = array<i64: 25>, scalar_prefetch = 0 : i64, scratch_operands = 0 : i64, tpu.core_type = #tpu.core_type<tc>, window_params = [{transform_indices = @transform_0, window_bounds = array<i64: 1, 2, 400>}, {transform_indices = @transform_1, window_bounds = array<i64: 2, 400, 128>}, {transform_indices = @transform_2, window_bounds = array<i64: 2, 400, 128>}, {pipeline_mode = #tpu.pipeline_mode<synchronous>, transform_indices = @transform_3, window_bounds = array<i64: 256, 128>}, {pipeline_mode = #tpu.pipeline_mode<synchronous>, transform_indices = @transform_4, window_bounds = array<i64: 1, 256>}, {transform_indices = @transform_5, window_bounds = array<i64: 2, 400, 128>}]} {
    %get3A = arith.constant 0 : index
    %get3A_0 = arith.constant 0 : index
    %get3A_1 = arith.constant 0 : index
    %get3A_2 = vector.load %arg1[%get3A, %get3A_0, %get3A_1] : memref<1x2x400xf32, #tpu.memory_space<vmem>>, vector<1x1x400xf32>
    %get3A_3 = vector.shape_cast %get3A_2 : vector<1x1x400xf32> to vector<400xf32>
    %get3A_4 = arith.constant 0 : index
    %get3A_5 = arith.constant 1 : index
    %get3A_6 = arith.constant 0 : index
    %get3A_7 = vector.load %arg1[%get3A_4, %get3A_5, %get3A_6] : memref<1x2x400xf32, #tpu.memory_space<vmem>>, vector<1x1x400xf32>
    %get3A_8 = vector.shape_cast %get3A_7 : vector<1x1x400xf32> to vector<400xf32>
    %add3A = arith.addf %get3A_3, %get3A_8 : vector<400xf32>
    %add3A_9 = arith.constant 1.000000e+00 : f32
    %add3A_10 = vector.broadcast %add3A_9 : f32 to vector<400xf32>
    %add3A_11 = arith.addf %add3A, %add3A_10 : vector<400xf32>
    %rsqrt3A = math.rsqrt %add3A_11 : vector<400xf32>
    %broadcast_in_dim3A = vector.shape_cast %rsqrt3A : vector<400xf32> to vector<400x1xf32>
    %get3A_12 = arith.constant 0 : index
    %get3A_13 = arith.constant 0 : index
    %get3A_14 = arith.constant 0 : index
    %get3A_15 = vector.load %arg2[%get3A_12, %get3A_13, %get3A_14] : memref<2x400x128xf32, #tpu.memory_space<vmem>>, vector<1x400x128xf32>
    %get3A_16 = vector.shape_cast %get3A_15 : vector<1x400x128xf32> to vector<400x128xf32>
    %get3A_17 = arith.constant 0 : index
    %get3A_18 = arith.constant 0 : index
    %get3A_19 = arith.constant 0 : index
    %get3A_20 = vector.load %arg3[%get3A_17, %get3A_18, %get3A_19] : memref<2x400x128xf32, #tpu.memory_space<vmem>>, vector<1x400x128xf32>
    %get3A_21 = vector.shape_cast %get3A_20 : vector<1x400x128xf32> to vector<400x128xf32>
    %add3A_22 = arith.addf %get3A_16, %get3A_21 : vector<400x128xf32>
    %mul3A = vector.broadcast %broadcast_in_dim3A : vector<400x1xf32> to vector<400x128xf32>
    %mul3A_23 = arith.mulf %add3A_22, %mul3A : vector<400x128xf32>
    %get3A_24 = arith.constant 1 : index
    %get3A_25 = arith.constant 0 : index
    %get3A_26 = arith.constant 0 : index
    %get3A_27 = vector.load %arg2[%get3A_24, %get3A_25, %get3A_26] : memref<2x400x128xf32, #tpu.memory_space<vmem>>, vector<1x400x128xf32>
    %get3A_28 = vector.shape_cast %get3A_27 : vector<1x400x128xf32> to vector<400x128xf32>
    %get3A_29 = arith.constant 1 : index
    %get3A_30 = arith.constant 0 : index
    %get3A_31 = arith.constant 0 : index
    %get3A_32 = vector.load %arg3[%get3A_29, %get3A_30, %get3A_31] : memref<2x400x128xf32, #tpu.memory_space<vmem>>, vector<1x400x128xf32>
    %get3A_33 = vector.shape_cast %get3A_32 : vector<1x400x128xf32> to vector<400x128xf32>
    %add3A_34 = arith.addf %get3A_28, %get3A_33 : vector<400x128xf32>
    %mul3A_35 = vector.broadcast %broadcast_in_dim3A : vector<400x1xf32> to vector<400x128xf32>
    %mul3A_36 = arith.mulf %add3A_34, %mul3A_35 : vector<400x128xf32>
    %concatenate3A = tpu.concatenate %mul3A_23, %mul3A_36 in 1 : vector<400x128xf32>, vector<400x128xf32> -> vector<400x256xf32>
    %get3A_37 = arith.constant 0 : index
    %get3A_38 = arith.constant 0 : index
    %get3A_39 = vector.load %arg5[%get3A_37, %get3A_38] : memref<1x256xf32, #tpu.memory_space<vmem>>, vector<1x256xf32>
    %add3A_40 = vector.broadcast %get3A_39 : vector<1x256xf32> to vector<400x256xf32>
    %add3A_41 = arith.addf %concatenate3A, %add3A_40 : vector<400x256xf32>
    %get3A_42 = arith.constant 0 : index
    %get3A_43 = arith.constant 0 : index
    %get3A_44 = vector.load %arg4[%get3A_42, %get3A_43] : memref<256x128xf32, #tpu.memory_space<vmem>>, vector<256x128xf32>
    %dot_general3A = arith.constant dense<0.000000e+00> : vector<400x128xf32>
    %dot_general3A_45 = tpu.matmul %add3A_41, %get3A_44, %dot_general3A {dimension_numbers = #tpu.dot_dimension_numbers<[1], [0], [0], [1], [0, 0, 1, 1], [], []>, transpose_lhs_hint = false} : vector<400x256xf32>, vector<256x128xf32>, vector<400x128xf32> -> vector<400x128xf32>
    %mul3A_46 = vector.broadcast %broadcast_in_dim3A : vector<400x1xf32> to vector<400x128xf32>
    %mul3A_47 = arith.mulf %dot_general3A_45, %mul3A_46 : vector<400x128xf32>
    %swap3A = arith.constant 0 : index
    %swap3A_48 = arith.constant 0 : index
    %swap3A_49 = arith.constant 0 : index
    %swap3A_50 = vector.load %arg6[%swap3A, %swap3A_48, %swap3A_49] : memref<2x400x128xf32, #tpu.memory_space<vmem>>, vector<1x400x128xf32>
    %swap3A_51 = vector.shape_cast %swap3A_50 : vector<1x400x128xf32> to vector<400x128xf32>
    %swap3A_52 = vector.shape_cast %mul3A_47 : vector<400x128xf32> to vector<1x400x128xf32>
    tpu.vector_store %arg6[%swap3A, %swap3A_48, %swap3A_49], %swap3A_52 {strides = array<i32>} : memref<2x400x128xf32, #tpu.memory_space<vmem>>, vector<1x400x128xf32>,
    %swap3A_53 = arith.constant 1 : index
    %swap3A_54 = arith.constant 0 : index
    %swap3A_55 = arith.constant 0 : index
    %swap3A_56 = vector.load %arg6[%swap3A_53, %swap3A_54, %swap3A_55] : memref<2x400x128xf32, #tpu.memory_space<vmem>>, vector<1x400x128xf32>
    %swap3A_57 = vector.shape_cast %swap3A_56 : vector<1x400x128xf32> to vector<400x128xf32>
    %swap3A_58 = vector.shape_cast %mul3A_47 : vector<400x128xf32> to vector<1x400x128xf32>
    tpu.vector_store %arg6[%swap3A_53, %swap3A_54, %swap3A_55], %swap3A_58 {strides = array<i32>} : memref<2x400x128xf32, #tpu.memory_space<vmem>>, vector<1x400x128xf32>,
    return
  }
  func.func @transform_0(%arg0: i32) -> (i32, i32, i32) {
    %c0_i32 = arith.constant 0 : i32
    %c0_i32_0 = arith.constant 0 : i32
    %c0_i32_1 = arith.constant 0 : i32
    return %arg0, %c0_i32, %c0_i32_0 : i32, i32, i32
  }
  func.func @transform_1(%arg0: i32) -> (i32, i32, i32) {
    %c0_i32 = arith.constant 0 : i32
    %c0_i32_0 = arith.constant 0 : i32
    %c0_i32_1 = arith.constant 0 : i32
    return %c0_i32, %arg0, %c0_i32_0 : i32, i32, i32
  }
  func.func @transform_2(%arg0: i32) -> (i32, i32, i32) {
    %c0_i32 = arith.constant 0 : i32
    %c0_i32_0 = arith.constant 0 : i32
    %c0_i32_1 = arith.constant 0 : i32
    return %c0_i32, %arg0, %c0_i32_0 : i32, i32, i32
  }
  func.func @transform_3(%arg0: i32) -> (i32, i32) {
    %c0_i32 = arith.constant 0 : i32
    %c0_i32_0 = arith.constant 0 : i32
    %c0_i32_1 = arith.constant 0 : i32
    return %c0_i32, %c0_i32_0 : i32, i32
  }
  func.func @transform_4(%arg0: i32) -> (i32, i32) {
    %c0_i32 = arith.constant 0 : i32
    %c0_i32_0 = arith.constant 0 : i32
    %c0_i32_1 = arith.constant 0 : i32
    return %c0_i32, %c0_i32_0 : i32, i32
  }
  func.func @transform_5(%arg0: i32) -> (i32, i32, i32) {
    %c0_i32 = arith.constant 0 : i32
    %c0_i32_0 = arith.constant 0 : i32
    %c0_i32_1 = arith.constant 0 : i32
    return %c0_i32, %arg0, %c0_i32_0 : i32, i32, i32
  }
}

module attributes {stable_mosaic.version = 14 : i64} {
  func.func @body(%arg0: i32, %arg1: memref<1x2x400xf32, #tpu.memory_space<vmem>>, %arg2: memref<2x400x128xf32, #tpu.memory_space<vmem>>, %arg3: memref<2x400x128xf32, #tpu.memory_space<vmem>>, %arg4: memref<1x128xf32, #tpu.memory_space<vmem>>, %arg5: memref<400x128xf32, #tpu.memory_space<vmem>>) attributes {dimension_semantics = [#tpu.dimension_semantics<arbitrary>], iteration_bounds = array<i64: 25>, scalar_prefetch = 0 : i64, scratch_operands = 0 : i64, tpu.core_type = #tpu.core_type<tc>, window_params = [{transform_indices = @transform_0, window_bounds = array<i64: 1, 2, 400>}, {transform_indices = @transform_1, window_bounds = array<i64: 2, 400, 128>}, {transform_indices = @transform_2, window_bounds = array<i64: 2, 400, 128>}, {pipeline_mode = #tpu.pipeline_mode<synchronous>, transform_indices = @transform_3, window_bounds = array<i64: 1, 128>}, {transform_indices = @transform_4, window_bounds = array<i64: 400, 128>}]} {
    %get3A = arith.constant 0 : index
    %get3A_0 = arith.constant 0 : index
    %get3A_1 = arith.constant 0 : index
    %get3A_2 = vector.load %arg1[%get3A, %get3A_0, %get3A_1] : memref<1x2x400xf32, #tpu.memory_space<vmem>>, vector<1x1x400xf32>
    %get3A_3 = vector.shape_cast %get3A_2 : vector<1x1x400xf32> to vector<400xf32>
    %get3A_4 = arith.constant 0 : index
    %get3A_5 = arith.constant 1 : index
    %get3A_6 = arith.constant 0 : index
    %get3A_7 = vector.load %arg1[%get3A_4, %get3A_5, %get3A_6] : memref<1x2x400xf32, #tpu.memory_space<vmem>>, vector<1x1x400xf32>
    %get3A_8 = vector.shape_cast %get3A_7 : vector<1x1x400xf32> to vector<400xf32>
    %add3A = arith.addf %get3A_3, %get3A_8 : vector<400xf32>
    %add3A_9 = arith.constant 1.000000e+00 : f32
    %add3A_10 = vector.broadcast %add3A_9 : f32 to vector<400xf32>
    %add3A_11 = arith.addf %add3A, %add3A_10 : vector<400xf32>
    %rsqrt3A = math.rsqrt %add3A_11 : vector<400xf32>
    %broadcast_in_dim3A = vector.shape_cast %rsqrt3A : vector<400xf32> to vector<400x1xf32>
    %get3A_12 = arith.constant 0 : index
    %get3A_13 = arith.constant 0 : index
    %get3A_14 = arith.constant 0 : index
    %get3A_15 = vector.load %arg2[%get3A_12, %get3A_13, %get3A_14] : memref<2x400x128xf32, #tpu.memory_space<vmem>>, vector<1x400x128xf32>
    %get3A_16 = vector.shape_cast %get3A_15 : vector<1x400x128xf32> to vector<400x128xf32>
    %get3A_17 = arith.constant 1 : index
    %get3A_18 = arith.constant 0 : index
    %get3A_19 = arith.constant 0 : index
    %get3A_20 = vector.load %arg2[%get3A_17, %get3A_18, %get3A_19] : memref<2x400x128xf32, #tpu.memory_space<vmem>>, vector<1x400x128xf32>
    %get3A_21 = vector.shape_cast %get3A_20 : vector<1x400x128xf32> to vector<400x128xf32>
    %add3A_22 = arith.addf %get3A_16, %get3A_21 : vector<400x128xf32>
    %get3A_23 = arith.constant 0 : index
    %get3A_24 = arith.constant 0 : index
    %get3A_25 = arith.constant 0 : index
    %get3A_26 = vector.load %arg3[%get3A_23, %get3A_24, %get3A_25] : memref<2x400x128xf32, #tpu.memory_space<vmem>>, vector<1x400x128xf32>
    %get3A_27 = vector.shape_cast %get3A_26 : vector<1x400x128xf32> to vector<400x128xf32>
    %add3A_28 = arith.addf %add3A_22, %get3A_27 : vector<400x128xf32>
    %mul3A = vector.broadcast %broadcast_in_dim3A : vector<400x1xf32> to vector<400x128xf32>
    %mul3A_29 = arith.mulf %add3A_28, %mul3A : vector<400x128xf32>
    %get3A_30 = arith.constant 0 : index
    %get3A_31 = arith.constant 0 : index
    %get3A_32 = vector.load %arg4[%get3A_30, %get3A_31] : memref<1x128xf32, #tpu.memory_space<vmem>>, vector<1x128xf32>
    %add3A_33 = vector.broadcast %get3A_32 : vector<1x128xf32> to vector<400x128xf32>
    %add3A_34 = arith.addf %mul3A_29, %add3A_33 : vector<400x128xf32>
    %swap3A = arith.constant 0 : index
    %swap3A_35 = arith.constant 0 : index
    %swap3A_36 = vector.load %arg5[%swap3A, %swap3A_35] : memref<400x128xf32, #tpu.memory_space<vmem>>, vector<400x128xf32>
    tpu.vector_store %arg5[%swap3A, %swap3A_35], %add3A_34 {strides = array<i32>} : memref<400x128xf32, #tpu.memory_space<vmem>>, vector<400x128xf32>,
    return
  }
  func.func @transform_0(%arg0: i32) -> (i32, i32, i32) {
    %c0_i32 = arith.constant 0 : i32
    %c0_i32_0 = arith.constant 0 : i32
    %c0_i32_1 = arith.constant 0 : i32
    return %arg0, %c0_i32, %c0_i32_0 : i32, i32, i32
  }
  func.func @transform_1(%arg0: i32) -> (i32, i32, i32) {
    %c0_i32 = arith.constant 0 : i32
    %c0_i32_0 = arith.constant 0 : i32
    %c0_i32_1 = arith.constant 0 : i32
    return %c0_i32, %arg0, %c0_i32_0 : i32, i32, i32
  }
  func.func @transform_2(%arg0: i32) -> (i32, i32, i32) {
    %c0_i32 = arith.constant 0 : i32
    %c0_i32_0 = arith.constant 0 : i32
    %c0_i32_1 = arith.constant 0 : i32
    return %c0_i32, %arg0, %c0_i32_0 : i32, i32, i32
  }
  func.func @transform_3(%arg0: i32) -> (i32, i32) {
    %c0_i32 = arith.constant 0 : i32
    %c0_i32_0 = arith.constant 0 : i32
    %c0_i32_1 = arith.constant 0 : i32
    return %c0_i32, %c0_i32_0 : i32, i32
  }
  func.func @transform_4(%arg0: i32) -> (i32, i32) {
    %c0_i32 = arith.constant 0 : i32
    %c0_i32_0 = arith.constant 0 : i32
    return %arg0, %c0_i32 : i32, i32
  }
}

</mosaic_0001>

<sc_bundles>
// kernel: kernel.11.cloned.1.call-start
scs
__scs_entry_jumppad:
0x0: {  	(pc) =	sbr.rel $0x88, $3  }
0x1: {  	(tag) =	ssettag $0x0;
	lr =	simm.s32 $0x1  }
0x2: {  	[smem:$0x3F9B] =	sst lr;
	_ =	strace $0xD0000000  }
0x3: {  	_ = 	snop  }
0x4: {  	_ = 	snop  }
0x5: {  	_ = 	snop  }
0x6: {  	_ = 	snop  }
0x7: {  	_ = 	snop  }
__scs_overlays_trampoline_lowered:
0x8: {  	[smem:$0x3FAA] =	sst s0  }
0x9: {  	[smem:$0x3FAB] =	sst s1  }
0xa: {  	[smem:$0x3FAC] =	sst s2  }
0xb: {  	[smem:$0x3FAD] =	sst s3  }
0xc: {  	[smem:$0x3FAE] =	sst s4  }
0xd: {  	[smem:$0x3FAF] =	sst s5  }
0xe: {  	[smem:$0x3FB0] =	sst s6  }
0xf: {  	[smem:$0x3FB1] =	sst s7  }
0x10: {  	[smem:$0x3FB2] =	sst s8  }
0x11: {  	[smem:$0x3FB3] =	sst s9;
	s0 =	simm.s32 @!p0 $0x0  }
0x12: {  	s1 =	sld [smem:$0x3F99];
	s0 =	simm.s32 @p0 $0x1  }
0x13: {  	[smem:$0x3FB4] =	sst s0;
	s0 =	simm.s32 @!p1 $0x0  }
0x14: {  	s2 =	sld [smem:$0x3F98];
	s0 =	simm.s32 @p1 $0x1  }
0x15: {  	[smem:$0x3FB5] =	sst s0;
	s0 =	simm.s32 @!p2 $0x0  }
0x16: {  	s3 =	sld [smem:$0x3FDB];
	s0 =	simm.s32 @p2 $0x1  }
0x17: {  	s4 =	simm.s32 $0x1BF5;
	[smem:$0x3FB7] =	sst s0  }
0x18: {  	s0 =	sld [smem:$0x3F9A];
	_ =	swait.ge [sflag:s4], $0x0  }
0x19: {  	s7 =	sld [smem:$0x3F9B]  }
0x1a: {  	s8 =	sadd.s32 $0xFFFFE003, lr  }
0x1b: {  	s9 =	sadd.s32 $0xFFFFFEF7, lr;
	s5 =	simm.s32 $0xFFFFFFFF;
	p2 =	slt.u32 s8, $0xFFFFF086  }
0x1c: {  	p1 =	slt.u32 s9, $0xF7A;
	s5 =	simm.s32 @!p2 $0x0  }
0x1d: {  	s5 =	simm.s32 @p1 $0x1;
	p0 =	seq.s32 s7, s2  }
0x1e: {  	s7 =	smul.u32 @!p0 $0xF7A, s2;
	p2 =	seq.s32 @!p0 s5, $0x0  }
0x1f: {  	s9 =	smul.u32 $0xF7A, s1;
	s8 =	simm.s32 @!p0 $0x1BF5;
	p2 =	por !p2, p0  }
0x20: {  	[sflag:s8] =	ssyncset.s32 @!p0 $0xFFFFF086;
	s6 =	sadd.s32 @!p0 s3, s7;
	s7 =	simm.s32 @!p0 $0x108  }
0x21: {  	s3 =	sadd.s32 s3, s9;
	s6 =	sadd.s32 @!p0 $0x88, s6;
	s7 =	simm.s32 @p2 $0x1082  }
0x22: {  	[simem:s7], [sflag:s8] =	dma.local @!p0 [hbm:s6], $0xF7A  }
0x23: {  	s9 =	sor.u32 $0xD0000000, s2;
	s6 =	simm.s32 $0x108;
	_ =	swait.ge @!p0 [sflag:s8], $0x0  }
0x24: {  	s3 =	sadd.s32 $0x88, s3;
	s6 =	simm.s32 @!p1 $0x1082;
	[sflag:s4] =	ssyncset.s32 $0xFFFFF086  }
0x25: {  	[simem:s6], [sflag:s4] =	dma.local [hbm:s3], $0xF7A  }
0x26: {  	[smem:$0x3F9B] =	sst s1;
	(tag) =	ssettag s2;
	_ =	strace s9  }
0x27: {  	s1 =	sld [smem:$0x3FAB]  }
0x28: {  	s2 =	sld [smem:$0x3FAC]  }
0x29: {  	s4 =	sld [smem:$0x3FAE]  }
0x2a: {  	p0 =	seq.s32 s5, $0x0;
	s5 =	sld [smem:$0x3FAF]  }
0x2b: {  	s6 =	sld [smem:$0x3FB0]  }
0x2c: {  	s7 =	sld [smem:$0x3FB1]  }
0x2d: {  	s3 =	simm.s32 $0x108;
	s8 =	sld [smem:$0x3FB2]  }
0x2e: {  	s3 =	simm.s32 @!p0 $0x1082;
	s9 =	sld [smem:$0x3FB3]  }
0x2f: {  	lr =	sadd.s32 s0, s3;
	s0 =	sld [smem:$0x3FAA]  }
0x30: {  	s3 =	sld [smem:$0x3FAD]  }
0x31: {  	[smem:$0x3FB6] =	sst s10  }
0x32: {  	s10 =	sld [smem:$0x3FB4];
	_ =	sdelay $0x3  }
0x33: {  	p0 =	seq.s32 s10, $0x1;
	s10 =	sld [smem:$0x3FB6];
	_ =	sdelay $0x3  }
0x34: {  	[smem:$0x3FB6] =	sst s10  }
0x35: {  	s10 =	sld [smem:$0x3FB5];
	_ =	sdelay $0x3  }
0x36: {  	p1 =	seq.s32 s10, $0x1;
	s10 =	sld [smem:$0x3FB6];
	_ =	sdelay $0x3  }
0x37: {  	[smem:$0x3FB6] =	sst s10  }
0x38: {  	s10 =	sld [smem:$0x3FB7]  }
0x39: {  	_ = 	snop;
	(pc) =	sbr.ind lr, $3  }
0x3a: {  	_ = 	snop  }
0x3b: {  	_ = 	snop  }
0x3c: {  	p2 =	seq.s32 s10, $0x1;
	s10 =	sld [smem:$0x3FB6]  }
0x3d: {  	_ =	shalt  }
0x3e: {  	_ =	shalt  }
0x3f: {  	_ =	shalt  }
0x40: {  	_ =	shalt  }
0x41: {  	_ =	shalt  }
0x42: {  	_ =	shalt  }
0x43: {  	_ =	shalt  }
0x44: {  	_ =	shalt  }
0x45: {  	_ =	shalt  }
0x46: {  	_ =	shalt  }
0x47: {  	_ =	shalt  }
0x48: {  	_ =	shalt  }
0x49: {  	_ =	shalt  }
0x4a: {  	_ =	shalt  }
0x4b: {  	_ =	shalt  }
0x4c: {  	_ =	shalt  }
0x4d: {  	_ =	shalt  }
0x4e: {  	_ =	shalt  }
0x4f: {  	_ =	shalt  }
0x50: {  	_ =	shalt  }
0x51: {  	_ =	shalt  }
0x52: {  	_ =	shalt  }
0x53: {  	_ =	shalt  }
0x54: {  	_ =	shalt  }
0x55: {  	_ =	shalt  }
0x56: {  	_ =	shalt  }
0x57: {  	_ =	shalt  }
0x58: {  	_ =	shalt  }
0x59: {  	_ =	shalt  }
0x5a: {  	_ =	shalt  }
0x5b: {  	_ =	shalt  }
0x5c: {  	_ =	shalt  }
0x5d: {  	_ =	shalt  }
0x5e: {  	_ =	shalt  }
0x5f: {  	_ =	shalt  }
0x60: {  	_ =	shalt  }
0x61: {  	_ =	shalt  }
0x62: {  	_ =	shalt  }
0x63: {  	_ =	shalt  }
0x64: {  	_ =	shalt  }
0x65: {  	_ =	shalt  }
0x66: {  	_ =	shalt  }
0x67: {  	_ =	shalt  }
0x68: {  	_ =	shalt  }
0x69: {  	_ =	shalt  }
0x6a: {  	_ =	shalt  }
0x6b: {  	_ =	shalt  }
0x6c: {  	_ =	shalt  }
0x6d: {  	_ =	shalt  }
0x6e: {  	_ =	shalt  }
0x6f: {  	_ =	shalt  }
0x70: {  	_ =	shalt  }
0x71: {  	_ =	shalt  }
0x72: {  	_ =	shalt  }
0x73: {  	_ =	shalt  }
0x74: {  	_ =	shalt  }
0x75: {  	_ =	shalt  }
0x76: {  	_ =	shalt  }
0x77: {  	_ =	shalt  }
0x78: {  	_ =	shalt  }
0x79: {  	_ =	shalt  }
0x7a: {  	_ =	shalt  }
0x7b: {  	_ =	shalt  }
0x7c: {  	_ =	shalt  }
0x7d: {  	_ =	shalt  }
0x7e: {  	_ =	shalt  }
0x7f: {  	_ =	shalt  }
0x80: {  	_ =	shalt  }
0x81: {  	_ =	shalt  }
0x82: {  	_ =	shalt  }
0x83: {  	_ =	shalt  }
0x84: {  	_ =	shalt  }
0x85: {  	_ =	shalt  }
0x86: {  	_ =	shalt  }
0x87: {  	_ =	shalt  }
.Lfunc_end0:
.L_simem_size_0:
called_computation.1_lowered:
.L_overlay_start_0:
0x88: {  	s2 =	sld [smem:$0x3FD9]  }
0x89: {  	s3 =	sld [smem:$0x3FFE];
	_ =	sdelay $0x1  }
0x8a: {  	s1 =	srdreg.scid  }
0x8b: {  	s0 =	sand.u32 $0x1, s1  }
0x8c: {  	s16 =	sshll.u32 s0, $0xA;
	s2 =	sadd.s32 s3, s2  }
0x8d: {  	s2 =	sadd.s32 s2, s16  }
0x8e: {  	[smem:$0x3FC2] =	sst s2  }
0x8f: {  	_ = 	snop  }
0x90: {  	(tm) =	ssettm $0x1  }
0x91: {  	s17 =	sld [smem:$0x3FFB];
	_ =	sdelay $0x3  }
0x92: {  	_ =	strace s17  }
0x93: {  	s2 =	sld [smem:$0x3FFC];
	_ =	sdelay $0x3  }
0x94: {  	_ =	strace s2  }
0x95: {  	s2 =	sld [smem:$0x3FFD];
	_ =	sdelay $0x3  }
0x96: {  	_ =	strace s2  }
0x97: {  	_ =	strace $0x8FFFFFFF  }
0x98: {  	s18 =	sld [smem:$0x3FDB];
	_ =	sdelay $0x1  }
0x99: {  	s19 =	simm.s32 $_scs_section_size  }
0x9a: {  	s4 =	simm.s32 $_size__tile_overlayer_lowered;
	s5 =	simm.s32 $_tile_overlayer_lowered  }
0x9b: {  	s22 =	simm.s32 $0x1BFF;
	s21 =	sshll.u32 s5, $0x1;
	s2 =	sadd.s32 s19, s18  }
0x9c: {  	s6 =	simm.s32 $0x0;
	s20 =	sshll.u32 s4, $0x1;
	s4 =	sadd.s32 s21, s2  }
0x9d: {  	[timem:s6], [sflag:s22] =	dma.local [hbm:s4], s20  }
0x9e: {  	_ =	swait.ge [sflag:s22], s20  }
0x9f: {  	s3 =	ssub.s32 $0x0, s20;
	[sflag:s22] =	ssyncset.done $0x0  }
0xa0: {  	[sflag:s22] =	ssyncadd.s32 s3;
	_ =	sdelay $0x1  }
0xa1: {  	s23 =	simm.s32 $0x1B8B  }
0xa2: {  	_ =	swait.ge [sflag:s23], $0x1  }
0xa3: {  	[sflag:s23] =	ssyncset.done $0x0  }
0xa4: {  	s25 =	simm.s32 $0x1B8E;
	s24 =	sld [smem:$0x3FFE];
	[sflag:s23] =	ssyncadd.s32 $0xFFFFFFFF  }
0xa5: {  	s26 =	simm.s32 $execute0_lowered;
	[smem:$0x3FD2] =	sst s25  }
0xa6: {  	s4 =	sshll.u32 s26, $0x1;
	_ =	strace $0x80000049;
	[dreg:$0x1] =	wrdreg $0xFFFFFFFF  }
0xa7: {  	s28 =	simm.s32 $_size_execute0_lowered;
	s2 =	sadd.s32 s2, s4;
	[dreg:$0x0] =	wrdreg $0x0  }
0xa8: {  	s4 =	sshll.u32 s28, $0x1;
	[dreg:$0x2] =	wrdreg s2  }
0xa9: {  	[dreg:$0x3] =	wrdreg s4  }
0xaa: {  	[dreg:$0x4] =	wrdreg $0xC0  }
0xab: {  	_ =	task [dreg:s6], $0x5FFFF  }
0xac: {  	[dreg:$0x1] =	wrdreg $0xFFFFFFFF  }
0xad: {  	[dreg:$0x0] =	wrdreg $0x60  }
0xae: {  	[dreg:$0x2] =	wrdreg s24  }
0xaf: {  	[dreg:$0x3] =	wrdreg $0x50000  }
0xb0: {  	[dreg:$0x4] =	wrdreg $0x9  }
0xb1: {  	_ =	task.clear_ibuf [dreg:s6], $0x5FFFF;
	_ =	strace $0x90000049  }
0xb2: {  	s29 =	simm.s32 $0x9;
	_ =	strace $0x8000004B  }
0xb3: {  	_ =	swait.ge [sflag:s29], $0x1  }
0xb4: {  	[sflag:s29] =	ssyncadd.s32 $0xFFFFFFFF  }
0xb5: {  	_ =	strace $0x9000004B  }
0xb6: {  	_ =	sfence  }
0xb7: {  	s30 =	sld [smem:$0x0];
	_ =	sdelay $0x2  }
0xb8: {  	s31 =	sshll.u32 s1, $0xD;
	s1 =	sshrl.u32 s1, $0x2  }
0xb9: {  	s3 =	sand.u32 $0x4000, s31;
	s1 =	sadd.s32 s1, s30  }
0xba: {  	s0 =	sor.u32 s3, s0;
	s1 =	sshll.u32 s1, $0x11  }
0xbb: {  	s0 =	sor.u32 s1, s0  }
0xbc: {  	s0 =	sadd.s32 $0x8F2B, s0  }
0xbd: {  	[sflag:s0] =	ssyncadd.remote.s32 $0x1  }
0xbe: {  	_ =	sfence.sel $0xFFFF  }
0xbf: {  	[dreg:$0x0] =	wrdreg $0xFFFFFFFF;
	(pc) =	sbr.abs _section_cstart, $3  }
0xc0: {  	[dreg:$0x1] =	wrdreg $0xFFFFFFFF  }
0xc1: {  	_ =	task.clear_ibuf [dreg:s6], $0x2FFFF;
	_ =	strace $0x9FFFFFFF  }
0xc2: {  	(tm) =	ssettm $0x7FFFFFFF  }
0xc3: {  	_ =	shalt  }
tec
execute0_lowered:
.L_overlay_start_1:
0x0: {  	(tag) =	ssettag $0x1  }
0x1: {  	s0 =	rddreg [dreg:$0x0];
	s11 =	stileid.u32  }
0x2: {  	s1 =	rddreg [dreg:$0x1];
	s8 =	smul.u32 $0x14000, s11  }
0x3: {  	s3 =	simm.s32 $0x0;
	s2 =	srdreg.scid;
	s9 =	smul.u32 $0x50000, s11  }
0x4: {  	[smem:$0x7FF] =	sst s3;
	s2 =	sand.u32 $0x1, s2;
	s14 =	smul.u32 $0x13C00, s11  }
0x5: {  	s4 =	sadd.s32 $0xCE00, s0;
	s5 =	sadd.s32 $0x5BE00, s0;
	s7 =	smul.u32 $0x140000, s2  }
0x6: {  	s6 =	sadd.s32 $0xAAE00, s0;
	s24 =	ssub.s32 $0x2, s2;
	s2 =	smul.u32 $0x13C000, s2  }
0x7: {  	_ =	strace $0x8000004A;
	s10 =	sshrl.u32 s24, $0x1;
	s9 =	sshrl.u32 s9, $0x2  }
0x8: {  	s7 =	sadd.s32 s8, s7;
	s8 =	ssub.s32 s24, s10;
	s2 =	sadd.s32 s14, s2  }
0x9: {  	s7 =	sshrl.u32 s7, $0x3;
	s21 =	sshrl.u32 s2, $0x3;
	s2 =	sadd.s32 $0x400, s2  }
0xa: {  	s0 =	sadd.s32 s7, s0;
	[dreg:$0x3] =	wrdreg s2;
	s23 =	sadd.s32 s4, s21  }
0xb: {  	s7 =	sadd.s32 s9, s1;
	s24 =	sadd.s32 s5, s21;
	[dreg:$0x12] =	wrdreg s23  }
0xc: {  	s9 =	sadd.s32 $0x1000, s7;
	[dreg:$0x13] =	wrdreg s24  }
0xd: {  	s25 =	sadd.s32 $0x2000, s7;
	[dreg:$0x4] =	wrdreg s9  }
0xe: {  	s26 =	sadd.s32 $0x3000, s7;
	[dreg:$0x5] =	wrdreg s25  }
0xf: {  	s28 =	sadd.s32 $0x4000, s7;
	[dreg:$0x6] =	wrdreg s26  }
0x10: {  	s10 =	sadd.s32 $0x5000, s7;
	[dreg:$0x7] =	wrdreg s28  }
0x11: {  	s12 =	sadd.s32 $0x6000, s7;
	[dreg:$0x8] =	wrdreg s10  }
0x12: {  	s13 =	sadd.s32 $0x7000, s7;
	[dreg:$0x9] =	wrdreg s12  }
0x13: {  	s15 =	sadd.s32 $0x8000, s7;
	[dreg:$0xa] =	wrdreg s13  }
0x14: {  	s16 =	sadd.s32 $0x9000, s7;
	[dreg:$0xb] =	wrdreg s15  }
0x15: {  	s11 =	simm.s32 $0x20;
	s17 =	sadd.s32 $0xA000, s7;
	[dreg:$0xc] =	wrdreg s16  }
0x16: {  	s14 =	simm.s32 $0x1;
	s18 =	sadd.s32 $0xB000, s7;
	[dreg:$0xd] =	wrdreg s17  }
0x17: {  	s2 =	simm.s32 $0xB;
	s19 =	sadd.s32 $0xC000, s7;
	[dreg:$0xe] =	wrdreg s18  }
0x18: {  	s21 =	simm.s32 $0x7;
	s20 =	sadd.s32 $0xD000, s7;
	[dreg:$0xf] =	wrdreg s19  }
0x19: {  	s22 =	sadd.s32 $0xE000, s7;
	s0 =	sadd.s32 $0xF9000, s0;
	[dreg:$0x10] =	wrdreg s20  }
0x1a: {  	s29 =	sadd.s32 $0x11000, s7;
	s30 =	sadd.s32 $0x12000, s7;
	[dreg:$0x11] =	wrdreg s22  }
0x1b: {  	s31 =	sadd.s32 $0x13000, s7;
	s23 =	simm.s32 $0x0;
	[dreg:$0x14] =	wrdreg s0  }
0x1c: {  	s25 =	smax.u32 s8, $0x1;
	s26 =	sadd.s32 $0xF000, s7;
	s28 =	sadd.s32 $0x10000, s7  }
0x1d: {  	s0 =	simm.s32 $0x1000;
	s9 =	simm.s32 $0x9;
	s10 =	simm.s32 $0xA  }
0x1e: {  	s12 =	simm.s32 $0x2000;
	s13 =	simm.s32 $0x3000;
	s15 =	simm.s32 $0x4000  }
0x1f: {  	s16 =	simm.s32 $0x2;
	s17 =	simm.s32 $0x5;
	[dreg:$0x15] =	wrdreg s25  }
0x20: {  	s18 =	simm.s32 $0x3;
	s19 =	simm.s32 $0x6;
	[dreg:$0x16] =	wrdreg s26  }
0x21: {  	v0 =	vimm.f32 $0.0e+00;
	s20 =	simm.s32 $0x4;
	s22 =	simm.s32 $0x8;
	[dreg:$0x17] =	wrdreg s28  }
.LBB2_1:
0x22: {  	s8 =	simm.s32 $0x0;
	s24 =	simm.s32 $0x200  }
.LBB2_2:
0x23: {  	p0 =	sne.s32 s24, $0x3E00;
	[tilespmem:s8+$0x1070] =	vst v0  }
0x24: {  	[tilespmem:s8+$0x1000] =	vst v0  }
0x25: {  	[tilespmem:s8+$0x1010] =	vst v0  }
.Ltmp0:
0x26: {  	[tilespmem:s8+$0x1020] =	vst v0;
	(pc) =	sbr.rel @p0 .LBB2_2-.Ltmp0, $4  }
0x27: {  	[tilespmem:s8+$0x1030] =	vst v0  }
0x28: {  	[tilespmem:s8+$0x1040] =	vst v0  }
0x29: {  	[tilespmem:s8+$0x1050] =	vst v0  }
0x2a: {  	[tilespmem:s8+$0x1060] =	vst v0;
	s8 =	sshra.s32 s24, $0x2;
	s24 =	sadd.s32 $0x200, s24  }
0x2b: {  	[tilespmem:s8+$0x1070] =	vst v0  }
0x2c: {  	[tilespmem:s8+$0x1000] =	vst v0  }
0x2d: {  	[tilespmem:s8+$0x1010] =	vst v0  }
0x2e: {  	[tilespmem:s8+$0x1020] =	vst v0  }
0x2f: {  	[tilespmem:s8+$0x1030] =	vst v0  }
0x30: {  	[tilespmem:s8+$0x1040] =	vst v0  }
0x31: {  	[tilespmem:s8+$0x1050] =	vst v0  }
0x32: {  	[tilespmem:s8+$0x1060] =	vst v0  }
0x33: {  	[spmem:s7] =	stream.linear.scatter [tilespmem:s0], [sflag:$0xB], $0x1000, $0x38;
	[tilespmem:$0x19000] =	vst v63  }
0x34: {  	_ =	swait.ge [sflag:s2], $0x1000  }
0x35: {  	[sflag:s2] =	ssyncset.done $0x0  }
0x36: {  	s25 =	rddreg [dreg:$0x4];
	[sflag:s2] =	ssyncadd.s32 $0xFFFFF000  }
0x37: {  	[spmem:s25] =	stream.linear.scatter [tilespmem:s0], [sflag:$0xB], $0x1000, $0x38;
	[tilespmem:$0x19000] =	vst v63  }
0x38: {  	_ =	swait.ge [sflag:s2], $0x1000  }
0x39: {  	[sflag:s2] =	ssyncset.done $0x0  }
0x3a: {  	s26 =	rddreg [dreg:$0x5];
	[sflag:s2] =	ssyncadd.s32 $0xFFFFF000  }
0x3b: {  	[spmem:s26] =	stream.linear.scatter [tilespmem:s0], [sflag:$0xB], $0x1000, $0x38;
	[tilespmem:$0x19000] =	vst v63  }
0x3c: {  	_ =	swait.ge [sflag:s2], $0x1000  }
0x3d: {  	[sflag:s2] =	ssyncset.done $0x0  }
0x3e: {  	s28 =	rddreg [dreg:$0x6];
	[sflag:s2] =	ssyncadd.s32 $0xFFFFF000  }
0x3f: {  	[spmem:s28] =	stream.linear.scatter [tilespmem:s0], [sflag:$0xB], $0x1000, $0x38;
	[tilespmem:$0x19000] =	vst v63  }
0x40: {  	_ =	swait.ge [sflag:s2], $0x1000  }
0x41: {  	[sflag:s2] =	ssyncset.done $0x0  }
0x42: {  	s24 =	rddreg [dreg:$0x7];
	[sflag:s2] =	ssyncadd.s32 $0xFFFFF000  }
0x43: {  	[spmem:s24] =	stream.linear.scatter [tilespmem:s0], [sflag:$0xB], $0x1000, $0x38;
	[tilespmem:$0x19000] =	vst v63  }
0x44: {  	_ =	swait.ge [sflag:s2], $0x1000  }
0x45: {  	[sflag:s2] =	ssyncset.done $0x0  }
0x46: {  	s25 =	rddreg [dreg:$0x8];
	[sflag:s2] =	ssyncadd.s32 $0xFFFFF000  }
0x47: {  	[spmem:s25] =	stream.linear.scatter [tilespmem:s0], [sflag:$0xB], $0x1000, $0x38;
	[tilespmem:$0x19000] =	vst v63  }
0x48: {  	_ =	swait.ge [sflag:s2], $0x1000  }
0x49: {  	[sflag:s2] =	ssyncset.done $0x0  }
0x4a: {  	s26 =	rddreg [dreg:$0x9];
	[sflag:s2] =	ssyncadd.s32 $0xFFFFF000  }
0x4b: {  	[spmem:s26] =	stream.linear.scatter [tilespmem:s0], [sflag:$0xB], $0x1000, $0x38;
	[tilespmem:$0x19000] =	vst v63  }
0x4c: {  	_ =	swait.ge [sflag:s2], $0x1000  }
0x4d: {  	[sflag:s2] =	ssyncset.done $0x0  }
0x4e: {  	s28 =	rddreg [dreg:$0xa];
	[sflag:s2] =	ssyncadd.s32 $0xFFFFF000  }
0x4f: {  	[spmem:s28] =	stream.linear.scatter [tilespmem:s0], [sflag:$0xB], $0x1000, $0x38;
	[tilespmem:$0x19000] =	vst v63  }
0x50: {  	_ =	swait.ge [sflag:s2], $0x1000  }
0x51: {  	[sflag:s2] =	ssyncset.done $0x0  }
0x52: {  	s24 =	rddreg [dreg:$0xb];
	[sflag:s2] =	ssyncadd.s32 $0xFFFFF000  }
0x53: {  	[spmem:s24] =	stream.linear.scatter [tilespmem:s0], [sflag:$0xB], $0x1000, $0x38;
	[tilespmem:$0x19000] =	vst v63  }
0x54: {  	_ =	swait.ge [sflag:s2], $0x1000  }
0x55: {  	[sflag:s2] =	ssyncset.done $0x0  }
0x56: {  	s25 =	rddreg [dreg:$0xc];
	[sflag:s2] =	ssyncadd.s32 $0xFFFFF000  }
0x57: {  	[spmem:s25] =	stream.linear.scatter [tilespmem:s0], [sflag:$0xB], $0x1000, $0x38;
	[tilespmem:$0x19000] =	vst v63  }
0x58: {  	_ =	swait.ge [sflag:s2], $0x1000  }
0x59: {  	[sflag:s2] =	ssyncset.done $0x0  }
0x5a: {  	s26 =	rddreg [dreg:$0xd];
	[sflag:s2] =	ssyncadd.s32 $0xFFFFF000  }
0x5b: {  	[spmem:s26] =	stream.linear.scatter [tilespmem:s0], [sflag:$0xB], $0x1000, $0x38;
	[tilespmem:$0x19000] =	vst v63  }
0x5c: {  	_ =	swait.ge [sflag:s2], $0x1000  }
0x5d: {  	[sflag:s2] =	ssyncset.done $0x0  }
0x5e: {  	s28 =	rddreg [dreg:$0xe];
	[sflag:s2] =	ssyncadd.s32 $0xFFFFF000  }
0x5f: {  	[spmem:s28] =	stream.linear.scatter [tilespmem:s0], [sflag:$0xB], $0x1000, $0x38;
	[tilespmem:$0x19000] =	vst v63  }
0x60: {  	_ =	swait.ge [sflag:s2], $0x1000  }
0x61: {  	[sflag:s2] =	ssyncset.done $0x0  }
0x62: {  	s24 =	rddreg [dreg:$0xf];
	[sflag:s2] =	ssyncadd.s32 $0xFFFFF000  }
0x63: {  	[spmem:s24] =	stream.linear.scatter [tilespmem:s0], [sflag:$0xB], $0x1000, $0x38;
	[tilespmem:$0x19000] =	vst v63  }
0x64: {  	_ =	swait.ge [sflag:s2], $0x1000  }
0x65: {  	[sflag:s2] =	ssyncset.done $0x0  }
0x66: {  	s25 =	rddreg [dreg:$0x10];
	[sflag:s2] =	ssyncadd.s32 $0xFFFFF000  }
0x67: {  	[spmem:s25] =	stream.linear.scatter [tilespmem:s0], [sflag:$0xB], $0x1000, $0x38;
	[tilespmem:$0x19000] =	vst v63  }
0x68: {  	_ =	swait.ge [sflag:s2], $0x1000  }
0x69: {  	[sflag:s2] =	ssyncset.done $0x0  }
0x6a: {  	s26 =	rddreg [dreg:$0x11];
	[sflag:s2] =	ssyncadd.s32 $0xFFFFF000  }
0x6b: {  	[spmem:s26] =	stream.linear.scatter [tilespmem:s0], [sflag:$0xB], $0x1000, $0x38;
	[tilespmem:$0x19000] =	vst v63  }
0x6c: {  	_ =	swait.ge [sflag:s2], $0x1000  }
0x6d: {  	[sflag:s2] =	ssyncset.done $0x0  }
0x6e: {  	s28 =	rddreg [dreg:$0x16];
	[sflag:s2] =	ssyncadd.s32 $0xFFFFF000  }
0x6f: {  	[spmem:s28] =	stream.linear.scatter [tilespmem:s0], [sflag:$0xB], $0x1000, $0x38;
	[tilespmem:$0x19000] =	vst v63  }
0x70: {  	_ =	swait.ge [sflag:s2], $0x1000  }
0x71: {  	[sflag:s2] =	ssyncset.done $0x0  }
0x72: {  	s24 =	rddreg [dreg:$0x17];
	[sflag:s2] =	ssyncadd.s32 $0xFFFFF000  }
0x73: {  	[spmem:s24] =	stream.linear.scatter [tilespmem:s0], [sflag:$0xB], $0x1000, $0x38;
	[tilespmem:$0x19000] =	vst v63  }
0x74: {  	_ =	swait.ge [sflag:s2], $0x1000  }
0x75: {  	[sflag:s2] =	ssyncset.done $0x0  }
0x76: {  	[sflag:s2] =	ssyncadd.s32 $0xFFFFF000  }
0x77: {  	[spmem:s29] =	stream.linear.scatter [tilespmem:s0], [sflag:$0xB], $0x1000, $0x38;
	[tilespmem:$0x19000] =	vst v63  }
0x78: {  	_ =	swait.ge [sflag:s2], $0x1000  }
0x79: {  	[sflag:s2] =	ssyncset.done $0x0  }
0x7a: {  	[sflag:s2] =	ssyncadd.s32 $0xFFFFF000  }
0x7b: {  	[spmem:s30] =	stream.linear.scatter [tilespmem:s0], [sflag:$0xB], $0x1000, $0x38;
	[tilespmem:$0x19000] =	vst v63  }
0x7c: {  	_ =	swait.ge [sflag:s2], $0x1000  }
0x7d: {  	[sflag:s2] =	ssyncset.done $0x0  }
0x7e: {  	[sflag:s2] =	ssyncadd.s32 $0xFFFFF000  }
0x7f: {  	[spmem:s31] =	stream.linear.scatter [tilespmem:s0], [sflag:$0xB], $0x1000, $0x38;
	[tilespmem:$0x19000] =	vst v63  }
0x80: {  	_ =	swait.ge [sflag:s2], $0x1000  }
0x81: {  	[sflag:s2] =	ssyncset.done $0x0  }
0x82: {  	[sflag:s2] =	ssyncadd.s32 $0xFFFFF000  }
0x83: {  	[bflag:$0x0] =	sbarrier.arrive $0xFFFF  }
0x84: {  	s26 =	simm.s32 $0x0;
	s25 =	rddreg [dreg:$0x12]  }
0x85: {  	[tilespmem:s26], [sflag:$0x9] =	stream.linear.gather [hbm4b:s25+s26], $0x400, $0x38;
	[tilespmem:$0x19000] =	vst v63  }
0x86: {  	s24 =	simm.s32 $0x800;
	s28 =	rddreg [dreg:$0x13]  }
0x87: {  	[tilespmem:s24], [sflag:$0xA] =	stream.linear.gather [hbm4b:s28+s26], $0x400, $0x38;
	[tilespmem:$0x19000] =	vst v63  }
0x88: {  	_ =	swait.ge [sflag:s9], $0x400  }
0x89: {  	[sflag:s9] =	ssyncset.done $0x0  }
0x8a: {  	[sflag:s9] =	ssyncadd.s32 $0xFFFFFC00  }
0x8b: {  	_ =	swait.ge [sflag:s10], $0x400  }
0x8c: {  	[sflag:s10] =	ssyncset.done $0x0  }
0x8d: {  	[sflag:s10] =	ssyncadd.s32 $0xFFFFFC00  }
0x8e: {  	[tilespmem:s0], [sflag:$0x1] =	stream.indirect.gather [hbm4b:s6+s11], $0x80, s26, s11, $0xb8;
	[tilespmem:$0x19000] =	vst v63  }
0x8f: {  	s25 =	simm.s32 $0x80  }
0x90: {  	[tilespmem:s12], [sflag:$0x2] =	stream.indirect.gather [hbm4b:s6+s11], $0x80, s25, s11, $0xb8;
	[tilespmem:$0x19000] =	vst v63  }
0x91: {  	s28 =	simm.s32 $0x100  }
0x92: {  	[tilespmem:s13], [sflag:$0x3] =	stream.indirect.gather [hbm4b:s6+s11], $0x80, s28, s11, $0xb8;
	[tilespmem:$0x19000] =	vst v63  }
0x93: {  	_ =	swait.ge [sflag:s14], $0x1000  }
0x94: {  	[sflag:s14] =	ssyncset.done $0x0  }
0x95: {  	[sflag:s14] =	ssyncadd.s32 $0xFFFFF000  }
0x96: {  	[spmem:s1] =	stream.indirect.scatter.add.f32 [tilespmem:s0], [sflag:$0x5], $0x80, s24, s11, $0xb8;
	[tilespmem:$0x19000] =	vst v63  }
0x97: {  	s25 =	simm.s32 $0x180  }
0x98: {  	[tilespmem:s15], [sflag:$0x4] =	stream.indirect.gather [hbm4b:s6+s11], $0x80, s25, s11, $0xb8;
	[tilespmem:$0x19000] =	vst v63  }
0x99: {  	_ =	swait.ge [sflag:s16], $0x1000  }
0x9a: {  	[sflag:s16] =	ssyncset.done $0x0;
	s28 =	rddreg [dreg:$0x3]  }
0x9b: {  	s25 =	simm.s32 $0x880;
	[sflag:s16] =	ssyncadd.s32 $0xFFFFF000;
	s8 =	sadd.s32 $0x0, s28  }
0x9c: {  	[spmem:s1] =	stream.indirect.scatter.add.f32 [tilespmem:s12], [sflag:$0x6], $0x80, s25, s11, $0xb8;
	[tilespmem:$0x19000] =	vst v63  }
0x9d: {  	s24 =	simm.s32 $0x400;
	s28 =	sshrl.u32 s8, $0x3  }
0x9e: {  	s25 =	sand.u32 $0x400, s24;
	s8 =	sadd.s32 s4, s28  }
0x9f: {  	[tilespmem:s25], [sflag:$0x9] =	stream.linear.gather [hbm4b:s8+s3], $0x400, $0x38;
	[tilespmem:$0x19000] =	vst v63  }
0xa0: {  	s28 =	sadd.s32 s5, s28;
	s8 =	sor.u32 $0x800, s25  }
0xa1: {  	[tilespmem:s8], [sflag:$0xA] =	stream.linear.gather [hbm4b:s28+s3], $0x400, $0x38;
	[tilespmem:$0x19000] =	vst v63  }
0xa2: {  	_ =	swait.ge [sflag:s17], $0x1000  }
0xa3: {  	s26 =	sand.u32 $0x400, s26;
	[sflag:s17] =	ssyncset.done $0x0  }
0xa4: {  	s28 =	sor.u32 $0x200, s26;
	[sflag:s17] =	ssyncadd.s32 $0xFFFFF000  }
0xa5: {  	[tilespmem:s0], [sflag:$0x1] =	stream.indirect.gather [hbm4b:s6+s11], $0x80, s28, s11, $0xb8;
	[tilespmem:$0x19000] =	vst v63  }
0xa6: {  	_ =	swait.ge [sflag:s18], $0x1000  }
0xa7: {  	[sflag:s18] =	ssyncset.done $0x0  }
0xa8: {  	s28 =	sor.u32 $0x900, s26;
	[sflag:s18] =	ssyncadd.s32 $0xFFFFF000  }
0xa9: {  	[spmem:s1] =	stream.indirect.scatter.add.f32 [tilespmem:s13], [sflag:$0x7], $0x80, s28, s11, $0xb8;
	[tilespmem:$0x19000] =	vst v63  }
0xaa: {  	_ =	swait.ge [sflag:s19], $0x1000  }
0xab: {  	[sflag:s19] =	ssyncset.done $0x0  }
0xac: {  	s28 =	sor.u32 $0x280, s26;
	[sflag:s19] =	ssyncadd.s32 $0xFFFFF000  }
0xad: {  	[tilespmem:s12], [sflag:$0x2] =	stream.indirect.gather [hbm4b:s6+s11], $0x80, s28, s11, $0xb8;
	[tilespmem:$0x19000] =	vst v63  }
0xae: {  	_ =	swait.ge [sflag:s20], $0x1000  }
0xaf: {  	[sflag:s20] =	ssyncset.done $0x0  }
0xb0: {  	s28 =	sor.u32 $0x980, s26;
	[sflag:s20] =	ssyncadd.s32 $0xFFFFF000  }
0xb1: {  	[spmem:s1] =	stream.indirect.scatter.add.f32 [tilespmem:s15], [sflag:$0x8], $0x80, s28, s11, $0xb8;
	[tilespmem:$0x19000] =	vst v63  }
0xb2: {  	_ =	swait.ge [sflag:s21], $0x1000  }
0xb3: {  	[sflag:s21] =	ssyncset.done $0x0  }
0xb4: {  	s28 =	sor.u32 $0x300, s26;
	[sflag:s21] =	ssyncadd.s32 $0xFFFFF000  }
0xb5: {  	[tilespmem:s13], [sflag:$0x3] =	stream.indirect.gather [hbm4b:s6+s11], $0x80, s28, s11, $0xb8;
	[tilespmem:$0x19000] =	vst v63  }
0xb6: {  	_ =	swait.ge [sflag:s14], $0x1000  }
0xb7: {  	[sflag:s14] =	ssyncset.done $0x0  }
0xb8: {  	s28 =	sor.u32 $0xA00, s26;
	[sflag:s14] =	ssyncadd.s32 $0xFFFFF000  }
0xb9: {  	[spmem:s1] =	stream.indirect.scatter.add.f32 [tilespmem:s0], [sflag:$0x5], $0x80, s28, s11, $0xb8;
	[tilespmem:$0x19000] =	vst v63  }
0xba: {  	_ =	swait.ge [sflag:s22], $0x1000  }
0xbb: {  	[sflag:s22] =	ssyncset.done $0x0  }
0xbc: {  	s28 =	sor.u32 $0x380, s26;
	[sflag:s22] =	ssyncadd.s32 $0xFFFFF000  }
0xbd: {  	[tilespmem:s15], [sflag:$0x4] =	stream.indirect.gather [hbm4b:s6+s11], $0x80, s28, s11, $0xb8;
	[tilespmem:$0x19000] =	vst v63  }
0xbe: {  	_ =	swait.ge [sflag:s16], $0x1000  }
0xbf: {  	[sflag:s16] =	ssyncset.done $0x0  }
0xc0: {  	s28 =	sor.u32 $0xA80, s26;
	[sflag:s16] =	ssyncadd.s32 $0xFFFFF000  }
0xc1: {  	[spmem:s1] =	stream.indirect.scatter.add.f32 [tilespmem:s12], [sflag:$0x6], $0x80, s28, s11, $0xb8;
	[tilespmem:$0x19000] =	vst v63  }
0xc2: {  	_ =	swait.ge [sflag:s17], $0x1000  }
0xc3: {  	[sflag:s17] =	ssyncset.done $0x0  }
0xc4: {  	[sflag:s17] =	ssyncadd.s32 $0xFFFFF000  }
0xc5: {  	_ =	swait.ge [sflag:s9], $0x400  }
0xc6: {  	[sflag:s9] =	ssyncset.done $0x0  }
0xc7: {  	[sflag:s9] =	ssyncadd.s32 $0xFFFFFC00  }
0xc8: {  	_ =	swait.ge [sflag:s10], $0x400  }
0xc9: {  	[sflag:s10] =	ssyncset.done $0x0  }
0xca: {  	[sflag:s10] =	ssyncadd.s32 $0xFFFFFC00  }
0xcb: {  	[tilespmem:s0], [sflag:$0x1] =	stream.indirect.gather [hbm4b:s6+s11], $0x80, s25, s11, $0xb8;
	[tilespmem:$0x19000] =	vst v63  }
0xcc: {  	_ =	swait.ge [sflag:s18], $0x1000  }
0xcd: {  	[sflag:s18] =	ssyncset.done $0x0  }
0xce: {  	s28 =	sor.u32 $0xB00, s26;
	[sflag:s18] =	ssyncadd.s32 $0xFFFFF000  }
0xcf: {  	[spmem:s1] =	stream.indirect.scatter.add.f32 [tilespmem:s13], [sflag:$0x7], $0x80, s28, s11, $0xb8;
	[tilespmem:$0x19000] =	vst v63  }
0xd0: {  	_ =	swait.ge [sflag:s19], $0x1000  }
0xd1: {  	[sflag:s19] =	ssyncset.done $0x0  }
0xd2: {  	s28 =	sor.u32 $0x80, s25;
	[sflag:s19] =	ssyncadd.s32 $0xFFFFF000  }
0xd3: {  	[tilespmem:s12], [sflag:$0x2] =	stream.indirect.gather [hbm4b:s6+s11], $0x80, s28, s11, $0xb8;
	[tilespmem:$0x19000] =	vst v63  }
0xd4: {  	_ =	swait.ge [sflag:s20], $0x1000  }
0xd5: {  	[sflag:s20] =	ssyncset.done $0x0  }
0xd6: {  	s26 =	sor.u32 $0xB80, s26;
	[sflag:s20] =	ssyncadd.s32 $0xFFFFF000  }
0xd7: {  	[spmem:s1] =	stream.indirect.scatter.add.f32 [tilespmem:s15], [sflag:$0x8], $0x80, s26, s11, $0xb8;
	[tilespmem:$0x19000] =	vst v63  }
0xd8: {  	_ =	swait.ge [sflag:s21], $0x1000  }
0xd9: {  	[sflag:s21] =	ssyncset.done $0x0  }
0xda: {  	s28 =	sor.u32 $0x100, s25;
	[sflag:s21] =	ssyncadd.s32 $0xFFFFF000  }
0xdb: {  	[tilespmem:s13], [sflag:$0x3] =	stream.indirect.gather [hbm4b:s6+s11], $0x80, s28, s11, $0xb8;
	[tilespmem:$0x19000] =	vst v63  }
0xdc: {  	_ =	swait.ge [sflag:s14], $0x1000  }
0xdd: {  	[sflag:s14] =	ssyncset.done $0x0  }
0xde: {  	[sflag:s14] =	ssyncadd.s32 $0xFFFFF000  }
0xdf: {  	[spmem:s1] =	stream.indirect.scatter.add.f32 [tilespmem:s0], [sflag:$0x5], $0x80, s8, s11, $0xb8;
	[tilespmem:$0x19000] =	vst v63  }
0xe0: {  	_ =	swait.ge [sflag:s22], $0x1000  }
0xe1: {  	[sflag:s22] =	ssyncset.done $0x0  }
0xe2: {  	s28 =	sor.u32 $0x180, s25;
	[sflag:s22] =	ssyncadd.s32 $0xFFFFF000  }
0xe3: {  	[tilespmem:s15], [sflag:$0x4] =	stream.indirect.gather [hbm4b:s6+s11], $0x80, s28, s11, $0xb8;
	[tilespmem:$0x19000] =	vst v63  }
0xe4: {  	_ =	swait.ge [sflag:s16], $0x1000  }
.LBB2_4:
0xe5: {  	s8 =	rddreg [dreg:$0x3];
	p0 =	sne.s32 s24, $0x13400;
	s26 =	smov.u32 s24  }
0xe6: {  	s24 =	sadd.s32 $0x400, s24;
	[sflag:s16] =	ssyncset.done $0x0;
	s8 =	sadd.s32 s26, s8  }
0xe7: {  	s25 =	sor.u32 $0x880, s25;
	[sflag:s16] =	ssyncadd.s32 $0xFFFFF000;
	s28 =	sshrl.u32 s8, $0x3  }
0xe8: {  	[spmem:s1] =	stream.indirect.scatter.add.f32 [tilespmem:s12], [sflag:$0x6], $0x80, s25, s11, $0xb8;
	[tilespmem:$0x19000] =	vst v63  }
0xe9: {  	s25 =	sand.u32 $0x400, s24;
	s8 =	sadd.s32 s4, s28  }
0xea: {  	[tilespmem:s25], [sflag:$0x9] =	stream.linear.gather [hbm4b:s8+s3], $0x400, $0x38;
	[tilespmem:$0x19000] =	vst v63  }
0xeb: {  	s28 =	sadd.s32 s5, s28;
	s8 =	sor.u32 $0x800, s25  }
0xec: {  	[tilespmem:s8], [sflag:$0xA] =	stream.linear.gather [hbm4b:s28+s3], $0x400, $0x38;
	[tilespmem:$0x19000] =	vst v63  }
0xed: {  	_ =	swait.ge [sflag:s17], $0x1000  }
0xee: {  	s26 =	sand.u32 $0x400, s26;
	[sflag:s17] =	ssyncset.done $0x0  }
0xef: {  	s28 =	sor.u32 $0x200, s26;
	[sflag:s17] =	ssyncadd.s32 $0xFFFFF000  }
0xf0: {  	[tilespmem:s0], [sflag:$0x1] =	stream.indirect.gather [hbm4b:s6+s11], $0x80, s28, s11, $0xb8;
	[tilespmem:$0x19000] =	vst v63  }
0xf1: {  	_ =	swait.ge [sflag:s18], $0x1000  }
0xf2: {  	[sflag:s18] =	ssyncset.done $0x0  }
0xf3: {  	s28 =	sor.u32 $0x900, s26;
	[sflag:s18] =	ssyncadd.s32 $0xFFFFF000  }
0xf4: {  	[spmem:s1] =	stream.indirect.scatter.add.f32 [tilespmem:s13], [sflag:$0x7], $0x80, s28, s11, $0xb8;
	[tilespmem:$0x19000] =	vst v63  }
0xf5: {  	_ =	swait.ge [sflag:s19], $0x1000  }
0xf6: {  	[sflag:s19] =	ssyncset.done $0x0  }
0xf7: {  	s28 =	sor.u32 $0x280, s26;
	[sflag:s19] =	ssyncadd.s32 $0xFFFFF000  }
0xf8: {  	[tilespmem:s12], [sflag:$0x2] =	stream.indirect.gather [hbm4b:s6+s11], $0x80, s28, s11, $0xb8;
	[tilespmem:$0x19000] =	vst v63  }
0xf9: {  	_ =	swait.ge [sflag:s20], $0x1000  }
0xfa: {  	[sflag:s20] =	ssyncset.done $0x0  }
0xfb: {  	s28 =	sor.u32 $0x980, s26;
	[sflag:s20] =	ssyncadd.s32 $0xFFFFF000  }
0xfc: {  	[spmem:s1] =	stream.indirect.scatter.add.f32 [tilespmem:s15], [sflag:$0x8], $0x80, s28, s11, $0xb8;
	[tilespmem:$0x19000] =	vst v63  }
0xfd: {  	_ =	swait.ge [sflag:s21], $0x1000  }
0xfe: {  	[sflag:s21] =	ssyncset.done $0x0  }
0xff: {  	s28 =	sor.u32 $0x300, s26;
	[sflag:s21] =	ssyncadd.s32 $0xFFFFF000  }
0x100: {  	[tilespmem:s13], [sflag:$0x3] =	stream.indirect.gather [hbm4b:s6+s11], $0x80, s28, s11, $0xb8;
	[tilespmem:$0x19000] =	vst v63  }
0x101: {  	_ =	swait.ge [sflag:s14], $0x1000  }
0x102: {  	[sflag:s14] =	ssyncset.done $0x0  }
0x103: {  	s28 =	sor.u32 $0xA00, s26;
	[sflag:s14] =	ssyncadd.s32 $0xFFFFF000  }
0x104: {  	[spmem:s1] =	stream.indirect.scatter.add.f32 [tilespmem:s0], [sflag:$0x5], $0x80, s28, s11, $0xb8;
	[tilespmem:$0x19000] =	vst v63  }
0x105: {  	_ =	swait.ge [sflag:s22], $0x1000  }
0x106: {  	[sflag:s22] =	ssyncset.done $0x0  }
0x107: {  	s28 =	sor.u32 $0x380, s26;
	[sflag:s22] =	ssyncadd.s32 $0xFFFFF000  }
0x108: {  	[tilespmem:s15], [sflag:$0x4] =	stream.indirect.gather [hbm4b:s6+s11], $0x80, s28, s11, $0xb8;
	[tilespmem:$0x19000] =	vst v63  }
0x109: {  	_ =	swait.ge [sflag:s16], $0x1000  }
0x10a: {  	[sflag:s16] =	ssyncset.done $0x0  }
0x10b: {  	s28 =	sor.u32 $0xA80, s26;
	[sflag:s16] =	ssyncadd.s32 $0xFFFFF000  }
0x10c: {  	[spmem:s1] =	stream.indirect.scatter.add.f32 [tilespmem:s12], [sflag:$0x6], $0x80, s28, s11, $0xb8;
	[tilespmem:$0x19000] =	vst v63  }
0x10d: {  	_ =	swait.ge [sflag:s17], $0x1000  }
0x10e: {  	[sflag:s17] =	ssyncset.done $0x0  }
0x10f: {  	[sflag:s17] =	ssyncadd.s32 $0xFFFFF000  }
0x110: {  	_ =	swait.ge [sflag:s9], $0x400  }
0x111: {  	[sflag:s9] =	ssyncset.done $0x0  }
0x112: {  	[sflag:s9] =	ssyncadd.s32 $0xFFFFFC00  }
0x113: {  	_ =	swait.ge [sflag:s10], $0x400  }
0x114: {  	[sflag:s10] =	ssyncset.done $0x0  }
0x115: {  	[sflag:s10] =	ssyncadd.s32 $0xFFFFFC00  }
0x116: {  	[tilespmem:s0], [sflag:$0x1] =	stream.indirect.gather [hbm4b:s6+s11], $0x80, s25, s11, $0xb8;
	[tilespmem:$0x19000] =	vst v63  }
0x117: {  	_ =	swait.ge [sflag:s18], $0x1000  }
0x118: {  	[sflag:s18] =	ssyncset.done $0x0  }
0x119: {  	s28 =	sor.u32 $0xB00, s26;
	[sflag:s18] =	ssyncadd.s32 $0xFFFFF000  }
0x11a: {  	[spmem:s1] =	stream.indirect.scatter.add.f32 [tilespmem:s13], [sflag:$0x7], $0x80, s28, s11, $0xb8;
	[tilespmem:$0x19000] =	vst v63  }
0x11b: {  	_ =	swait.ge [sflag:s19], $0x1000  }
0x11c: {  	[sflag:s19] =	ssyncset.done $0x0  }
0x11d: {  	s28 =	sor.u32 $0x80, s25;
	[sflag:s19] =	ssyncadd.s32 $0xFFFFF000  }
0x11e: {  	[tilespmem:s12], [sflag:$0x2] =	stream.indirect.gather [hbm4b:s6+s11], $0x80, s28, s11, $0xb8;
	[tilespmem:$0x19000] =	vst v63  }
0x11f: {  	_ =	swait.ge [sflag:s20], $0x1000  }
0x120: {  	[sflag:s20] =	ssyncset.done $0x0  }
0x121: {  	s26 =	sor.u32 $0xB80, s26;
	[sflag:s20] =	ssyncadd.s32 $0xFFFFF000  }
0x122: {  	[spmem:s1] =	stream.indirect.scatter.add.f32 [tilespmem:s15], [sflag:$0x8], $0x80, s26, s11, $0xb8;
	[tilespmem:$0x19000] =	vst v63  }
0x123: {  	_ =	swait.ge [sflag:s21], $0x1000  }
0x124: {  	[sflag:s21] =	ssyncset.done $0x0  }
0x125: {  	s28 =	sor.u32 $0x100, s25;
	[sflag:s21] =	ssyncadd.s32 $0xFFFFF000  }
0x126: {  	[tilespmem:s13], [sflag:$0x3] =	stream.indirect.gather [hbm4b:s6+s11], $0x80, s28, s11, $0xb8;
	[tilespmem:$0x19000] =	vst v63  }
0x127: {  	_ =	swait.ge [sflag:s14], $0x1000  }
0x128: {  	[sflag:s14] =	ssyncset.done $0x0  }
0x129: {  	[sflag:s14] =	ssyncadd.s32 $0xFFFFF000  }
0x12a: {  	[spmem:s1] =	stream.indirect.scatter.add.f32 [tilespmem:s0], [sflag:$0x5], $0x80, s8, s11, $0xb8;
	[tilespmem:$0x19000] =	vst v63  }
.Ltmp1:
0x12b: {  	_ =	swait.ge [sflag:s22], $0x1000;
	(pc) =	sbr.rel @p0 .LBB2_4-.Ltmp1, $4  }
0x12c: {  	[sflag:s22] =	ssyncset.done $0x0  }
0x12d: {  	s28 =	sor.u32 $0x180, s25;
	[sflag:s22] =	ssyncadd.s32 $0xFFFFF000  }
0x12e: {  	[tilespmem:s15], [sflag:$0x4] =	stream.indirect.gather [hbm4b:s6+s11], $0x80, s28, s11, $0xb8;
	[tilespmem:$0x19000] =	vst v63  }
0x12f: {  	_ =	swait.ge [sflag:s16], $0x1000  }
0x130: {  	[sflag:s16] =	ssyncset.done $0x0  }
0x131: {  	s8 =	sor.u32 $0x880, s25;
	[sflag:s16] =	ssyncadd.s32 $0xFFFFF000  }
0x132: {  	[spmem:s1] =	stream.indirect.scatter.add.f32 [tilespmem:s12], [sflag:$0x6], $0x80, s8, s11, $0xb8;
	[tilespmem:$0x19000] =	vst v63  }
0x133: {  	_ =	swait.ge [sflag:s18], $0x1000  }
0x134: {  	[sflag:s18] =	ssyncset.done $0x0  }
0x135: {  	[sflag:s18] =	ssyncadd.s32 $0xFFFFF000  }
0x136: {  	_ =	swait.ge [sflag:s20], $0x1000  }
0x137: {  	[sflag:s20] =	ssyncset.done $0x0  }
0x138: {  	[sflag:s20] =	ssyncadd.s32 $0xFFFFF000  }
0x139: {  	_ =	swait.ge [sflag:s17], $0x1000  }
0x13a: {  	[sflag:s17] =	ssyncset.done $0x0  }
0x13b: {  	[sflag:s17] =	ssyncadd.s32 $0xFFFFF000  }
0x13c: {  	_ =	swait.ge [sflag:s19], $0x1000  }
0x13d: {  	[sflag:s19] =	ssyncset.done $0x0  }
0x13e: {  	s25 =	stileid.u32;
	[sflag:s19] =	ssyncadd.s32 $0xFFFFF000  }
0x13f: {  	s8 =	sshll.u32 s25, $0x6;
	[bflag:$0x0] =	sbarrier.arrive $0xFFFF  }
0x140: {  	s24 =	sshrl.u32 s7, $0x3;
	s8 =	sor.u32 $0x1C0B, s8;
	s26 =	rddreg [dreg:$0x14]  }
0x141: {  	[hbm:s26], [sflag:s8] =	dma.local [spmem:s24], $0x2800  }
0x142: {  	_ =	swait.ge [sflag:s2], $0x2800  }
0x143: {  	s23 =	sadd.s32 $0x1, s23;
	s28 =	rddreg [dreg:$0x15]  }
0x144: {  	p0 =	sne.s32 s23, s28  }
.Ltmp2:
0x145: {  	_ = 	snop;
	(pc) =	sbr.rel @p0 .LBB2_1-.Ltmp2, $3  }
0x146: {  	_ =	sdelay $0x1  }
0x147: {  	[sflag:s2] =	ssyncset.done $0x0  }
0x148: {  	[sflag:s2] =	ssyncadd.s32 $0xFFFFD800  }
0x149: {  	_ =	sfence.sel $0x180000  }
0x14a: {  	[bflag:$0x0] =	sbarrier.arrive $0xFFFF  }
0x14b: {  	_ =	strace $0x9000004A  }
0x14c: {  	s0 =	stileid.u32;
	[bflag:$0x2] =	sbarrier.arrive $0xFFFF  }
0x14d: {  	p0 =	sne.s32 s0, $0x0;
	s0 =	rddreg [dreg:$0x2]  }
0x14e: {  	s0 =	sadd.s32 @!p0 $0x100000, s0  }
0x14f: {  	[sflag:s0] =	ssyncadd.tile.s32 @!p0 $0x1;
	_ =	shalt  }
.Lfunc_end2:
_tile_overlayer_lowered:
.L_overlay_start_2:
0x150: {  	(tag) =	ssettag $0x2  }
0x151: {  	s0 =	rddreg [dreg:$0x0];
	s2 =	stileid.u32  }
0x152: {  	s1 =	rddreg [dreg:$0x1];
	p0 =	sne.s32 s2, $0x0  }
0x153: {  	s3 =	rddreg [dreg:$0x2];
	[bflag:$0x3] =	sbarrier.arrive $0xFFFF;
	s2 =	simm.s32 @!p0 $0x1C0B  }
0x154: {  	[timem:s3], [sflag:s2] =	dma.local @!p0 [hbm:s0], s1  }
0x155: {  	s0 =	simm.s32 @!p0 $0xB  }
0x156: {  	_ =	swait.ge @!p0 [sflag:s0], s1  }
0x157: {  	s1 =	ssub.s32 @!p0 $0x0, s1;
	[sflag:s0] =	ssyncset.done @!p0 $0x0  }
0x158: {  	[sflag:s0] =	ssyncadd.s32 @!p0 s1  }
0x159: {  	[bflag:$0x3] =	sbarrier.arrive $0xFFFF  }
0x15a: {  	_ =	shalt  }

// kernel: kernel.14.cloned.1.call-start
scs
__scs_entry_jumppad:
0x0: {  	(pc) =	sbr.rel $0x88, $3  }
0x1: {  	(tag) =	ssettag $0x0;
	lr =	simm.s32 $0x1  }
0x2: {  	[smem:$0x3F9B] =	sst lr;
	_ =	strace $0xD0000000  }
0x3: {  	_ = 	snop  }
0x4: {  	_ = 	snop  }
0x5: {  	_ = 	snop  }
0x6: {  	_ = 	snop  }
0x7: {  	_ = 	snop  }
__scs_overlays_trampoline_lowered:
0x8: {  	[smem:$0x3FAA] =	sst s0  }
0x9: {  	[smem:$0x3FAB] =	sst s1  }
0xa: {  	[smem:$0x3FAC] =	sst s2  }
0xb: {  	[smem:$0x3FAD] =	sst s3  }
0xc: {  	[smem:$0x3FAE] =	sst s4  }
0xd: {  	[smem:$0x3FAF] =	sst s5  }
0xe: {  	[smem:$0x3FB0] =	sst s6  }
0xf: {  	[smem:$0x3FB1] =	sst s7  }
0x10: {  	[smem:$0x3FB2] =	sst s8  }
0x11: {  	[smem:$0x3FB3] =	sst s9;
	s0 =	simm.s32 @!p0 $0x0  }
0x12: {  	s1 =	sld [smem:$0x3F99];
	s0 =	simm.s32 @p0 $0x1  }
0x13: {  	[smem:$0x3FB4] =	sst s0;
	s0 =	simm.s32 @!p1 $0x0  }
0x14: {  	s2 =	sld [smem:$0x3F98];
	s0 =	simm.s32 @p1 $0x1  }
0x15: {  	[smem:$0x3FB5] =	sst s0;
	s0 =	simm.s32 @!p2 $0x0  }
0x16: {  	s3 =	sld [smem:$0x3FDB];
	s0 =	simm.s32 @p2 $0x1  }
0x17: {  	s4 =	simm.s32 $0x1BF5;
	[smem:$0x3FB7] =	sst s0  }
0x18: {  	s0 =	sld [smem:$0x3F9A];
	_ =	swait.ge [sflag:s4], $0x0  }
0x19: {  	s7 =	sld [smem:$0x3F9B]  }
0x1a: {  	s8 =	sadd.s32 $0xFFFFE003, lr  }
0x1b: {  	s9 =	sadd.s32 $0xFFFFFEF7, lr;
	s5 =	simm.s32 $0xFFFFFFFF;
	p2 =	slt.u32 s8, $0xFFFFF086  }
0x1c: {  	p1 =	slt.u32 s9, $0xF7A;
	s5 =	simm.s32 @!p2 $0x0  }
0x1d: {  	s5 =	simm.s32 @p1 $0x1;
	p0 =	seq.s32 s7, s2  }
0x1e: {  	s7 =	smul.u32 @!p0 $0xF7A, s2;
	p2 =	seq.s32 @!p0 s5, $0x0  }
0x1f: {  	s9 =	smul.u32 $0xF7A, s1;
	s8 =	simm.s32 @!p0 $0x1BF5;
	p2 =	por !p2, p0  }
0x20: {  	[sflag:s8] =	ssyncset.s32 @!p0 $0xFFFFF086;
	s6 =	sadd.s32 @!p0 s3, s7;
	s7 =	simm.s32 @!p0 $0x108  }
0x21: {  	s3 =	sadd.s32 s3, s9;
	s6 =	sadd.s32 @!p0 $0x88, s6;
	s7 =	simm.s32 @p2 $0x1082  }
0x22: {  	[simem:s7], [sflag:s8] =	dma.local @!p0 [hbm:s6], $0xF7A  }
0x23: {  	s9 =	sor.u32 $0xD0000000, s2;
	s6 =	simm.s32 $0x108;
	_ =	swait.ge @!p0 [sflag:s8], $0x0  }
0x24: {  	s3 =	sadd.s32 $0x88, s3;
	s6 =	simm.s32 @!p1 $0x1082;
	[sflag:s4] =	ssyncset.s32 $0xFFFFF086  }
0x25: {  	[simem:s6], [sflag:s4] =	dma.local [hbm:s3], $0xF7A  }
0x26: {  	[smem:$0x3F9B] =	sst s1;
	(tag) =	ssettag s2;
	_ =	strace s9  }
0x27: {  	s1 =	sld [smem:$0x3FAB]  }
0x28: {  	s2 =	sld [smem:$0x3FAC]  }
0x29: {  	s4 =	sld [smem:$0x3FAE]  }
0x2a: {  	p0 =	seq.s32 s5, $0x0;
	s5 =	sld [smem:$0x3FAF]  }
0x2b: {  	s6 =	sld [smem:$0x3FB0]  }
0x2c: {  	s7 =	sld [smem:$0x3FB1]  }
0x2d: {  	s3 =	simm.s32 $0x108;
	s8 =	sld [smem:$0x3FB2]  }
0x2e: {  	s3 =	simm.s32 @!p0 $0x1082;
	s9 =	sld [smem:$0x3FB3]  }
0x2f: {  	lr =	sadd.s32 s0, s3;
	s0 =	sld [smem:$0x3FAA]  }
0x30: {  	s3 =	sld [smem:$0x3FAD]  }
0x31: {  	[smem:$0x3FB6] =	sst s10  }
0x32: {  	s10 =	sld [smem:$0x3FB4];
	_ =	sdelay $0x3  }
0x33: {  	p0 =	seq.s32 s10, $0x1;
	s10 =	sld [smem:$0x3FB6];
	_ =	sdelay $0x3  }
0x34: {  	[smem:$0x3FB6] =	sst s10  }
0x35: {  	s10 =	sld [smem:$0x3FB5];
	_ =	sdelay $0x3  }
0x36: {  	p1 =	seq.s32 s10, $0x1;
	s10 =	sld [smem:$0x3FB6];
	_ =	sdelay $0x3  }
0x37: {  	[smem:$0x3FB6] =	sst s10  }
0x38: {  	s10 =	sld [smem:$0x3FB7]  }
0x39: {  	_ = 	snop;
	(pc) =	sbr.ind lr, $3  }
0x3a: {  	_ = 	snop  }
0x3b: {  	_ = 	snop  }
0x3c: {  	p2 =	seq.s32 s10, $0x1;
	s10 =	sld [smem:$0x3FB6]  }
0x3d: {  	_ =	shalt  }
0x3e: {  	_ =	shalt  }
0x3f: {  	_ =	shalt  }
0x40: {  	_ =	shalt  }
0x41: {  	_ =	shalt  }
0x42: {  	_ =	shalt  }
0x43: {  	_ =	shalt  }
0x44: {  	_ =	shalt  }
0x45: {  	_ =	shalt  }
0x46: {  	_ =	shalt  }
0x47: {  	_ =	shalt  }
0x48: {  	_ =	shalt  }
0x49: {  	_ =	shalt  }
0x4a: {  	_ =	shalt  }
0x4b: {  	_ =	shalt  }
0x4c: {  	_ =	shalt  }
0x4d: {  	_ =	shalt  }
0x4e: {  	_ =	shalt  }
0x4f: {  	_ =	shalt  }
0x50: {  	_ =	shalt  }
0x51: {  	_ =	shalt  }
0x52: {  	_ =	shalt  }
0x53: {  	_ =	shalt  }
0x54: {  	_ =	shalt  }
0x55: {  	_ =	shalt  }
0x56: {  	_ =	shalt  }
0x57: {  	_ =	shalt  }
0x58: {  	_ =	shalt  }
0x59: {  	_ =	shalt  }
0x5a: {  	_ =	shalt  }
0x5b: {  	_ =	shalt  }
0x5c: {  	_ =	shalt  }
0x5d: {  	_ =	shalt  }
0x5e: {  	_ =	shalt  }
0x5f: {  	_ =	shalt  }
0x60: {  	_ =	shalt  }
0x61: {  	_ =	shalt  }
0x62: {  	_ =	shalt  }
0x63: {  	_ =	shalt  }
0x64: {  	_ =	shalt  }
0x65: {  	_ =	shalt  }
0x66: {  	_ =	shalt  }
0x67: {  	_ =	shalt  }
0x68: {  	_ =	shalt  }
0x69: {  	_ =	shalt  }
0x6a: {  	_ =	shalt  }
0x6b: {  	_ =	shalt  }
0x6c: {  	_ =	shalt  }
0x6d: {  	_ =	shalt  }
0x6e: {  	_ =	shalt  }
0x6f: {  	_ =	shalt  }
0x70: {  	_ =	shalt  }
0x71: {  	_ =	shalt  }
0x72: {  	_ =	shalt  }
0x73: {  	_ =	shalt  }
0x74: {  	_ =	shalt  }
0x75: {  	_ =	shalt  }
0x76: {  	_ =	shalt  }
0x77: {  	_ =	shalt  }
0x78: {  	_ =	shalt  }
0x79: {  	_ =	shalt  }
0x7a: {  	_ =	shalt  }
0x7b: {  	_ =	shalt  }
0x7c: {  	_ =	shalt  }
0x7d: {  	_ =	shalt  }
0x7e: {  	_ =	shalt  }
0x7f: {  	_ =	shalt  }
0x80: {  	_ =	shalt  }
0x81: {  	_ =	shalt  }
0x82: {  	_ =	shalt  }
0x83: {  	_ =	shalt  }
0x84: {  	_ =	shalt  }
0x85: {  	_ =	shalt  }
0x86: {  	_ =	shalt  }
0x87: {  	_ =	shalt  }
.Lfunc_end0:
.L_simem_size_0:
called_computation.2_lowered:
.L_overlay_start_0:
0x88: {  	s2 =	sld [smem:$0x3FD9]  }
0x89: {  	s3 =	sld [smem:$0x3FFE];
	_ =	sdelay $0x1  }
0x8a: {  	s1 =	srdreg.scid  }
0x8b: {  	s0 =	sand.u32 $0x1, s1  }
0x8c: {  	s16 =	sshll.u32 s0, $0xA;
	s2 =	sadd.s32 s3, s2  }
0x8d: {  	s2 =	sadd.s32 s2, s16  }
0x8e: {  	[smem:$0x3FC2] =	sst s2  }
0x8f: {  	_ = 	snop  }
0x90: {  	(tm) =	ssettm $0x1  }
0x91: {  	s17 =	sld [smem:$0x3FFB];
	_ =	sdelay $0x3  }
0x92: {  	_ =	strace s17  }
0x93: {  	s2 =	sld [smem:$0x3FFC];
	_ =	sdelay $0x3  }
0x94: {  	_ =	strace s2  }
0x95: {  	s2 =	sld [smem:$0x3FFD];
	_ =	sdelay $0x3  }
0x96: {  	_ =	strace s2  }
0x97: {  	_ =	strace $0x8FFFFFFF  }
0x98: {  	s18 =	sld [smem:$0x3FDB];
	_ =	sdelay $0x1  }
0x99: {  	s19 =	simm.s32 $_scs_section_size  }
0x9a: {  	s4 =	simm.s32 $_size__tile_overlayer_lowered;
	s5 =	simm.s32 $_tile_overlayer_lowered  }
0x9b: {  	s22 =	simm.s32 $0x1BFF;
	s21 =	sshll.u32 s5, $0x1;
	s2 =	sadd.s32 s19, s18  }
0x9c: {  	s6 =	simm.s32 $0x0;
	s20 =	sshll.u32 s4, $0x1;
	s4 =	sadd.s32 s21, s2  }
0x9d: {  	[timem:s6], [sflag:s22] =	dma.local [hbm:s4], s20  }
0x9e: {  	_ =	swait.ge [sflag:s22], s20  }
0x9f: {  	s3 =	ssub.s32 $0x0, s20;
	[sflag:s22] =	ssyncset.done $0x0  }
0xa0: {  	[sflag:s22] =	ssyncadd.s32 s3;
	_ =	sdelay $0x1  }
0xa1: {  	s23 =	simm.s32 $0x1B8B  }
0xa2: {  	_ =	swait.ge [sflag:s23], $0x1  }
0xa3: {  	[sflag:s23] =	ssyncset.done $0x0  }
0xa4: {  	s25 =	simm.s32 $0x1B8E;
	s24 =	sld [smem:$0x3FFE];
	[sflag:s23] =	ssyncadd.s32 $0xFFFFFFFF  }
0xa5: {  	s26 =	simm.s32 $execute0_lowered;
	[smem:$0x3FD2] =	sst s25  }
0xa6: {  	s4 =	sshll.u32 s26, $0x1;
	_ =	strace $0x8000004C;
	[dreg:$0x1] =	wrdreg $0xFFFFFFFF  }
0xa7: {  	s28 =	simm.s32 $_size_execute0_lowered;
	s2 =	sadd.s32 s2, s4;
	[dreg:$0x0] =	wrdreg $0x0  }
0xa8: {  	s4 =	sshll.u32 s28, $0x1;
	[dreg:$0x2] =	wrdreg s2  }
0xa9: {  	[dreg:$0x3] =	wrdreg s4  }
0xaa: {  	[dreg:$0x4] =	wrdreg $0xC0  }
0xab: {  	_ =	task [dreg:s6], $0x5FFFF  }
0xac: {  	[dreg:$0x1] =	wrdreg $0xFFFFFFFF  }
0xad: {  	[dreg:$0x0] =	wrdreg $0x60  }
0xae: {  	[dreg:$0x2] =	wrdreg s24  }
0xaf: {  	[dreg:$0x3] =	wrdreg $0x50000  }
0xb0: {  	[dreg:$0x4] =	wrdreg $0x9  }
0xb1: {  	_ =	task.clear_ibuf [dreg:s6], $0x5FFFF;
	_ =	strace $0x9000004C  }
0xb2: {  	s29 =	simm.s32 $0x9;
	_ =	strace $0x8000004E  }
0xb3: {  	_ =	swait.ge [sflag:s29], $0x1  }
0xb4: {  	[sflag:s29] =	ssyncadd.s32 $0xFFFFFFFF  }
0xb5: {  	_ =	strace $0x9000004E  }
0xb6: {  	_ =	sfence  }
0xb7: {  	s30 =	sld [smem:$0x0];
	_ =	sdelay $0x2  }
0xb8: {  	s31 =	sshll.u32 s1, $0xD;
	s1 =	sshrl.u32 s1, $0x2  }
0xb9: {  	s3 =	sand.u32 $0x4000, s31;
	s1 =	sadd.s32 s1, s30  }
0xba: {  	s0 =	sor.u32 s3, s0;
	s1 =	sshll.u32 s1, $0x11  }
0xbb: {  	s0 =	sor.u32 s1, s0  }
0xbc: {  	s0 =	sadd.s32 $0x8F2B, s0  }
0xbd: {  	[sflag:s0] =	ssyncadd.remote.s32 $0x1  }
0xbe: {  	_ =	sfence.sel $0xFFFF  }
0xbf: {  	[dreg:$0x0] =	wrdreg $0xFFFFFFFF;
	(pc) =	sbr.abs _section_cstart, $3  }
0xc0: {  	[dreg:$0x1] =	wrdreg $0xFFFFFFFF  }
0xc1: {  	_ =	task.clear_ibuf [dreg:s6], $0x2FFFF;
	_ =	strace $0x9FFFFFFF  }
0xc2: {  	(tm) =	ssettm $0x7FFFFFFF  }
0xc3: {  	_ =	shalt  }
tec
execute0_lowered:
.L_overlay_start_1:
0x0: {  	(tag) =	ssettag $0x1  }
0x1: {  	s0 =	rddreg [dreg:$0x0]  }
0x2: {  	s1 =	rddreg [dreg:$0x1];
	s11 =	stileid.u32  }
0x3: {  	s2 =	srdreg.scid;
	s6 =	smul.u32 $0x14000, s11  }
0x4: {  	s3 =	simm.s32 $0x0;
	s2 =	sand.u32 $0x1, s2;
	s8 =	smul.u32 $0x50000, s11  }
0x5: {  	[smem:$0x7FF] =	sst s3;
	s7 =	sadd.s32 $0x171000, s0;
	s12 =	smul.u32 $0xA000, s11  }
0x6: {  	s9 =	sadd.s32 $0x149000, s0;
	s4 =	sadd.s32 $0x2E00, s0;
	s5 =	smul.u32 $0x140000, s2  }
0x7: {  	_ =	strace $0x8000004D;
	s26 =	ssub.s32 $0x2, s2;
	s2 =	smul.u32 $0xA0000, s2  }
0x8: {  	s8 =	sshrl.u32 s8, $0x2;
	s10 =	sshrl.u32 s26, $0x1;
	s5 =	sadd.s32 s6, s5  }
0x9: {  	s6 =	ssub.s32 s26, s10;
	s2 =	sadd.s32 s12, s2;
	s5 =	sshrl.u32 s5, $0x3  }
0xa: {  	s19 =	sshrl.u32 s2, $0x3;
	s23 =	smax.u32 s6, $0x1;
	s0 =	sadd.s32 s5, s0  }
0xb: {  	s5 =	sadd.s32 s8, s1;
	s21 =	sadd.s32 s7, s19;
	[dreg:$0x14] =	wrdreg s23  }
0xc: {  	s8 =	sadd.s32 $0x1000, s5;
	[dreg:$0x10] =	wrdreg s21  }
0xd: {  	s28 =	sadd.s32 $0x2000, s5;
	[dreg:$0x3] =	wrdreg s8  }
0xe: {  	s29 =	sadd.s32 $0x3000, s5;
	[dreg:$0x4] =	wrdreg s28  }
0xf: {  	s30 =	sadd.s32 $0x4000, s5;
	[dreg:$0x5] =	wrdreg s29  }
0x10: {  	s31 =	sadd.s32 $0x5000, s5;
	[dreg:$0x6] =	wrdreg s30  }
0x11: {  	s10 =	sadd.s32 $0x6000, s5;
	[dreg:$0x7] =	wrdreg s31  }
0x12: {  	s13 =	sadd.s32 $0x7000, s5;
	[dreg:$0x8] =	wrdreg s10  }
0x13: {  	s14 =	sadd.s32 $0x8000, s5;
	[dreg:$0x9] =	wrdreg s13  }
0x14: {  	s11 =	simm.s32 $0x3000;
	s15 =	sadd.s32 $0x9000, s5;
	[dreg:$0xa] =	wrdreg s14  }
0x15: {  	s12 =	simm.s32 $0x1;
	s16 =	sadd.s32 $0xA000, s5;
	[dreg:$0xb] =	wrdreg s15  }
0x16: {  	s2 =	sor.u32 $0x400, s2;
	s17 =	sadd.s32 $0xB000, s5;
	[dreg:$0xc] =	wrdreg s16  }
0x17: {  	s2 =	sshrl.u32 s2, $0x3;
	s18 =	sadd.s32 $0xC000, s5;
	[dreg:$0xd] =	wrdreg s17  }
0x18: {  	s23 =	simm.s32 $0x0;
	s20 =	sadd.s32 $0xD000, s5;
	[dreg:$0xe] =	wrdreg s18  }
0x19: {  	s25 =	sadd.s32 s2, s9;
	s22 =	sadd.s32 $0xE000, s5;
	[dreg:$0xf] =	wrdreg s20  }
0x1a: {  	s24 =	sadd.s32 s2, s7;
	s0 =	sadd.s32 $0x51000, s0;
	[dreg:$0x12] =	wrdreg s22  }
0x1b: {  	s26 =	sadd.s32 $0xF000, s5;
	s2 =	simm.s32 $0xB;
	[dreg:$0x13] =	wrdreg s0  }
0x1c: {  	s7 =	simm.s32 $0x9;
	s8 =	sadd.s32 s9, s19;
	[dreg:$0x15] =	wrdreg s26  }
0x1d: {  	s28 =	sadd.s32 $0x10000, s5;
	s29 =	sadd.s32 $0x11000, s5;
	s30 =	sadd.s32 $0x12000, s5  }
0x1e: {  	s31 =	sadd.s32 $0x13000, s5;
	s0 =	simm.s32 $0x1000;
	s9 =	simm.s32 $0x20  }
0x1f: {  	s10 =	simm.s32 $0x2000;
	s13 =	simm.s32 $0x4000;
	[dreg:$0x11] =	wrdreg s8  }
0x20: {  	s14 =	simm.s32 $0x2;
	s15 =	simm.s32 $0x5;
	[dreg:$0x16] =	wrdreg s28  }
0x21: {  	s16 =	simm.s32 $0x3;
	s17 =	simm.s32 $0x6;
	[dreg:$0x17] =	wrdreg s29  }
0x22: {  	s18 =	simm.s32 $0x4;
	s19 =	simm.s32 $0x7;
	[dreg:$0x18] =	wrdreg s30  }
0x23: {  	v0 =	vimm.f32 $0.0e+00;
	s20 =	simm.s32 $0x8;
	[dreg:$0x19] =	wrdreg s31;
	s8 =	simm.s32 $0xA  }
.LBB2_1:
0x24: {  	s6 =	simm.s32 $0x0;
	s21 =	simm.s32 $0x200  }
.LBB2_2:
0x25: {  	p0 =	sne.s32 s21, $0x3E00;
	[tilespmem:s6+$0x1070] =	vst v0  }
0x26: {  	[tilespmem:s6+$0x1000] =	vst v0  }
0x27: {  	[tilespmem:s6+$0x1010] =	vst v0  }
.Ltmp0:
0x28: {  	[tilespmem:s6+$0x1020] =	vst v0;
	(pc) =	sbr.rel @p0 .LBB2_2-.Ltmp0, $4  }
0x29: {  	[tilespmem:s6+$0x1030] =	vst v0  }
0x2a: {  	[tilespmem:s6+$0x1040] =	vst v0  }
0x2b: {  	[tilespmem:s6+$0x1050] =	vst v0  }
0x2c: {  	[tilespmem:s6+$0x1060] =	vst v0;
	s6 =	sshra.s32 s21, $0x2;
	s21 =	sadd.s32 $0x200, s21  }
0x2d: {  	[tilespmem:s6+$0x1070] =	vst v0  }
0x2e: {  	[tilespmem:s6+$0x1000] =	vst v0  }
0x2f: {  	[tilespmem:s6+$0x1010] =	vst v0  }
0x30: {  	[tilespmem:s6+$0x1020] =	vst v0  }
0x31: {  	[tilespmem:s6+$0x1030] =	vst v0  }
0x32: {  	[tilespmem:s6+$0x1040] =	vst v0  }
0x33: {  	[tilespmem:s6+$0x1050] =	vst v0  }
0x34: {  	[tilespmem:s6+$0x1060] =	vst v0  }
0x35: {  	[spmem:s5] =	stream.linear.scatter [tilespmem:s0], [sflag:$0xB], $0x1000, $0x38;
	[tilespmem:$0x19000] =	vst v63  }
0x36: {  	_ =	swait.ge [sflag:s2], $0x1000  }
0x37: {  	[sflag:s2] =	ssyncset.done $0x0  }
0x38: {  	s22 =	rddreg [dreg:$0x3];
	[sflag:s2] =	ssyncadd.s32 $0xFFFFF000  }
0x39: {  	[spmem:s22] =	stream.linear.scatter [tilespmem:s0], [sflag:$0xB], $0x1000, $0x38;
	[tilespmem:$0x19000] =	vst v63  }
0x3a: {  	_ =	swait.ge [sflag:s2], $0x1000  }
0x3b: {  	[sflag:s2] =	ssyncset.done $0x0  }
0x3c: {  	s26 =	rddreg [dreg:$0x4];
	[sflag:s2] =	ssyncadd.s32 $0xFFFFF000  }
0x3d: {  	[spmem:s26] =	stream.linear.scatter [tilespmem:s0], [sflag:$0xB], $0x1000, $0x38;
	[tilespmem:$0x19000] =	vst v63  }
0x3e: {  	_ =	swait.ge [sflag:s2], $0x1000  }
0x3f: {  	[sflag:s2] =	ssyncset.done $0x0  }
0x40: {  	s28 =	rddreg [dreg:$0x5];
	[sflag:s2] =	ssyncadd.s32 $0xFFFFF000  }
0x41: {  	[spmem:s28] =	stream.linear.scatter [tilespmem:s0], [sflag:$0xB], $0x1000, $0x38;
	[tilespmem:$0x19000] =	vst v63  }
0x42: {  	_ =	swait.ge [sflag:s2], $0x1000  }
0x43: {  	[sflag:s2] =	ssyncset.done $0x0  }
0x44: {  	s30 =	rddreg [dreg:$0x6];
	[sflag:s2] =	ssyncadd.s32 $0xFFFFF000  }
0x45: {  	[spmem:s30] =	stream.linear.scatter [tilespmem:s0], [sflag:$0xB], $0x1000, $0x38;
	[tilespmem:$0x19000] =	vst v63  }
0x46: {  	_ =	swait.ge [sflag:s2], $0x1000  }
0x47: {  	[sflag:s2] =	ssyncset.done $0x0  }
0x48: {  	s31 =	rddreg [dreg:$0x7];
	[sflag:s2] =	ssyncadd.s32 $0xFFFFF000  }
0x49: {  	[spmem:s31] =	stream.linear.scatter [tilespmem:s0], [sflag:$0xB], $0x1000, $0x38;
	[tilespmem:$0x19000] =	vst v63  }
0x4a: {  	_ =	swait.ge [sflag:s2], $0x1000  }
0x4b: {  	[sflag:s2] =	ssyncset.done $0x0  }
0x4c: {  	s21 =	rddreg [dreg:$0x8];
	[sflag:s2] =	ssyncadd.s32 $0xFFFFF000  }
0x4d: {  	[spmem:s21] =	stream.linear.scatter [tilespmem:s0], [sflag:$0xB], $0x1000, $0x38;
	[tilespmem:$0x19000] =	vst v63  }
0x4e: {  	_ =	swait.ge [sflag:s2], $0x1000  }
0x4f: {  	[sflag:s2] =	ssyncset.done $0x0  }
0x50: {  	s22 =	rddreg [dreg:$0x9];
	[sflag:s2] =	ssyncadd.s32 $0xFFFFF000  }
0x51: {  	[spmem:s22] =	stream.linear.scatter [tilespmem:s0], [sflag:$0xB], $0x1000, $0x38;
	[tilespmem:$0x19000] =	vst v63  }
0x52: {  	_ =	swait.ge [sflag:s2], $0x1000  }
0x53: {  	[sflag:s2] =	ssyncset.done $0x0  }
0x54: {  	s26 =	rddreg [dreg:$0xa];
	[sflag:s2] =	ssyncadd.s32 $0xFFFFF000  }
0x55: {  	[spmem:s26] =	stream.linear.scatter [tilespmem:s0], [sflag:$0xB], $0x1000, $0x38;
	[tilespmem:$0x19000] =	vst v63  }
0x56: {  	_ =	swait.ge [sflag:s2], $0x1000  }
0x57: {  	[sflag:s2] =	ssyncset.done $0x0  }
0x58: {  	s28 =	rddreg [dreg:$0xb];
	[sflag:s2] =	ssyncadd.s32 $0xFFFFF000  }
0x59: {  	[spmem:s28] =	stream.linear.scatter [tilespmem:s0], [sflag:$0xB], $0x1000, $0x38;
	[tilespmem:$0x19000] =	vst v63  }
0x5a: {  	_ =	swait.ge [sflag:s2], $0x1000  }
0x5b: {  	[sflag:s2] =	ssyncset.done $0x0  }
0x5c: {  	s30 =	rddreg [dreg:$0xc];
	[sflag:s2] =	ssyncadd.s32 $0xFFFFF000  }
0x5d: {  	[spmem:s30] =	stream.linear.scatter [tilespmem:s0], [sflag:$0xB], $0x1000, $0x38;
	[tilespmem:$0x19000] =	vst v63  }
0x5e: {  	_ =	swait.ge [sflag:s2], $0x1000  }
0x5f: {  	[sflag:s2] =	ssyncset.done $0x0  }
0x60: {  	s31 =	rddreg [dreg:$0xd];
	[sflag:s2] =	ssyncadd.s32 $0xFFFFF000  }
0x61: {  	[spmem:s31] =	stream.linear.scatter [tilespmem:s0], [sflag:$0xB], $0x1000, $0x38;
	[tilespmem:$0x19000] =	vst v63  }
0x62: {  	_ =	swait.ge [sflag:s2], $0x1000  }
0x63: {  	[sflag:s2] =	ssyncset.done $0x0  }
0x64: {  	s21 =	rddreg [dreg:$0xe];
	[sflag:s2] =	ssyncadd.s32 $0xFFFFF000  }
0x65: {  	[spmem:s21] =	stream.linear.scatter [tilespmem:s0], [sflag:$0xB], $0x1000, $0x38;
	[tilespmem:$0x19000] =	vst v63  }
0x66: {  	_ =	swait.ge [sflag:s2], $0x1000  }
0x67: {  	[sflag:s2] =	ssyncset.done $0x0  }
0x68: {  	s22 =	rddreg [dreg:$0xf];
	[sflag:s2] =	ssyncadd.s32 $0xFFFFF000  }
0x69: {  	[spmem:s22] =	stream.linear.scatter [tilespmem:s0], [sflag:$0xB], $0x1000, $0x38;
	[tilespmem:$0x19000] =	vst v63  }
0x6a: {  	_ =	swait.ge [sflag:s2], $0x1000  }
0x6b: {  	[sflag:s2] =	ssyncset.done $0x0  }
0x6c: {  	s26 =	rddreg [dreg:$0x12];
	[sflag:s2] =	ssyncadd.s32 $0xFFFFF000  }
0x6d: {  	[spmem:s26] =	stream.linear.scatter [tilespmem:s0], [sflag:$0xB], $0x1000, $0x38;
	[tilespmem:$0x19000] =	vst v63  }
0x6e: {  	_ =	swait.ge [sflag:s2], $0x1000  }
0x6f: {  	[sflag:s2] =	ssyncset.done $0x0  }
0x70: {  	s28 =	rddreg [dreg:$0x15];
	[sflag:s2] =	ssyncadd.s32 $0xFFFFF000  }
0x71: {  	[spmem:s28] =	stream.linear.scatter [tilespmem:s0], [sflag:$0xB], $0x1000, $0x38;
	[tilespmem:$0x19000] =	vst v63  }
0x72: {  	_ =	swait.ge [sflag:s2], $0x1000  }
0x73: {  	[sflag:s2] =	ssyncset.done $0x0  }
0x74: {  	s30 =	rddreg [dreg:$0x16];
	[sflag:s2] =	ssyncadd.s32 $0xFFFFF000  }
0x75: {  	[spmem:s30] =	stream.linear.scatter [tilespmem:s0], [sflag:$0xB], $0x1000, $0x38;
	[tilespmem:$0x19000] =	vst v63  }
0x76: {  	_ =	swait.ge [sflag:s2], $0x1000  }
0x77: {  	[sflag:s2] =	ssyncset.done $0x0  }
0x78: {  	s31 =	rddreg [dreg:$0x17];
	[sflag:s2] =	ssyncadd.s32 $0xFFFFF000  }
0x79: {  	[spmem:s31] =	stream.linear.scatter [tilespmem:s0], [sflag:$0xB], $0x1000, $0x38;
	[tilespmem:$0x19000] =	vst v63  }
0x7a: {  	_ =	swait.ge [sflag:s2], $0x1000  }
0x7b: {  	[sflag:s2] =	ssyncset.done $0x0  }
0x7c: {  	s21 =	rddreg [dreg:$0x18];
	[sflag:s2] =	ssyncadd.s32 $0xFFFFF000  }
0x7d: {  	[spmem:s21] =	stream.linear.scatter [tilespmem:s0], [sflag:$0xB], $0x1000, $0x38;
	[tilespmem:$0x19000] =	vst v63  }
0x7e: {  	_ =	swait.ge [sflag:s2], $0x1000  }
0x7f: {  	[sflag:s2] =	ssyncset.done $0x0  }
0x80: {  	s22 =	rddreg [dreg:$0x19];
	[sflag:s2] =	ssyncadd.s32 $0xFFFFF000  }
0x81: {  	[spmem:s22] =	stream.linear.scatter [tilespmem:s0], [sflag:$0xB], $0x1000, $0x38;
	[tilespmem:$0x19000] =	vst v63  }
0x82: {  	_ =	swait.ge [sflag:s2], $0x1000  }
0x83: {  	[sflag:s2] =	ssyncset.done $0x0  }
0x84: {  	[sflag:s2] =	ssyncadd.s32 $0xFFFFF000  }
0x85: {  	[bflag:$0x0] =	sbarrier.arrive $0xFFFF  }
0x86: {  	s22 =	simm.s32 $0x0;
	s26 =	rddreg [dreg:$0x10]  }
0x87: {  	[tilespmem:s22], [sflag:$0x9] =	stream.linear.gather [hbm4b:s26+s22], $0x400, $0x38;
	[tilespmem:$0x19000] =	vst v63  }
0x88: {  	s21 =	simm.s32 $0x800;
	s28 =	rddreg [dreg:$0x11]  }
0x89: {  	[tilespmem:s21], [sflag:$0xA] =	stream.linear.gather [hbm4b:s28+s22], $0x400, $0x38;
	[tilespmem:$0x19000] =	vst v63  }
0x8a: {  	_ =	swait.ge [sflag:s7], $0x400  }
0x8b: {  	[sflag:s7] =	ssyncset.done $0x0  }
0x8c: {  	[sflag:s7] =	ssyncadd.s32 $0xFFFFFC00  }
0x8d: {  	_ =	swait.ge [sflag:s8], $0x400  }
0x8e: {  	[sflag:s8] =	ssyncset.done $0x0  }
0x8f: {  	[sflag:s8] =	ssyncadd.s32 $0xFFFFFC00  }
0x90: {  	[tilespmem:s0], [sflag:$0x1] =	stream.indirect.gather [hbm4b:s4+s9], $0x80, s22, s9, $0xb8;
	[tilespmem:$0x19000] =	vst v63  }
0x91: {  	s30 =	simm.s32 $0x80  }
0x92: {  	[tilespmem:s10], [sflag:$0x2] =	stream.indirect.gather [hbm4b:s4+s9], $0x80, s30, s9, $0xb8;
	[tilespmem:$0x19000] =	vst v63  }
0x93: {  	s31 =	simm.s32 $0x100  }
0x94: {  	[tilespmem:s11], [sflag:$0x3] =	stream.indirect.gather [hbm4b:s4+s9], $0x80, s31, s9, $0xb8;
	[tilespmem:$0x19000] =	vst v63  }
0x95: {  	_ =	swait.ge [sflag:s12], $0x1000  }
0x96: {  	[sflag:s12] =	ssyncset.done $0x0  }
0x97: {  	[sflag:s12] =	ssyncadd.s32 $0xFFFFF000  }
0x98: {  	[spmem:s1] =	stream.indirect.scatter.add.f32 [tilespmem:s0], [sflag:$0x5], $0x80, s21, s9, $0xb8;
	[tilespmem:$0x19000] =	vst v63  }
0x99: {  	s26 =	simm.s32 $0x180  }
0x9a: {  	[tilespmem:s13], [sflag:$0x4] =	stream.indirect.gather [hbm4b:s4+s9], $0x80, s26, s9, $0xb8;
	[tilespmem:$0x19000] =	vst v63  }
0x9b: {  	_ =	swait.ge [sflag:s14], $0x1000  }
0x9c: {  	[sflag:s14] =	ssyncset.done $0x0  }
0x9d: {  	s29 =	simm.s32 $0x400;
	s28 =	simm.s32 $0x880;
	[sflag:s14] =	ssyncadd.s32 $0xFFFFF000  }
0x9e: {  	[spmem:s1] =	stream.indirect.scatter.add.f32 [tilespmem:s10], [sflag:$0x6], $0x80, s28, s9, $0xb8;
	[tilespmem:$0x19000] =	vst v63  }
0x9f: {  	s6 =	sand.u32 $0x400, s29  }
0xa0: {  	[tilespmem:s6], [sflag:$0x9] =	stream.linear.gather [hbm4b:s24+s3], $0x400, $0x38;
	[tilespmem:$0x19000] =	vst v63  }
0xa1: {  	s21 =	sor.u32 $0x800, s6  }
0xa2: {  	[tilespmem:s21], [sflag:$0xA] =	stream.linear.gather [hbm4b:s25+s3], $0x400, $0x38;
	[tilespmem:$0x19000] =	vst v63  }
0xa3: {  	_ =	swait.ge [sflag:s15], $0x1000  }
0xa4: {  	s22 =	sand.u32 $0x400, s22;
	[sflag:s15] =	ssyncset.done $0x0  }
0xa5: {  	s26 =	sor.u32 $0x200, s22;
	[sflag:s15] =	ssyncadd.s32 $0xFFFFF000  }
0xa6: {  	[tilespmem:s0], [sflag:$0x1] =	stream.indirect.gather [hbm4b:s4+s9], $0x80, s26, s9, $0xb8;
	[tilespmem:$0x19000] =	vst v63  }
0xa7: {  	_ =	swait.ge [sflag:s16], $0x1000  }
0xa8: {  	[sflag:s16] =	ssyncset.done $0x0  }
0xa9: {  	s30 =	sor.u32 $0x900, s22;
	[sflag:s16] =	ssyncadd.s32 $0xFFFFF000  }
0xaa: {  	[spmem:s1] =	stream.indirect.scatter.add.f32 [tilespmem:s11], [sflag:$0x7], $0x80, s30, s9, $0xb8;
	[tilespmem:$0x19000] =	vst v63  }
0xab: {  	_ =	swait.ge [sflag:s17], $0x1000  }
0xac: {  	[sflag:s17] =	ssyncset.done $0x0  }
0xad: {  	s31 =	sor.u32 $0x280, s22;
	[sflag:s17] =	ssyncadd.s32 $0xFFFFF000  }
0xae: {  	[tilespmem:s10], [sflag:$0x2] =	stream.indirect.gather [hbm4b:s4+s9], $0x80, s31, s9, $0xb8;
	[tilespmem:$0x19000] =	vst v63  }
0xaf: {  	_ =	swait.ge [sflag:s18], $0x1000  }
0xb0: {  	[sflag:s18] =	ssyncset.done $0x0  }
0xb1: {  	s28 =	sor.u32 $0x980, s22;
	[sflag:s18] =	ssyncadd.s32 $0xFFFFF000  }
0xb2: {  	[spmem:s1] =	stream.indirect.scatter.add.f32 [tilespmem:s13], [sflag:$0x8], $0x80, s28, s9, $0xb8;
	[tilespmem:$0x19000] =	vst v63  }
0xb3: {  	_ =	swait.ge [sflag:s19], $0x1000  }
0xb4: {  	[sflag:s19] =	ssyncset.done $0x0  }
0xb5: {  	s30 =	sor.u32 $0x300, s22;
	[sflag:s19] =	ssyncadd.s32 $0xFFFFF000  }
0xb6: {  	[tilespmem:s11], [sflag:$0x3] =	stream.indirect.gather [hbm4b:s4+s9], $0x80, s30, s9, $0xb8;
	[tilespmem:$0x19000] =	vst v63  }
0xb7: {  	_ =	swait.ge [sflag:s12], $0x1000  }
0xb8: {  	[sflag:s12] =	ssyncset.done $0x0  }
0xb9: {  	s31 =	sor.u32 $0xA00, s22;
	[sflag:s12] =	ssyncadd.s32 $0xFFFFF000  }
0xba: {  	[spmem:s1] =	stream.indirect.scatter.add.f32 [tilespmem:s0], [sflag:$0x5], $0x80, s31, s9, $0xb8;
	[tilespmem:$0x19000] =	vst v63  }
0xbb: {  	_ =	swait.ge [sflag:s20], $0x1000  }
0xbc: {  	[sflag:s20] =	ssyncset.done $0x0  }
0xbd: {  	s28 =	sor.u32 $0x380, s22;
	[sflag:s20] =	ssyncadd.s32 $0xFFFFF000  }
0xbe: {  	[tilespmem:s13], [sflag:$0x4] =	stream.indirect.gather [hbm4b:s4+s9], $0x80, s28, s9, $0xb8;
	[tilespmem:$0x19000] =	vst v63  }
0xbf: {  	_ =	swait.ge [sflag:s14], $0x1000  }
0xc0: {  	[sflag:s14] =	ssyncset.done $0x0  }
0xc1: {  	s30 =	sor.u32 $0xA80, s22;
	[sflag:s14] =	ssyncadd.s32 $0xFFFFF000  }
0xc2: {  	[spmem:s1] =	stream.indirect.scatter.add.f32 [tilespmem:s10], [sflag:$0x6], $0x80, s30, s9, $0xb8;
	[tilespmem:$0x19000] =	vst v63  }
0xc3: {  	_ =	swait.ge [sflag:s15], $0x1000  }
0xc4: {  	[sflag:s15] =	ssyncset.done $0x0  }
0xc5: {  	[sflag:s15] =	ssyncadd.s32 $0xFFFFF000  }
0xc6: {  	_ =	swait.ge [sflag:s7], $0x400  }
0xc7: {  	[sflag:s7] =	ssyncset.done $0x0  }
0xc8: {  	[sflag:s7] =	ssyncadd.s32 $0xFFFFFC00  }
0xc9: {  	_ =	swait.ge [sflag:s8], $0x400  }
0xca: {  	[sflag:s8] =	ssyncset.done $0x0  }
0xcb: {  	[sflag:s8] =	ssyncadd.s32 $0xFFFFFC00  }
0xcc: {  	[tilespmem:s0], [sflag:$0x1] =	stream.indirect.gather [hbm4b:s4+s9], $0x80, s6, s9, $0xb8;
	[tilespmem:$0x19000] =	vst v63  }
0xcd: {  	_ =	swait.ge [sflag:s16], $0x1000  }
0xce: {  	[sflag:s16] =	ssyncset.done $0x0  }
0xcf: {  	s31 =	sor.u32 $0xB00, s22;
	[sflag:s16] =	ssyncadd.s32 $0xFFFFF000  }
0xd0: {  	[spmem:s1] =	stream.indirect.scatter.add.f32 [tilespmem:s11], [sflag:$0x7], $0x80, s31, s9, $0xb8;
	[tilespmem:$0x19000] =	vst v63  }
0xd1: {  	_ =	swait.ge [sflag:s17], $0x1000  }
0xd2: {  	[sflag:s17] =	ssyncset.done $0x0  }
0xd3: {  	s28 =	sor.u32 $0x80, s6;
	[sflag:s17] =	ssyncadd.s32 $0xFFFFF000  }
0xd4: {  	[tilespmem:s10], [sflag:$0x2] =	stream.indirect.gather [hbm4b:s4+s9], $0x80, s28, s9, $0xb8;
	[tilespmem:$0x19000] =	vst v63  }
0xd5: {  	_ =	swait.ge [sflag:s18], $0x1000  }
0xd6: {  	[sflag:s18] =	ssyncset.done $0x0  }
0xd7: {  	s22 =	sor.u32 $0xB80, s22;
	[sflag:s18] =	ssyncadd.s32 $0xFFFFF000  }
0xd8: {  	[spmem:s1] =	stream.indirect.scatter.add.f32 [tilespmem:s13], [sflag:$0x8], $0x80, s22, s9, $0xb8;
	[tilespmem:$0x19000] =	vst v63  }
0xd9: {  	_ =	swait.ge [sflag:s19], $0x1000  }
0xda: {  	[sflag:s19] =	ssyncset.done $0x0  }
0xdb: {  	s30 =	sor.u32 $0x100, s6;
	[sflag:s19] =	ssyncadd.s32 $0xFFFFF000  }
0xdc: {  	[tilespmem:s11], [sflag:$0x3] =	stream.indirect.gather [hbm4b:s4+s9], $0x80, s30, s9, $0xb8;
	[tilespmem:$0x19000] =	vst v63  }
0xdd: {  	_ =	swait.ge [sflag:s12], $0x1000  }
0xde: {  	[sflag:s12] =	ssyncset.done $0x0  }
0xdf: {  	[sflag:s12] =	ssyncadd.s32 $0xFFFFF000  }
0xe0: {  	[spmem:s1] =	stream.indirect.scatter.add.f32 [tilespmem:s0], [sflag:$0x5], $0x80, s21, s9, $0xb8;
	[tilespmem:$0x19000] =	vst v63  }
0xe1: {  	_ =	swait.ge [sflag:s20], $0x1000  }
0xe2: {  	[sflag:s20] =	ssyncset.done $0x0  }
0xe3: {  	s31 =	sor.u32 $0x180, s6;
	[sflag:s20] =	ssyncadd.s32 $0xFFFFF000  }
0xe4: {  	[tilespmem:s13], [sflag:$0x4] =	stream.indirect.gather [hbm4b:s4+s9], $0x80, s31, s9, $0xb8;
	[tilespmem:$0x19000] =	vst v63  }
0xe5: {  	s6 =	sor.u32 $0x880, s6;
	_ =	swait.ge [sflag:s14], $0x1000  }
0xe6: {  	s22 =	smov.u32 s24;
	s21 =	smov.u32 s25;
	[sflag:s14] =	ssyncset.done $0x0  }
.LBB2_4:
0xe7: {  	[sflag:s14] =	ssyncadd.s32 $0xFFFFF000  }
0xe8: {  	s22 =	sadd.s32 $0x80, s22;
	s30 =	smov.u32 s29;
	s26 =	sadd.s32 $0x400, s29  }
0xe9: {  	[spmem:s1] =	stream.indirect.scatter.add.f32 [tilespmem:s10], [sflag:$0x6], $0x80, s6, s9, $0xb8;
	[tilespmem:$0x19000] =	vst v63  }
0xea: {  	p0 =	sne.s32 s29, $0x9800;
	s21 =	sadd.s32 $0x80, s21;
	s28 =	sand.u32 $0x400, s26  }
0xeb: {  	[tilespmem:s28], [sflag:$0x9] =	stream.linear.gather [hbm4b:s22+s3], $0x400, $0x38;
	[tilespmem:$0x19000] =	vst v63  }
0xec: {  	s29 =	sor.u32 $0x800, s28;
	s6 =	sor.u32 $0x880, s28  }
0xed: {  	[tilespmem:s29], [sflag:$0xA] =	stream.linear.gather [hbm4b:s21+s3], $0x400, $0x38;
	[tilespmem:$0x19000] =	vst v63  }
0xee: {  	_ =	swait.ge [sflag:s15], $0x1000  }
0xef: {  	s30 =	sand.u32 $0x400, s30;
	[sflag:s15] =	ssyncset.done $0x0  }
0xf0: {  	s31 =	sor.u32 $0x200, s30;
	[sflag:s15] =	ssyncadd.s32 $0xFFFFF000  }
0xf1: {  	[tilespmem:s0], [sflag:$0x1] =	stream.indirect.gather [hbm4b:s4+s9], $0x80, s31, s9, $0xb8;
	[tilespmem:$0x19000] =	vst v63  }
0xf2: {  	_ =	swait.ge [sflag:s16], $0x1000  }
0xf3: {  	[sflag:s16] =	ssyncset.done $0x0  }
0xf4: {  	s31 =	sor.u32 $0x900, s30;
	[sflag:s16] =	ssyncadd.s32 $0xFFFFF000  }
0xf5: {  	[spmem:s1] =	stream.indirect.scatter.add.f32 [tilespmem:s11], [sflag:$0x7], $0x80, s31, s9, $0xb8;
	[tilespmem:$0x19000] =	vst v63  }
0xf6: {  	_ =	swait.ge [sflag:s17], $0x1000  }
0xf7: {  	[sflag:s17] =	ssyncset.done $0x0  }
0xf8: {  	s31 =	sor.u32 $0x280, s30;
	[sflag:s17] =	ssyncadd.s32 $0xFFFFF000  }
0xf9: {  	[tilespmem:s10], [sflag:$0x2] =	stream.indirect.gather [hbm4b:s4+s9], $0x80, s31, s9, $0xb8;
	[tilespmem:$0x19000] =	vst v63  }
0xfa: {  	_ =	swait.ge [sflag:s18], $0x1000  }
0xfb: {  	[sflag:s18] =	ssyncset.done $0x0  }
0xfc: {  	s31 =	sor.u32 $0x980, s30;
	[sflag:s18] =	ssyncadd.s32 $0xFFFFF000  }
0xfd: {  	[spmem:s1] =	stream.indirect.scatter.add.f32 [tilespmem:s13], [sflag:$0x8], $0x80, s31, s9, $0xb8;
	[tilespmem:$0x19000] =	vst v63  }
0xfe: {  	_ =	swait.ge [sflag:s19], $0x1000  }
0xff: {  	[sflag:s19] =	ssyncset.done $0x0  }
0x100: {  	s31 =	sor.u32 $0x300, s30;
	[sflag:s19] =	ssyncadd.s32 $0xFFFFF000  }
0x101: {  	[tilespmem:s11], [sflag:$0x3] =	stream.indirect.gather [hbm4b:s4+s9], $0x80, s31, s9, $0xb8;
	[tilespmem:$0x19000] =	vst v63  }
0x102: {  	_ =	swait.ge [sflag:s12], $0x1000  }
0x103: {  	[sflag:s12] =	ssyncset.done $0x0  }
0x104: {  	s31 =	sor.u32 $0xA00, s30;
	[sflag:s12] =	ssyncadd.s32 $0xFFFFF000  }
0x105: {  	[spmem:s1] =	stream.indirect.scatter.add.f32 [tilespmem:s0], [sflag:$0x5], $0x80, s31, s9, $0xb8;
	[tilespmem:$0x19000] =	vst v63  }
0x106: {  	_ =	swait.ge [sflag:s20], $0x1000  }
0x107: {  	[sflag:s20] =	ssyncset.done $0x0  }
0x108: {  	s31 =	sor.u32 $0x380, s30;
	[sflag:s20] =	ssyncadd.s32 $0xFFFFF000  }
0x109: {  	[tilespmem:s13], [sflag:$0x4] =	stream.indirect.gather [hbm4b:s4+s9], $0x80, s31, s9, $0xb8;
	[tilespmem:$0x19000] =	vst v63  }
0x10a: {  	_ =	swait.ge [sflag:s14], $0x1000  }
0x10b: {  	[sflag:s14] =	ssyncset.done $0x0  }
0x10c: {  	s31 =	sor.u32 $0xA80, s30;
	[sflag:s14] =	ssyncadd.s32 $0xFFFFF000  }
0x10d: {  	[spmem:s1] =	stream.indirect.scatter.add.f32 [tilespmem:s10], [sflag:$0x6], $0x80, s31, s9, $0xb8;
	[tilespmem:$0x19000] =	vst v63  }
0x10e: {  	_ =	swait.ge [sflag:s15], $0x1000  }
0x10f: {  	[sflag:s15] =	ssyncset.done $0x0  }
0x110: {  	[sflag:s15] =	ssyncadd.s32 $0xFFFFF000  }
0x111: {  	_ =	swait.ge [sflag:s7], $0x400  }
0x112: {  	[sflag:s7] =	ssyncset.done $0x0  }
0x113: {  	[sflag:s7] =	ssyncadd.s32 $0xFFFFFC00  }
0x114: {  	_ =	swait.ge [sflag:s8], $0x400  }
0x115: {  	[sflag:s8] =	ssyncset.done $0x0  }
0x116: {  	[sflag:s8] =	ssyncadd.s32 $0xFFFFFC00  }
0x117: {  	[tilespmem:s0], [sflag:$0x1] =	stream.indirect.gather [hbm4b:s4+s9], $0x80, s28, s9, $0xb8;
	[tilespmem:$0x19000] =	vst v63  }
0x118: {  	_ =	swait.ge [sflag:s16], $0x1000  }
0x119: {  	[sflag:s16] =	ssyncset.done $0x0  }
0x11a: {  	s31 =	sor.u32 $0xB00, s30;
	[sflag:s16] =	ssyncadd.s32 $0xFFFFF000  }
0x11b: {  	[spmem:s1] =	stream.indirect.scatter.add.f32 [tilespmem:s11], [sflag:$0x7], $0x80, s31, s9, $0xb8;
	[tilespmem:$0x19000] =	vst v63  }
0x11c: {  	_ =	swait.ge [sflag:s17], $0x1000  }
0x11d: {  	[sflag:s17] =	ssyncset.done $0x0  }
0x11e: {  	s31 =	sor.u32 $0x80, s28;
	[sflag:s17] =	ssyncadd.s32 $0xFFFFF000  }
0x11f: {  	[tilespmem:s10], [sflag:$0x2] =	stream.indirect.gather [hbm4b:s4+s9], $0x80, s31, s9, $0xb8;
	[tilespmem:$0x19000] =	vst v63  }
0x120: {  	_ =	swait.ge [sflag:s18], $0x1000  }
0x121: {  	[sflag:s18] =	ssyncset.done $0x0  }
0x122: {  	s30 =	sor.u32 $0xB80, s30;
	[sflag:s18] =	ssyncadd.s32 $0xFFFFF000  }
0x123: {  	[spmem:s1] =	stream.indirect.scatter.add.f32 [tilespmem:s13], [sflag:$0x8], $0x80, s30, s9, $0xb8;
	[tilespmem:$0x19000] =	vst v63  }
0x124: {  	_ =	swait.ge [sflag:s19], $0x1000  }
0x125: {  	[sflag:s19] =	ssyncset.done $0x0  }
0x126: {  	s30 =	sor.u32 $0x100, s28;
	[sflag:s19] =	ssyncadd.s32 $0xFFFFF000  }
0x127: {  	[tilespmem:s11], [sflag:$0x3] =	stream.indirect.gather [hbm4b:s4+s9], $0x80, s30, s9, $0xb8;
	[tilespmem:$0x19000] =	vst v63  }
0x128: {  	_ =	swait.ge [sflag:s12], $0x1000  }
0x129: {  	[sflag:s12] =	ssyncset.done $0x0  }
0x12a: {  	[sflag:s12] =	ssyncadd.s32 $0xFFFFF000  }
0x12b: {  	[spmem:s1] =	stream.indirect.scatter.add.f32 [tilespmem:s0], [sflag:$0x5], $0x80, s29, s9, $0xb8;
	[tilespmem:$0x19000] =	vst v63  }
0x12c: {  	_ =	swait.ge [sflag:s20], $0x1000  }
.Ltmp1:
0x12d: {  	[sflag:s20] =	ssyncset.done $0x0;
	(pc) =	sbr.rel @p0 .LBB2_4-.Ltmp1, $4  }
0x12e: {  	s28 =	sor.u32 $0x180, s28;
	[sflag:s20] =	ssyncadd.s32 $0xFFFFF000  }
0x12f: {  	[tilespmem:s13], [sflag:$0x4] =	stream.indirect.gather [hbm4b:s4+s9], $0x80, s28, s9, $0xb8;
	[tilespmem:$0x19000] =	vst v63  }
0x130: {  	_ =	swait.ge [sflag:s14], $0x1000  }
0x131: {  	s29 =	smov.u32 s26;
	[sflag:s14] =	ssyncset.done $0x0  }
0x132: {  	[sflag:s14] =	ssyncadd.s32 $0xFFFFF000  }
0x133: {  	[spmem:s1] =	stream.indirect.scatter.add.f32 [tilespmem:s10], [sflag:$0x6], $0x80, s6, s9, $0xb8;
	[tilespmem:$0x19000] =	vst v63  }
0x134: {  	_ =	swait.ge [sflag:s16], $0x1000  }
0x135: {  	[sflag:s16] =	ssyncset.done $0x0  }
0x136: {  	[sflag:s16] =	ssyncadd.s32 $0xFFFFF000  }
0x137: {  	_ =	swait.ge [sflag:s18], $0x1000  }
0x138: {  	[sflag:s18] =	ssyncset.done $0x0  }
0x139: {  	[sflag:s18] =	ssyncadd.s32 $0xFFFFF000  }
0x13a: {  	_ =	swait.ge [sflag:s15], $0x1000  }
0x13b: {  	[sflag:s15] =	ssyncset.done $0x0  }
0x13c: {  	[sflag:s15] =	ssyncadd.s32 $0xFFFFF000  }
0x13d: {  	_ =	swait.ge [sflag:s17], $0x1000  }
0x13e: {  	[sflag:s17] =	ssyncset.done $0x0  }
0x13f: {  	s30 =	stileid.u32;
	[sflag:s17] =	ssyncadd.s32 $0xFFFFF000  }
0x140: {  	s6 =	sshll.u32 s30, $0x6;
	[bflag:$0x0] =	sbarrier.arrive $0xFFFF  }
0x141: {  	s21 =	sshrl.u32 s5, $0x3;
	s6 =	sor.u32 $0x1C0B, s6;
	s22 =	rddreg [dreg:$0x13]  }
0x142: {  	[hbm:s22], [sflag:s6] =	dma.local [spmem:s21], $0x2800  }
0x143: {  	_ =	swait.ge [sflag:s2], $0x2800  }
0x144: {  	s23 =	sadd.s32 $0x1, s23;
	s31 =	rddreg [dreg:$0x14]  }
0x145: {  	p0 =	sne.s32 s23, s31  }
.Ltmp2:
0x146: {  	_ = 	snop;
	(pc) =	sbr.rel @p0 .LBB2_1-.Ltmp2, $3  }
0x147: {  	_ =	sdelay $0x1  }
0x148: {  	[sflag:s2] =	ssyncset.done $0x0  }
0x149: {  	[sflag:s2] =	ssyncadd.s32 $0xFFFFD800  }
0x14a: {  	_ =	sfence.sel $0x180000  }
0x14b: {  	[bflag:$0x0] =	sbarrier.arrive $0xFFFF  }
0x14c: {  	_ =	strace $0x9000004D  }
0x14d: {  	s0 =	stileid.u32;
	[bflag:$0x2] =	sbarrier.arrive $0xFFFF  }
0x14e: {  	p0 =	sne.s32 s0, $0x0;
	s0 =	rddreg [dreg:$0x2]  }
0x14f: {  	s0 =	sadd.s32 @!p0 $0x100000, s0  }
0x150: {  	[sflag:s0] =	ssyncadd.tile.s32 @!p0 $0x1;
	_ =	shalt  }
.Lfunc_end2:
_tile_overlayer_lowered:
.L_overlay_start_2:
0x151: {  	(tag) =	ssettag $0x2  }
0x152: {  	s0 =	rddreg [dreg:$0x0];
	s2 =	stileid.u32  }
0x153: {  	s1 =	rddreg [dreg:$0x1];
	p0 =	sne.s32 s2, $0x0  }
0x154: {  	s3 =	rddreg [dreg:$0x2];
	[bflag:$0x3] =	sbarrier.arrive $0xFFFF;
	s2 =	simm.s32 @!p0 $0x1C0B  }
0x155: {  	[timem:s3], [sflag:s2] =	dma.local @!p0 [hbm:s0], s1  }
0x156: {  	s0 =	simm.s32 @!p0 $0xB  }
0x157: {  	_ =	swait.ge @!p0 [sflag:s0], s1  }
0x158: {  	s1 =	ssub.s32 @!p0 $0x0, s1;
	[sflag:s0] =	ssyncset.done @!p0 $0x0  }
0x159: {  	[sflag:s0] =	ssyncadd.s32 @!p0 s1  }
0x15a: {  	[bflag:$0x3] =	sbarrier.arrive $0xFFFF  }
0x15b: {  	_ =	shalt  }

// kernel: kernel.8.cloned.1.call-start
scs
__scs_entry_jumppad:
0x0: {  	(pc) =	sbr.rel $0x88, $3  }
0x1: {  	(tag) =	ssettag $0x0;
	lr =	simm.s32 $0x1  }
0x2: {  	[smem:$0x3F9B] =	sst lr;
	_ =	strace $0xD0000000  }
0x3: {  	_ = 	snop  }
0x4: {  	_ = 	snop  }
0x5: {  	_ = 	snop  }
0x6: {  	_ = 	snop  }
0x7: {  	_ = 	snop  }
__scs_overlays_trampoline_lowered:
0x8: {  	[smem:$0x3FAA] =	sst s0  }
0x9: {  	[smem:$0x3FAB] =	sst s1  }
0xa: {  	[smem:$0x3FAC] =	sst s2  }
0xb: {  	[smem:$0x3FAD] =	sst s3  }
0xc: {  	[smem:$0x3FAE] =	sst s4  }
0xd: {  	[smem:$0x3FAF] =	sst s5  }
0xe: {  	[smem:$0x3FB0] =	sst s6  }
0xf: {  	[smem:$0x3FB1] =	sst s7  }
0x10: {  	[smem:$0x3FB2] =	sst s8  }
0x11: {  	[smem:$0x3FB3] =	sst s9;
	s0 =	simm.s32 @!p0 $0x0  }
0x12: {  	s1 =	sld [smem:$0x3F99];
	s0 =	simm.s32 @p0 $0x1  }
0x13: {  	[smem:$0x3FB4] =	sst s0;
	s0 =	simm.s32 @!p1 $0x0  }
0x14: {  	s2 =	sld [smem:$0x3F98];
	s0 =	simm.s32 @p1 $0x1  }
0x15: {  	[smem:$0x3FB5] =	sst s0;
	s0 =	simm.s32 @!p2 $0x0  }
0x16: {  	s3 =	sld [smem:$0x3FDB];
	s0 =	simm.s32 @p2 $0x1  }
0x17: {  	s4 =	simm.s32 $0x1BF5;
	[smem:$0x3FB7] =	sst s0  }
0x18: {  	s0 =	sld [smem:$0x3F9A];
	_ =	swait.ge [sflag:s4], $0x0  }
0x19: {  	s7 =	sld [smem:$0x3F9B]  }
0x1a: {  	s8 =	sadd.s32 $0xFFFFE003, lr  }
0x1b: {  	s9 =	sadd.s32 $0xFFFFFEF7, lr;
	s5 =	simm.s32 $0xFFFFFFFF;
	p2 =	slt.u32 s8, $0xFFFFF086  }
0x1c: {  	p1 =	slt.u32 s9, $0xF7A;
	s5 =	simm.s32 @!p2 $0x0  }
0x1d: {  	s5 =	simm.s32 @p1 $0x1;
	p0 =	seq.s32 s7, s2  }
0x1e: {  	s7 =	smul.u32 @!p0 $0xF7A, s2;
	p2 =	seq.s32 @!p0 s5, $0x0  }
0x1f: {  	s9 =	smul.u32 $0xF7A, s1;
	s8 =	simm.s32 @!p0 $0x1BF5;
	p2 =	por !p2, p0  }
0x20: {  	[sflag:s8] =	ssyncset.s32 @!p0 $0xFFFFF086;
	s6 =	sadd.s32 @!p0 s3, s7;
	s7 =	simm.s32 @!p0 $0x108  }
0x21: {  	s3 =	sadd.s32 s3, s9;
	s6 =	sadd.s32 @!p0 $0x88, s6;
	s7 =	simm.s32 @p2 $0x1082  }
0x22: {  	[simem:s7], [sflag:s8] =	dma.local @!p0 [hbm:s6], $0xF7A  }
0x23: {  	s9 =	sor.u32 $0xD0000000, s2;
	s6 =	simm.s32 $0x108;
	_ =	swait.ge @!p0 [sflag:s8], $0x0  }
0x24: {  	s3 =	sadd.s32 $0x88, s3;
	s6 =	simm.s32 @!p1 $0x1082;
	[sflag:s4] =	ssyncset.s32 $0xFFFFF086  }
0x25: {  	[simem:s6], [sflag:s4] =	dma.local [hbm:s3], $0xF7A  }
0x26: {  	[smem:$0x3F9B] =	sst s1;
	(tag) =	ssettag s2;
	_ =	strace s9  }
0x27: {  	s1 =	sld [smem:$0x3FAB]  }
0x28: {  	s2 =	sld [smem:$0x3FAC]  }
0x29: {  	s4 =	sld [smem:$0x3FAE]  }
0x2a: {  	p0 =	seq.s32 s5, $0x0;
	s5 =	sld [smem:$0x3FAF]  }
0x2b: {  	s6 =	sld [smem:$0x3FB0]  }
0x2c: {  	s7 =	sld [smem:$0x3FB1]  }
0x2d: {  	s3 =	simm.s32 $0x108;
	s8 =	sld [smem:$0x3FB2]  }
0x2e: {  	s3 =	simm.s32 @!p0 $0x1082;
	s9 =	sld [smem:$0x3FB3]  }
0x2f: {  	lr =	sadd.s32 s0, s3;
	s0 =	sld [smem:$0x3FAA]  }
0x30: {  	s3 =	sld [smem:$0x3FAD]  }
0x31: {  	[smem:$0x3FB6] =	sst s10  }
0x32: {  	s10 =	sld [smem:$0x3FB4];
	_ =	sdelay $0x3  }
0x33: {  	p0 =	seq.s32 s10, $0x1;
	s10 =	sld [smem:$0x3FB6];
	_ =	sdelay $0x3  }
0x34: {  	[smem:$0x3FB6] =	sst s10  }
0x35: {  	s10 =	sld [smem:$0x3FB5];
	_ =	sdelay $0x3  }
0x36: {  	p1 =	seq.s32 s10, $0x1;
	s10 =	sld [smem:$0x3FB6];
	_ =	sdelay $0x3  }
0x37: {  	[smem:$0x3FB6] =	sst s10  }
0x38: {  	s10 =	sld [smem:$0x3FB7]  }
0x39: {  	_ = 	snop;
	(pc) =	sbr.ind lr, $3  }
0x3a: {  	_ = 	snop  }
0x3b: {  	_ = 	snop  }
0x3c: {  	p2 =	seq.s32 s10, $0x1;
	s10 =	sld [smem:$0x3FB6]  }
0x3d: {  	_ =	shalt  }
0x3e: {  	_ =	shalt  }
0x3f: {  	_ =	shalt  }
0x40: {  	_ =	shalt  }
0x41: {  	_ =	shalt  }
0x42: {  	_ =	shalt  }
0x43: {  	_ =	shalt  }
0x44: {  	_ =	shalt  }
0x45: {  	_ =	shalt  }
0x46: {  	_ =	shalt  }
0x47: {  	_ =	shalt  }
0x48: {  	_ =	shalt  }
0x49: {  	_ =	shalt  }
0x4a: {  	_ =	shalt  }
0x4b: {  	_ =	shalt  }
0x4c: {  	_ =	shalt  }
0x4d: {  	_ =	shalt  }
0x4e: {  	_ =	shalt  }
0x4f: {  	_ =	shalt  }
0x50: {  	_ =	shalt  }
0x51: {  	_ =	shalt  }
0x52: {  	_ =	shalt  }
0x53: {  	_ =	shalt  }
0x54: {  	_ =	shalt  }
0x55: {  	_ =	shalt  }
0x56: {  	_ =	shalt  }
0x57: {  	_ =	shalt  }
0x58: {  	_ =	shalt  }
0x59: {  	_ =	shalt  }
0x5a: {  	_ =	shalt  }
0x5b: {  	_ =	shalt  }
0x5c: {  	_ =	shalt  }
0x5d: {  	_ =	shalt  }
0x5e: {  	_ =	shalt  }
0x5f: {  	_ =	shalt  }
0x60: {  	_ =	shalt  }
0x61: {  	_ =	shalt  }
0x62: {  	_ =	shalt  }
0x63: {  	_ =	shalt  }
0x64: {  	_ =	shalt  }
0x65: {  	_ =	shalt  }
0x66: {  	_ =	shalt  }
0x67: {  	_ =	shalt  }
0x68: {  	_ =	shalt  }
0x69: {  	_ =	shalt  }
0x6a: {  	_ =	shalt  }
0x6b: {  	_ =	shalt  }
0x6c: {  	_ =	shalt  }
0x6d: {  	_ =	shalt  }
0x6e: {  	_ =	shalt  }
0x6f: {  	_ =	shalt  }
0x70: {  	_ =	shalt  }
0x71: {  	_ =	shalt  }
0x72: {  	_ =	shalt  }
0x73: {  	_ =	shalt  }
0x74: {  	_ =	shalt  }
0x75: {  	_ =	shalt  }
0x76: {  	_ =	shalt  }
0x77: {  	_ =	shalt  }
0x78: {  	_ =	shalt  }
0x79: {  	_ =	shalt  }
0x7a: {  	_ =	shalt  }
0x7b: {  	_ =	shalt  }
0x7c: {  	_ =	shalt  }
0x7d: {  	_ =	shalt  }
0x7e: {  	_ =	shalt  }
0x7f: {  	_ =	shalt  }
0x80: {  	_ =	shalt  }
0x81: {  	_ =	shalt  }
0x82: {  	_ =	shalt  }
0x83: {  	_ =	shalt  }
0x84: {  	_ =	shalt  }
0x85: {  	_ =	shalt  }
0x86: {  	_ =	shalt  }
0x87: {  	_ =	shalt  }
.Lfunc_end0:
.L_simem_size_0:
called_computation_lowered:
.L_overlay_start_0:
0x88: {  	s2 =	sld [smem:$0x3FD9]  }
0x89: {  	s3 =	sld [smem:$0x3FFE];
	_ =	sdelay $0x1  }
0x8a: {  	s1 =	srdreg.scid  }
0x8b: {  	s0 =	sand.u32 $0x1, s1  }
0x8c: {  	s17 =	sshll.u32 s0, $0xA;
	s2 =	sadd.s32 s3, s2  }
0x8d: {  	s2 =	sadd.s32 s2, s17  }
0x8e: {  	[smem:$0x3FC2] =	sst s2  }
0x8f: {  	_ = 	snop  }
0x90: {  	s2 =	sld [smem:$0x3FD0];
	(tm) =	ssettm $0x1  }
0x91: {  	s18 =	sld [smem:$0x3FFB];
	_ =	sdelay $0x3  }
0x92: {  	_ =	strace s18  }
0x93: {  	s3 =	sld [smem:$0x3FFC];
	_ =	sdelay $0x3  }
0x94: {  	_ =	strace s3  }
0x95: {  	s3 =	sld [smem:$0x3FFD];
	_ =	sdelay $0x3  }
0x96: {  	_ =	strace s3  }
0x97: {  	_ =	strace $0x8FFFFFFF  }
0x98: {  	s19 =	sld [smem:$0x3FDB];
	_ =	sdelay $0x1  }
0x99: {  	s4 =	simm.s32 $_scs_section_size  }
0x9a: {  	s5 =	simm.s32 $_size__tile_overlayer_lowered;
	s6 =	simm.s32 $_tile_overlayer_lowered  }
0x9b: {  	s22 =	simm.s32 $0x1BFF;
	s21 =	sshll.u32 s6, $0x1;
	s3 =	sadd.s32 s4, s19  }
0x9c: {  	s7 =	simm.s32 $0x0;
	s20 =	sshll.u32 s5, $0x1;
	s5 =	sadd.s32 s21, s3  }
0x9d: {  	[timem:s7], [sflag:s22] =	dma.local [hbm:s5], s20  }
0x9e: {  	_ =	swait.ge [sflag:s22], s20  }
0x9f: {  	s4 =	ssub.s32 $0x0, s20;
	[sflag:s22] =	ssyncset.done $0x0  }
0xa0: {  	[sflag:s22] =	ssyncadd.s32 s4;
	_ =	sdelay $0x1  }
0xa1: {  	s23 =	simm.s32 $0x1B8B  }
0xa2: {  	_ =	swait.ge [sflag:s23], $0x1  }
0xa3: {  	[sflag:s23] =	ssyncset.done $0x0  }
0xa4: {  	s25 =	simm.s32 $0x1B8E;
	s24 =	sld [smem:$0x3FFE];
	[sflag:s23] =	ssyncadd.s32 $0xFFFFFFFF  }
0xa5: {  	s26 =	simm.s32 $execute0_lowered;
	[smem:$0x3FD2] =	sst s25  }
0xa6: {  	s5 =	sshll.u32 s26, $0x1;
	_ =	strace $0x80000046;
	[dreg:$0x1] =	wrdreg $0xFFFFFFFF  }
0xa7: {  	s28 =	simm.s32 $_size_execute0_lowered;
	s3 =	sadd.s32 s3, s5;
	[dreg:$0x0] =	wrdreg $0x0  }
0xa8: {  	s5 =	sshll.u32 s28, $0x1;
	[dreg:$0x2] =	wrdreg s3  }
0xa9: {  	[dreg:$0x3] =	wrdreg s5  }
0xaa: {  	[dreg:$0x4] =	wrdreg $0xC0  }
0xab: {  	_ =	task [dreg:s7], $0x5FFFF  }
0xac: {  	[dreg:$0x1] =	wrdreg $0xFFFFFFFF  }
0xad: {  	[dreg:$0x0] =	wrdreg $0x60  }
0xae: {  	[dreg:$0x2] =	wrdreg s2  }
0xaf: {  	[dreg:$0x3] =	wrdreg s24  }
0xb0: {  	[dreg:$0x4] =	wrdreg $0x2F800  }
0xb1: {  	[dreg:$0x5] =	wrdreg $0x9  }
0xb2: {  	_ =	task.clear_ibuf [dreg:s7], $0x6FFFF;
	_ =	strace $0x90000046  }
0xb3: {  	s29 =	simm.s32 $0x9;
	_ =	strace $0x80000048  }
0xb4: {  	_ =	swait.ge [sflag:s29], $0x1  }
0xb5: {  	[sflag:s29] =	ssyncadd.s32 $0xFFFFFFFF  }
0xb6: {  	_ =	strace $0x90000048  }
0xb7: {  	_ =	sfence  }
0xb8: {  	s30 =	sld [smem:$0x0];
	_ =	sdelay $0x2  }
0xb9: {  	s31 =	sshll.u32 s1, $0xD;
	s1 =	sshrl.u32 s1, $0x2  }
0xba: {  	s3 =	sand.u32 $0x4000, s31;
	s1 =	sadd.s32 s1, s30  }
0xbb: {  	s0 =	sor.u32 s3, s0;
	s1 =	sshll.u32 s1, $0x11  }
0xbc: {  	s0 =	sor.u32 s1, s0  }
0xbd: {  	s0 =	sadd.s32 $0x8F2B, s0  }
0xbe: {  	[sflag:s0] =	ssyncadd.remote.s32 $0x1  }
0xbf: {  	_ =	sfence.sel $0xFFFF  }
0xc0: {  	[dreg:$0x0] =	wrdreg $0xFFFFFFFF;
	(pc) =	sbr.abs _section_cstart, $3  }
0xc1: {  	[dreg:$0x1] =	wrdreg $0xFFFFFFFF  }
0xc2: {  	_ =	task.clear_ibuf [dreg:s7], $0x2FFFF;
	_ =	strace $0x9FFFFFFF  }
0xc3: {  	(tm) =	ssettm $0x7FFFFFFF  }
tec
execute0_lowered:
.L_overlay_start_1:
0x0: {  	(tag) =	ssettag $0x1  }
0x1: {  	s12 =	rddreg [dreg:$0x0]  }
0x2: {  	s1 =	srdreg.scid;
	s6 =	rddreg [dreg:$0x1]  }
0x3: {  	s0 =	stileid.u32;
	s2 =	rddreg [dreg:$0x2]  }
0x4: {  	s3 =	simm.s32 $0x0;
	s16 =	simm.s32 $0x3;
	s17 =	simm.s32 $0x50  }
0x5: {  	s18 =	simm.s32 $0x1;
	s19 =	simm.s32 $0x2;
	s5 =	smul.u32 $0x2800, s0  }
0x6: {  	s4 =	sand.u32 $0x1, s1;
	s1 =	rddreg [dreg:$0x3];
	s8 =	smul.u32 $0xA000, s0  }
0x7: {  	[smem:$0x7FF] =	sst s3;
	s10 =	smul.u32 $0x2A80, s0;
	s20 =	sshll.u32 s0, $0x6  }
0x8: {  	s7 =	smul.u32 $0x28000, s4;
	_ =	strace $0x80000047;
	s30 =	ssub.s32 $0x2, s4  }
0x9: {  	s9 =	smul.u32 $0x2A800, s4;
	s20 =	sor.u32 $0x1C03, s20;
	s31 =	sshrl.u32 s30, $0x1  }
0xa: {  	s8 =	sshrl.u32 s8, $0x2;
	s4 =	sadd.s32 s5, s2;
	s7 =	sadd.s32 s5, s7  }
0xb: {  	s14 =	ssub.s32 s30, s31;
	s11 =	sadd.s32 s8, s2;
	s15 =	sadd.s32 s10, s9  }
0xc: {  	s21 =	sshrl.u32 s4, $0x3;
	s7 =	sshrl.u32 s7, $0x3;
	s5 =	sadd.s32 $0x500, s11  }
0xd: {  	s8 =	sadd.s32 $0x1400, s11;
	s9 =	sadd.s32 $0x1900, s11;
	s10 =	sadd.s32 $0x1E00, s11  }
0xe: {  	s15 =	sshrl.u32 s15, $0x3;
	s14 =	smax.u32 s14, $0x1;
	s13 =	sadd.s32 s7, s6  }
0xf: {  	s6 =	sadd.s32 $0xA00, s11;
	s7 =	sadd.s32 $0xF00, s11;
	s11 =	sadd.s32 $0x2300, s11  }
0x10: {  	v0 =	vimm.f32 $0.0e+00;
	v1 =	vimm.f32 $1.000000000e+00;
	s12 =	sadd.s32 s12, s15;
	s15 =	simm.s32 $0x2A80;
	s13 =	sadd.s32 $0x2E00, s13  }
.LBB2_1:
0x11: {  	s22 =	simm.s32 $0x40;
	s23 =	simm.s32 $0x0  }
.LBB2_2:
0x12: {  	p0 =	sne.s32 s22, $0x13C0;
	[tilespmem:s23+$0x2A80] =	vst v0;
	s23 =	smov.u32 s22;
	s22 =	sadd.s32 $0x40, s22  }
.Ltmp0:
0x13: {  	(pc) =	sbr.rel @p0 .LBB2_2-.Ltmp0, $2  }
0x14: {  	_ =	sdelay $0x2  }
0x15: {  	s23 =	sshra.s32 s23, $0x2  }
0x16: {  	[tilespmem:s23+$0x2A80] =	vst v0  }
0x17: {  	[spmem:s4] =	stream.linear.scatter [tilespmem:s15], [sflag:$0x3], $0x500, $0x38;
	[tilespmem:$0x5780] =	vst v63  }
0x18: {  	_ =	swait.ge [sflag:s16], $0x500  }
0x19: {  	[sflag:s16] =	ssyncset.done $0x0  }
0x1a: {  	[sflag:s16] =	ssyncadd.s32 $0xFFFFFB00  }
0x1b: {  	[spmem:s5] =	stream.linear.scatter [tilespmem:s15], [sflag:$0x3], $0x500, $0x38;
	[tilespmem:$0x5780] =	vst v63  }
0x1c: {  	_ =	swait.ge [sflag:s16], $0x500  }
0x1d: {  	[sflag:s16] =	ssyncset.done $0x0  }
0x1e: {  	[sflag:s16] =	ssyncadd.s32 $0xFFFFFB00  }
0x1f: {  	[spmem:s6] =	stream.linear.scatter [tilespmem:s15], [sflag:$0x3], $0x500, $0x38;
	[tilespmem:$0x5780] =	vst v63  }
0x20: {  	_ =	swait.ge [sflag:s16], $0x500  }
0x21: {  	[sflag:s16] =	ssyncset.done $0x0  }
0x22: {  	[sflag:s16] =	ssyncadd.s32 $0xFFFFFB00  }
0x23: {  	[spmem:s7] =	stream.linear.scatter [tilespmem:s15], [sflag:$0x3], $0x500, $0x38;
	[tilespmem:$0x5780] =	vst v63  }
0x24: {  	_ =	swait.ge [sflag:s16], $0x500  }
0x25: {  	[sflag:s16] =	ssyncset.done $0x0  }
0x26: {  	[sflag:s16] =	ssyncadd.s32 $0xFFFFFB00  }
0x27: {  	[spmem:s8] =	stream.linear.scatter [tilespmem:s15], [sflag:$0x3], $0x500, $0x38;
	[tilespmem:$0x5780] =	vst v63  }
0x28: {  	_ =	swait.ge [sflag:s16], $0x500  }
0x29: {  	[sflag:s16] =	ssyncset.done $0x0  }
0x2a: {  	[sflag:s16] =	ssyncadd.s32 $0xFFFFFB00  }
0x2b: {  	[spmem:s9] =	stream.linear.scatter [tilespmem:s15], [sflag:$0x3], $0x500, $0x38;
	[tilespmem:$0x5780] =	vst v63  }
0x2c: {  	_ =	swait.ge [sflag:s16], $0x500  }
0x2d: {  	[sflag:s16] =	ssyncset.done $0x0  }
0x2e: {  	[sflag:s16] =	ssyncadd.s32 $0xFFFFFB00  }
0x2f: {  	[spmem:s10] =	stream.linear.scatter [tilespmem:s15], [sflag:$0x3], $0x500, $0x38;
	[tilespmem:$0x5780] =	vst v63  }
0x30: {  	_ =	swait.ge [sflag:s16], $0x500  }
0x31: {  	[sflag:s16] =	ssyncset.done $0x0  }
0x32: {  	[sflag:s16] =	ssyncadd.s32 $0xFFFFFB00  }
0x33: {  	[spmem:s11] =	stream.linear.scatter [tilespmem:s15], [sflag:$0x3], $0x500, $0x38;
	[tilespmem:$0x5780] =	vst v63  }
0x34: {  	_ =	swait.ge [sflag:s16], $0x500  }
0x35: {  	[sflag:s16] =	ssyncset.done $0x0  }
0x36: {  	s22 =	simm.s32 $0x40;
	s23 =	simm.s32 $0x0;
	[sflag:s16] =	ssyncadd.s32 $0xFFFFFB00  }
.LBB2_4:
0x37: {  	p0 =	sne.s32 s22, $0x13C0;
	[tilespmem:s23+$0x2A80] =	vst v1;
	s23 =	smov.u32 s22;
	s22 =	sadd.s32 $0x40, s22  }
.Ltmp1:
0x38: {  	(pc) =	sbr.rel @p0 .LBB2_4-.Ltmp1, $2  }
0x39: {  	_ =	sdelay $0x2  }
0x3a: {  	s23 =	sshra.s32 s23, $0x2  }
0x3b: {  	[tilespmem:s23+$0x2A80] =	vst v1;
	s22 =	simm.s32 $0x0  }
0x3c: {  	[tilespmem:s22], [sflag:$0x3] =	stream.linear.gather [hbm4b:s12+s22], $0x2A80, $0x38;
	[tilespmem:$0x5780] =	vst v63  }
0x3d: {  	_ =	swait.ge [sflag:s16], $0x2A80  }
0x3e: {  	[sflag:s16] =	ssyncset.done $0x0  }
0x3f: {  	[sflag:s16] =	ssyncadd.s32 $0xFFFFD580  }
0x40: {  	s30 =	simm.s32 $0x0;
	[bflag:$0x0] =	sbarrier.arrive $0xFFFF  }
0x41: {  	[spmem:s2] =	stream.indirect.scatter.add.f32 [tilespmem:s15], [sflag:$0x1], $0x10, s30, s17, $0xb8;
	[tilespmem:$0x5780] =	vst v63  }
0x42: {  	s31 =	simm.s32 $0x50  }
0x43: {  	[spmem:s2] =	stream.indirect.scatter.add.f32 [tilespmem:s15], [sflag:$0x2], $0x10, s31, s17, $0xb8;
	[tilespmem:$0x5780] =	vst v63  }
0x44: {  	_ =	swait.ge [sflag:s18], $0x500  }
0x45: {  	[sflag:s18] =	ssyncset.done $0x0  }
0x46: {  	[sflag:s18] =	ssyncadd.s32 $0xFFFFFB00  }
0x47: {  	_ =	swait.ge [sflag:s19], $0x500  }
0x48: {  	s23 =	simm.s32 $0x500;
	s22 =	simm.s32 $0x280;
	[sflag:s19] =	ssyncset.done $0x0  }
.LBB2_6:
0x49: {  	s24 =	sshra.s32 s22, $0x2  }
0x4a: {  	[sflag:s19] =	ssyncadd.s32 $0xFFFFFB00;
	s22 =	smov.u32 s23;
	s25 =	sadd.s32 $0x280, s23  }
0x4b: {  	[spmem:s2] =	stream.indirect.scatter.add.f32 [tilespmem:s15], [sflag:$0x1], $0x10, s24, s17, $0xb8;
	[tilespmem:$0x5780] =	vst v63  }
0x4c: {  	p0 =	sne.s32 s23, $0xA780;
	s23 =	sadd.s32 $0x50, s24  }
0x4d: {  	[spmem:s2] =	stream.indirect.scatter.add.f32 [tilespmem:s15], [sflag:$0x2], $0x10, s23, s17, $0xb8;
	[tilespmem:$0x5780] =	vst v63  }
.Ltmp2:
0x4e: {  	_ =	swait.ge [sflag:s18], $0x500;
	(pc) =	sbr.rel @p0 .LBB2_6-.Ltmp2, $4  }
0x4f: {  	[sflag:s18] =	ssyncset.done $0x0  }
0x50: {  	[sflag:s18] =	ssyncadd.s32 $0xFFFFFB00  }
0x51: {  	_ =	swait.ge [sflag:s19], $0x500  }
0x52: {  	s23 =	smov.u32 s25;
	[sflag:s19] =	ssyncset.done $0x0  }
0x53: {  	s22 =	sshra.s32 s22, $0x2;
	[sflag:s19] =	ssyncadd.s32 $0xFFFFFB00  }
0x54: {  	[spmem:s2] =	stream.indirect.scatter.add.f32 [tilespmem:s15], [sflag:$0x1], $0x10, s22, s17, $0xb8;
	[tilespmem:$0x5780] =	vst v63  }
0x55: {  	s22 =	sadd.s32 $0x50, s22  }
0x56: {  	[spmem:s2] =	stream.indirect.scatter.add.f32 [tilespmem:s15], [sflag:$0x2], $0x10, s22, s17, $0xb8;
	[tilespmem:$0x5780] =	vst v63  }
0x57: {  	_ =	swait.ge [sflag:s18], $0x500  }
0x58: {  	[sflag:s18] =	ssyncset.done $0x0  }
0x59: {  	[sflag:s18] =	ssyncadd.s32 $0xFFFFFB00  }
0x5a: {  	_ =	swait.ge [sflag:s19], $0x500  }
0x5b: {  	s3 =	sadd.s32 $0x1, s3;
	[sflag:s19] =	ssyncset.done $0x0  }
0x5c: {  	p0 =	sne.s32 s3, s14;
	[sflag:s19] =	ssyncadd.s32 $0xFFFFFB00  }
.Ltmp3:
0x5d: {  	[bflag:$0x0] =	sbarrier.arrive $0xFFFF;
	(pc) =	sbr.rel @p0 .LBB2_1-.Ltmp3, $4  }
0x5e: {  	[hbm:s13], [sflag:s20] =	dma.local [spmem:s21], $0x500  }
0x5f: {  	_ =	swait.ge [sflag:s16], $0x500  }
0x60: {  	[sflag:s16] =	ssyncset.done $0x0  }
0x61: {  	[sflag:s16] =	ssyncadd.s32 $0xFFFFFB00  }
0x62: {  	_ =	sfence.sel $0x180000  }
0x63: {  	[bflag:$0x0] =	sbarrier.arrive $0xFFFF  }
0x64: {  	p0 =	sne.s32 s0, $0x0;
	_ =	strace $0x90000047  }
0x65: {  	s0 =	sadd.s32 @!p0 $0x100000, s1;
	[bflag:$0x2] =	sbarrier.arrive $0xFFFF  }
0x66: {  	[sflag:s0] =	ssyncadd.tile.s32 @!p0 $0x1;
	_ =	shalt  }
.Lfunc_end2:
_tile_overlayer_lowered:
.L_overlay_start_2:
0x67: {  	(tag) =	ssettag $0x2  }
0x68: {  	s0 =	rddreg [dreg:$0x0];
	s2 =	stileid.u32  }
0x69: {  	s1 =	rddreg [dreg:$0x1];
	p0 =	sne.s32 s2, $0x0  }
0x6a: {  	s3 =	rddreg [dreg:$0x2];
	[bflag:$0x3] =	sbarrier.arrive $0xFFFF;
	s2 =	simm.s32 @!p0 $0x1C03  }
0x6b: {  	[timem:s3], [sflag:s2] =	dma.local @!p0 [hbm:s0], s1  }
0x6c: {  	s0 =	simm.s32 @!p0 $0x3  }
0x6d: {  	_ =	swait.ge @!p0 [sflag:s0], s1  }
0x6e: {  	s1 =	ssub.s32 @!p0 $0x0, s1;
	[sflag:s0] =	ssyncset.done @!p0 $0x0  }
0x6f: {  	[sflag:s0] =	ssyncadd.s32 @!p0 s1  }
0x70: {  	[bflag:$0x3] =	sbarrier.arrive $0xFFFF  }
0x71: {  	_ =	shalt  }

</sc_bundles>
